<compile_context>
chip_gen: v7x
topology: tpu7x:2x2x1
jax: 0.10.2.dev20260603
libtpu: 0.0.44.dev20260713+nightly
codegen_flags: <defaults>
</compile_context>

<pallas_src>
import functools

import jax
import jax.numpy as jnp
from jax import lax
from jax.experimental import pallas as pl
from jax.experimental.pallas import tpu as pltpu
from jax.experimental.pallas import tpu_sc as plsc

N = 10000
E = 320000
H = 4
F = 32
C = H * F
CT = 144
NEG = 0.2

NC = 2
NS = 16
NW = NC * NS
EPW = E // NW
B = 80
NB = EPW // B
RB = 624

BN = 400
GRID = N // BN



def _prep_body(x_ref, w_ref, alr_ref, ftab_ref, elr_ref):
    feat = jnp.dot(x_ref[...], w_ref[...], preferred_element_type=jnp.float32)
    ones = jnp.ones((BN, H), jnp.float32)
    zeros = jnp.zeros((BN, CT - C - H), jnp.float32)
    ftab_ref[...] = jnp.concatenate([feat, ones, zeros], axis=1)
    elr_ref[...] = jnp.dot(feat, alr_ref[...], preferred_element_type=jnp.float32)


def _head_expand():
    hrow = lax.broadcasted_iota(jnp.int32, (H, C), 0)
    hcol = lax.broadcasted_iota(jnp.int32, (H, C), 1) // F
    return jnp.where(hrow == hcol, 1.0, 0.0).astype(jnp.float32)


def _normalize(a0, a1, b_row):
    acc = a0 + a1
    numer = acc[:, :C]
    den = acc[:, C:C + H]
    denx = jnp.dot(den, _head_expand(), preferred_element_type=jnp.float32)
    rst = numer / (denx + 1e-9) + b_row
    return jnp.where(rst > 0, rst, jnp.exp(jnp.minimum(rst, 0.0)) - 1.0)


def _mid_body(a0_ref, a1_ref, w_ref, alr_ref, b_ref, ftab_ref, elr_ref):
    h = _normalize(a0_ref[...], a1_ref[...], b_ref[...])
    feat = jnp.dot(h, w_ref[...], preferred_element_type=jnp.float32)
    ones = jnp.ones((BN, H), jnp.float32)
    zeros = jnp.zeros((BN, CT - C - H), jnp.float32)
    ftab_ref[...] = jnp.concatenate([feat, ones, zeros], axis=1)
    elr_ref[...] = jnp.dot(feat, alr_ref[...], preferred_element_type=jnp.float32)


def _fin_body(a0_ref, a1_ref, b_ref, out_ref):
    h = _normalize(a0_ref[...], a1_ref[...], b_ref[...])
    mrow = lax.broadcasted_iota(jnp.int32, (C, F), 0) % F
    mcol = lax.broadcasted_iota(jnp.int32, (C, F), 1)
    mm = jnp.where(mrow == mcol, 1.0 / H, 0.0).astype(jnp.float32)
    out_ref[...] = jnp.dot(h, mm, preferred_element_type=jnp.float32)


def _row_spec(width):
    return pl.BlockSpec((BN, width), lambda i: (i, 0))


def _const_spec(shape):
    return pl.BlockSpec(shape, lambda i: tuple(0 for _ in shape))



def _sc_body(ftab, elr, edges, out,
             src_v0, dst_v0, rows_v0, els_v0, eld_v0,
             src_v1, dst_v1, rows_v1, els_v1, eld_v1,
             w_v, acc_sh, gsem0, gsem1, gsem2, gsem3, gsem4, gsem5):
    cid = lax.axis_index("c")
    sid = lax.axis_index("s")
    wid = sid * NC + cid
    iota = lax.iota(jnp.int32, 16)
    zvec = jnp.zeros((16,), jnp.float32)

    bufs = ((src_v0, dst_v0, rows_v0, els_v0, eld_v0),
            (src_v1, dst_v1, rows_v1, els_v1, eld_v1))

    def zrow(r, carry):
        for c in range(CT // 16):
            rows_v0[r, pl.ds(c * 16, 16)] = zvec
        return carry
    lax.fori_loop(0, B, zrow, 0)

    r0 = sid * RB
    for j in range(7):
        pltpu.sync_copy(rows_v0, acc_sh.at[pl.ds(r0 + j * B, B)])
    pltpu.sync_copy(rows_v0.at[pl.ds(0, 64)], acc_sh.at[pl.ds(r0 + 560, 64)])

    @pl.when(sid == NS - 1)
    def _zero_tail():
        pltpu.sync_copy(rows_v0.at[pl.ds(0, 16)],
                        acc_sh.at[pl.ds(RB * NS, 16)])
    plsc.subcore_barrier()

    rowsel = iota >> 3
    col_s = iota & 7
    col_d = 4 + (iota & 3)
    patt8 = jnp.minimum(iota, 3)

    ebase = wid * EPW

    def idx_load(g, b):
        src_v, dst_v = bufs[b][0], bufs[b][1]
        off = ebase + g * B
        pltpu.sync_copy(edges.at[0, pl.ds(off, B)], src_v)
        pltpu.sync_copy(edges.at[1, pl.ds(off, B)], dst_v)

    gsems = ((gsem0, gsem1, gsem2), (gsem3, gsem4, gsem5))

    def gat_start(b, sem_unused=None):
        src_v, dst_v, rows_v, els_v, eld_v = bufs[b]
        sr, ss, sd = gsems[b]
        hr = pltpu.make_async_copy(ftab.at[src_v], rows_v, sr)
        hs = pltpu.make_async_copy(elr.at[src_v], els_v, ss)
        hd = pltpu.make_async_copy(elr.at[dst_v], eld_v, sd)
        hr.start()
        hs.start()
        hd.start()
        return hr, hs, hd

    def wcompute(b):
        els_v, eld_v = bufs[b][3], bufs[b][4]
        def wbody(k, c2):
            r2 = 2 * k + rowsel
            s = plsc.load_gather(els_v, [r2, col_s])
            dg = plsc.load_gather(eld_v, [r2, col_d])
            z = s + dg
            w = jnp.exp(jnp.maximum(z, NEG * z))
            w_v[pl.ds(k * 16, 16)] = w
            return c2
        lax.fori_loop(0, B // 2, wbody, 0)

    def escatter(b):
        dst_v, rows_v = bufs[b][1], bufs[b][2]
        def ebody(e, c2):
            b8 = e * 8
            for c in range(C // 16):
                widx = jnp.full((16,), b8 + (c // 2), jnp.int32)
                wv = plsc.load_gather(w_v, [widx])
                rows_v[e, pl.ds(c * 16, 16)] = rows_v[e, pl.ds(c * 16, 16)] * wv
            wv = plsc.load_gather(w_v, [b8 + patt8])
            rows_v[e, pl.ds(C, 16)] = rows_v[e, pl.ds(C, 16)] * wv
            return c2
        lax.fori_loop(0, B, ebody, 0)

        pltpu.sync_copy(rows_v, acc_sh.at[dst_v], add=True)

    def pipe(i, carry):
        t = 2 * i
        idx_load(t, 0)
        ha = gat_start(0, gsem0)
        idx_load(t + 1, 1)
        hb = gat_start(1, gsem1)
        ha[1].wait()
        ha[2].wait()
        wcompute(0)
        ha[0].wait()
        escatter(0)
        hb[1].wait()
        hb[2].wait()
        wcompute(1)
        hb[0].wait()
        escatter(1)
        return carry
    lax.fori_loop(0, (NB - 1) // 2, pipe, 0)

    idx_load(NB - 1, 0)
    ha = gat_start(0, gsem0)
    ha[1].wait()
    ha[2].wait()
    wcompute(0)
    ha[0].wait()
    escatter(0)

    plsc.subcore_barrier()
    pltpu.sync_copy(acc_sh.at[pl.ds(r0, RB)], out.at[cid, pl.ds(r0, RB)])

    @pl.when(sid == NS - 1)
    def _write_tail():
        pltpu.sync_copy(acc_sh.at[pl.ds(RB * NS, 16)],
                        out.at[cid, pl.ds(RB * NS, 16)])


_sc_pass = functools.partial(
    pl.kernel,
    _sc_body,
    out_type=jax.ShapeDtypeStruct((NC, N, CT), jnp.float32),
    mesh=plsc.VectorSubcoreMesh(core_axis_name="c", subcore_axis_name="s"),
    compiler_params=pltpu.CompilerParams(use_tc_tiling_on_sc=False,
                                         needs_layout_passes=False),
    scratch_types=(
        [pltpu.VMEM((B,), jnp.int32),
         pltpu.VMEM((B,), jnp.int32),
         pltpu.VMEM((B, CT), jnp.float32),
         pltpu.VMEM((B, 8), jnp.float32),
         pltpu.VMEM((B, 8), jnp.float32)] * 2
        + [pltpu.VMEM((B * 8,), jnp.float32),
           pltpu.VMEM_SHARED((N, CT), jnp.float32),
           pltpu.SemaphoreType.DMA,
           pltpu.SemaphoreType.DMA,
           pltpu.SemaphoreType.DMA,
           pltpu.SemaphoreType.DMA,
           pltpu.SemaphoreType.DMA,
           pltpu.SemaphoreType.DMA]
    ),
)()



def _alr_mat(al, ar):
    eye = jnp.eye(H, dtype=jnp.float32)
    a = (al.reshape(H, F)[:, :, None] * eye[:, None, :]).reshape(C, H)
    b = (ar.reshape(H, F)[:, :, None] * eye[:, None, :]).reshape(C, H)
    return jnp.concatenate([a, b], axis=1)


def kernel(x, edge_index, W1, attn_l1, attn_r1, b1, W2, attn_l2, attn_r2, b2):
    alr1 = _alr_mat(attn_l1, attn_r1)
    alr2 = _alr_mat(attn_l2, attn_r2)

    ftab1, elr1 = pl.pallas_call(
        _prep_body,
        grid=(GRID,),
        in_specs=[_row_spec(C), _const_spec((C, C)), _const_spec((C, 8))],
        out_specs=[_row_spec(CT), _row_spec(8)],
        out_shape=[jax.ShapeDtypeStruct((N, CT), jnp.float32),
                   jax.ShapeDtypeStruct((N, 8), jnp.float32)],
    )(x, W1, alr1)

    acc1 = _sc_pass(ftab1, elr1, edge_index)

    ftab2, elr2 = pl.pallas_call(
        _mid_body,
        grid=(GRID,),
        in_specs=[_row_spec(CT), _row_spec(CT), _const_spec((C, C)),
                  _const_spec((C, 8)), _const_spec((1, C))],
        out_specs=[_row_spec(CT), _row_spec(8)],
        out_shape=[jax.ShapeDtypeStruct((N, CT), jnp.float32),
                   jax.ShapeDtypeStruct((N, 8), jnp.float32)],
    )(acc1[0], acc1[1], W2, alr2, b1.reshape(1, C))

    acc2 = _sc_pass(ftab2, elr2, edge_index)

    out = pl.pallas_call(
        _fin_body,
        grid=(GRID,),
        in_specs=[_row_spec(CT), _row_spec(CT), _const_spec((1, C))],
        out_specs=_row_spec(F),
        out_shape=jax.ShapeDtypeStruct((N, F), jnp.float32),
    )(acc2[0], acc2[1], b2.reshape(1, C))

    return out

# --- scband reference (transcript-rebuilt; emitter-appended) ---
"""Pipeline reference for scband-gat-77653008712210 (READ-ONLY COPY).

The authoritative reference and input builder live on the scoring server;
editing this copy changes nothing except your own understanding.
"""

import jax, jax.numpy as jnp
import numpy as np

N = 10000
E = 320000
D_IN = 128
H = 4
F_OUT = 32
NEG_SLOPE = 0.2


def setup_inputs(seed: int = 0) -> dict:
    key = jax.random.key(seed)
    ks = jax.random.split(key, 10)
    x = jax.random.normal(ks[0], (N, D_IN), dtype=jnp.float32)
    edge_index = jax.random.randint(ks[1], (2, E), 0, N, dtype=jnp.int32)
    W1 = jax.random.normal(ks[2], (D_IN, H * F_OUT), dtype=jnp.float32) * (1.0 / np.sqrt(D_IN))
    attn_l1 = jax.random.normal(ks[3], (1, H, F_OUT), dtype=jnp.float32) * 0.1
    attn_r1 = jax.random.normal(ks[4], (1, H, F_OUT), dtype=jnp.float32) * 0.1
    b1 = jnp.zeros((H * F_OUT,), dtype=jnp.float32)
    W2 = jax.random.normal(ks[5], (H * F_OUT, H * F_OUT), dtype=jnp.float32) * (1.0 / np.sqrt(H * F_OUT))
    attn_l2 = jax.random.normal(ks[6], (1, H, F_OUT), dtype=jnp.float32) * 0.1
    attn_r2 = jax.random.normal(ks[7], (1, H, F_OUT), dtype=jnp.float32) * 0.1
    b2 = jnp.zeros((H * F_OUT,), dtype=jnp.float32)
    return {"x": x, "edge_index": edge_index, "W1": W1, "attn_l1": attn_l1, "attn_r1": attn_r1, "b1": b1, "W2": W2, "attn_l2": attn_l2, "attn_r2": attn_r2, "b2": b2}


def _gat_layer(x, src, dst, W, attn_l, attn_r, bias):
    # DGL GATConv semantics: fc -> per-head attn scores -> leaky_relu -> edge softmax over dst -> weighted segment-sum -> bias -> elu
    n = x.shape[0]
    feat = (x @ W).reshape(n, H, F_OUT)
    el = jnp.sum(feat * attn_l, axis=-1)  # [N, H]
    er = jnp.sum(feat * attn_r, axis=-1)  # [N, H]
    e = jax.nn.leaky_relu(el[src] + er[dst], NEG_SLOPE)  # [E, H]
    emax = jax.ops.segment_max(e, dst, num_segments=n)
    emax = jnp.where(jnp.isfinite(emax), emax, 0.0)
    ee = jnp.exp(e - jax.lax.stop_gradient(emax)[dst])
    denom = jax.ops.segment_sum(ee, dst, num_segments=n)
    a = ee / (denom[dst] + 1e-9)  # [E, H]
    msg = feat[src] * a[:, :, None]  # [E, H, F_OUT]
    rst = jax.ops.segment_sum(msg, dst, num_segments=n)  # [N, H, F_OUT]
    rst = rst + bias.reshape(1, H, F_OUT)
    return jax.nn.elu(rst)


def reference(x, edge_index, W1, attn_l1, attn_r1, b1, W2, attn_l2, attn_r2, b2):
    src = edge_index[0]
    dst = edge_index[1]
    h = _gat_layer(x, src, dst, W1, attn_l1, attn_r1, b1).reshape(x.shape[0], H * F_OUT)  # flatten(1)
    h = _gat_layer(h, src, dst, W2, attn_l2, attn_r2, b2)  # [N, H, F_OUT]
    return jnp.mean(h, axis=1)  # [N, F_OUT]

if __name__ == "__main__":
    import jax
    _d = setup_inputs()
    print(jax.jit(kernel)(*tuple(_d.values())))

</pallas_src>

<mosaic_0001>
#map = affine_map<(d0, d1) -> (0, 0)>
#map1 = affine_map<(d0, d1) -> (0, 0, 0)>
module attributes {stable_mosaic.version = 14 : i64} {
  func.func @_sc_body(%arg0: i32, %arg1: i32, %arg2: memref<10000x144xf32, #tpu.memory_space<hbm>>, %arg3: memref<10000x8xf32, #tpu.memory_space<hbm>>, %arg4: memref<2x320000xi32, #tpu.memory_space<hbm>>, %arg5: memref<2x10000x144xf32, #tpu.memory_space<hbm>>, %arg6: memref<80xi32, #tpu.memory_space<vmem>>, %arg7: memref<80xi32, #tpu.memory_space<vmem>>, %arg8: memref<80x144xf32, #tpu.memory_space<vmem>>, %arg9: memref<80x8xf32, #tpu.memory_space<vmem>>, %arg10: memref<80x8xf32, #tpu.memory_space<vmem>>, %arg11: memref<80xi32, #tpu.memory_space<vmem>>, %arg12: memref<80xi32, #tpu.memory_space<vmem>>, %arg13: memref<80x144xf32, #tpu.memory_space<vmem>>, %arg14: memref<80x8xf32, #tpu.memory_space<vmem>>, %arg15: memref<80x8xf32, #tpu.memory_space<vmem>>, %arg16: memref<640xf32, #tpu.memory_space<vmem>>, %arg17: memref<10000x144xf32, #tpu.memory_space<vmem_shared>>, %arg18: memref<!tpu.dma_semaphore, #tpu.memory_space<semaphore_mem>>, %arg19: memref<!tpu.dma_semaphore, #tpu.memory_space<semaphore_mem>>, %arg20: memref<!tpu.dma_semaphore, #tpu.memory_space<semaphore_mem>>, %arg21: memref<!tpu.dma_semaphore, #tpu.memory_space<semaphore_mem>>, %arg22: memref<!tpu.dma_semaphore, #tpu.memory_space<semaphore_mem>>, %arg23: memref<!tpu.dma_semaphore, #tpu.memory_space<semaphore_mem>>) attributes {dimension_semantics = [#tpu.dimension_semantics<core_parallel>, #tpu.dimension_semantics<subcore_parallel>], iteration_bounds = array<i64: 2, 16>, scalar_prefetch = 0 : i64, scratch_operands = 18 : i64, tpu.core_type = #tpu.core_type<sc_vector_subcore>, window_params = [{transform_indices = #map}, {transform_indices = #map}, {transform_indices = #map}, {transform_indices = #map1}]} {
    %mul3A = arith.constant 2 : i32
    %mul3A_0 = arith.muli %arg1, %mul3A : i32
    %add3A = arith.addi %mul3A_0, %arg0 : i32
    %iota3A = tpu.iota {dimensions = array<i32: 0>} : vector<16xi32>
    %broadcast_in_dim3A = arith.constant 0.000000e+00 : f32
    %broadcast_in_dim3A_1 = vector.broadcast %broadcast_in_dim3A : f32 to vector<16xf32>
    %scan3A = arith.constant 0 : i32
    %scan3A_2 = arith.constant 0 : i32
    %scan3A_3 = arith.constant 80 : i32
    %scan3A_4 = arith.addi %scan3A_2, %scan3A_3 : i32
    %scan3A_5 = arith.constant 1 : i32
    scf.for %scan3A_84 = %scan3A_2 to %scan3A_4 step %scan3A_5  : i32 {
      %swap3A = arith.index_cast %scan3A_84 : i32 to index
      %swap3A_85 = arith.constant 0 : index
      %swap3A_86 = tpu.vector_load %arg8[%swap3A, %swap3A_85] {strides = array<i32>} : memref<80x144xf32, #tpu.memory_space<vmem>>, vector<16xf32>,
      tpu.vector_store %arg8[%swap3A, %swap3A_85], %broadcast_in_dim3A_1 {strides = array<i32>} : memref<80x144xf32, #tpu.memory_space<vmem>>, vector<16xf32>,
      %swap3A_87 = arith.index_cast %scan3A_84 : i32 to index
      %swap3A_88 = arith.constant 16 : index
      %swap3A_89 = tpu.vector_load %arg8[%swap3A_87, %swap3A_88] {strides = array<i32>} : memref<80x144xf32, #tpu.memory_space<vmem>>, vector<16xf32>,
      tpu.vector_store %arg8[%swap3A_87, %swap3A_88], %broadcast_in_dim3A_1 {strides = array<i32>} : memref<80x144xf32, #tpu.memory_space<vmem>>, vector<16xf32>,
      %swap3A_90 = arith.index_cast %scan3A_84 : i32 to index
      %swap3A_91 = arith.constant 32 : index
      %swap3A_92 = tpu.vector_load %arg8[%swap3A_90, %swap3A_91] {strides = array<i32>} : memref<80x144xf32, #tpu.memory_space<vmem>>, vector<16xf32>,
      tpu.vector_store %arg8[%swap3A_90, %swap3A_91], %broadcast_in_dim3A_1 {strides = array<i32>} : memref<80x144xf32, #tpu.memory_space<vmem>>, vector<16xf32>,
      %swap3A_93 = arith.index_cast %scan3A_84 : i32 to index
      %swap3A_94 = arith.constant 48 : index
      %swap3A_95 = tpu.vector_load %arg8[%swap3A_93, %swap3A_94] {strides = array<i32>} : memref<80x144xf32, #tpu.memory_space<vmem>>, vector<16xf32>,
      tpu.vector_store %arg8[%swap3A_93, %swap3A_94], %broadcast_in_dim3A_1 {strides = array<i32>} : memref<80x144xf32, #tpu.memory_space<vmem>>, vector<16xf32>,
      %swap3A_96 = arith.index_cast %scan3A_84 : i32 to index
      %swap3A_97 = arith.constant 64 : index
      %swap3A_98 = tpu.vector_load %arg8[%swap3A_96, %swap3A_97] {strides = array<i32>} : memref<80x144xf32, #tpu.memory_space<vmem>>, vector<16xf32>,
      tpu.vector_store %arg8[%swap3A_96, %swap3A_97], %broadcast_in_dim3A_1 {strides = array<i32>} : memref<80x144xf32, #tpu.memory_space<vmem>>, vector<16xf32>,
      %swap3A_99 = arith.index_cast %scan3A_84 : i32 to index
      %swap3A_100 = arith.constant 80 : index
      %swap3A_101 = tpu.vector_load %arg8[%swap3A_99, %swap3A_100] {strides = array<i32>} : memref<80x144xf32, #tpu.memory_space<vmem>>, vector<16xf32>,
      tpu.vector_store %arg8[%swap3A_99, %swap3A_100], %broadcast_in_dim3A_1 {strides = array<i32>} : memref<80x144xf32, #tpu.memory_space<vmem>>, vector<16xf32>,
      %swap3A_102 = arith.index_cast %scan3A_84 : i32 to index
      %swap3A_103 = arith.constant 96 : index
      %swap3A_104 = tpu.vector_load %arg8[%swap3A_102, %swap3A_103] {strides = array<i32>} : memref<80x144xf32, #tpu.memory_space<vmem>>, vector<16xf32>,
      tpu.vector_store %arg8[%swap3A_102, %swap3A_103], %broadcast_in_dim3A_1 {strides = array<i32>} : memref<80x144xf32, #tpu.memory_space<vmem>>, vector<16xf32>,
      %swap3A_105 = arith.index_cast %scan3A_84 : i32 to index
      %swap3A_106 = arith.constant 112 : index
      %swap3A_107 = tpu.vector_load %arg8[%swap3A_105, %swap3A_106] {strides = array<i32>} : memref<80x144xf32, #tpu.memory_space<vmem>>, vector<16xf32>,
      tpu.vector_store %arg8[%swap3A_105, %swap3A_106], %broadcast_in_dim3A_1 {strides = array<i32>} : memref<80x144xf32, #tpu.memory_space<vmem>>, vector<16xf32>,
      %swap3A_108 = arith.index_cast %scan3A_84 : i32 to index
      %swap3A_109 = arith.constant 128 : index
      %swap3A_110 = tpu.vector_load %arg8[%swap3A_108, %swap3A_109] {strides = array<i32>} : memref<80x144xf32, #tpu.memory_space<vmem>>, vector<16xf32>,
      tpu.vector_store %arg8[%swap3A_108, %swap3A_109], %broadcast_in_dim3A_1 {strides = array<i32>} : memref<80x144xf32, #tpu.memory_space<vmem>>, vector<16xf32>,
    }
    %scan3A_6 = arith.constant 80 : i32
    %mul3A_7 = arith.constant 624 : i32
    %mul3A_8 = arith.muli %arg1, %mul3A_7 : i32
    %add3A_9 = arith.constant 0 : i32
    %add3A_10 = arith.addi %mul3A_8, %add3A_9 : i32
    "tpu.region"() ({
      %run_scoped3A_84 = tpu.sem_alloc : memref<!tpu.dma_semaphore, #tpu.memory_space<semaphore_mem>>
      %dma_start3A_85 = arith.constant 0 : i32
      %dma_start3A_86 = tpu.memref_slice %arg17[%add3A_10, %dma_start3A_85] : memref<10000x144xf32, #tpu.memory_space<vmem_shared>> -> memref<80x144xf32, #tpu.memory_space<vmem_shared>>
      %dma_start3A_87 = arith.constant 0 : i32
      %dma_start3A_88 = tpu.memref_slice %arg17[%add3A_10, %dma_start3A_87] : memref<10000x144xf32, #tpu.memory_space<vmem_shared>> -> memref<80x144xf32, #tpu.memory_space<vmem_shared>>
      tpu.enqueue_dma source(%arg8 : memref<80x144xf32, #tpu.memory_space<vmem>>) target(%dma_start3A_88 : memref<80x144xf32, #tpu.memory_space<vmem_shared>>) target_semaphore(%run_scoped3A_84 : memref<!tpu.dma_semaphore, #tpu.memory_space<semaphore_mem>>)
      %dma_wait3A_89 = arith.constant 0 : i32
      %dma_wait3A_90 = tpu.memref_slice %arg17[%add3A_10, %dma_wait3A_89] : memref<10000x144xf32, #tpu.memory_space<vmem_shared>> -> memref<80x144xf32, #tpu.memory_space<vmem_shared>>
      %dma_wait3A_91 = arith.constant 0 : i32
      %dma_wait3A_92 = tpu.memref_slice %arg17[%add3A_10, %dma_wait3A_91] : memref<10000x144xf32, #tpu.memory_space<vmem_shared>> -> memref<80x144xf32, #tpu.memory_space<vmem_shared>>
      tpu.wait_dma2 semaphore(%run_scoped3A_84 : memref<!tpu.dma_semaphore, #tpu.memory_space<semaphore_mem>>) src(%arg8 : memref<80x144xf32, #tpu.memory_space<vmem>>) dst(%dma_wait3A_92 : memref<80x144xf32, #tpu.memory_space<vmem_shared>>)
      tpu.yield
    }) : () -> ()
    %add3A_11 = arith.constant 80 : i32
    %add3A_12 = arith.addi %mul3A_8, %add3A_11 : i32
    "tpu.region"() ({
      %run_scoped3A_84 = tpu.sem_alloc : memref<!tpu.dma_semaphore, #tpu.memory_space<semaphore_mem>>
      %dma_start3A_85 = arith.constant 0 : i32
      %dma_start3A_86 = tpu.memref_slice %arg17[%add3A_12, %dma_start3A_85] : memref<10000x144xf32, #tpu.memory_space<vmem_shared>> -> memref<80x144xf32, #tpu.memory_space<vmem_shared>>
      %dma_start3A_87 = arith.constant 0 : i32
      %dma_start3A_88 = tpu.memref_slice %arg17[%add3A_12, %dma_start3A_87] : memref<10000x144xf32, #tpu.memory_space<vmem_shared>> -> memref<80x144xf32, #tpu.memory_space<vmem_shared>>
      tpu.enqueue_dma source(%arg8 : memref<80x144xf32, #tpu.memory_space<vmem>>) target(%dma_start3A_88 : memref<80x144xf32, #tpu.memory_space<vmem_shared>>) target_semaphore(%run_scoped3A_84 : memref<!tpu.dma_semaphore, #tpu.memory_space<semaphore_mem>>)
      %dma_wait3A_89 = arith.constant 0 : i32
      %dma_wait3A_90 = tpu.memref_slice %arg17[%add3A_12, %dma_wait3A_89] : memref<10000x144xf32, #tpu.memory_space<vmem_shared>> -> memref<80x144xf32, #tpu.memory_space<vmem_shared>>
      %dma_wait3A_91 = arith.constant 0 : i32
      %dma_wait3A_92 = tpu.memref_slice %arg17[%add3A_12, %dma_wait3A_91] : memref<10000x144xf32, #tpu.memory_space<vmem_shared>> -> memref<80x144xf32, #tpu.memory_space<vmem_shared>>
      tpu.wait_dma2 semaphore(%run_scoped3A_84 : memref<!tpu.dma_semaphore, #tpu.memory_space<semaphore_mem>>) src(%arg8 : memref<80x144xf32, #tpu.memory_space<vmem>>) dst(%dma_wait3A_92 : memref<80x144xf32, #tpu.memory_space<vmem_shared>>)
      tpu.yield
    }) : () -> ()
    %add3A_13 = arith.constant 160 : i32
    %add3A_14 = arith.addi %mul3A_8, %add3A_13 : i32
    "tpu.region"() ({
      %run_scoped3A_84 = tpu.sem_alloc : memref<!tpu.dma_semaphore, #tpu.memory_space<semaphore_mem>>
      %dma_start3A_85 = arith.constant 0 : i32
      %dma_start3A_86 = tpu.memref_slice %arg17[%add3A_14, %dma_start3A_85] : memref<10000x144xf32, #tpu.memory_space<vmem_shared>> -> memref<80x144xf32, #tpu.memory_space<vmem_shared>>
      %dma_start3A_87 = arith.constant 0 : i32
      %dma_start3A_88 = tpu.memref_slice %arg17[%add3A_14, %dma_start3A_87] : memref<10000x144xf32, #tpu.memory_space<vmem_shared>> -> memref<80x144xf32, #tpu.memory_space<vmem_shared>>
      tpu.enqueue_dma source(%arg8 : memref<80x144xf32, #tpu.memory_space<vmem>>) target(%dma_start3A_88 : memref<80x144xf32, #tpu.memory_space<vmem_shared>>) target_semaphore(%run_scoped3A_84 : memref<!tpu.dma_semaphore, #tpu.memory_space<semaphore_mem>>)
      %dma_wait3A_89 = arith.constant 0 : i32
      %dma_wait3A_90 = tpu.memref_slice %arg17[%add3A_14, %dma_wait3A_89] : memref<10000x144xf32, #tpu.memory_space<vmem_shared>> -> memref<80x144xf32, #tpu.memory_space<vmem_shared>>
      %dma_wait3A_91 = arith.constant 0 : i32
      %dma_wait3A_92 = tpu.memref_slice %arg17[%add3A_14, %dma_wait3A_91] : memref<10000x144xf32, #tpu.memory_space<vmem_shared>> -> memref<80x144xf32, #tpu.memory_space<vmem_shared>>
      tpu.wait_dma2 semaphore(%run_scoped3A_84 : memref<!tpu.dma_semaphore, #tpu.memory_space<semaphore_mem>>) src(%arg8 : memref<80x144xf32, #tpu.memory_space<vmem>>) dst(%dma_wait3A_92 : memref<80x144xf32, #tpu.memory_space<vmem_shared>>)
      tpu.yield
    }) : () -> ()
    %add3A_15 = arith.constant 240 : i32
    %add3A_16 = arith.addi %mul3A_8, %add3A_15 : i32
    "tpu.region"() ({
      %run_scoped3A_84 = tpu.sem_alloc : memref<!tpu.dma_semaphore, #tpu.memory_space<semaphore_mem>>
      %dma_start3A_85 = arith.constant 0 : i32
      %dma_start3A_86 = tpu.memref_slice %arg17[%add3A_16, %dma_start3A_85] : memref<10000x144xf32, #tpu.memory_space<vmem_shared>> -> memref<80x144xf32, #tpu.memory_space<vmem_shared>>
      %dma_start3A_87 = arith.constant 0 : i32
      %dma_start3A_88 = tpu.memref_slice %arg17[%add3A_16, %dma_start3A_87] : memref<10000x144xf32, #tpu.memory_space<vmem_shared>> -> memref<80x144xf32, #tpu.memory_space<vmem_shared>>
      tpu.enqueue_dma source(%arg8 : memref<80x144xf32, #tpu.memory_space<vmem>>) target(%dma_start3A_88 : memref<80x144xf32, #tpu.memory_space<vmem_shared>>) target_semaphore(%run_scoped3A_84 : memref<!tpu.dma_semaphore, #tpu.memory_space<semaphore_mem>>)
      %dma_wait3A_89 = arith.constant 0 : i32
      %dma_wait3A_90 = tpu.memref_slice %arg17[%add3A_16, %dma_wait3A_89] : memref<10000x144xf32, #tpu.memory_space<vmem_shared>> -> memref<80x144xf32, #tpu.memory_space<vmem_shared>>
      %dma_wait3A_91 = arith.constant 0 : i32
      %dma_wait3A_92 = tpu.memref_slice %arg17[%add3A_16, %dma_wait3A_91] : memref<10000x144xf32, #tpu.memory_space<vmem_shared>> -> memref<80x144xf32, #tpu.memory_space<vmem_shared>>
      tpu.wait_dma2 semaphore(%run_scoped3A_84 : memref<!tpu.dma_semaphore, #tpu.memory_space<semaphore_mem>>) src(%arg8 : memref<80x144xf32, #tpu.memory_space<vmem>>) dst(%dma_wait3A_92 : memref<80x144xf32, #tpu.memory_space<vmem_shared>>)
      tpu.yield
    }) : () -> ()
    %add3A_17 = arith.constant 320 : i32
    %add3A_18 = arith.addi %mul3A_8, %add3A_17 : i32
    "tpu.region"() ({
      %run_scoped3A_84 = tpu.sem_alloc : memref<!tpu.dma_semaphore, #tpu.memory_space<semaphore_mem>>
      %dma_start3A_85 = arith.constant 0 : i32
      %dma_start3A_86 = tpu.memref_slice %arg17[%add3A_18, %dma_start3A_85] : memref<10000x144xf32, #tpu.memory_space<vmem_shared>> -> memref<80x144xf32, #tpu.memory_space<vmem_shared>>
      %dma_start3A_87 = arith.constant 0 : i32
      %dma_start3A_88 = tpu.memref_slice %arg17[%add3A_18, %dma_start3A_87] : memref<10000x144xf32, #tpu.memory_space<vmem_shared>> -> memref<80x144xf32, #tpu.memory_space<vmem_shared>>
      tpu.enqueue_dma source(%arg8 : memref<80x144xf32, #tpu.memory_space<vmem>>) target(%dma_start3A_88 : memref<80x144xf32, #tpu.memory_space<vmem_shared>>) target_semaphore(%run_scoped3A_84 : memref<!tpu.dma_semaphore, #tpu.memory_space<semaphore_mem>>)
      %dma_wait3A_89 = arith.constant 0 : i32
      %dma_wait3A_90 = tpu.memref_slice %arg17[%add3A_18, %dma_wait3A_89] : memref<10000x144xf32, #tpu.memory_space<vmem_shared>> -> memref<80x144xf32, #tpu.memory_space<vmem_shared>>
      %dma_wait3A_91 = arith.constant 0 : i32
      %dma_wait3A_92 = tpu.memref_slice %arg17[%add3A_18, %dma_wait3A_91] : memref<10000x144xf32, #tpu.memory_space<vmem_shared>> -> memref<80x144xf32, #tpu.memory_space<vmem_shared>>
      tpu.wait_dma2 semaphore(%run_scoped3A_84 : memref<!tpu.dma_semaphore, #tpu.memory_space<semaphore_mem>>) src(%arg8 : memref<80x144xf32, #tpu.memory_space<vmem>>) dst(%dma_wait3A_92 : memref<80x144xf32, #tpu.memory_space<vmem_shared>>)
      tpu.yield
    }) : () -> ()
    %add3A_19 = arith.constant 400 : i32
    %add3A_20 = arith.addi %mul3A_8, %add3A_19 : i32
    "tpu.region"() ({
      %run_scoped3A_84 = tpu.sem_alloc : memref<!tpu.dma_semaphore, #tpu.memory_space<semaphore_mem>>
      %dma_start3A_85 = arith.constant 0 : i32
      %dma_start3A_86 = tpu.memref_slice %arg17[%add3A_20, %dma_start3A_85] : memref<10000x144xf32, #tpu.memory_space<vmem_shared>> -> memref<80x144xf32, #tpu.memory_space<vmem_shared>>
      %dma_start3A_87 = arith.constant 0 : i32
      %dma_start3A_88 = tpu.memref_slice %arg17[%add3A_20, %dma_start3A_87] : memref<10000x144xf32, #tpu.memory_space<vmem_shared>> -> memref<80x144xf32, #tpu.memory_space<vmem_shared>>
      tpu.enqueue_dma source(%arg8 : memref<80x144xf32, #tpu.memory_space<vmem>>) target(%dma_start3A_88 : memref<80x144xf32, #tpu.memory_space<vmem_shared>>) target_semaphore(%run_scoped3A_84 : memref<!tpu.dma_semaphore, #tpu.memory_space<semaphore_mem>>)
      %dma_wait3A_89 = arith.constant 0 : i32
      %dma_wait3A_90 = tpu.memref_slice %arg17[%add3A_20, %dma_wait3A_89] : memref<10000x144xf32, #tpu.memory_space<vmem_shared>> -> memref<80x144xf32, #tpu.memory_space<vmem_shared>>
      %dma_wait3A_91 = arith.constant 0 : i32
      %dma_wait3A_92 = tpu.memref_slice %arg17[%add3A_20, %dma_wait3A_91] : memref<10000x144xf32, #tpu.memory_space<vmem_shared>> -> memref<80x144xf32, #tpu.memory_space<vmem_shared>>
      tpu.wait_dma2 semaphore(%run_scoped3A_84 : memref<!tpu.dma_semaphore, #tpu.memory_space<semaphore_mem>>) src(%arg8 : memref<80x144xf32, #tpu.memory_space<vmem>>) dst(%dma_wait3A_92 : memref<80x144xf32, #tpu.memory_space<vmem_shared>>)
      tpu.yield
    }) : () -> ()
    %add3A_21 = arith.constant 480 : i32
    %add3A_22 = arith.addi %mul3A_8, %add3A_21 : i32
    "tpu.region"() ({
      %run_scoped3A_84 = tpu.sem_alloc : memref<!tpu.dma_semaphore, #tpu.memory_space<semaphore_mem>>
      %dma_start3A_85 = arith.constant 0 : i32
      %dma_start3A_86 = tpu.memref_slice %arg17[%add3A_22, %dma_start3A_85] : memref<10000x144xf32, #tpu.memory_space<vmem_shared>> -> memref<80x144xf32, #tpu.memory_space<vmem_shared>>
      %dma_start3A_87 = arith.constant 0 : i32
      %dma_start3A_88 = tpu.memref_slice %arg17[%add3A_22, %dma_start3A_87] : memref<10000x144xf32, #tpu.memory_space<vmem_shared>> -> memref<80x144xf32, #tpu.memory_space<vmem_shared>>
      tpu.enqueue_dma source(%arg8 : memref<80x144xf32, #tpu.memory_space<vmem>>) target(%dma_start3A_88 : memref<80x144xf32, #tpu.memory_space<vmem_shared>>) target_semaphore(%run_scoped3A_84 : memref<!tpu.dma_semaphore, #tpu.memory_space<semaphore_mem>>)
      %dma_wait3A_89 = arith.constant 0 : i32
      %dma_wait3A_90 = tpu.memref_slice %arg17[%add3A_22, %dma_wait3A_89] : memref<10000x144xf32, #tpu.memory_space<vmem_shared>> -> memref<80x144xf32, #tpu.memory_space<vmem_shared>>
      %dma_wait3A_91 = arith.constant 0 : i32
      %dma_wait3A_92 = tpu.memref_slice %arg17[%add3A_22, %dma_wait3A_91] : memref<10000x144xf32, #tpu.memory_space<vmem_shared>> -> memref<80x144xf32, #tpu.memory_space<vmem_shared>>
      tpu.wait_dma2 semaphore(%run_scoped3A_84 : memref<!tpu.dma_semaphore, #tpu.memory_space<semaphore_mem>>) src(%arg8 : memref<80x144xf32, #tpu.memory_space<vmem>>) dst(%dma_wait3A_92 : memref<80x144xf32, #tpu.memory_space<vmem_shared>>)
      tpu.yield
    }) : () -> ()
    %add3A_23 = arith.constant 560 : i32
    %add3A_24 = arith.addi %mul3A_8, %add3A_23 : i32
    "tpu.region"() ({
      %run_scoped3A_84 = tpu.sem_alloc : memref<!tpu.dma_semaphore, #tpu.memory_space<semaphore_mem>>
      %dma_start3A_85 = arith.constant 0 : i32
      %dma_start3A_86 = arith.constant 0 : i32
      %dma_start3A_87 = tpu.memref_slice %arg8[%dma_start3A_85, %dma_start3A_86] : memref<80x144xf32, #tpu.memory_space<vmem>> -> memref<64x144xf32, #tpu.memory_space<vmem>>
      %dma_start3A_88 = arith.constant 0 : i32
      %dma_start3A_89 = tpu.memref_slice %arg17[%add3A_24, %dma_start3A_88] : memref<10000x144xf32, #tpu.memory_space<vmem_shared>> -> memref<64x144xf32, #tpu.memory_space<vmem_shared>>
      %dma_start3A_90 = arith.constant 0 : i32
      %dma_start3A_91 = tpu.memref_slice %arg17[%add3A_24, %dma_start3A_90] : memref<10000x144xf32, #tpu.memory_space<vmem_shared>> -> memref<64x144xf32, #tpu.memory_space<vmem_shared>>
      %dma_start3A_92 = arith.constant 0 : i32
      %dma_start3A_93 = arith.constant 0 : i32
      %dma_start3A_94 = tpu.memref_slice %arg8[%dma_start3A_92, %dma_start3A_93] : memref<80x144xf32, #tpu.memory_space<vmem>> -> memref<64x144xf32, #tpu.memory_space<vmem>>
      tpu.enqueue_dma source(%dma_start3A_94 : memref<64x144xf32, #tpu.memory_space<vmem>>) target(%dma_start3A_91 : memref<64x144xf32, #tpu.memory_space<vmem_shared>>) target_semaphore(%run_scoped3A_84 : memref<!tpu.dma_semaphore, #tpu.memory_space<semaphore_mem>>)
      %dma_wait3A_95 = arith.constant 0 : i32
      %dma_wait3A_96 = arith.constant 0 : i32
      %dma_wait3A_97 = tpu.memref_slice %arg8[%dma_wait3A_95, %dma_wait3A_96] : memref<80x144xf32, #tpu.memory_space<vmem>> -> memref<64x144xf32, #tpu.memory_space<vmem>>
      %dma_wait3A_98 = arith.constant 0 : i32
      %dma_wait3A_99 = tpu.memref_slice %arg17[%add3A_24, %dma_wait3A_98] : memref<10000x144xf32, #tpu.memory_space<vmem_shared>> -> memref<64x144xf32, #tpu.memory_space<vmem_shared>>
      %dma_wait3A_100 = arith.constant 0 : i32
      %dma_wait3A_101 = tpu.memref_slice %arg17[%add3A_24, %dma_wait3A_100] : memref<10000x144xf32, #tpu.memory_space<vmem_shared>> -> memref<64x144xf32, #tpu.memory_space<vmem_shared>>
      %dma_wait3A_102 = arith.constant 0 : i32
      %dma_wait3A_103 = arith.constant 0 : i32
      %dma_wait3A_104 = tpu.memref_slice %arg8[%dma_wait3A_102, %dma_wait3A_103] : memref<80x144xf32, #tpu.memory_space<vmem>> -> memref<64x144xf32, #tpu.memory_space<vmem>>
      tpu.wait_dma2 semaphore(%run_scoped3A_84 : memref<!tpu.dma_semaphore, #tpu.memory_space<semaphore_mem>>) src(%dma_wait3A_104 : memref<64x144xf32, #tpu.memory_space<vmem>>) dst(%dma_wait3A_101 : memref<64x144xf32, #tpu.memory_space<vmem_shared>>)
      tpu.yield
    }) : () -> ()
    %eq3A = arith.constant 15 : i32
    %eq3A_25 = arith.cmpi eq, %arg1, %eq3A : i32
    %convert_element_type3A = arith.extui %eq3A_25 : i1 to i32
    %cond3A = arith.constant 0 : i32
    %cond3A_26 = arith.cmpi ne, %convert_element_type3A, %cond3A : i32
    scf.if %cond3A_26 {
      "tpu.region"() ({
        %run_scoped3A_84 = tpu.sem_alloc : memref<!tpu.dma_semaphore, #tpu.memory_space<semaphore_mem>>
        %dma_start3A_85 = arith.constant 0 : i32
        %dma_start3A_86 = arith.constant 0 : i32
        %dma_start3A_87 = tpu.memref_slice %arg8[%dma_start3A_85, %dma_start3A_86] : memref<80x144xf32, #tpu.memory_space<vmem>> -> memref<16x144xf32, #tpu.memory_space<vmem>>
        %dma_start3A_88 = arith.constant 9984 : i32
        %dma_start3A_89 = arith.constant 0 : i32
        %dma_start3A_90 = tpu.memref_slice %arg17[%dma_start3A_88, %dma_start3A_89] : memref<10000x144xf32, #tpu.memory_space<vmem_shared>> -> memref<16x144xf32, #tpu.memory_space<vmem_shared>>
        %dma_start3A_91 = arith.constant 9984 : i32
        %dma_start3A_92 = arith.constant 0 : i32
        %dma_start3A_93 = tpu.memref_slice %arg17[%dma_start3A_91, %dma_start3A_92] : memref<10000x144xf32, #tpu.memory_space<vmem_shared>> -> memref<16x144xf32, #tpu.memory_space<vmem_shared>>
        %dma_start3A_94 = arith.constant 0 : i32
        %dma_start3A_95 = arith.constant 0 : i32
        %dma_start3A_96 = tpu.memref_slice %arg8[%dma_start3A_94, %dma_start3A_95] : memref<80x144xf32, #tpu.memory_space<vmem>> -> memref<16x144xf32, #tpu.memory_space<vmem>>
        tpu.enqueue_dma source(%dma_start3A_96 : memref<16x144xf32, #tpu.memory_space<vmem>>) target(%dma_start3A_93 : memref<16x144xf32, #tpu.memory_space<vmem_shared>>) target_semaphore(%run_scoped3A_84 : memref<!tpu.dma_semaphore, #tpu.memory_space<semaphore_mem>>)
        %dma_wait3A_97 = arith.constant 0 : i32
        %dma_wait3A_98 = arith.constant 0 : i32
        %dma_wait3A_99 = tpu.memref_slice %arg8[%dma_wait3A_97, %dma_wait3A_98] : memref<80x144xf32, #tpu.memory_space<vmem>> -> memref<16x144xf32, #tpu.memory_space<vmem>>
        %dma_wait3A_100 = arith.constant 9984 : i32
        %dma_wait3A_101 = arith.constant 0 : i32
        %dma_wait3A_102 = tpu.memref_slice %arg17[%dma_wait3A_100, %dma_wait3A_101] : memref<10000x144xf32, #tpu.memory_space<vmem_shared>> -> memref<16x144xf32, #tpu.memory_space<vmem_shared>>
        %dma_wait3A_103 = arith.constant 9984 : i32
        %dma_wait3A_104 = arith.constant 0 : i32
        %dma_wait3A_105 = tpu.memref_slice %arg17[%dma_wait3A_103, %dma_wait3A_104] : memref<10000x144xf32, #tpu.memory_space<vmem_shared>> -> memref<16x144xf32, #tpu.memory_space<vmem_shared>>
        %dma_wait3A_106 = arith.constant 0 : i32
        %dma_wait3A_107 = arith.constant 0 : i32
        %dma_wait3A_108 = tpu.memref_slice %arg8[%dma_wait3A_106, %dma_wait3A_107] : memref<80x144xf32, #tpu.memory_space<vmem>> -> memref<16x144xf32, #tpu.memory_space<vmem>>
        tpu.wait_dma2 semaphore(%run_scoped3A_84 : memref<!tpu.dma_semaphore, #tpu.memory_space<semaphore_mem>>) src(%dma_wait3A_108 : memref<16x144xf32, #tpu.memory_space<vmem>>) dst(%dma_wait3A_105 : memref<16x144xf32, #tpu.memory_space<vmem_shared>>)
        tpu.yield
      }) : () -> ()
    } else {
    }
    %barrier3A = arith.constant 0 : index
    tpu.barrier barrier_id(%barrier3A)
    %shift_right_arithmetic3A = arith.constant 3 : i32
    %shift_right_arithmetic3A_27 = vector.broadcast %shift_right_arithmetic3A : i32 to vector<16xi32>
    %shift_right_arithmetic3A_28 = arith.shrsi %iota3A, %shift_right_arithmetic3A_27 : vector<16xi32>
    %and3A = arith.constant 7 : i32
    %and3A_29 = vector.broadcast %and3A : i32 to vector<16xi32>
    %and3A_30 = arith.andi %iota3A, %and3A_29 : vector<16xi32>
    %and3A_31 = arith.constant 3 : i32
    %and3A_32 = vector.broadcast %and3A_31 : i32 to vector<16xi32>
    %and3A_33 = arith.andi %iota3A, %and3A_32 : vector<16xi32>
    %add3A_34 = arith.constant 4 : i32
    %add3A_35 = vector.broadcast %add3A_34 : i32 to vector<16xi32>
    %add3A_36 = arith.addi %add3A_35, %and3A_33 : vector<16xi32>
    %min3A = arith.constant 3 : i32
    %min3A_37 = vector.broadcast %min3A : i32 to vector<16xi32>
    %min3A_38 = arith.minsi %iota3A, %min3A_37 : vector<16xi32>
    %mul3A_39 = arith.constant 10000 : i32
    %mul3A_40 = arith.muli %add3A, %mul3A_39 : i32
    %scan3A_41 = arith.constant 0 : i32
    %scan3A_42 = arith.constant 0 : i32
    %scan3A_43 = arith.constant 62 : i32
    %scan3A_44 = arith.addi %scan3A_42, %scan3A_43 : i32
    %scan3A_45 = arith.constant 1 : i32
    scf.for %scan3A_84 = %scan3A_42 to %scan3A_44 step %scan3A_45  : i32 {
      %mul3A_85 = arith.constant 2 : i32
      %mul3A_86 = arith.muli %mul3A_85, %scan3A_84 : i32
      %mul3A_87 = arith.constant 80 : i32
      %mul3A_88 = arith.muli %mul3A_86, %mul3A_87 : i32
      %add3A_89 = arith.addi %mul3A_40, %mul3A_88 : i32
      %run_scoped3A_90 = arith.constant 0 : i32
      "tpu.region"() ({
        %run_scoped3A_159 = tpu.sem_alloc : memref<!tpu.dma_semaphore, #tpu.memory_space<semaphore_mem>>
        %dma_start3A_160 = tpu.memref_slice %arg4[%run_scoped3A_90, %add3A_89] : memref<2x320000xi32, #tpu.memory_space<hbm>> -> memref<1x80xi32, #tpu.memory_space<hbm>>
        %dma_start3A_161 = tpu.memref_squeeze %dma_start3A_160 : memref<1x80xi32, #tpu.memory_space<hbm>> -> memref<80xi32, #tpu.memory_space<hbm>>
        %dma_start3A_162 = tpu.memref_slice %arg4[%run_scoped3A_90, %add3A_89] : memref<2x320000xi32, #tpu.memory_space<hbm>> -> memref<1x80xi32, #tpu.memory_space<hbm>>
        %dma_start3A_163 = tpu.memref_squeeze %dma_start3A_162 : memref<1x80xi32, #tpu.memory_space<hbm>> -> memref<80xi32, #tpu.memory_space<hbm>>
        tpu.enqueue_dma source(%dma_start3A_163 : memref<80xi32, #tpu.memory_space<hbm>>) target(%arg6 : memref<80xi32, #tpu.memory_space<vmem>>) target_semaphore(%run_scoped3A_159 : memref<!tpu.dma_semaphore, #tpu.memory_space<semaphore_mem>>)
        %dma_wait3A_164 = tpu.memref_slice %arg4[%run_scoped3A_90, %add3A_89] : memref<2x320000xi32, #tpu.memory_space<hbm>> -> memref<1x80xi32, #tpu.memory_space<hbm>>
        %dma_wait3A_165 = tpu.memref_squeeze %dma_wait3A_164 : memref<1x80xi32, #tpu.memory_space<hbm>> -> memref<80xi32, #tpu.memory_space<hbm>>
        %dma_wait3A_166 = tpu.memref_slice %arg4[%run_scoped3A_90, %add3A_89] : memref<2x320000xi32, #tpu.memory_space<hbm>> -> memref<1x80xi32, #tpu.memory_space<hbm>>
        %dma_wait3A_167 = tpu.memref_squeeze %dma_wait3A_166 : memref<1x80xi32, #tpu.memory_space<hbm>> -> memref<80xi32, #tpu.memory_space<hbm>>
        tpu.wait_dma2 semaphore(%run_scoped3A_159 : memref<!tpu.dma_semaphore, #tpu.memory_space<semaphore_mem>>) src(%dma_wait3A_167 : memref<80xi32, #tpu.memory_space<hbm>>) dst(%arg6 : memref<80xi32, #tpu.memory_space<vmem>>)
        tpu.yield
      }) : () -> ()
      %run_scoped3A_91 = arith.constant 1 : i32
      "tpu.region"() ({
        %run_scoped3A_159 = tpu.sem_alloc : memref<!tpu.dma_semaphore, #tpu.memory_space<semaphore_mem>>
        %dma_start3A_160 = tpu.memref_slice %arg4[%run_scoped3A_91, %add3A_89] : memref<2x320000xi32, #tpu.memory_space<hbm>> -> memref<1x80xi32, #tpu.memory_space<hbm>>
        %dma_start3A_161 = tpu.memref_squeeze %dma_start3A_160 : memref<1x80xi32, #tpu.memory_space<hbm>> -> memref<80xi32, #tpu.memory_space<hbm>>
        %dma_start3A_162 = tpu.memref_slice %arg4[%run_scoped3A_91, %add3A_89] : memref<2x320000xi32, #tpu.memory_space<hbm>> -> memref<1x80xi32, #tpu.memory_space<hbm>>
        %dma_start3A_163 = tpu.memref_squeeze %dma_start3A_162 : memref<1x80xi32, #tpu.memory_space<hbm>> -> memref<80xi32, #tpu.memory_space<hbm>>
        tpu.enqueue_dma source(%dma_start3A_163 : memref<80xi32, #tpu.memory_space<hbm>>) target(%arg7 : memref<80xi32, #tpu.memory_space<vmem>>) target_semaphore(%run_scoped3A_159 : memref<!tpu.dma_semaphore, #tpu.memory_space<semaphore_mem>>)
        %dma_wait3A_164 = tpu.memref_slice %arg4[%run_scoped3A_91, %add3A_89] : memref<2x320000xi32, #tpu.memory_space<hbm>> -> memref<1x80xi32, #tpu.memory_space<hbm>>
        %dma_wait3A_165 = tpu.memref_squeeze %dma_wait3A_164 : memref<1x80xi32, #tpu.memory_space<hbm>> -> memref<80xi32, #tpu.memory_space<hbm>>
        %dma_wait3A_166 = tpu.memref_slice %arg4[%run_scoped3A_91, %add3A_89] : memref<2x320000xi32, #tpu.memory_space<hbm>> -> memref<1x80xi32, #tpu.memory_space<hbm>>
        %dma_wait3A_167 = tpu.memref_squeeze %dma_wait3A_166 : memref<1x80xi32, #tpu.memory_space<hbm>> -> memref<80xi32, #tpu.memory_space<hbm>>
        tpu.wait_dma2 semaphore(%run_scoped3A_159 : memref<!tpu.dma_semaphore, #tpu.memory_space<semaphore_mem>>) src(%dma_wait3A_167 : memref<80xi32, #tpu.memory_space<hbm>>) dst(%arg7 : memref<80xi32, #tpu.memory_space<vmem>>)
        tpu.yield
      }) : () -> ()
      %dma_start3A_92 = arith.constant 0 : i32
      %dma_start3A_93 = arith.constant 0 : i32
      %dma_start3A_94 = tpu.memref_slice %arg2[%dma_start3A_92, %dma_start3A_93] : memref<10000x144xf32, #tpu.memory_space<hbm>> -> memref<10000x144xf32, #tpu.memory_space<hbm>>
      tpu.enqueue_indirect_dma source(%dma_start3A_94 : memref<10000x144xf32, #tpu.memory_space<hbm>>) target(%arg8 : memref<80x144xf32, #tpu.memory_space<vmem>>) offsets(%arg6 : memref<80xi32, #tpu.memory_space<vmem>>) semaphore(%arg18 : memref<!tpu.dma_semaphore, #tpu.memory_space<semaphore_mem>>)
      %dma_start3A_95 = arith.constant 0 : i32
      %dma_start3A_96 = arith.constant 0 : i32
      %dma_start3A_97 = tpu.memref_slice %arg3[%dma_start3A_95, %dma_start3A_96] : memref<10000x8xf32, #tpu.memory_space<hbm>> -> memref<10000x8xf32, #tpu.memory_space<hbm>>
      tpu.enqueue_indirect_dma source(%dma_start3A_97 : memref<10000x8xf32, #tpu.memory_space<hbm>>) target(%arg9 : memref<80x8xf32, #tpu.memory_space<vmem>>) offsets(%arg6 : memref<80xi32, #tpu.memory_space<vmem>>) semaphore(%arg19 : memref<!tpu.dma_semaphore, #tpu.memory_space<semaphore_mem>>)
      %dma_start3A_98 = arith.constant 0 : i32
      %dma_start3A_99 = arith.constant 0 : i32
      %dma_start3A_100 = tpu.memref_slice %arg3[%dma_start3A_98, %dma_start3A_99] : memref<10000x8xf32, #tpu.memory_space<hbm>> -> memref<10000x8xf32, #tpu.memory_space<hbm>>
      tpu.enqueue_indirect_dma source(%dma_start3A_100 : memref<10000x8xf32, #tpu.memory_space<hbm>>) target(%arg10 : memref<80x8xf32, #tpu.memory_space<vmem>>) offsets(%arg7 : memref<80xi32, #tpu.memory_space<vmem>>) semaphore(%arg20 : memref<!tpu.dma_semaphore, #tpu.memory_space<semaphore_mem>>)
      %add3A_101 = arith.constant 1 : i32
      %add3A_102 = arith.addi %mul3A_86, %add3A_101 : i32
      %mul3A_103 = arith.constant 80 : i32
      %mul3A_104 = arith.muli %add3A_102, %mul3A_103 : i32
      %add3A_105 = arith.addi %mul3A_40, %mul3A_104 : i32
      %run_scoped3A_106 = arith.constant 0 : i32
      "tpu.region"() ({
        %run_scoped3A_159 = tpu.sem_alloc : memref<!tpu.dma_semaphore, #tpu.memory_space<semaphore_mem>>
        %dma_start3A_160 = tpu.memref_slice %arg4[%run_scoped3A_106, %add3A_105] : memref<2x320000xi32, #tpu.memory_space<hbm>> -> memref<1x80xi32, #tpu.memory_space<hbm>>
        %dma_start3A_161 = tpu.memref_squeeze %dma_start3A_160 : memref<1x80xi32, #tpu.memory_space<hbm>> -> memref<80xi32, #tpu.memory_space<hbm>>
        %dma_start3A_162 = tpu.memref_slice %arg4[%run_scoped3A_106, %add3A_105] : memref<2x320000xi32, #tpu.memory_space<hbm>> -> memref<1x80xi32, #tpu.memory_space<hbm>>
        %dma_start3A_163 = tpu.memref_squeeze %dma_start3A_162 : memref<1x80xi32, #tpu.memory_space<hbm>> -> memref<80xi32, #tpu.memory_space<hbm>>
        tpu.enqueue_dma source(%dma_start3A_163 : memref<80xi32, #tpu.memory_space<hbm>>) target(%arg11 : memref<80xi32, #tpu.memory_space<vmem>>) target_semaphore(%run_scoped3A_159 : memref<!tpu.dma_semaphore, #tpu.memory_space<semaphore_mem>>)
        %dma_wait3A_164 = tpu.memref_slice %arg4[%run_scoped3A_106, %add3A_105] : memref<2x320000xi32, #tpu.memory_space<hbm>> -> memref<1x80xi32, #tpu.memory_space<hbm>>
        %dma_wait3A_165 = tpu.memref_squeeze %dma_wait3A_164 : memref<1x80xi32, #tpu.memory_space<hbm>> -> memref<80xi32, #tpu.memory_space<hbm>>
        %dma_wait3A_166 = tpu.memref_slice %arg4[%run_scoped3A_106, %add3A_105] : memref<2x320000xi32, #tpu.memory_space<hbm>> -> memref<1x80xi32, #tpu.memory_space<hbm>>
        %dma_wait3A_167 = tpu.memref_squeeze %dma_wait3A_166 : memref<1x80xi32, #tpu.memory_space<hbm>> -> memref<80xi32, #tpu.memory_space<hbm>>
        tpu.wait_dma2 semaphore(%run_scoped3A_159 : memref<!tpu.dma_semaphore, #tpu.memory_space<semaphore_mem>>) src(%dma_wait3A_167 : memref<80xi32, #tpu.memory_space<hbm>>) dst(%arg11 : memref<80xi32, #tpu.memory_space<vmem>>)
        tpu.yield
      }) : () -> ()
      %run_scoped3A_107 = arith.constant 1 : i32
      "tpu.region"() ({
        %run_scoped3A_159 = tpu.sem_alloc : memref<!tpu.dma_semaphore, #tpu.memory_space<semaphore_mem>>
        %dma_start3A_160 = tpu.memref_slice %arg4[%run_scoped3A_107, %add3A_105] : memref<2x320000xi32, #tpu.memory_space<hbm>> -> memref<1x80xi32, #tpu.memory_space<hbm>>
        %dma_start3A_161 = tpu.memref_squeeze %dma_start3A_160 : memref<1x80xi32, #tpu.memory_space<hbm>> -> memref<80xi32, #tpu.memory_space<hbm>>
        %dma_start3A_162 = tpu.memref_slice %arg4[%run_scoped3A_107, %add3A_105] : memref<2x320000xi32, #tpu.memory_space<hbm>> -> memref<1x80xi32, #tpu.memory_space<hbm>>
        %dma_start3A_163 = tpu.memref_squeeze %dma_start3A_162 : memref<1x80xi32, #tpu.memory_space<hbm>> -> memref<80xi32, #tpu.memory_space<hbm>>
        tpu.enqueue_dma source(%dma_start3A_163 : memref<80xi32, #tpu.memory_space<hbm>>) target(%arg12 : memref<80xi32, #tpu.memory_space<vmem>>) target_semaphore(%run_scoped3A_159 : memref<!tpu.dma_semaphore, #tpu.memory_space<semaphore_mem>>)
        %dma_wait3A_164 = tpu.memref_slice %arg4[%run_scoped3A_107, %add3A_105] : memref<2x320000xi32, #tpu.memory_space<hbm>> -> memref<1x80xi32, #tpu.memory_space<hbm>>
        %dma_wait3A_165 = tpu.memref_squeeze %dma_wait3A_164 : memref<1x80xi32, #tpu.memory_space<hbm>> -> memref<80xi32, #tpu.memory_space<hbm>>
        %dma_wait3A_166 = tpu.memref_slice %arg4[%run_scoped3A_107, %add3A_105] : memref<2x320000xi32, #tpu.memory_space<hbm>> -> memref<1x80xi32, #tpu.memory_space<hbm>>
        %dma_wait3A_167 = tpu.memref_squeeze %dma_wait3A_166 : memref<1x80xi32, #tpu.memory_space<hbm>> -> memref<80xi32, #tpu.memory_space<hbm>>
        tpu.wait_dma2 semaphore(%run_scoped3A_159 : memref<!tpu.dma_semaphore, #tpu.memory_space<semaphore_mem>>) src(%dma_wait3A_167 : memref<80xi32, #tpu.memory_space<hbm>>) dst(%arg12 : memref<80xi32, #tpu.memory_space<vmem>>)
        tpu.yield
      }) : () -> ()
      %dma_start3A_108 = arith.constant 0 : i32
      %dma_start3A_109 = arith.constant 0 : i32
      %dma_start3A_110 = tpu.memref_slice %arg2[%dma_start3A_108, %dma_start3A_109] : memref<10000x144xf32, #tpu.memory_space<hbm>> -> memref<10000x144xf32, #tpu.memory_space<hbm>>
      tpu.enqueue_indirect_dma source(%dma_start3A_110 : memref<10000x144xf32, #tpu.memory_space<hbm>>) target(%arg13 : memref<80x144xf32, #tpu.memory_space<vmem>>) offsets(%arg11 : memref<80xi32, #tpu.memory_space<vmem>>) semaphore(%arg21 : memref<!tpu.dma_semaphore, #tpu.memory_space<semaphore_mem>>)
      %dma_start3A_111 = arith.constant 0 : i32
      %dma_start3A_112 = arith.constant 0 : i32
      %dma_start3A_113 = tpu.memref_slice %arg3[%dma_start3A_111, %dma_start3A_112] : memref<10000x8xf32, #tpu.memory_space<hbm>> -> memref<10000x8xf32, #tpu.memory_space<hbm>>
      tpu.enqueue_indirect_dma source(%dma_start3A_113 : memref<10000x8xf32, #tpu.memory_space<hbm>>) target(%arg14 : memref<80x8xf32, #tpu.memory_space<vmem>>) offsets(%arg11 : memref<80xi32, #tpu.memory_space<vmem>>) semaphore(%arg22 : memref<!tpu.dma_semaphore, #tpu.memory_space<semaphore_mem>>)
      %dma_start3A_114 = arith.constant 0 : i32
      %dma_start3A_115 = arith.constant 0 : i32
      %dma_start3A_116 = tpu.memref_slice %arg3[%dma_start3A_114, %dma_start3A_115] : memref<10000x8xf32, #tpu.memory_space<hbm>> -> memref<10000x8xf32, #tpu.memory_space<hbm>>
      tpu.enqueue_indirect_dma source(%dma_start3A_116 : memref<10000x8xf32, #tpu.memory_space<hbm>>) target(%arg15 : memref<80x8xf32, #tpu.memory_space<vmem>>) offsets(%arg12 : memref<80xi32, #tpu.memory_space<vmem>>) semaphore(%arg23 : memref<!tpu.dma_semaphore, #tpu.memory_space<semaphore_mem>>)
      %dma_wait3A_117 = arith.constant 0 : i32
      %dma_wait3A_118 = arith.constant 0 : i32
      %dma_wait3A_119 = tpu.memref_slice %arg3[%dma_wait3A_117, %dma_wait3A_118] : memref<10000x8xf32, #tpu.memory_space<hbm>> -> memref<10000x8xf32, #tpu.memory_space<hbm>>
      tpu.wait_indirect_dma semaphore(%arg19 : memref<!tpu.dma_semaphore, #tpu.memory_space<semaphore_mem>>) src(%dma_wait3A_119 : memref<10000x8xf32, #tpu.memory_space<hbm>>) dst(%arg9 : memref<80x8xf32, #tpu.memory_space<vmem>>)
      %dma_wait3A_120 = arith.constant 0 : i32
      %dma_wait3A_121 = arith.constant 0 : i32
      %dma_wait3A_122 = tpu.memref_slice %arg3[%dma_wait3A_120, %dma_wait3A_121] : memref<10000x8xf32, #tpu.memory_space<hbm>> -> memref<10000x8xf32, #tpu.memory_space<hbm>>
      tpu.wait_indirect_dma semaphore(%arg20 : memref<!tpu.dma_semaphore, #tpu.memory_space<semaphore_mem>>) src(%dma_wait3A_122 : memref<10000x8xf32, #tpu.memory_space<hbm>>) dst(%arg10 : memref<80x8xf32, #tpu.memory_space<vmem>>)
      %scan3A_123 = arith.constant 0 : i32
      %scan3A_124 = arith.constant 0 : i32
      %scan3A_125 = arith.constant 40 : i32
      %scan3A_126 = arith.addi %scan3A_124, %scan3A_125 : i32
      %scan3A_127 = arith.constant 1 : i32
      scf.for %scan3A_159 = %scan3A_124 to %scan3A_126 step %scan3A_127  : i32 {
        %mul3A_160 = arith.constant 2 : i32
        %mul3A_161 = arith.muli %mul3A_160, %scan3A_159 : i32
        %add3A_162 = vector.broadcast %mul3A_161 : i32 to vector<16xi32>
        %add3A_163 = arith.addi %add3A_162, %shift_right_arithmetic3A_28 : vector<16xi32>
        %gather3A = tpu.vector_load_idx %arg9[%add3A_163, %and3A_30] : memref<80x8xf32, #tpu.memory_space<vmem>>[vector<16xi32>, vector<16xi32>], vector<16xf32>,
        %gather3A_164 = tpu.vector_load_idx %arg10[%add3A_163, %add3A_36] : memref<80x8xf32, #tpu.memory_space<vmem>>[vector<16xi32>, vector<16xi32>], vector<16xf32>,
        %add3A_165 = arith.addf %gather3A, %gather3A_164 : vector<16xf32>
        %mul3A_166 = arith.constant 2.000000e-01 : f32
        %mul3A_167 = vector.broadcast %mul3A_166 : f32 to vector<16xf32>
        %mul3A_168 = arith.mulf %mul3A_167, %add3A_165 : vector<16xf32>
        %max3A = arith.maximumf %add3A_165, %mul3A_168 : vector<16xf32>
        %exp3A = math.exp %max3A : vector<16xf32>
        %mul3A_169 = arith.constant 16 : i32
        %mul3A_170 = arith.muli %scan3A_159, %mul3A_169 : i32
        %swap3A = arith.index_cast %mul3A_170 : i32 to index
        %swap3A_171 = tpu.vector_load %arg16[%swap3A] {strides = array<i32>} : memref<640xf32, #tpu.memory_space<vmem>>, vector<16xf32>,
        tpu.vector_store %arg16[%swap3A], %exp3A {strides = array<i32>} : memref<640xf32, #tpu.memory_space<vmem>>, vector<16xf32>,
      }
      %scan3A_128 = arith.constant 40 : i32
      %dma_wait3A_129 = arith.constant 0 : i32
      %dma_wait3A_130 = arith.constant 0 : i32
      %dma_wait3A_131 = tpu.memref_slice %arg2[%dma_wait3A_129, %dma_wait3A_130] : memref<10000x144xf32, #tpu.memory_space<hbm>> -> memref<10000x144xf32, #tpu.memory_space<hbm>>
      tpu.wait_indirect_dma semaphore(%arg18 : memref<!tpu.dma_semaphore, #tpu.memory_space<semaphore_mem>>) src(%dma_wait3A_131 : memref<10000x144xf32, #tpu.memory_space<hbm>>) dst(%arg8 : memref<80x144xf32, #tpu.memory_space<vmem>>)
      %scan3A_132 = arith.constant 0 : i32
      %scan3A_133 = arith.constant 0 : i32
      %scan3A_134 = arith.constant 80 : i32
      %scan3A_135 = arith.addi %scan3A_133, %scan3A_134 : i32
      %scan3A_136 = arith.constant 1 : i32
      scf.for %scan3A_159 = %scan3A_133 to %scan3A_135 step %scan3A_136  : i32 {
        %mul3A_160 = arith.constant 8 : i32
        %mul3A_161 = arith.muli %scan3A_159, %mul3A_160 : i32
        %add3A_162 = arith.constant 0 : i32
        %add3A_163 = arith.addi %mul3A_161, %add3A_162 : i32
        %broadcast_in_dim3A_164 = vector.broadcast %add3A_163 : i32 to vector<16xi32>
        %gather3A = tpu.vector_load_idx %arg16[%broadcast_in_dim3A_164] : memref<640xf32, #tpu.memory_space<vmem>>[vector<16xi32>], vector<16xf32>,
        %get3A = arith.index_cast %scan3A_159 : i32 to index
        %get3A_165 = arith.constant 0 : index
        %get3A_166 = tpu.vector_load %arg8[%get3A, %get3A_165] {strides = array<i32>} : memref<80x144xf32, #tpu.memory_space<vmem>>, vector<16xf32>,
        %mul3A_167 = arith.mulf %get3A_166, %gather3A : vector<16xf32>
        %swap3A = arith.index_cast %scan3A_159 : i32 to index
        %swap3A_168 = arith.constant 0 : index
        %swap3A_169 = tpu.vector_load %arg8[%swap3A, %swap3A_168] {strides = array<i32>} : memref<80x144xf32, #tpu.memory_space<vmem>>, vector<16xf32>,
        tpu.vector_store %arg8[%swap3A, %swap3A_168], %mul3A_167 {strides = array<i32>} : memref<80x144xf32, #tpu.memory_space<vmem>>, vector<16xf32>,
        %add3A_170 = arith.constant 0 : i32
        %add3A_171 = arith.addi %mul3A_161, %add3A_170 : i32
        %broadcast_in_dim3A_172 = vector.broadcast %add3A_171 : i32 to vector<16xi32>
        %gather3A_173 = tpu.vector_load_idx %arg16[%broadcast_in_dim3A_172] : memref<640xf32, #tpu.memory_space<vmem>>[vector<16xi32>], vector<16xf32>,
        %get3A_174 = arith.index_cast %scan3A_159 : i32 to index
        %get3A_175 = arith.constant 16 : index
        %get3A_176 = tpu.vector_load %arg8[%get3A_174, %get3A_175] {strides = array<i32>} : memref<80x144xf32, #tpu.memory_space<vmem>>, vector<16xf32>,
        %mul3A_177 = arith.mulf %get3A_176, %gather3A_173 : vector<16xf32>
        %swap3A_178 = arith.index_cast %scan3A_159 : i32 to index
        %swap3A_179 = arith.constant 16 : index
        %swap3A_180 = tpu.vector_load %arg8[%swap3A_178, %swap3A_179] {strides = array<i32>} : memref<80x144xf32, #tpu.memory_space<vmem>>, vector<16xf32>,
        tpu.vector_store %arg8[%swap3A_178, %swap3A_179], %mul3A_177 {strides = array<i32>} : memref<80x144xf32, #tpu.memory_space<vmem>>, vector<16xf32>,
        %add3A_181 = arith.constant 1 : i32
        %add3A_182 = arith.addi %mul3A_161, %add3A_181 : i32
        %broadcast_in_dim3A_183 = vector.broadcast %add3A_182 : i32 to vector<16xi32>
        %gather3A_184 = tpu.vector_load_idx %arg16[%broadcast_in_dim3A_183] : memref<640xf32, #tpu.memory_space<vmem>>[vector<16xi32>], vector<16xf32>,
        %get3A_185 = arith.index_cast %scan3A_159 : i32 to index
        %get3A_186 = arith.constant 32 : index
        %get3A_187 = tpu.vector_load %arg8[%get3A_185, %get3A_186] {strides = array<i32>} : memref<80x144xf32, #tpu.memory_space<vmem>>, vector<16xf32>,
        %mul3A_188 = arith.mulf %get3A_187, %gather3A_184 : vector<16xf32>
        %swap3A_189 = arith.index_cast %scan3A_159 : i32 to index
        %swap3A_190 = arith.constant 32 : index
        %swap3A_191 = tpu.vector_load %arg8[%swap3A_189, %swap3A_190] {strides = array<i32>} : memref<80x144xf32, #tpu.memory_space<vmem>>, vector<16xf32>,
        tpu.vector_store %arg8[%swap3A_189, %swap3A_190], %mul3A_188 {strides = array<i32>} : memref<80x144xf32, #tpu.memory_space<vmem>>, vector<16xf32>,
        %add3A_192 = arith.constant 1 : i32
        %add3A_193 = arith.addi %mul3A_161, %add3A_192 : i32
        %broadcast_in_dim3A_194 = vector.broadcast %add3A_193 : i32 to vector<16xi32>
        %gather3A_195 = tpu.vector_load_idx %arg16[%broadcast_in_dim3A_194] : memref<640xf32, #tpu.memory_space<vmem>>[vector<16xi32>], vector<16xf32>,
        %get3A_196 = arith.index_cast %scan3A_159 : i32 to index
        %get3A_197 = arith.constant 48 : index
        %get3A_198 = tpu.vector_load %arg8[%get3A_196, %get3A_197] {strides = array<i32>} : memref<80x144xf32, #tpu.memory_space<vmem>>, vector<16xf32>,
        %mul3A_199 = arith.mulf %get3A_198, %gather3A_195 : vector<16xf32>
        %swap3A_200 = arith.index_cast %scan3A_159 : i32 to index
        %swap3A_201 = arith.constant 48 : index
        %swap3A_202 = tpu.vector_load %arg8[%swap3A_200, %swap3A_201] {strides = array<i32>} : memref<80x144xf32, #tpu.memory_space<vmem>>, vector<16xf32>,
        tpu.vector_store %arg8[%swap3A_200, %swap3A_201], %mul3A_199 {strides = array<i32>} : memref<80x144xf32, #tpu.memory_space<vmem>>, vector<16xf32>,
        %add3A_203 = arith.constant 2 : i32
        %add3A_204 = arith.addi %mul3A_161, %add3A_203 : i32
        %broadcast_in_dim3A_205 = vector.broadcast %add3A_204 : i32 to vector<16xi32>
        %gather3A_206 = tpu.vector_load_idx %arg16[%broadcast_in_dim3A_205] : memref<640xf32, #tpu.memory_space<vmem>>[vector<16xi32>], vector<16xf32>,
        %get3A_207 = arith.index_cast %scan3A_159 : i32 to index
        %get3A_208 = arith.constant 64 : index
        %get3A_209 = tpu.vector_load %arg8[%get3A_207, %get3A_208] {strides = array<i32>} : memref<80x144xf32, #tpu.memory_space<vmem>>, vector<16xf32>,
        %mul3A_210 = arith.mulf %get3A_209, %gather3A_206 : vector<16xf32>
        %swap3A_211 = arith.index_cast %scan3A_159 : i32 to index
        %swap3A_212 = arith.constant 64 : index
        %swap3A_213 = tpu.vector_load %arg8[%swap3A_211, %swap3A_212] {strides = array<i32>} : memref<80x144xf32, #tpu.memory_space<vmem>>, vector<16xf32>,
        tpu.vector_store %arg8[%swap3A_211, %swap3A_212], %mul3A_210 {strides = array<i32>} : memref<80x144xf32, #tpu.memory_space<vmem>>, vector<16xf32>,
        %add3A_214 = arith.constant 2 : i32
        %add3A_215 = arith.addi %mul3A_161, %add3A_214 : i32
        %broadcast_in_dim3A_216 = vector.broadcast %add3A_215 : i32 to vector<16xi32>
        %gather3A_217 = tpu.vector_load_idx %arg16[%broadcast_in_dim3A_216] : memref<640xf32, #tpu.memory_space<vmem>>[vector<16xi32>], vector<16xf32>,
        %get3A_218 = arith.index_cast %scan3A_159 : i32 to index
        %get3A_219 = arith.constant 80 : index
        %get3A_220 = tpu.vector_load %arg8[%get3A_218, %get3A_219] {strides = array<i32>} : memref<80x144xf32, #tpu.memory_space<vmem>>, vector<16xf32>,
        %mul3A_221 = arith.mulf %get3A_220, %gather3A_217 : vector<16xf32>
        %swap3A_222 = arith.index_cast %scan3A_159 : i32 to index
        %swap3A_223 = arith.constant 80 : index
        %swap3A_224 = tpu.vector_load %arg8[%swap3A_222, %swap3A_223] {strides = array<i32>} : memref<80x144xf32, #tpu.memory_space<vmem>>, vector<16xf32>,
        tpu.vector_store %arg8[%swap3A_222, %swap3A_223], %mul3A_221 {strides = array<i32>} : memref<80x144xf32, #tpu.memory_space<vmem>>, vector<16xf32>,
        %add3A_225 = arith.constant 3 : i32
        %add3A_226 = arith.addi %mul3A_161, %add3A_225 : i32
        %broadcast_in_dim3A_227 = vector.broadcast %add3A_226 : i32 to vector<16xi32>
        %gather3A_228 = tpu.vector_load_idx %arg16[%broadcast_in_dim3A_227] : memref<640xf32, #tpu.memory_space<vmem>>[vector<16xi32>], vector<16xf32>,
        %get3A_229 = arith.index_cast %scan3A_159 : i32 to index
        %get3A_230 = arith.constant 96 : index
        %get3A_231 = tpu.vector_load %arg8[%get3A_229, %get3A_230] {strides = array<i32>} : memref<80x144xf32, #tpu.memory_space<vmem>>, vector<16xf32>,
        %mul3A_232 = arith.mulf %get3A_231, %gather3A_228 : vector<16xf32>
        %swap3A_233 = arith.index_cast %scan3A_159 : i32 to index
        %swap3A_234 = arith.constant 96 : index
        %swap3A_235 = tpu.vector_load %arg8[%swap3A_233, %swap3A_234] {strides = array<i32>} : memref<80x144xf32, #tpu.memory_space<vmem>>, vector<16xf32>,
        tpu.vector_store %arg8[%swap3A_233, %swap3A_234], %mul3A_232 {strides = array<i32>} : memref<80x144xf32, #tpu.memory_space<vmem>>, vector<16xf32>,
        %add3A_236 = arith.constant 3 : i32
        %add3A_237 = arith.addi %mul3A_161, %add3A_236 : i32
        %broadcast_in_dim3A_238 = vector.broadcast %add3A_237 : i32 to vector<16xi32>
        %gather3A_239 = tpu.vector_load_idx %arg16[%broadcast_in_dim3A_238] : memref<640xf32, #tpu.memory_space<vmem>>[vector<16xi32>], vector<16xf32>,
        %get3A_240 = arith.index_cast %scan3A_159 : i32 to index
        %get3A_241 = arith.constant 112 : index
        %get3A_242 = tpu.vector_load %arg8[%get3A_240, %get3A_241] {strides = array<i32>} : memref<80x144xf32, #tpu.memory_space<vmem>>, vector<16xf32>,
        %mul3A_243 = arith.mulf %get3A_242, %gather3A_239 : vector<16xf32>
        %swap3A_244 = arith.index_cast %scan3A_159 : i32 to index
        %swap3A_245 = arith.constant 112 : index
        %swap3A_246 = tpu.vector_load %arg8[%swap3A_244, %swap3A_245] {strides = array<i32>} : memref<80x144xf32, #tpu.memory_space<vmem>>, vector<16xf32>,
        tpu.vector_store %arg8[%swap3A_244, %swap3A_245], %mul3A_243 {strides = array<i32>} : memref<80x144xf32, #tpu.memory_space<vmem>>, vector<16xf32>,
        %add3A_247 = vector.broadcast %mul3A_161 : i32 to vector<16xi32>
        %add3A_248 = arith.addi %add3A_247, %min3A_38 : vector<16xi32>
        %gather3A_249 = tpu.vector_load_idx %arg16[%add3A_248] : memref<640xf32, #tpu.memory_space<vmem>>[vector<16xi32>], vector<16xf32>,
        %get3A_250 = arith.index_cast %scan3A_159 : i32 to index
        %get3A_251 = arith.constant 128 : index
        %get3A_252 = tpu.vector_load %arg8[%get3A_250, %get3A_251] {strides = array<i32>} : memref<80x144xf32, #tpu.memory_space<vmem>>, vector<16xf32>,
        %mul3A_253 = arith.mulf %get3A_252, %gather3A_249 : vector<16xf32>
        %swap3A_254 = arith.index_cast %scan3A_159 : i32 to index
        %swap3A_255 = arith.constant 128 : index
        %swap3A_256 = tpu.vector_load %arg8[%swap3A_254, %swap3A_255] {strides = array<i32>} : memref<80x144xf32, #tpu.memory_space<vmem>>, vector<16xf32>,
        tpu.vector_store %arg8[%swap3A_254, %swap3A_255], %mul3A_253 {strides = array<i32>} : memref<80x144xf32, #tpu.memory_space<vmem>>, vector<16xf32>,
      }
      %scan3A_137 = arith.constant 80 : i32
      "tpu.region"() ({
        %run_scoped3A_159 = tpu.sem_alloc : memref<!tpu.dma_semaphore, #tpu.memory_space<semaphore_mem>>
        %dma_start3A_160 = arith.constant 0 : i32
        %dma_start3A_161 = arith.constant 0 : i32
        %dma_start3A_162 = tpu.memref_slice %arg17[%dma_start3A_160, %dma_start3A_161] : memref<10000x144xf32, #tpu.memory_space<vmem_shared>> -> memref<10000x144xf32, #tpu.memory_space<vmem_shared>>
        tpu.enqueue_indirect_dma source(%arg8 : memref<80x144xf32, #tpu.memory_space<vmem>>) target(%dma_start3A_162 : memref<10000x144xf32, #tpu.memory_space<vmem_shared>>) offsets(%arg7 : memref<80xi32, #tpu.memory_space<vmem>>) semaphore(%run_scoped3A_159 : memref<!tpu.dma_semaphore, #tpu.memory_space<semaphore_mem>>) {add = true}
        %dma_wait3A_163 = arith.constant 0 : i32
        %dma_wait3A_164 = arith.constant 0 : i32
        %dma_wait3A_165 = tpu.memref_slice %arg17[%dma_wait3A_163, %dma_wait3A_164] : memref<10000x144xf32, #tpu.memory_space<vmem_shared>> -> memref<10000x144xf32, #tpu.memory_space<vmem_shared>>
        tpu.wait_indirect_dma semaphore(%run_scoped3A_159 : memref<!tpu.dma_semaphore, #tpu.memory_space<semaphore_mem>>) src(%arg8 : memref<80x144xf32, #tpu.memory_space<vmem>>) dst(%dma_wait3A_165 : memref<10000x144xf32, #tpu.memory_space<vmem_shared>>)
        tpu.yield
      }) : () -> ()
      %dma_wait3A_138 = arith.constant 0 : i32
      %dma_wait3A_139 = arith.constant 0 : i32
      %dma_wait3A_140 = tpu.memref_slice %arg3[%dma_wait3A_138, %dma_wait3A_139] : memref<10000x8xf32, #tpu.memory_space<hbm>> -> memref<10000x8xf32, #tpu.memory_space<hbm>>
      tpu.wait_indirect_dma semaphore(%arg22 : memref<!tpu.dma_semaphore, #tpu.memory_space<semaphore_mem>>) src(%dma_wait3A_140 : memref<10000x8xf32, #tpu.memory_space<hbm>>) dst(%arg14 : memref<80x8xf32, #tpu.memory_space<vmem>>)
      %dma_wait3A_141 = arith.constant 0 : i32
      %dma_wait3A_142 = arith.constant 0 : i32
      %dma_wait3A_143 = tpu.memref_slice %arg3[%dma_wait3A_141, %dma_wait3A_142] : memref<10000x8xf32, #tpu.memory_space<hbm>> -> memref<10000x8xf32, #tpu.memory_space<hbm>>
      tpu.wait_indirect_dma semaphore(%arg23 : memref<!tpu.dma_semaphore, #tpu.memory_space<semaphore_mem>>) src(%dma_wait3A_143 : memref<10000x8xf32, #tpu.memory_space<hbm>>) dst(%arg15 : memref<80x8xf32, #tpu.memory_space<vmem>>)
      %scan3A_144 = arith.constant 0 : i32
      %scan3A_145 = arith.constant 0 : i32
      %scan3A_146 = arith.constant 40 : i32
      %scan3A_147 = arith.addi %scan3A_145, %scan3A_146 : i32
      %scan3A_148 = arith.constant 1 : i32
      scf.for %scan3A_159 = %scan3A_145 to %scan3A_147 step %scan3A_148  : i32 {
        %mul3A_160 = arith.constant 2 : i32
        %mul3A_161 = arith.muli %mul3A_160, %scan3A_159 : i32
        %add3A_162 = vector.broadcast %mul3A_161 : i32 to vector<16xi32>
        %add3A_163 = arith.addi %add3A_162, %shift_right_arithmetic3A_28 : vector<16xi32>
        %gather3A = tpu.vector_load_idx %arg14[%add3A_163, %and3A_30] : memref<80x8xf32, #tpu.memory_space<vmem>>[vector<16xi32>, vector<16xi32>], vector<16xf32>,
        %gather3A_164 = tpu.vector_load_idx %arg15[%add3A_163, %add3A_36] : memref<80x8xf32, #tpu.memory_space<vmem>>[vector<16xi32>, vector<16xi32>], vector<16xf32>,
        %add3A_165 = arith.addf %gather3A, %gather3A_164 : vector<16xf32>
        %mul3A_166 = arith.constant 2.000000e-01 : f32
        %mul3A_167 = vector.broadcast %mul3A_166 : f32 to vector<16xf32>
        %mul3A_168 = arith.mulf %mul3A_167, %add3A_165 : vector<16xf32>
        %max3A = arith.maximumf %add3A_165, %mul3A_168 : vector<16xf32>
        %exp3A = math.exp %max3A : vector<16xf32>
        %mul3A_169 = arith.constant 16 : i32
        %mul3A_170 = arith.muli %scan3A_159, %mul3A_169 : i32
        %swap3A = arith.index_cast %mul3A_170 : i32 to index
        %swap3A_171 = tpu.vector_load %arg16[%swap3A] {strides = array<i32>} : memref<640xf32, #tpu.memory_space<vmem>>, vector<16xf32>,
        tpu.vector_store %arg16[%swap3A], %exp3A {strides = array<i32>} : memref<640xf32, #tpu.memory_space<vmem>>, vector<16xf32>,
      }
      %scan3A_149 = arith.constant 40 : i32
      %dma_wait3A_150 = arith.constant 0 : i32
      %dma_wait3A_151 = arith.constant 0 : i32
      %dma_wait3A_152 = tpu.memref_slice %arg2[%dma_wait3A_150, %dma_wait3A_151] : memref<10000x144xf32, #tpu.memory_space<hbm>> -> memref<10000x144xf32, #tpu.memory_space<hbm>>
      tpu.wait_indirect_dma semaphore(%arg21 : memref<!tpu.dma_semaphore, #tpu.memory_space<semaphore_mem>>) src(%dma_wait3A_152 : memref<10000x144xf32, #tpu.memory_space<hbm>>) dst(%arg13 : memref<80x144xf32, #tpu.memory_space<vmem>>)
      %scan3A_153 = arith.constant 0 : i32
      %scan3A_154 = arith.constant 0 : i32
      %scan3A_155 = arith.constant 80 : i32
      %scan3A_156 = arith.addi %scan3A_154, %scan3A_155 : i32
      %scan3A_157 = arith.constant 1 : i32
      scf.for %scan3A_159 = %scan3A_154 to %scan3A_156 step %scan3A_157  : i32 {
        %mul3A_160 = arith.constant 8 : i32
        %mul3A_161 = arith.muli %scan3A_159, %mul3A_160 : i32
        %add3A_162 = arith.constant 0 : i32
        %add3A_163 = arith.addi %mul3A_161, %add3A_162 : i32
        %broadcast_in_dim3A_164 = vector.broadcast %add3A_163 : i32 to vector<16xi32>
        %gather3A = tpu.vector_load_idx %arg16[%broadcast_in_dim3A_164] : memref<640xf32, #tpu.memory_space<vmem>>[vector<16xi32>], vector<16xf32>,
        %get3A = arith.index_cast %scan3A_159 : i32 to index
        %get3A_165 = arith.constant 0 : index
        %get3A_166 = tpu.vector_load %arg13[%get3A, %get3A_165] {strides = array<i32>} : memref<80x144xf32, #tpu.memory_space<vmem>>, vector<16xf32>,
        %mul3A_167 = arith.mulf %get3A_166, %gather3A : vector<16xf32>
        %swap3A = arith.index_cast %scan3A_159 : i32 to index
        %swap3A_168 = arith.constant 0 : index
        %swap3A_169 = tpu.vector_load %arg13[%swap3A, %swap3A_168] {strides = array<i32>} : memref<80x144xf32, #tpu.memory_space<vmem>>, vector<16xf32>,
        tpu.vector_store %arg13[%swap3A, %swap3A_168], %mul3A_167 {strides = array<i32>} : memref<80x144xf32, #tpu.memory_space<vmem>>, vector<16xf32>,
        %add3A_170 = arith.constant 0 : i32
        %add3A_171 = arith.addi %mul3A_161, %add3A_170 : i32
        %broadcast_in_dim3A_172 = vector.broadcast %add3A_171 : i32 to vector<16xi32>
        %gather3A_173 = tpu.vector_load_idx %arg16[%broadcast_in_dim3A_172] : memref<640xf32, #tpu.memory_space<vmem>>[vector<16xi32>], vector<16xf32>,
        %get3A_174 = arith.index_cast %scan3A_159 : i32 to index
        %get3A_175 = arith.constant 16 : index
        %get3A_176 = tpu.vector_load %arg13[%get3A_174, %get3A_175] {strides = array<i32>} : memref<80x144xf32, #tpu.memory_space<vmem>>, vector<16xf32>,
        %mul3A_177 = arith.mulf %get3A_176, %gather3A_173 : vector<16xf32>
        %swap3A_178 = arith.index_cast %scan3A_159 : i32 to index
        %swap3A_179 = arith.constant 16 : index
        %swap3A_180 = tpu.vector_load %arg13[%swap3A_178, %swap3A_179] {strides = array<i32>} : memref<80x144xf32, #tpu.memory_space<vmem>>, vector<16xf32>,
        tpu.vector_store %arg13[%swap3A_178, %swap3A_179], %mul3A_177 {strides = array<i32>} : memref<80x144xf32, #tpu.memory_space<vmem>>, vector<16xf32>,
        %add3A_181 = arith.constant 1 : i32
        %add3A_182 = arith.addi %mul3A_161, %add3A_181 : i32
        %broadcast_in_dim3A_183 = vector.broadcast %add3A_182 : i32 to vector<16xi32>
        %gather3A_184 = tpu.vector_load_idx %arg16[%broadcast_in_dim3A_183] : memref<640xf32, #tpu.memory_space<vmem>>[vector<16xi32>], vector<16xf32>,
        %get3A_185 = arith.index_cast %scan3A_159 : i32 to index
        %get3A_186 = arith.constant 32 : index
        %get3A_187 = tpu.vector_load %arg13[%get3A_185, %get3A_186] {strides = array<i32>} : memref<80x144xf32, #tpu.memory_space<vmem>>, vector<16xf32>,
        %mul3A_188 = arith.mulf %get3A_187, %gather3A_184 : vector<16xf32>
        %swap3A_189 = arith.index_cast %scan3A_159 : i32 to index
        %swap3A_190 = arith.constant 32 : index
        %swap3A_191 = tpu.vector_load %arg13[%swap3A_189, %swap3A_190] {strides = array<i32>} : memref<80x144xf32, #tpu.memory_space<vmem>>, vector<16xf32>,
        tpu.vector_store %arg13[%swap3A_189, %swap3A_190], %mul3A_188 {strides = array<i32>} : memref<80x144xf32, #tpu.memory_space<vmem>>, vector<16xf32>,
        %add3A_192 = arith.constant 1 : i32
        %add3A_193 = arith.addi %mul3A_161, %add3A_192 : i32
        %broadcast_in_dim3A_194 = vector.broadcast %add3A_193 : i32 to vector<16xi32>
        %gather3A_195 = tpu.vector_load_idx %arg16[%broadcast_in_dim3A_194] : memref<640xf32, #tpu.memory_space<vmem>>[vector<16xi32>], vector<16xf32>,
        %get3A_196 = arith.index_cast %scan3A_159 : i32 to index
        %get3A_197 = arith.constant 48 : index
        %get3A_198 = tpu.vector_load %arg13[%get3A_196, %get3A_197] {strides = array<i32>} : memref<80x144xf32, #tpu.memory_space<vmem>>, vector<16xf32>,
        %mul3A_199 = arith.mulf %get3A_198, %gather3A_195 : vector<16xf32>
        %swap3A_200 = arith.index_cast %scan3A_159 : i32 to index
        %swap3A_201 = arith.constant 48 : index
        %swap3A_202 = tpu.vector_load %arg13[%swap3A_200, %swap3A_201] {strides = array<i32>} : memref<80x144xf32, #tpu.memory_space<vmem>>, vector<16xf32>,
        tpu.vector_store %arg13[%swap3A_200, %swap3A_201], %mul3A_199 {strides = array<i32>} : memref<80x144xf32, #tpu.memory_space<vmem>>, vector<16xf32>,
        %add3A_203 = arith.constant 2 : i32
        %add3A_204 = arith.addi %mul3A_161, %add3A_203 : i32
        %broadcast_in_dim3A_205 = vector.broadcast %add3A_204 : i32 to vector<16xi32>
        %gather3A_206 = tpu.vector_load_idx %arg16[%broadcast_in_dim3A_205] : memref<640xf32, #tpu.memory_space<vmem>>[vector<16xi32>], vector<16xf32>,
        %get3A_207 = arith.index_cast %scan3A_159 : i32 to index
        %get3A_208 = arith.constant 64 : index
        %get3A_209 = tpu.vector_load %arg13[%get3A_207, %get3A_208] {strides = array<i32>} : memref<80x144xf32, #tpu.memory_space<vmem>>, vector<16xf32>,
        %mul3A_210 = arith.mulf %get3A_209, %gather3A_206 : vector<16xf32>
        %swap3A_211 = arith.index_cast %scan3A_159 : i32 to index
        %swap3A_212 = arith.constant 64 : index
        %swap3A_213 = tpu.vector_load %arg13[%swap3A_211, %swap3A_212] {strides = array<i32>} : memref<80x144xf32, #tpu.memory_space<vmem>>, vector<16xf32>,
        tpu.vector_store %arg13[%swap3A_211, %swap3A_212], %mul3A_210 {strides = array<i32>} : memref<80x144xf32, #tpu.memory_space<vmem>>, vector<16xf32>,
        %add3A_214 = arith.constant 2 : i32
        %add3A_215 = arith.addi %mul3A_161, %add3A_214 : i32
        %broadcast_in_dim3A_216 = vector.broadcast %add3A_215 : i32 to vector<16xi32>
        %gather3A_217 = tpu.vector_load_idx %arg16[%broadcast_in_dim3A_216] : memref<640xf32, #tpu.memory_space<vmem>>[vector<16xi32>], vector<16xf32>,
        %get3A_218 = arith.index_cast %scan3A_159 : i32 to index
        %get3A_219 = arith.constant 80 : index
        %get3A_220 = tpu.vector_load %arg13[%get3A_218, %get3A_219] {strides = array<i32>} : memref<80x144xf32, #tpu.memory_space<vmem>>, vector<16xf32>,
        %mul3A_221 = arith.mulf %get3A_220, %gather3A_217 : vector<16xf32>
        %swap3A_222 = arith.index_cast %scan3A_159 : i32 to index
        %swap3A_223 = arith.constant 80 : index
        %swap3A_224 = tpu.vector_load %arg13[%swap3A_222, %swap3A_223] {strides = array<i32>} : memref<80x144xf32, #tpu.memory_space<vmem>>, vector<16xf32>,
        tpu.vector_store %arg13[%swap3A_222, %swap3A_223], %mul3A_221 {strides = array<i32>} : memref<80x144xf32, #tpu.memory_space<vmem>>, vector<16xf32>,
        %add3A_225 = arith.constant 3 : i32
        %add3A_226 = arith.addi %mul3A_161, %add3A_225 : i32
        %broadcast_in_dim3A_227 = vector.broadcast %add3A_226 : i32 to vector<16xi32>
        %gather3A_228 = tpu.vector_load_idx %arg16[%broadcast_in_dim3A_227] : memref<640xf32, #tpu.memory_space<vmem>>[vector<16xi32>], vector<16xf32>,
        %get3A_229 = arith.index_cast %scan3A_159 : i32 to index
        %get3A_230 = arith.constant 96 : index
        %get3A_231 = tpu.vector_load %arg13[%get3A_229, %get3A_230] {strides = array<i32>} : memref<80x144xf32, #tpu.memory_space<vmem>>, vector<16xf32>,
        %mul3A_232 = arith.mulf %get3A_231, %gather3A_228 : vector<16xf32>
        %swap3A_233 = arith.index_cast %scan3A_159 : i32 to index
        %swap3A_234 = arith.constant 96 : index
        %swap3A_235 = tpu.vector_load %arg13[%swap3A_233, %swap3A_234] {strides = array<i32>} : memref<80x144xf32, #tpu.memory_space<vmem>>, vector<16xf32>,
        tpu.vector_store %arg13[%swap3A_233, %swap3A_234], %mul3A_232 {strides = array<i32>} : memref<80x144xf32, #tpu.memory_space<vmem>>, vector<16xf32>,
        %add3A_236 = arith.constant 3 : i32
        %add3A_237 = arith.addi %mul3A_161, %add3A_236 : i32
        %broadcast_in_dim3A_238 = vector.broadcast %add3A_237 : i32 to vector<16xi32>
        %gather3A_239 = tpu.vector_load_idx %arg16[%broadcast_in_dim3A_238] : memref<640xf32, #tpu.memory_space<vmem>>[vector<16xi32>], vector<16xf32>,
        %get3A_240 = arith.index_cast %scan3A_159 : i32 to index
        %get3A_241 = arith.constant 112 : index
        %get3A_242 = tpu.vector_load %arg13[%get3A_240, %get3A_241] {strides = array<i32>} : memref<80x144xf32, #tpu.memory_space<vmem>>, vector<16xf32>,
        %mul3A_243 = arith.mulf %get3A_242, %gather3A_239 : vector<16xf32>
        %swap3A_244 = arith.index_cast %scan3A_159 : i32 to index
        %swap3A_245 = arith.constant 112 : index
        %swap3A_246 = tpu.vector_load %arg13[%swap3A_244, %swap3A_245] {strides = array<i32>} : memref<80x144xf32, #tpu.memory_space<vmem>>, vector<16xf32>,
        tpu.vector_store %arg13[%swap3A_244, %swap3A_245], %mul3A_243 {strides = array<i32>} : memref<80x144xf32, #tpu.memory_space<vmem>>, vector<16xf32>,
        %add3A_247 = vector.broadcast %mul3A_161 : i32 to vector<16xi32>
        %add3A_248 = arith.addi %add3A_247, %min3A_38 : vector<16xi32>
        %gather3A_249 = tpu.vector_load_idx %arg16[%add3A_248] : memref<640xf32, #tpu.memory_space<vmem>>[vector<16xi32>], vector<16xf32>,
        %get3A_250 = arith.index_cast %scan3A_159 : i32 to index
        %get3A_251 = arith.constant 128 : index
        %get3A_252 = tpu.vector_load %arg13[%get3A_250, %get3A_251] {strides = array<i32>} : memref<80x144xf32, #tpu.memory_space<vmem>>, vector<16xf32>,
        %mul3A_253 = arith.mulf %get3A_252, %gather3A_249 : vector<16xf32>
        %swap3A_254 = arith.index_cast %scan3A_159 : i32 to index
        %swap3A_255 = arith.constant 128 : index
        %swap3A_256 = tpu.vector_load %arg13[%swap3A_254, %swap3A_255] {strides = array<i32>} : memref<80x144xf32, #tpu.memory_space<vmem>>, vector<16xf32>,
        tpu.vector_store %arg13[%swap3A_254, %swap3A_255], %mul3A_253 {strides = array<i32>} : memref<80x144xf32, #tpu.memory_space<vmem>>, vector<16xf32>,
      }
      %scan3A_158 = arith.constant 80 : i32
      "tpu.region"() ({
        %run_scoped3A_159 = tpu.sem_alloc : memref<!tpu.dma_semaphore, #tpu.memory_space<semaphore_mem>>
        %dma_start3A_160 = arith.constant 0 : i32
        %dma_start3A_161 = arith.constant 0 : i32
        %dma_start3A_162 = tpu.memref_slice %arg17[%dma_start3A_160, %dma_start3A_161] : memref<10000x144xf32, #tpu.memory_space<vmem_shared>> -> memref<10000x144xf32, #tpu.memory_space<vmem_shared>>
        tpu.enqueue_indirect_dma source(%arg13 : memref<80x144xf32, #tpu.memory_space<vmem>>) target(%dma_start3A_162 : memref<10000x144xf32, #tpu.memory_space<vmem_shared>>) offsets(%arg12 : memref<80xi32, #tpu.memory_space<vmem>>) semaphore(%run_scoped3A_159 : memref<!tpu.dma_semaphore, #tpu.memory_space<semaphore_mem>>) {add = true}
        %dma_wait3A_163 = arith.constant 0 : i32
        %dma_wait3A_164 = arith.constant 0 : i32
        %dma_wait3A_165 = tpu.memref_slice %arg17[%dma_wait3A_163, %dma_wait3A_164] : memref<10000x144xf32, #tpu.memory_space<vmem_shared>> -> memref<10000x144xf32, #tpu.memory_space<vmem_shared>>
        tpu.wait_indirect_dma semaphore(%run_scoped3A_159 : memref<!tpu.dma_semaphore, #tpu.memory_space<semaphore_mem>>) src(%arg13 : memref<80x144xf32, #tpu.memory_space<vmem>>) dst(%dma_wait3A_165 : memref<10000x144xf32, #tpu.memory_space<vmem_shared>>)
        tpu.yield
      }) : () -> ()
    }
    %scan3A_46 = arith.constant 62 : i32
    %add3A_47 = arith.constant 9920 : i32
    %add3A_48 = arith.addi %mul3A_40, %add3A_47 : i32
    %run_scoped3A = arith.constant 0 : i32
    "tpu.region"() ({
      %run_scoped3A_84 = tpu.sem_alloc : memref<!tpu.dma_semaphore, #tpu.memory_space<semaphore_mem>>
      %dma_start3A_85 = tpu.memref_slice %arg4[%run_scoped3A, %add3A_48] : memref<2x320000xi32, #tpu.memory_space<hbm>> -> memref<1x80xi32, #tpu.memory_space<hbm>>
      %dma_start3A_86 = tpu.memref_squeeze %dma_start3A_85 : memref<1x80xi32, #tpu.memory_space<hbm>> -> memref<80xi32, #tpu.memory_space<hbm>>
      %dma_start3A_87 = tpu.memref_slice %arg4[%run_scoped3A, %add3A_48] : memref<2x320000xi32, #tpu.memory_space<hbm>> -> memref<1x80xi32, #tpu.memory_space<hbm>>
      %dma_start3A_88 = tpu.memref_squeeze %dma_start3A_87 : memref<1x80xi32, #tpu.memory_space<hbm>> -> memref<80xi32, #tpu.memory_space<hbm>>
      tpu.enqueue_dma source(%dma_start3A_88 : memref<80xi32, #tpu.memory_space<hbm>>) target(%arg6 : memref<80xi32, #tpu.memory_space<vmem>>) target_semaphore(%run_scoped3A_84 : memref<!tpu.dma_semaphore, #tpu.memory_space<semaphore_mem>>)
      %dma_wait3A_89 = tpu.memref_slice %arg4[%run_scoped3A, %add3A_48] : memref<2x320000xi32, #tpu.memory_space<hbm>> -> memref<1x80xi32, #tpu.memory_space<hbm>>
      %dma_wait3A_90 = tpu.memref_squeeze %dma_wait3A_89 : memref<1x80xi32, #tpu.memory_space<hbm>> -> memref<80xi32, #tpu.memory_space<hbm>>
      %dma_wait3A_91 = tpu.memref_slice %arg4[%run_scoped3A, %add3A_48] : memref<2x320000xi32, #tpu.memory_space<hbm>> -> memref<1x80xi32, #tpu.memory_space<hbm>>
      %dma_wait3A_92 = tpu.memref_squeeze %dma_wait3A_91 : memref<1x80xi32, #tpu.memory_space<hbm>> -> memref<80xi32, #tpu.memory_space<hbm>>
      tpu.wait_dma2 semaphore(%run_scoped3A_84 : memref<!tpu.dma_semaphore, #tpu.memory_space<semaphore_mem>>) src(%dma_wait3A_92 : memref<80xi32, #tpu.memory_space<hbm>>) dst(%arg6 : memref<80xi32, #tpu.memory_space<vmem>>)
      tpu.yield
    }) : () -> ()
    %run_scoped3A_49 = arith.constant 1 : i32
    "tpu.region"() ({
      %run_scoped3A_84 = tpu.sem_alloc : memref<!tpu.dma_semaphore, #tpu.memory_space<semaphore_mem>>
      %dma_start3A_85 = tpu.memref_slice %arg4[%run_scoped3A_49, %add3A_48] : memref<2x320000xi32, #tpu.memory_space<hbm>> -> memref<1x80xi32, #tpu.memory_space<hbm>>
      %dma_start3A_86 = tpu.memref_squeeze %dma_start3A_85 : memref<1x80xi32, #tpu.memory_space<hbm>> -> memref<80xi32, #tpu.memory_space<hbm>>
      %dma_start3A_87 = tpu.memref_slice %arg4[%run_scoped3A_49, %add3A_48] : memref<2x320000xi32, #tpu.memory_space<hbm>> -> memref<1x80xi32, #tpu.memory_space<hbm>>
      %dma_start3A_88 = tpu.memref_squeeze %dma_start3A_87 : memref<1x80xi32, #tpu.memory_space<hbm>> -> memref<80xi32, #tpu.memory_space<hbm>>
      tpu.enqueue_dma source(%dma_start3A_88 : memref<80xi32, #tpu.memory_space<hbm>>) target(%arg7 : memref<80xi32, #tpu.memory_space<vmem>>) target_semaphore(%run_scoped3A_84 : memref<!tpu.dma_semaphore, #tpu.memory_space<semaphore_mem>>)
      %dma_wait3A_89 = tpu.memref_slice %arg4[%run_scoped3A_49, %add3A_48] : memref<2x320000xi32, #tpu.memory_space<hbm>> -> memref<1x80xi32, #tpu.memory_space<hbm>>
      %dma_wait3A_90 = tpu.memref_squeeze %dma_wait3A_89 : memref<1x80xi32, #tpu.memory_space<hbm>> -> memref<80xi32, #tpu.memory_space<hbm>>
      %dma_wait3A_91 = tpu.memref_slice %arg4[%run_scoped3A_49, %add3A_48] : memref<2x320000xi32, #tpu.memory_space<hbm>> -> memref<1x80xi32, #tpu.memory_space<hbm>>
      %dma_wait3A_92 = tpu.memref_squeeze %dma_wait3A_91 : memref<1x80xi32, #tpu.memory_space<hbm>> -> memref<80xi32, #tpu.memory_space<hbm>>
      tpu.wait_dma2 semaphore(%run_scoped3A_84 : memref<!tpu.dma_semaphore, #tpu.memory_space<semaphore_mem>>) src(%dma_wait3A_92 : memref<80xi32, #tpu.memory_space<hbm>>) dst(%arg7 : memref<80xi32, #tpu.memory_space<vmem>>)
      tpu.yield
    }) : () -> ()
    %dma_start3A = arith.constant 0 : i32
    %dma_start3A_50 = arith.constant 0 : i32
    %dma_start3A_51 = tpu.memref_slice %arg2[%dma_start3A, %dma_start3A_50] : memref<10000x144xf32, #tpu.memory_space<hbm>> -> memref<10000x144xf32, #tpu.memory_space<hbm>>
    tpu.enqueue_indirect_dma source(%dma_start3A_51 : memref<10000x144xf32, #tpu.memory_space<hbm>>) target(%arg8 : memref<80x144xf32, #tpu.memory_space<vmem>>) offsets(%arg6 : memref<80xi32, #tpu.memory_space<vmem>>) semaphore(%arg18 : memref<!tpu.dma_semaphore, #tpu.memory_space<semaphore_mem>>)
    %dma_start3A_52 = arith.constant 0 : i32
    %dma_start3A_53 = arith.constant 0 : i32
    %dma_start3A_54 = tpu.memref_slice %arg3[%dma_start3A_52, %dma_start3A_53] : memref<10000x8xf32, #tpu.memory_space<hbm>> -> memref<10000x8xf32, #tpu.memory_space<hbm>>
    tpu.enqueue_indirect_dma source(%dma_start3A_54 : memref<10000x8xf32, #tpu.memory_space<hbm>>) target(%arg9 : memref<80x8xf32, #tpu.memory_space<vmem>>) offsets(%arg6 : memref<80xi32, #tpu.memory_space<vmem>>) semaphore(%arg19 : memref<!tpu.dma_semaphore, #tpu.memory_space<semaphore_mem>>)
    %dma_start3A_55 = arith.constant 0 : i32
    %dma_start3A_56 = arith.constant 0 : i32
    %dma_start3A_57 = tpu.memref_slice %arg3[%dma_start3A_55, %dma_start3A_56] : memref<10000x8xf32, #tpu.memory_space<hbm>> -> memref<10000x8xf32, #tpu.memory_space<hbm>>
    tpu.enqueue_indirect_dma source(%dma_start3A_57 : memref<10000x8xf32, #tpu.memory_space<hbm>>) target(%arg10 : memref<80x8xf32, #tpu.memory_space<vmem>>) offsets(%arg7 : memref<80xi32, #tpu.memory_space<vmem>>) semaphore(%arg20 : memref<!tpu.dma_semaphore, #tpu.memory_space<semaphore_mem>>)
    %dma_wait3A = arith.constant 0 : i32
    %dma_wait3A_58 = arith.constant 0 : i32
    %dma_wait3A_59 = tpu.memref_slice %arg3[%dma_wait3A, %dma_wait3A_58] : memref<10000x8xf32, #tpu.memory_space<hbm>> -> memref<10000x8xf32, #tpu.memory_space<hbm>>
    tpu.wait_indirect_dma semaphore(%arg19 : memref<!tpu.dma_semaphore, #tpu.memory_space<semaphore_mem>>) src(%dma_wait3A_59 : memref<10000x8xf32, #tpu.memory_space<hbm>>) dst(%arg9 : memref<80x8xf32, #tpu.memory_space<vmem>>)
    %dma_wait3A_60 = arith.constant 0 : i32
    %dma_wait3A_61 = arith.constant 0 : i32
    %dma_wait3A_62 = tpu.memref_slice %arg3[%dma_wait3A_60, %dma_wait3A_61] : memref<10000x8xf32, #tpu.memory_space<hbm>> -> memref<10000x8xf32, #tpu.memory_space<hbm>>
    tpu.wait_indirect_dma semaphore(%arg20 : memref<!tpu.dma_semaphore, #tpu.memory_space<semaphore_mem>>) src(%dma_wait3A_62 : memref<10000x8xf32, #tpu.memory_space<hbm>>) dst(%arg10 : memref<80x8xf32, #tpu.memory_space<vmem>>)
    %scan3A_63 = arith.constant 0 : i32
    %scan3A_64 = arith.constant 0 : i32
    %scan3A_65 = arith.constant 40 : i32
    %scan3A_66 = arith.addi %scan3A_64, %scan3A_65 : i32
    %scan3A_67 = arith.constant 1 : i32
    scf.for %scan3A_84 = %scan3A_64 to %scan3A_66 step %scan3A_67  : i32 {
      %mul3A_85 = arith.constant 2 : i32
      %mul3A_86 = arith.muli %mul3A_85, %scan3A_84 : i32
      %add3A_87 = vector.broadcast %mul3A_86 : i32 to vector<16xi32>
      %add3A_88 = arith.addi %add3A_87, %shift_right_arithmetic3A_28 : vector<16xi32>
      %gather3A = tpu.vector_load_idx %arg9[%add3A_88, %and3A_30] : memref<80x8xf32, #tpu.memory_space<vmem>>[vector<16xi32>, vector<16xi32>], vector<16xf32>,
      %gather3A_89 = tpu.vector_load_idx %arg10[%add3A_88, %add3A_36] : memref<80x8xf32, #tpu.memory_space<vmem>>[vector<16xi32>, vector<16xi32>], vector<16xf32>,
      %add3A_90 = arith.addf %gather3A, %gather3A_89 : vector<16xf32>
      %mul3A_91 = arith.constant 2.000000e-01 : f32
      %mul3A_92 = vector.broadcast %mul3A_91 : f32 to vector<16xf32>
      %mul3A_93 = arith.mulf %mul3A_92, %add3A_90 : vector<16xf32>
      %max3A = arith.maximumf %add3A_90, %mul3A_93 : vector<16xf32>
      %exp3A = math.exp %max3A : vector<16xf32>
      %mul3A_94 = arith.constant 16 : i32
      %mul3A_95 = arith.muli %scan3A_84, %mul3A_94 : i32
      %swap3A = arith.index_cast %mul3A_95 : i32 to index
      %swap3A_96 = tpu.vector_load %arg16[%swap3A] {strides = array<i32>} : memref<640xf32, #tpu.memory_space<vmem>>, vector<16xf32>,
      tpu.vector_store %arg16[%swap3A], %exp3A {strides = array<i32>} : memref<640xf32, #tpu.memory_space<vmem>>, vector<16xf32>,
    }
    %scan3A_68 = arith.constant 40 : i32
    %dma_wait3A_69 = arith.constant 0 : i32
    %dma_wait3A_70 = arith.constant 0 : i32
    %dma_wait3A_71 = tpu.memref_slice %arg2[%dma_wait3A_69, %dma_wait3A_70] : memref<10000x144xf32, #tpu.memory_space<hbm>> -> memref<10000x144xf32, #tpu.memory_space<hbm>>
    tpu.wait_indirect_dma semaphore(%arg18 : memref<!tpu.dma_semaphore, #tpu.memory_space<semaphore_mem>>) src(%dma_wait3A_71 : memref<10000x144xf32, #tpu.memory_space<hbm>>) dst(%arg8 : memref<80x144xf32, #tpu.memory_space<vmem>>)
    %scan3A_72 = arith.constant 0 : i32
    %scan3A_73 = arith.constant 0 : i32
    %scan3A_74 = arith.constant 80 : i32
    %scan3A_75 = arith.addi %scan3A_73, %scan3A_74 : i32
    %scan3A_76 = arith.constant 1 : i32
    scf.for %scan3A_84 = %scan3A_73 to %scan3A_75 step %scan3A_76  : i32 {
      %mul3A_85 = arith.constant 8 : i32
      %mul3A_86 = arith.muli %scan3A_84, %mul3A_85 : i32
      %add3A_87 = arith.constant 0 : i32
      %add3A_88 = arith.addi %mul3A_86, %add3A_87 : i32
      %broadcast_in_dim3A_89 = vector.broadcast %add3A_88 : i32 to vector<16xi32>
      %gather3A = tpu.vector_load_idx %arg16[%broadcast_in_dim3A_89] : memref<640xf32, #tpu.memory_space<vmem>>[vector<16xi32>], vector<16xf32>,
      %get3A = arith.index_cast %scan3A_84 : i32 to index
      %get3A_90 = arith.constant 0 : index
      %get3A_91 = tpu.vector_load %arg8[%get3A, %get3A_90] {strides = array<i32>} : memref<80x144xf32, #tpu.memory_space<vmem>>, vector<16xf32>,
      %mul3A_92 = arith.mulf %get3A_91, %gather3A : vector<16xf32>
      %swap3A = arith.index_cast %scan3A_84 : i32 to index
      %swap3A_93 = arith.constant 0 : index
      %swap3A_94 = tpu.vector_load %arg8[%swap3A, %swap3A_93] {strides = array<i32>} : memref<80x144xf32, #tpu.memory_space<vmem>>, vector<16xf32>,
      tpu.vector_store %arg8[%swap3A, %swap3A_93], %mul3A_92 {strides = array<i32>} : memref<80x144xf32, #tpu.memory_space<vmem>>, vector<16xf32>,
      %add3A_95 = arith.constant 0 : i32
      %add3A_96 = arith.addi %mul3A_86, %add3A_95 : i32
      %broadcast_in_dim3A_97 = vector.broadcast %add3A_96 : i32 to vector<16xi32>
      %gather3A_98 = tpu.vector_load_idx %arg16[%broadcast_in_dim3A_97] : memref<640xf32, #tpu.memory_space<vmem>>[vector<16xi32>], vector<16xf32>,
      %get3A_99 = arith.index_cast %scan3A_84 : i32 to index
      %get3A_100 = arith.constant 16 : index
      %get3A_101 = tpu.vector_load %arg8[%get3A_99, %get3A_100] {strides = array<i32>} : memref<80x144xf32, #tpu.memory_space<vmem>>, vector<16xf32>,
      %mul3A_102 = arith.mulf %get3A_101, %gather3A_98 : vector<16xf32>
      %swap3A_103 = arith.index_cast %scan3A_84 : i32 to index
      %swap3A_104 = arith.constant 16 : index
      %swap3A_105 = tpu.vector_load %arg8[%swap3A_103, %swap3A_104] {strides = array<i32>} : memref<80x144xf32, #tpu.memory_space<vmem>>, vector<16xf32>,
      tpu.vector_store %arg8[%swap3A_103, %swap3A_104], %mul3A_102 {strides = array<i32>} : memref<80x144xf32, #tpu.memory_space<vmem>>, vector<16xf32>,
      %add3A_106 = arith.constant 1 : i32
      %add3A_107 = arith.addi %mul3A_86, %add3A_106 : i32
      %broadcast_in_dim3A_108 = vector.broadcast %add3A_107 : i32 to vector<16xi32>
      %gather3A_109 = tpu.vector_load_idx %arg16[%broadcast_in_dim3A_108] : memref<640xf32, #tpu.memory_space<vmem>>[vector<16xi32>], vector<16xf32>,
      %get3A_110 = arith.index_cast %scan3A_84 : i32 to index
      %get3A_111 = arith.constant 32 : index
      %get3A_112 = tpu.vector_load %arg8[%get3A_110, %get3A_111] {strides = array<i32>} : memref<80x144xf32, #tpu.memory_space<vmem>>, vector<16xf32>,
      %mul3A_113 = arith.mulf %get3A_112, %gather3A_109 : vector<16xf32>
      %swap3A_114 = arith.index_cast %scan3A_84 : i32 to index
      %swap3A_115 = arith.constant 32 : index
      %swap3A_116 = tpu.vector_load %arg8[%swap3A_114, %swap3A_115] {strides = array<i32>} : memref<80x144xf32, #tpu.memory_space<vmem>>, vector<16xf32>,
      tpu.vector_store %arg8[%swap3A_114, %swap3A_115], %mul3A_113 {strides = array<i32>} : memref<80x144xf32, #tpu.memory_space<vmem>>, vector<16xf32>,
      %add3A_117 = arith.constant 1 : i32
      %add3A_118 = arith.addi %mul3A_86, %add3A_117 : i32
      %broadcast_in_dim3A_119 = vector.broadcast %add3A_118 : i32 to vector<16xi32>
      %gather3A_120 = tpu.vector_load_idx %arg16[%broadcast_in_dim3A_119] : memref<640xf32, #tpu.memory_space<vmem>>[vector<16xi32>], vector<16xf32>,
      %get3A_121 = arith.index_cast %scan3A_84 : i32 to index
      %get3A_122 = arith.constant 48 : index
      %get3A_123 = tpu.vector_load %arg8[%get3A_121, %get3A_122] {strides = array<i32>} : memref<80x144xf32, #tpu.memory_space<vmem>>, vector<16xf32>,
      %mul3A_124 = arith.mulf %get3A_123, %gather3A_120 : vector<16xf32>
      %swap3A_125 = arith.index_cast %scan3A_84 : i32 to index
      %swap3A_126 = arith.constant 48 : index
      %swap3A_127 = tpu.vector_load %arg8[%swap3A_125, %swap3A_126] {strides = array<i32>} : memref<80x144xf32, #tpu.memory_space<vmem>>, vector<16xf32>,
      tpu.vector_store %arg8[%swap3A_125, %swap3A_126], %mul3A_124 {strides = array<i32>} : memref<80x144xf32, #tpu.memory_space<vmem>>, vector<16xf32>,
      %add3A_128 = arith.constant 2 : i32
      %add3A_129 = arith.addi %mul3A_86, %add3A_128 : i32
      %broadcast_in_dim3A_130 = vector.broadcast %add3A_129 : i32 to vector<16xi32>
      %gather3A_131 = tpu.vector_load_idx %arg16[%broadcast_in_dim3A_130] : memref<640xf32, #tpu.memory_space<vmem>>[vector<16xi32>], vector<16xf32>,
      %get3A_132 = arith.index_cast %scan3A_84 : i32 to index
      %get3A_133 = arith.constant 64 : index
      %get3A_134 = tpu.vector_load %arg8[%get3A_132, %get3A_133] {strides = array<i32>} : memref<80x144xf32, #tpu.memory_space<vmem>>, vector<16xf32>,
      %mul3A_135 = arith.mulf %get3A_134, %gather3A_131 : vector<16xf32>
      %swap3A_136 = arith.index_cast %scan3A_84 : i32 to index
      %swap3A_137 = arith.constant 64 : index
      %swap3A_138 = tpu.vector_load %arg8[%swap3A_136, %swap3A_137] {strides = array<i32>} : memref<80x144xf32, #tpu.memory_space<vmem>>, vector<16xf32>,
      tpu.vector_store %arg8[%swap3A_136, %swap3A_137], %mul3A_135 {strides = array<i32>} : memref<80x144xf32, #tpu.memory_space<vmem>>, vector<16xf32>,
      %add3A_139 = arith.constant 2 : i32
      %add3A_140 = arith.addi %mul3A_86, %add3A_139 : i32
      %broadcast_in_dim3A_141 = vector.broadcast %add3A_140 : i32 to vector<16xi32>
      %gather3A_142 = tpu.vector_load_idx %arg16[%broadcast_in_dim3A_141] : memref<640xf32, #tpu.memory_space<vmem>>[vector<16xi32>], vector<16xf32>,
      %get3A_143 = arith.index_cast %scan3A_84 : i32 to index
      %get3A_144 = arith.constant 80 : index
      %get3A_145 = tpu.vector_load %arg8[%get3A_143, %get3A_144] {strides = array<i32>} : memref<80x144xf32, #tpu.memory_space<vmem>>, vector<16xf32>,
      %mul3A_146 = arith.mulf %get3A_145, %gather3A_142 : vector<16xf32>
      %swap3A_147 = arith.index_cast %scan3A_84 : i32 to index
      %swap3A_148 = arith.constant 80 : index
      %swap3A_149 = tpu.vector_load %arg8[%swap3A_147, %swap3A_148] {strides = array<i32>} : memref<80x144xf32, #tpu.memory_space<vmem>>, vector<16xf32>,
      tpu.vector_store %arg8[%swap3A_147, %swap3A_148], %mul3A_146 {strides = array<i32>} : memref<80x144xf32, #tpu.memory_space<vmem>>, vector<16xf32>,
      %add3A_150 = arith.constant 3 : i32
      %add3A_151 = arith.addi %mul3A_86, %add3A_150 : i32
      %broadcast_in_dim3A_152 = vector.broadcast %add3A_151 : i32 to vector<16xi32>
      %gather3A_153 = tpu.vector_load_idx %arg16[%broadcast_in_dim3A_152] : memref<640xf32, #tpu.memory_space<vmem>>[vector<16xi32>], vector<16xf32>,
      %get3A_154 = arith.index_cast %scan3A_84 : i32 to index
      %get3A_155 = arith.constant 96 : index
      %get3A_156 = tpu.vector_load %arg8[%get3A_154, %get3A_155] {strides = array<i32>} : memref<80x144xf32, #tpu.memory_space<vmem>>, vector<16xf32>,
      %mul3A_157 = arith.mulf %get3A_156, %gather3A_153 : vector<16xf32>
      %swap3A_158 = arith.index_cast %scan3A_84 : i32 to index
      %swap3A_159 = arith.constant 96 : index
      %swap3A_160 = tpu.vector_load %arg8[%swap3A_158, %swap3A_159] {strides = array<i32>} : memref<80x144xf32, #tpu.memory_space<vmem>>, vector<16xf32>,
      tpu.vector_store %arg8[%swap3A_158, %swap3A_159], %mul3A_157 {strides = array<i32>} : memref<80x144xf32, #tpu.memory_space<vmem>>, vector<16xf32>,
      %add3A_161 = arith.constant 3 : i32
      %add3A_162 = arith.addi %mul3A_86, %add3A_161 : i32
      %broadcast_in_dim3A_163 = vector.broadcast %add3A_162 : i32 to vector<16xi32>
      %gather3A_164 = tpu.vector_load_idx %arg16[%broadcast_in_dim3A_163] : memref<640xf32, #tpu.memory_space<vmem>>[vector<16xi32>], vector<16xf32>,
      %get3A_165 = arith.index_cast %scan3A_84 : i32 to index
      %get3A_166 = arith.constant 112 : index
      %get3A_167 = tpu.vector_load %arg8[%get3A_165, %get3A_166] {strides = array<i32>} : memref<80x144xf32, #tpu.memory_space<vmem>>, vector<16xf32>,
      %mul3A_168 = arith.mulf %get3A_167, %gather3A_164 : vector<16xf32>
      %swap3A_169 = arith.index_cast %scan3A_84 : i32 to index
      %swap3A_170 = arith.constant 112 : index
      %swap3A_171 = tpu.vector_load %arg8[%swap3A_169, %swap3A_170] {strides = array<i32>} : memref<80x144xf32, #tpu.memory_space<vmem>>, vector<16xf32>,
      tpu.vector_store %arg8[%swap3A_169, %swap3A_170], %mul3A_168 {strides = array<i32>} : memref<80x144xf32, #tpu.memory_space<vmem>>, vector<16xf32>,
      %add3A_172 = vector.broadcast %mul3A_86 : i32 to vector<16xi32>
      %add3A_173 = arith.addi %add3A_172, %min3A_38 : vector<16xi32>
      %gather3A_174 = tpu.vector_load_idx %arg16[%add3A_173] : memref<640xf32, #tpu.memory_space<vmem>>[vector<16xi32>], vector<16xf32>,
      %get3A_175 = arith.index_cast %scan3A_84 : i32 to index
      %get3A_176 = arith.constant 128 : index
      %get3A_177 = tpu.vector_load %arg8[%get3A_175, %get3A_176] {strides = array<i32>} : memref<80x144xf32, #tpu.memory_space<vmem>>, vector<16xf32>,
      %mul3A_178 = arith.mulf %get3A_177, %gather3A_174 : vector<16xf32>
      %swap3A_179 = arith.index_cast %scan3A_84 : i32 to index
      %swap3A_180 = arith.constant 128 : index
      %swap3A_181 = tpu.vector_load %arg8[%swap3A_179, %swap3A_180] {strides = array<i32>} : memref<80x144xf32, #tpu.memory_space<vmem>>, vector<16xf32>,
      tpu.vector_store %arg8[%swap3A_179, %swap3A_180], %mul3A_178 {strides = array<i32>} : memref<80x144xf32, #tpu.memory_space<vmem>>, vector<16xf32>,
    }
    %scan3A_77 = arith.constant 80 : i32
    "tpu.region"() ({
      %run_scoped3A_84 = tpu.sem_alloc : memref<!tpu.dma_semaphore, #tpu.memory_space<semaphore_mem>>
      %dma_start3A_85 = arith.constant 0 : i32
      %dma_start3A_86 = arith.constant 0 : i32
      %dma_start3A_87 = tpu.memref_slice %arg17[%dma_start3A_85, %dma_start3A_86] : memref<10000x144xf32, #tpu.memory_space<vmem_shared>> -> memref<10000x144xf32, #tpu.memory_space<vmem_shared>>
      tpu.enqueue_indirect_dma source(%arg8 : memref<80x144xf32, #tpu.memory_space<vmem>>) target(%dma_start3A_87 : memref<10000x144xf32, #tpu.memory_space<vmem_shared>>) offsets(%arg7 : memref<80xi32, #tpu.memory_space<vmem>>) semaphore(%run_scoped3A_84 : memref<!tpu.dma_semaphore, #tpu.memory_space<semaphore_mem>>) {add = true}
      %dma_wait3A_88 = arith.constant 0 : i32
      %dma_wait3A_89 = arith.constant 0 : i32
      %dma_wait3A_90 = tpu.memref_slice %arg17[%dma_wait3A_88, %dma_wait3A_89] : memref<10000x144xf32, #tpu.memory_space<vmem_shared>> -> memref<10000x144xf32, #tpu.memory_space<vmem_shared>>
      tpu.wait_indirect_dma semaphore(%run_scoped3A_84 : memref<!tpu.dma_semaphore, #tpu.memory_space<semaphore_mem>>) src(%arg8 : memref<80x144xf32, #tpu.memory_space<vmem>>) dst(%dma_wait3A_90 : memref<10000x144xf32, #tpu.memory_space<vmem_shared>>)
      tpu.yield
    }) : () -> ()
    %barrier3A_78 = arith.constant 0 : index
    tpu.barrier barrier_id(%barrier3A_78)
    "tpu.region"() ({
      %run_scoped3A_84 = tpu.sem_alloc : memref<!tpu.dma_semaphore, #tpu.memory_space<semaphore_mem>>
      %dma_start3A_85 = arith.constant 0 : i32
      %dma_start3A_86 = tpu.memref_slice %arg5[%arg0, %mul3A_8, %dma_start3A_85] : memref<2x10000x144xf32, #tpu.memory_space<hbm>> -> memref<1x624x144xf32, #tpu.memory_space<hbm>>
      %dma_start3A_87 = tpu.memref_squeeze %dma_start3A_86 : memref<1x624x144xf32, #tpu.memory_space<hbm>> -> memref<624x144xf32, #tpu.memory_space<hbm>>
      %dma_start3A_88 = arith.constant 0 : i32
      %dma_start3A_89 = tpu.memref_slice %arg17[%mul3A_8, %dma_start3A_88] : memref<10000x144xf32, #tpu.memory_space<vmem_shared>> -> memref<624x144xf32, #tpu.memory_space<vmem_shared>>
      tpu.enqueue_dma source(%dma_start3A_89 : memref<624x144xf32, #tpu.memory_space<vmem_shared>>) target(%dma_start3A_87 : memref<624x144xf32, #tpu.memory_space<hbm>>) target_semaphore(%run_scoped3A_84 : memref<!tpu.dma_semaphore, #tpu.memory_space<semaphore_mem>>)
      %dma_wait3A_90 = arith.constant 0 : i32
      %dma_wait3A_91 = tpu.memref_slice %arg5[%arg0, %mul3A_8, %dma_wait3A_90] : memref<2x10000x144xf32, #tpu.memory_space<hbm>> -> memref<1x624x144xf32, #tpu.memory_space<hbm>>
      %dma_wait3A_92 = tpu.memref_squeeze %dma_wait3A_91 : memref<1x624x144xf32, #tpu.memory_space<hbm>> -> memref<624x144xf32, #tpu.memory_space<hbm>>
      %dma_wait3A_93 = arith.constant 0 : i32
      %dma_wait3A_94 = tpu.memref_slice %arg17[%mul3A_8, %dma_wait3A_93] : memref<10000x144xf32, #tpu.memory_space<vmem_shared>> -> memref<624x144xf32, #tpu.memory_space<vmem_shared>>
      tpu.wait_dma2 semaphore(%run_scoped3A_84 : memref<!tpu.dma_semaphore, #tpu.memory_space<semaphore_mem>>) src(%dma_wait3A_94 : memref<624x144xf32, #tpu.memory_space<vmem_shared>>) dst(%dma_wait3A_92 : memref<624x144xf32, #tpu.memory_space<hbm>>)
      tpu.yield
    }) : () -> ()
    %eq3A_79 = arith.constant 15 : i32
    %eq3A_80 = arith.cmpi eq, %arg1, %eq3A_79 : i32
    %convert_element_type3A_81 = arith.extui %eq3A_80 : i1 to i32
    %cond3A_82 = arith.constant 0 : i32
    %cond3A_83 = arith.cmpi ne, %convert_element_type3A_81, %cond3A_82 : i32
    scf.if %cond3A_83 {
      "tpu.region"() ({
        %run_scoped3A_84 = tpu.sem_alloc : memref<!tpu.dma_semaphore, #tpu.memory_space<semaphore_mem>>
        %dma_start3A_85 = arith.constant 9984 : i32
        %dma_start3A_86 = arith.constant 0 : i32
        %dma_start3A_87 = tpu.memref_slice %arg5[%arg0, %dma_start3A_85, %dma_start3A_86] : memref<2x10000x144xf32, #tpu.memory_space<hbm>> -> memref<1x16x144xf32, #tpu.memory_space<hbm>>
        %dma_start3A_88 = tpu.memref_squeeze %dma_start3A_87 : memref<1x16x144xf32, #tpu.memory_space<hbm>> -> memref<16x144xf32, #tpu.memory_space<hbm>>
        %dma_start3A_89 = arith.constant 9984 : i32
        %dma_start3A_90 = arith.constant 0 : i32
        %dma_start3A_91 = tpu.memref_slice %arg17[%dma_start3A_89, %dma_start3A_90] : memref<10000x144xf32, #tpu.memory_space<vmem_shared>> -> memref<16x144xf32, #tpu.memory_space<vmem_shared>>
        tpu.enqueue_dma source(%dma_start3A_91 : memref<16x144xf32, #tpu.memory_space<vmem_shared>>) target(%dma_start3A_88 : memref<16x144xf32, #tpu.memory_space<hbm>>) target_semaphore(%run_scoped3A_84 : memref<!tpu.dma_semaphore, #tpu.memory_space<semaphore_mem>>)
        %dma_wait3A_92 = arith.constant 9984 : i32
        %dma_wait3A_93 = arith.constant 0 : i32
        %dma_wait3A_94 = tpu.memref_slice %arg5[%arg0, %dma_wait3A_92, %dma_wait3A_93] : memref<2x10000x144xf32, #tpu.memory_space<hbm>> -> memref<1x16x144xf32, #tpu.memory_space<hbm>>
        %dma_wait3A_95 = tpu.memref_squeeze %dma_wait3A_94 : memref<1x16x144xf32, #tpu.memory_space<hbm>> -> memref<16x144xf32, #tpu.memory_space<hbm>>
        %dma_wait3A_96 = arith.constant 9984 : i32
        %dma_wait3A_97 = arith.constant 0 : i32
        %dma_wait3A_98 = tpu.memref_slice %arg17[%dma_wait3A_96, %dma_wait3A_97] : memref<10000x144xf32, #tpu.memory_space<vmem_shared>> -> memref<16x144xf32, #tpu.memory_space<vmem_shared>>
        tpu.wait_dma2 semaphore(%run_scoped3A_84 : memref<!tpu.dma_semaphore, #tpu.memory_space<semaphore_mem>>) src(%dma_wait3A_98 : memref<16x144xf32, #tpu.memory_space<vmem_shared>>) dst(%dma_wait3A_95 : memref<16x144xf32, #tpu.memory_space<hbm>>)
        tpu.yield
      }) : () -> ()
    } else {
    }
    return
  }
}

#map = affine_map<(d0, d1) -> (0, 0)>
#map1 = affine_map<(d0, d1) -> (0, 0, 0)>
module attributes {stable_mosaic.version = 14 : i64} {
  func.func @_sc_body(%arg0: i32, %arg1: i32, %arg2: memref<10000x144xf32, #tpu.memory_space<hbm>>, %arg3: memref<10000x8xf32, #tpu.memory_space<hbm>>, %arg4: memref<2x320000xi32, #tpu.memory_space<hbm>>, %arg5: memref<2x10000x144xf32, #tpu.memory_space<hbm>>, %arg6: memref<80xi32, #tpu.memory_space<vmem>>, %arg7: memref<80xi32, #tpu.memory_space<vmem>>, %arg8: memref<80x144xf32, #tpu.memory_space<vmem>>, %arg9: memref<80x8xf32, #tpu.memory_space<vmem>>, %arg10: memref<80x8xf32, #tpu.memory_space<vmem>>, %arg11: memref<80xi32, #tpu.memory_space<vmem>>, %arg12: memref<80xi32, #tpu.memory_space<vmem>>, %arg13: memref<80x144xf32, #tpu.memory_space<vmem>>, %arg14: memref<80x8xf32, #tpu.memory_space<vmem>>, %arg15: memref<80x8xf32, #tpu.memory_space<vmem>>, %arg16: memref<640xf32, #tpu.memory_space<vmem>>, %arg17: memref<10000x144xf32, #tpu.memory_space<vmem_shared>>, %arg18: memref<!tpu.dma_semaphore, #tpu.memory_space<semaphore_mem>>, %arg19: memref<!tpu.dma_semaphore, #tpu.memory_space<semaphore_mem>>, %arg20: memref<!tpu.dma_semaphore, #tpu.memory_space<semaphore_mem>>, %arg21: memref<!tpu.dma_semaphore, #tpu.memory_space<semaphore_mem>>, %arg22: memref<!tpu.dma_semaphore, #tpu.memory_space<semaphore_mem>>, %arg23: memref<!tpu.dma_semaphore, #tpu.memory_space<semaphore_mem>>) attributes {dimension_semantics = [#tpu.dimension_semantics<core_parallel>, #tpu.dimension_semantics<subcore_parallel>], iteration_bounds = array<i64: 2, 16>, scalar_prefetch = 0 : i64, scratch_operands = 18 : i64, tpu.core_type = #tpu.core_type<sc_vector_subcore>, window_params = [{transform_indices = #map}, {transform_indices = #map}, {transform_indices = #map}, {transform_indices = #map1}]} {
    %mul3A = arith.constant 2 : i32
    %mul3A_0 = arith.muli %arg1, %mul3A : i32
    %add3A = arith.addi %mul3A_0, %arg0 : i32
    %iota3A = tpu.iota {dimensions = array<i32: 0>} : vector<16xi32>
    %broadcast_in_dim3A = arith.constant 0.000000e+00 : f32
    %broadcast_in_dim3A_1 = vector.broadcast %broadcast_in_dim3A : f32 to vector<16xf32>
    %scan3A = arith.constant 0 : i32
    %scan3A_2 = arith.constant 0 : i32
    %scan3A_3 = arith.constant 80 : i32
    %scan3A_4 = arith.addi %scan3A_2, %scan3A_3 : i32
    %scan3A_5 = arith.constant 1 : i32
    scf.for %scan3A_84 = %scan3A_2 to %scan3A_4 step %scan3A_5  : i32 {
      %swap3A = arith.index_cast %scan3A_84 : i32 to index
      %swap3A_85 = arith.constant 0 : index
      %swap3A_86 = tpu.vector_load %arg8[%swap3A, %swap3A_85] {strides = array<i32>} : memref<80x144xf32, #tpu.memory_space<vmem>>, vector<16xf32>,
      tpu.vector_store %arg8[%swap3A, %swap3A_85], %broadcast_in_dim3A_1 {strides = array<i32>} : memref<80x144xf32, #tpu.memory_space<vmem>>, vector<16xf32>,
      %swap3A_87 = arith.index_cast %scan3A_84 : i32 to index
      %swap3A_88 = arith.constant 16 : index
      %swap3A_89 = tpu.vector_load %arg8[%swap3A_87, %swap3A_88] {strides = array<i32>} : memref<80x144xf32, #tpu.memory_space<vmem>>, vector<16xf32>,
      tpu.vector_store %arg8[%swap3A_87, %swap3A_88], %broadcast_in_dim3A_1 {strides = array<i32>} : memref<80x144xf32, #tpu.memory_space<vmem>>, vector<16xf32>,
      %swap3A_90 = arith.index_cast %scan3A_84 : i32 to index
      %swap3A_91 = arith.constant 32 : index
      %swap3A_92 = tpu.vector_load %arg8[%swap3A_90, %swap3A_91] {strides = array<i32>} : memref<80x144xf32, #tpu.memory_space<vmem>>, vector<16xf32>,
      tpu.vector_store %arg8[%swap3A_90, %swap3A_91], %broadcast_in_dim3A_1 {strides = array<i32>} : memref<80x144xf32, #tpu.memory_space<vmem>>, vector<16xf32>,
      %swap3A_93 = arith.index_cast %scan3A_84 : i32 to index
      %swap3A_94 = arith.constant 48 : index
      %swap3A_95 = tpu.vector_load %arg8[%swap3A_93, %swap3A_94] {strides = array<i32>} : memref<80x144xf32, #tpu.memory_space<vmem>>, vector<16xf32>,
      tpu.vector_store %arg8[%swap3A_93, %swap3A_94], %broadcast_in_dim3A_1 {strides = array<i32>} : memref<80x144xf32, #tpu.memory_space<vmem>>, vector<16xf32>,
      %swap3A_96 = arith.index_cast %scan3A_84 : i32 to index
      %swap3A_97 = arith.constant 64 : index
      %swap3A_98 = tpu.vector_load %arg8[%swap3A_96, %swap3A_97] {strides = array<i32>} : memref<80x144xf32, #tpu.memory_space<vmem>>, vector<16xf32>,
      tpu.vector_store %arg8[%swap3A_96, %swap3A_97], %broadcast_in_dim3A_1 {strides = array<i32>} : memref<80x144xf32, #tpu.memory_space<vmem>>, vector<16xf32>,
      %swap3A_99 = arith.index_cast %scan3A_84 : i32 to index
      %swap3A_100 = arith.constant 80 : index
      %swap3A_101 = tpu.vector_load %arg8[%swap3A_99, %swap3A_100] {strides = array<i32>} : memref<80x144xf32, #tpu.memory_space<vmem>>, vector<16xf32>,
      tpu.vector_store %arg8[%swap3A_99, %swap3A_100], %broadcast_in_dim3A_1 {strides = array<i32>} : memref<80x144xf32, #tpu.memory_space<vmem>>, vector<16xf32>,
      %swap3A_102 = arith.index_cast %scan3A_84 : i32 to index
      %swap3A_103 = arith.constant 96 : index
      %swap3A_104 = tpu.vector_load %arg8[%swap3A_102, %swap3A_103] {strides = array<i32>} : memref<80x144xf32, #tpu.memory_space<vmem>>, vector<16xf32>,
      tpu.vector_store %arg8[%swap3A_102, %swap3A_103], %broadcast_in_dim3A_1 {strides = array<i32>} : memref<80x144xf32, #tpu.memory_space<vmem>>, vector<16xf32>,
      %swap3A_105 = arith.index_cast %scan3A_84 : i32 to index
      %swap3A_106 = arith.constant 112 : index
      %swap3A_107 = tpu.vector_load %arg8[%swap3A_105, %swap3A_106] {strides = array<i32>} : memref<80x144xf32, #tpu.memory_space<vmem>>, vector<16xf32>,
      tpu.vector_store %arg8[%swap3A_105, %swap3A_106], %broadcast_in_dim3A_1 {strides = array<i32>} : memref<80x144xf32, #tpu.memory_space<vmem>>, vector<16xf32>,
      %swap3A_108 = arith.index_cast %scan3A_84 : i32 to index
      %swap3A_109 = arith.constant 128 : index
      %swap3A_110 = tpu.vector_load %arg8[%swap3A_108, %swap3A_109] {strides = array<i32>} : memref<80x144xf32, #tpu.memory_space<vmem>>, vector<16xf32>,
      tpu.vector_store %arg8[%swap3A_108, %swap3A_109], %broadcast_in_dim3A_1 {strides = array<i32>} : memref<80x144xf32, #tpu.memory_space<vmem>>, vector<16xf32>,
    }
    %scan3A_6 = arith.constant 80 : i32
    %mul3A_7 = arith.constant 624 : i32
    %mul3A_8 = arith.muli %arg1, %mul3A_7 : i32
    %add3A_9 = arith.constant 0 : i32
    %add3A_10 = arith.addi %mul3A_8, %add3A_9 : i32
    "tpu.region"() ({
      %run_scoped3A_84 = tpu.sem_alloc : memref<!tpu.dma_semaphore, #tpu.memory_space<semaphore_mem>>
      %dma_start3A_85 = arith.constant 0 : i32
      %dma_start3A_86 = tpu.memref_slice %arg17[%add3A_10, %dma_start3A_85] : memref<10000x144xf32, #tpu.memory_space<vmem_shared>> -> memref<80x144xf32, #tpu.memory_space<vmem_shared>>
      %dma_start3A_87 = arith.constant 0 : i32
      %dma_start3A_88 = tpu.memref_slice %arg17[%add3A_10, %dma_start3A_87] : memref<10000x144xf32, #tpu.memory_space<vmem_shared>> -> memref<80x144xf32, #tpu.memory_space<vmem_shared>>
      tpu.enqueue_dma source(%arg8 : memref<80x144xf32, #tpu.memory_space<vmem>>) target(%dma_start3A_88 : memref<80x144xf32, #tpu.memory_space<vmem_shared>>) target_semaphore(%run_scoped3A_84 : memref<!tpu.dma_semaphore, #tpu.memory_space<semaphore_mem>>)
      %dma_wait3A_89 = arith.constant 0 : i32
      %dma_wait3A_90 = tpu.memref_slice %arg17[%add3A_10, %dma_wait3A_89] : memref<10000x144xf32, #tpu.memory_space<vmem_shared>> -> memref<80x144xf32, #tpu.memory_space<vmem_shared>>
      %dma_wait3A_91 = arith.constant 0 : i32
      %dma_wait3A_92 = tpu.memref_slice %arg17[%add3A_10, %dma_wait3A_91] : memref<10000x144xf32, #tpu.memory_space<vmem_shared>> -> memref<80x144xf32, #tpu.memory_space<vmem_shared>>
      tpu.wait_dma2 semaphore(%run_scoped3A_84 : memref<!tpu.dma_semaphore, #tpu.memory_space<semaphore_mem>>) src(%arg8 : memref<80x144xf32, #tpu.memory_space<vmem>>) dst(%dma_wait3A_92 : memref<80x144xf32, #tpu.memory_space<vmem_shared>>)
      tpu.yield
    }) : () -> ()
    %add3A_11 = arith.constant 80 : i32
    %add3A_12 = arith.addi %mul3A_8, %add3A_11 : i32
    "tpu.region"() ({
      %run_scoped3A_84 = tpu.sem_alloc : memref<!tpu.dma_semaphore, #tpu.memory_space<semaphore_mem>>
      %dma_start3A_85 = arith.constant 0 : i32
      %dma_start3A_86 = tpu.memref_slice %arg17[%add3A_12, %dma_start3A_85] : memref<10000x144xf32, #tpu.memory_space<vmem_shared>> -> memref<80x144xf32, #tpu.memory_space<vmem_shared>>
      %dma_start3A_87 = arith.constant 0 : i32
      %dma_start3A_88 = tpu.memref_slice %arg17[%add3A_12, %dma_start3A_87] : memref<10000x144xf32, #tpu.memory_space<vmem_shared>> -> memref<80x144xf32, #tpu.memory_space<vmem_shared>>
      tpu.enqueue_dma source(%arg8 : memref<80x144xf32, #tpu.memory_space<vmem>>) target(%dma_start3A_88 : memref<80x144xf32, #tpu.memory_space<vmem_shared>>) target_semaphore(%run_scoped3A_84 : memref<!tpu.dma_semaphore, #tpu.memory_space<semaphore_mem>>)
      %dma_wait3A_89 = arith.constant 0 : i32
      %dma_wait3A_90 = tpu.memref_slice %arg17[%add3A_12, %dma_wait3A_89] : memref<10000x144xf32, #tpu.memory_space<vmem_shared>> -> memref<80x144xf32, #tpu.memory_space<vmem_shared>>
      %dma_wait3A_91 = arith.constant 0 : i32
      %dma_wait3A_92 = tpu.memref_slice %arg17[%add3A_12, %dma_wait3A_91] : memref<10000x144xf32, #tpu.memory_space<vmem_shared>> -> memref<80x144xf32, #tpu.memory_space<vmem_shared>>
      tpu.wait_dma2 semaphore(%run_scoped3A_84 : memref<!tpu.dma_semaphore, #tpu.memory_space<semaphore_mem>>) src(%arg8 : memref<80x144xf32, #tpu.memory_space<vmem>>) dst(%dma_wait3A_92 : memref<80x144xf32, #tpu.memory_space<vmem_shared>>)
      tpu.yield
    }) : () -> ()
    %add3A_13 = arith.constant 160 : i32
    %add3A_14 = arith.addi %mul3A_8, %add3A_13 : i32
    "tpu.region"() ({
      %run_scoped3A_84 = tpu.sem_alloc : memref<!tpu.dma_semaphore, #tpu.memory_space<semaphore_mem>>
      %dma_start3A_85 = arith.constant 0 : i32
      %dma_start3A_86 = tpu.memref_slice %arg17[%add3A_14, %dma_start3A_85] : memref<10000x144xf32, #tpu.memory_space<vmem_shared>> -> memref<80x144xf32, #tpu.memory_space<vmem_shared>>
      %dma_start3A_87 = arith.constant 0 : i32
      %dma_start3A_88 = tpu.memref_slice %arg17[%add3A_14, %dma_start3A_87] : memref<10000x144xf32, #tpu.memory_space<vmem_shared>> -> memref<80x144xf32, #tpu.memory_space<vmem_shared>>
      tpu.enqueue_dma source(%arg8 : memref<80x144xf32, #tpu.memory_space<vmem>>) target(%dma_start3A_88 : memref<80x144xf32, #tpu.memory_space<vmem_shared>>) target_semaphore(%run_scoped3A_84 : memref<!tpu.dma_semaphore, #tpu.memory_space<semaphore_mem>>)
      %dma_wait3A_89 = arith.constant 0 : i32
      %dma_wait3A_90 = tpu.memref_slice %arg17[%add3A_14, %dma_wait3A_89] : memref<10000x144xf32, #tpu.memory_space<vmem_shared>> -> memref<80x144xf32, #tpu.memory_space<vmem_shared>>
      %dma_wait3A_91 = arith.constant 0 : i32
      %dma_wait3A_92 = tpu.memref_slice %arg17[%add3A_14, %dma_wait3A_91] : memref<10000x144xf32, #tpu.memory_space<vmem_shared>> -> memref<80x144xf32, #tpu.memory_space<vmem_shared>>
      tpu.wait_dma2 semaphore(%run_scoped3A_84 : memref<!tpu.dma_semaphore, #tpu.memory_space<semaphore_mem>>) src(%arg8 : memref<80x144xf32, #tpu.memory_space<vmem>>) dst(%dma_wait3A_92 : memref<80x144xf32, #tpu.memory_space<vmem_shared>>)
      tpu.yield
    }) : () -> ()
    %add3A_15 = arith.constant 240 : i32
    %add3A_16 = arith.addi %mul3A_8, %add3A_15 : i32
    "tpu.region"() ({
      %run_scoped3A_84 = tpu.sem_alloc : memref<!tpu.dma_semaphore, #tpu.memory_space<semaphore_mem>>
      %dma_start3A_85 = arith.constant 0 : i32
      %dma_start3A_86 = tpu.memref_slice %arg17[%add3A_16, %dma_start3A_85] : memref<10000x144xf32, #tpu.memory_space<vmem_shared>> -> memref<80x144xf32, #tpu.memory_space<vmem_shared>>
      %dma_start3A_87 = arith.constant 0 : i32
      %dma_start3A_88 = tpu.memref_slice %arg17[%add3A_16, %dma_start3A_87] : memref<10000x144xf32, #tpu.memory_space<vmem_shared>> -> memref<80x144xf32, #tpu.memory_space<vmem_shared>>
      tpu.enqueue_dma source(%arg8 : memref<80x144xf32, #tpu.memory_space<vmem>>) target(%dma_start3A_88 : memref<80x144xf32, #tpu.memory_space<vmem_shared>>) target_semaphore(%run_scoped3A_84 : memref<!tpu.dma_semaphore, #tpu.memory_space<semaphore_mem>>)
      %dma_wait3A_89 = arith.constant 0 : i32
      %dma_wait3A_90 = tpu.memref_slice %arg17[%add3A_16, %dma_wait3A_89] : memref<10000x144xf32, #tpu.memory_space<vmem_shared>> -> memref<80x144xf32, #tpu.memory_space<vmem_shared>>
      %dma_wait3A_91 = arith.constant 0 : i32
      %dma_wait3A_92 = tpu.memref_slice %arg17[%add3A_16, %dma_wait3A_91] : memref<10000x144xf32, #tpu.memory_space<vmem_shared>> -> memref<80x144xf32, #tpu.memory_space<vmem_shared>>
      tpu.wait_dma2 semaphore(%run_scoped3A_84 : memref<!tpu.dma_semaphore, #tpu.memory_space<semaphore_mem>>) src(%arg8 : memref<80x144xf32, #tpu.memory_space<vmem>>) dst(%dma_wait3A_92 : memref<80x144xf32, #tpu.memory_space<vmem_shared>>)
      tpu.yield
    }) : () -> ()
    %add3A_17 = arith.constant 320 : i32
    %add3A_18 = arith.addi %mul3A_8, %add3A_17 : i32
    "tpu.region"() ({
      %run_scoped3A_84 = tpu.sem_alloc : memref<!tpu.dma_semaphore, #tpu.memory_space<semaphore_mem>>
      %dma_start3A_85 = arith.constant 0 : i32
      %dma_start3A_86 = tpu.memref_slice %arg17[%add3A_18, %dma_start3A_85] : memref<10000x144xf32, #tpu.memory_space<vmem_shared>> -> memref<80x144xf32, #tpu.memory_space<vmem_shared>>
      %dma_start3A_87 = arith.constant 0 : i32
      %dma_start3A_88 = tpu.memref_slice %arg17[%add3A_18, %dma_start3A_87] : memref<10000x144xf32, #tpu.memory_space<vmem_shared>> -> memref<80x144xf32, #tpu.memory_space<vmem_shared>>
      tpu.enqueue_dma source(%arg8 : memref<80x144xf32, #tpu.memory_space<vmem>>) target(%dma_start3A_88 : memref<80x144xf32, #tpu.memory_space<vmem_shared>>) target_semaphore(%run_scoped3A_84 : memref<!tpu.dma_semaphore, #tpu.memory_space<semaphore_mem>>)
      %dma_wait3A_89 = arith.constant 0 : i32
      %dma_wait3A_90 = tpu.memref_slice %arg17[%add3A_18, %dma_wait3A_89] : memref<10000x144xf32, #tpu.memory_space<vmem_shared>> -> memref<80x144xf32, #tpu.memory_space<vmem_shared>>
      %dma_wait3A_91 = arith.constant 0 : i32
      %dma_wait3A_92 = tpu.memref_slice %arg17[%add3A_18, %dma_wait3A_91] : memref<10000x144xf32, #tpu.memory_space<vmem_shared>> -> memref<80x144xf32, #tpu.memory_space<vmem_shared>>
      tpu.wait_dma2 semaphore(%run_scoped3A_84 : memref<!tpu.dma_semaphore, #tpu.memory_space<semaphore_mem>>) src(%arg8 : memref<80x144xf32, #tpu.memory_space<vmem>>) dst(%dma_wait3A_92 : memref<80x144xf32, #tpu.memory_space<vmem_shared>>)
      tpu.yield
    }) : () -> ()
    %add3A_19 = arith.constant 400 : i32
    %add3A_20 = arith.addi %mul3A_8, %add3A_19 : i32
    "tpu.region"() ({
      %run_scoped3A_84 = tpu.sem_alloc : memref<!tpu.dma_semaphore, #tpu.memory_space<semaphore_mem>>
      %dma_start3A_85 = arith.constant 0 : i32
      %dma_start3A_86 = tpu.memref_slice %arg17[%add3A_20, %dma_start3A_85] : memref<10000x144xf32, #tpu.memory_space<vmem_shared>> -> memref<80x144xf32, #tpu.memory_space<vmem_shared>>
      %dma_start3A_87 = arith.constant 0 : i32
      %dma_start3A_88 = tpu.memref_slice %arg17[%add3A_20, %dma_start3A_87] : memref<10000x144xf32, #tpu.memory_space<vmem_shared>> -> memref<80x144xf32, #tpu.memory_space<vmem_shared>>
      tpu.enqueue_dma source(%arg8 : memref<80x144xf32, #tpu.memory_space<vmem>>) target(%dma_start3A_88 : memref<80x144xf32, #tpu.memory_space<vmem_shared>>) target_semaphore(%run_scoped3A_84 : memref<!tpu.dma_semaphore, #tpu.memory_space<semaphore_mem>>)
      %dma_wait3A_89 = arith.constant 0 : i32
      %dma_wait3A_90 = tpu.memref_slice %arg17[%add3A_20, %dma_wait3A_89] : memref<10000x144xf32, #tpu.memory_space<vmem_shared>> -> memref<80x144xf32, #tpu.memory_space<vmem_shared>>
      %dma_wait3A_91 = arith.constant 0 : i32
      %dma_wait3A_92 = tpu.memref_slice %arg17[%add3A_20, %dma_wait3A_91] : memref<10000x144xf32, #tpu.memory_space<vmem_shared>> -> memref<80x144xf32, #tpu.memory_space<vmem_shared>>
      tpu.wait_dma2 semaphore(%run_scoped3A_84 : memref<!tpu.dma_semaphore, #tpu.memory_space<semaphore_mem>>) src(%arg8 : memref<80x144xf32, #tpu.memory_space<vmem>>) dst(%dma_wait3A_92 : memref<80x144xf32, #tpu.memory_space<vmem_shared>>)
      tpu.yield
    }) : () -> ()
    %add3A_21 = arith.constant 480 : i32
    %add3A_22 = arith.addi %mul3A_8, %add3A_21 : i32
    "tpu.region"() ({
      %run_scoped3A_84 = tpu.sem_alloc : memref<!tpu.dma_semaphore, #tpu.memory_space<semaphore_mem>>
      %dma_start3A_85 = arith.constant 0 : i32
      %dma_start3A_86 = tpu.memref_slice %arg17[%add3A_22, %dma_start3A_85] : memref<10000x144xf32, #tpu.memory_space<vmem_shared>> -> memref<80x144xf32, #tpu.memory_space<vmem_shared>>
      %dma_start3A_87 = arith.constant 0 : i32
      %dma_start3A_88 = tpu.memref_slice %arg17[%add3A_22, %dma_start3A_87] : memref<10000x144xf32, #tpu.memory_space<vmem_shared>> -> memref<80x144xf32, #tpu.memory_space<vmem_shared>>
      tpu.enqueue_dma source(%arg8 : memref<80x144xf32, #tpu.memory_space<vmem>>) target(%dma_start3A_88 : memref<80x144xf32, #tpu.memory_space<vmem_shared>>) target_semaphore(%run_scoped3A_84 : memref<!tpu.dma_semaphore, #tpu.memory_space<semaphore_mem>>)
      %dma_wait3A_89 = arith.constant 0 : i32
      %dma_wait3A_90 = tpu.memref_slice %arg17[%add3A_22, %dma_wait3A_89] : memref<10000x144xf32, #tpu.memory_space<vmem_shared>> -> memref<80x144xf32, #tpu.memory_space<vmem_shared>>
      %dma_wait3A_91 = arith.constant 0 : i32
      %dma_wait3A_92 = tpu.memref_slice %arg17[%add3A_22, %dma_wait3A_91] : memref<10000x144xf32, #tpu.memory_space<vmem_shared>> -> memref<80x144xf32, #tpu.memory_space<vmem_shared>>
      tpu.wait_dma2 semaphore(%run_scoped3A_84 : memref<!tpu.dma_semaphore, #tpu.memory_space<semaphore_mem>>) src(%arg8 : memref<80x144xf32, #tpu.memory_space<vmem>>) dst(%dma_wait3A_92 : memref<80x144xf32, #tpu.memory_space<vmem_shared>>)
      tpu.yield
    }) : () -> ()
    %add3A_23 = arith.constant 560 : i32
    %add3A_24 = arith.addi %mul3A_8, %add3A_23 : i32
    "tpu.region"() ({
      %run_scoped3A_84 = tpu.sem_alloc : memref<!tpu.dma_semaphore, #tpu.memory_space<semaphore_mem>>
      %dma_start3A_85 = arith.constant 0 : i32
      %dma_start3A_86 = arith.constant 0 : i32
      %dma_start3A_87 = tpu.memref_slice %arg8[%dma_start3A_85, %dma_start3A_86] : memref<80x144xf32, #tpu.memory_space<vmem>> -> memref<64x144xf32, #tpu.memory_space<vmem>>
      %dma_start3A_88 = arith.constant 0 : i32
      %dma_start3A_89 = tpu.memref_slice %arg17[%add3A_24, %dma_start3A_88] : memref<10000x144xf32, #tpu.memory_space<vmem_shared>> -> memref<64x144xf32, #tpu.memory_space<vmem_shared>>
      %dma_start3A_90 = arith.constant 0 : i32
      %dma_start3A_91 = tpu.memref_slice %arg17[%add3A_24, %dma_start3A_90] : memref<10000x144xf32, #tpu.memory_space<vmem_shared>> -> memref<64x144xf32, #tpu.memory_space<vmem_shared>>
      %dma_start3A_92 = arith.constant 0 : i32
      %dma_start3A_93 = arith.constant 0 : i32
      %dma_start3A_94 = tpu.memref_slice %arg8[%dma_start3A_92, %dma_start3A_93] : memref<80x144xf32, #tpu.memory_space<vmem>> -> memref<64x144xf32, #tpu.memory_space<vmem>>
      tpu.enqueue_dma source(%dma_start3A_94 : memref<64x144xf32, #tpu.memory_space<vmem>>) target(%dma_start3A_91 : memref<64x144xf32, #tpu.memory_space<vmem_shared>>) target_semaphore(%run_scoped3A_84 : memref<!tpu.dma_semaphore, #tpu.memory_space<semaphore_mem>>)
      %dma_wait3A_95 = arith.constant 0 : i32
      %dma_wait3A_96 = arith.constant 0 : i32
      %dma_wait3A_97 = tpu.memref_slice %arg8[%dma_wait3A_95, %dma_wait3A_96] : memref<80x144xf32, #tpu.memory_space<vmem>> -> memref<64x144xf32, #tpu.memory_space<vmem>>
      %dma_wait3A_98 = arith.constant 0 : i32
      %dma_wait3A_99 = tpu.memref_slice %arg17[%add3A_24, %dma_wait3A_98] : memref<10000x144xf32, #tpu.memory_space<vmem_shared>> -> memref<64x144xf32, #tpu.memory_space<vmem_shared>>
      %dma_wait3A_100 = arith.constant 0 : i32
      %dma_wait3A_101 = tpu.memref_slice %arg17[%add3A_24, %dma_wait3A_100] : memref<10000x144xf32, #tpu.memory_space<vmem_shared>> -> memref<64x144xf32, #tpu.memory_space<vmem_shared>>
      %dma_wait3A_102 = arith.constant 0 : i32
      %dma_wait3A_103 = arith.constant 0 : i32
      %dma_wait3A_104 = tpu.memref_slice %arg8[%dma_wait3A_102, %dma_wait3A_103] : memref<80x144xf32, #tpu.memory_space<vmem>> -> memref<64x144xf32, #tpu.memory_space<vmem>>
      tpu.wait_dma2 semaphore(%run_scoped3A_84 : memref<!tpu.dma_semaphore, #tpu.memory_space<semaphore_mem>>) src(%dma_wait3A_104 : memref<64x144xf32, #tpu.memory_space<vmem>>) dst(%dma_wait3A_101 : memref<64x144xf32, #tpu.memory_space<vmem_shared>>)
      tpu.yield
    }) : () -> ()
    %eq3A = arith.constant 15 : i32
    %eq3A_25 = arith.cmpi eq, %arg1, %eq3A : i32
    %convert_element_type3A = arith.extui %eq3A_25 : i1 to i32
    %cond3A = arith.constant 0 : i32
    %cond3A_26 = arith.cmpi ne, %convert_element_type3A, %cond3A : i32
    scf.if %cond3A_26 {
      "tpu.region"() ({
        %run_scoped3A_84 = tpu.sem_alloc : memref<!tpu.dma_semaphore, #tpu.memory_space<semaphore_mem>>
        %dma_start3A_85 = arith.constant 0 : i32
        %dma_start3A_86 = arith.constant 0 : i32
        %dma_start3A_87 = tpu.memref_slice %arg8[%dma_start3A_85, %dma_start3A_86] : memref<80x144xf32, #tpu.memory_space<vmem>> -> memref<16x144xf32, #tpu.memory_space<vmem>>
        %dma_start3A_88 = arith.constant 9984 : i32
        %dma_start3A_89 = arith.constant 0 : i32
        %dma_start3A_90 = tpu.memref_slice %arg17[%dma_start3A_88, %dma_start3A_89] : memref<10000x144xf32, #tpu.memory_space<vmem_shared>> -> memref<16x144xf32, #tpu.memory_space<vmem_shared>>
        %dma_start3A_91 = arith.constant 9984 : i32
        %dma_start3A_92 = arith.constant 0 : i32
        %dma_start3A_93 = tpu.memref_slice %arg17[%dma_start3A_91, %dma_start3A_92] : memref<10000x144xf32, #tpu.memory_space<vmem_shared>> -> memref<16x144xf32, #tpu.memory_space<vmem_shared>>
        %dma_start3A_94 = arith.constant 0 : i32
        %dma_start3A_95 = arith.constant 0 : i32
        %dma_start3A_96 = tpu.memref_slice %arg8[%dma_start3A_94, %dma_start3A_95] : memref<80x144xf32, #tpu.memory_space<vmem>> -> memref<16x144xf32, #tpu.memory_space<vmem>>
        tpu.enqueue_dma source(%dma_start3A_96 : memref<16x144xf32, #tpu.memory_space<vmem>>) target(%dma_start3A_93 : memref<16x144xf32, #tpu.memory_space<vmem_shared>>) target_semaphore(%run_scoped3A_84 : memref<!tpu.dma_semaphore, #tpu.memory_space<semaphore_mem>>)
        %dma_wait3A_97 = arith.constant 0 : i32
        %dma_wait3A_98 = arith.constant 0 : i32
        %dma_wait3A_99 = tpu.memref_slice %arg8[%dma_wait3A_97, %dma_wait3A_98] : memref<80x144xf32, #tpu.memory_space<vmem>> -> memref<16x144xf32, #tpu.memory_space<vmem>>
        %dma_wait3A_100 = arith.constant 9984 : i32
        %dma_wait3A_101 = arith.constant 0 : i32
        %dma_wait3A_102 = tpu.memref_slice %arg17[%dma_wait3A_100, %dma_wait3A_101] : memref<10000x144xf32, #tpu.memory_space<vmem_shared>> -> memref<16x144xf32, #tpu.memory_space<vmem_shared>>
        %dma_wait3A_103 = arith.constant 9984 : i32
        %dma_wait3A_104 = arith.constant 0 : i32
        %dma_wait3A_105 = tpu.memref_slice %arg17[%dma_wait3A_103, %dma_wait3A_104] : memref<10000x144xf32, #tpu.memory_space<vmem_shared>> -> memref<16x144xf32, #tpu.memory_space<vmem_shared>>
        %dma_wait3A_106 = arith.constant 0 : i32
        %dma_wait3A_107 = arith.constant 0 : i32
        %dma_wait3A_108 = tpu.memref_slice %arg8[%dma_wait3A_106, %dma_wait3A_107] : memref<80x144xf32, #tpu.memory_space<vmem>> -> memref<16x144xf32, #tpu.memory_space<vmem>>
        tpu.wait_dma2 semaphore(%run_scoped3A_84 : memref<!tpu.dma_semaphore, #tpu.memory_space<semaphore_mem>>) src(%dma_wait3A_108 : memref<16x144xf32, #tpu.memory_space<vmem>>) dst(%dma_wait3A_105 : memref<16x144xf32, #tpu.memory_space<vmem_shared>>)
        tpu.yield
      }) : () -> ()
    } else {
    }
    %barrier3A = arith.constant 0 : index
    tpu.barrier barrier_id(%barrier3A)
    %shift_right_arithmetic3A = arith.constant 3 : i32
    %shift_right_arithmetic3A_27 = vector.broadcast %shift_right_arithmetic3A : i32 to vector<16xi32>
    %shift_right_arithmetic3A_28 = arith.shrsi %iota3A, %shift_right_arithmetic3A_27 : vector<16xi32>
    %and3A = arith.constant 7 : i32
    %and3A_29 = vector.broadcast %and3A : i32 to vector<16xi32>
    %and3A_30 = arith.andi %iota3A, %and3A_29 : vector<16xi32>
    %and3A_31 = arith.constant 3 : i32
    %and3A_32 = vector.broadcast %and3A_31 : i32 to vector<16xi32>
    %and3A_33 = arith.andi %iota3A, %and3A_32 : vector<16xi32>
    %add3A_34 = arith.constant 4 : i32
    %add3A_35 = vector.broadcast %add3A_34 : i32 to vector<16xi32>
    %add3A_36 = arith.addi %add3A_35, %and3A_33 : vector<16xi32>
    %min3A = arith.constant 3 : i32
    %min3A_37 = vector.broadcast %min3A : i32 to vector<16xi32>
    %min3A_38 = arith.minsi %iota3A, %min3A_37 : vector<16xi32>
    %mul3A_39 = arith.constant 10000 : i32
    %mul3A_40 = arith.muli %add3A, %mul3A_39 : i32
    %scan3A_41 = arith.constant 0 : i32
    %scan3A_42 = arith.constant 0 : i32
    %scan3A_43 = arith.constant 62 : i32
    %scan3A_44 = arith.addi %scan3A_42, %scan3A_43 : i32
    %scan3A_45 = arith.constant 1 : i32
    scf.for %scan3A_84 = %scan3A_42 to %scan3A_44 step %scan3A_45  : i32 {
      %mul3A_85 = arith.constant 2 : i32
      %mul3A_86 = arith.muli %mul3A_85, %scan3A_84 : i32
      %mul3A_87 = arith.constant 80 : i32
      %mul3A_88 = arith.muli %mul3A_86, %mul3A_87 : i32
      %add3A_89 = arith.addi %mul3A_40, %mul3A_88 : i32
      %run_scoped3A_90 = arith.constant 0 : i32
      "tpu.region"() ({
        %run_scoped3A_159 = tpu.sem_alloc : memref<!tpu.dma_semaphore, #tpu.memory_space<semaphore_mem>>
        %dma_start3A_160 = tpu.memref_slice %arg4[%run_scoped3A_90, %add3A_89] : memref<2x320000xi32, #tpu.memory_space<hbm>> -> memref<1x80xi32, #tpu.memory_space<hbm>>
        %dma_start3A_161 = tpu.memref_squeeze %dma_start3A_160 : memref<1x80xi32, #tpu.memory_space<hbm>> -> memref<80xi32, #tpu.memory_space<hbm>>
        %dma_start3A_162 = tpu.memref_slice %arg4[%run_scoped3A_90, %add3A_89] : memref<2x320000xi32, #tpu.memory_space<hbm>> -> memref<1x80xi32, #tpu.memory_space<hbm>>
        %dma_start3A_163 = tpu.memref_squeeze %dma_start3A_162 : memref<1x80xi32, #tpu.memory_space<hbm>> -> memref<80xi32, #tpu.memory_space<hbm>>
        tpu.enqueue_dma source(%dma_start3A_163 : memref<80xi32, #tpu.memory_space<hbm>>) target(%arg6 : memref<80xi32, #tpu.memory_space<vmem>>) target_semaphore(%run_scoped3A_159 : memref<!tpu.dma_semaphore, #tpu.memory_space<semaphore_mem>>)
        %dma_wait3A_164 = tpu.memref_slice %arg4[%run_scoped3A_90, %add3A_89] : memref<2x320000xi32, #tpu.memory_space<hbm>> -> memref<1x80xi32, #tpu.memory_space<hbm>>
        %dma_wait3A_165 = tpu.memref_squeeze %dma_wait3A_164 : memref<1x80xi32, #tpu.memory_space<hbm>> -> memref<80xi32, #tpu.memory_space<hbm>>
        %dma_wait3A_166 = tpu.memref_slice %arg4[%run_scoped3A_90, %add3A_89] : memref<2x320000xi32, #tpu.memory_space<hbm>> -> memref<1x80xi32, #tpu.memory_space<hbm>>
        %dma_wait3A_167 = tpu.memref_squeeze %dma_wait3A_166 : memref<1x80xi32, #tpu.memory_space<hbm>> -> memref<80xi32, #tpu.memory_space<hbm>>
        tpu.wait_dma2 semaphore(%run_scoped3A_159 : memref<!tpu.dma_semaphore, #tpu.memory_space<semaphore_mem>>) src(%dma_wait3A_167 : memref<80xi32, #tpu.memory_space<hbm>>) dst(%arg6 : memref<80xi32, #tpu.memory_space<vmem>>)
        tpu.yield
      }) : () -> ()
      %run_scoped3A_91 = arith.constant 1 : i32
      "tpu.region"() ({
        %run_scoped3A_159 = tpu.sem_alloc : memref<!tpu.dma_semaphore, #tpu.memory_space<semaphore_mem>>
        %dma_start3A_160 = tpu.memref_slice %arg4[%run_scoped3A_91, %add3A_89] : memref<2x320000xi32, #tpu.memory_space<hbm>> -> memref<1x80xi32, #tpu.memory_space<hbm>>
        %dma_start3A_161 = tpu.memref_squeeze %dma_start3A_160 : memref<1x80xi32, #tpu.memory_space<hbm>> -> memref<80xi32, #tpu.memory_space<hbm>>
        %dma_start3A_162 = tpu.memref_slice %arg4[%run_scoped3A_91, %add3A_89] : memref<2x320000xi32, #tpu.memory_space<hbm>> -> memref<1x80xi32, #tpu.memory_space<hbm>>
        %dma_start3A_163 = tpu.memref_squeeze %dma_start3A_162 : memref<1x80xi32, #tpu.memory_space<hbm>> -> memref<80xi32, #tpu.memory_space<hbm>>
        tpu.enqueue_dma source(%dma_start3A_163 : memref<80xi32, #tpu.memory_space<hbm>>) target(%arg7 : memref<80xi32, #tpu.memory_space<vmem>>) target_semaphore(%run_scoped3A_159 : memref<!tpu.dma_semaphore, #tpu.memory_space<semaphore_mem>>)
        %dma_wait3A_164 = tpu.memref_slice %arg4[%run_scoped3A_91, %add3A_89] : memref<2x320000xi32, #tpu.memory_space<hbm>> -> memref<1x80xi32, #tpu.memory_space<hbm>>
        %dma_wait3A_165 = tpu.memref_squeeze %dma_wait3A_164 : memref<1x80xi32, #tpu.memory_space<hbm>> -> memref<80xi32, #tpu.memory_space<hbm>>
        %dma_wait3A_166 = tpu.memref_slice %arg4[%run_scoped3A_91, %add3A_89] : memref<2x320000xi32, #tpu.memory_space<hbm>> -> memref<1x80xi32, #tpu.memory_space<hbm>>
        %dma_wait3A_167 = tpu.memref_squeeze %dma_wait3A_166 : memref<1x80xi32, #tpu.memory_space<hbm>> -> memref<80xi32, #tpu.memory_space<hbm>>
        tpu.wait_dma2 semaphore(%run_scoped3A_159 : memref<!tpu.dma_semaphore, #tpu.memory_space<semaphore_mem>>) src(%dma_wait3A_167 : memref<80xi32, #tpu.memory_space<hbm>>) dst(%arg7 : memref<80xi32, #tpu.memory_space<vmem>>)
        tpu.yield
      }) : () -> ()
      %dma_start3A_92 = arith.constant 0 : i32
      %dma_start3A_93 = arith.constant 0 : i32
      %dma_start3A_94 = tpu.memref_slice %arg2[%dma_start3A_92, %dma_start3A_93] : memref<10000x144xf32, #tpu.memory_space<hbm>> -> memref<10000x144xf32, #tpu.memory_space<hbm>>
      tpu.enqueue_indirect_dma source(%dma_start3A_94 : memref<10000x144xf32, #tpu.memory_space<hbm>>) target(%arg8 : memref<80x144xf32, #tpu.memory_space<vmem>>) offsets(%arg6 : memref<80xi32, #tpu.memory_space<vmem>>) semaphore(%arg18 : memref<!tpu.dma_semaphore, #tpu.memory_space<semaphore_mem>>)
      %dma_start3A_95 = arith.constant 0 : i32
      %dma_start3A_96 = arith.constant 0 : i32
      %dma_start3A_97 = tpu.memref_slice %arg3[%dma_start3A_95, %dma_start3A_96] : memref<10000x8xf32, #tpu.memory_space<hbm>> -> memref<10000x8xf32, #tpu.memory_space<hbm>>
      tpu.enqueue_indirect_dma source(%dma_start3A_97 : memref<10000x8xf32, #tpu.memory_space<hbm>>) target(%arg9 : memref<80x8xf32, #tpu.memory_space<vmem>>) offsets(%arg6 : memref<80xi32, #tpu.memory_space<vmem>>) semaphore(%arg19 : memref<!tpu.dma_semaphore, #tpu.memory_space<semaphore_mem>>)
      %dma_start3A_98 = arith.constant 0 : i32
      %dma_start3A_99 = arith.constant 0 : i32
      %dma_start3A_100 = tpu.memref_slice %arg3[%dma_start3A_98, %dma_start3A_99] : memref<10000x8xf32, #tpu.memory_space<hbm>> -> memref<10000x8xf32, #tpu.memory_space<hbm>>
      tpu.enqueue_indirect_dma source(%dma_start3A_100 : memref<10000x8xf32, #tpu.memory_space<hbm>>) target(%arg10 : memref<80x8xf32, #tpu.memory_space<vmem>>) offsets(%arg7 : memref<80xi32, #tpu.memory_space<vmem>>) semaphore(%arg20 : memref<!tpu.dma_semaphore, #tpu.memory_space<semaphore_mem>>)
      %add3A_101 = arith.constant 1 : i32
      %add3A_102 = arith.addi %mul3A_86, %add3A_101 : i32
      %mul3A_103 = arith.constant 80 : i32
      %mul3A_104 = arith.muli %add3A_102, %mul3A_103 : i32
      %add3A_105 = arith.addi %mul3A_40, %mul3A_104 : i32
      %run_scoped3A_106 = arith.constant 0 : i32
      "tpu.region"() ({
        %run_scoped3A_159 = tpu.sem_alloc : memref<!tpu.dma_semaphore, #tpu.memory_space<semaphore_mem>>
        %dma_start3A_160 = tpu.memref_slice %arg4[%run_scoped3A_106, %add3A_105] : memref<2x320000xi32, #tpu.memory_space<hbm>> -> memref<1x80xi32, #tpu.memory_space<hbm>>
        %dma_start3A_161 = tpu.memref_squeeze %dma_start3A_160 : memref<1x80xi32, #tpu.memory_space<hbm>> -> memref<80xi32, #tpu.memory_space<hbm>>
        %dma_start3A_162 = tpu.memref_slice %arg4[%run_scoped3A_106, %add3A_105] : memref<2x320000xi32, #tpu.memory_space<hbm>> -> memref<1x80xi32, #tpu.memory_space<hbm>>
        %dma_start3A_163 = tpu.memref_squeeze %dma_start3A_162 : memref<1x80xi32, #tpu.memory_space<hbm>> -> memref<80xi32, #tpu.memory_space<hbm>>
        tpu.enqueue_dma source(%dma_start3A_163 : memref<80xi32, #tpu.memory_space<hbm>>) target(%arg11 : memref<80xi32, #tpu.memory_space<vmem>>) target_semaphore(%run_scoped3A_159 : memref<!tpu.dma_semaphore, #tpu.memory_space<semaphore_mem>>)
        %dma_wait3A_164 = tpu.memref_slice %arg4[%run_scoped3A_106, %add3A_105] : memref<2x320000xi32, #tpu.memory_space<hbm>> -> memref<1x80xi32, #tpu.memory_space<hbm>>
        %dma_wait3A_165 = tpu.memref_squeeze %dma_wait3A_164 : memref<1x80xi32, #tpu.memory_space<hbm>> -> memref<80xi32, #tpu.memory_space<hbm>>
        %dma_wait3A_166 = tpu.memref_slice %arg4[%run_scoped3A_106, %add3A_105] : memref<2x320000xi32, #tpu.memory_space<hbm>> -> memref<1x80xi32, #tpu.memory_space<hbm>>
        %dma_wait3A_167 = tpu.memref_squeeze %dma_wait3A_166 : memref<1x80xi32, #tpu.memory_space<hbm>> -> memref<80xi32, #tpu.memory_space<hbm>>
        tpu.wait_dma2 semaphore(%run_scoped3A_159 : memref<!tpu.dma_semaphore, #tpu.memory_space<semaphore_mem>>) src(%dma_wait3A_167 : memref<80xi32, #tpu.memory_space<hbm>>) dst(%arg11 : memref<80xi32, #tpu.memory_space<vmem>>)
        tpu.yield
      }) : () -> ()
      %run_scoped3A_107 = arith.constant 1 : i32
      "tpu.region"() ({
        %run_scoped3A_159 = tpu.sem_alloc : memref<!tpu.dma_semaphore, #tpu.memory_space<semaphore_mem>>
        %dma_start3A_160 = tpu.memref_slice %arg4[%run_scoped3A_107, %add3A_105] : memref<2x320000xi32, #tpu.memory_space<hbm>> -> memref<1x80xi32, #tpu.memory_space<hbm>>
        %dma_start3A_161 = tpu.memref_squeeze %dma_start3A_160 : memref<1x80xi32, #tpu.memory_space<hbm>> -> memref<80xi32, #tpu.memory_space<hbm>>
        %dma_start3A_162 = tpu.memref_slice %arg4[%run_scoped3A_107, %add3A_105] : memref<2x320000xi32, #tpu.memory_space<hbm>> -> memref<1x80xi32, #tpu.memory_space<hbm>>
        %dma_start3A_163 = tpu.memref_squeeze %dma_start3A_162 : memref<1x80xi32, #tpu.memory_space<hbm>> -> memref<80xi32, #tpu.memory_space<hbm>>
        tpu.enqueue_dma source(%dma_start3A_163 : memref<80xi32, #tpu.memory_space<hbm>>) target(%arg12 : memref<80xi32, #tpu.memory_space<vmem>>) target_semaphore(%run_scoped3A_159 : memref<!tpu.dma_semaphore, #tpu.memory_space<semaphore_mem>>)
        %dma_wait3A_164 = tpu.memref_slice %arg4[%run_scoped3A_107, %add3A_105] : memref<2x320000xi32, #tpu.memory_space<hbm>> -> memref<1x80xi32, #tpu.memory_space<hbm>>
        %dma_wait3A_165 = tpu.memref_squeeze %dma_wait3A_164 : memref<1x80xi32, #tpu.memory_space<hbm>> -> memref<80xi32, #tpu.memory_space<hbm>>
        %dma_wait3A_166 = tpu.memref_slice %arg4[%run_scoped3A_107, %add3A_105] : memref<2x320000xi32, #tpu.memory_space<hbm>> -> memref<1x80xi32, #tpu.memory_space<hbm>>
        %dma_wait3A_167 = tpu.memref_squeeze %dma_wait3A_166 : memref<1x80xi32, #tpu.memory_space<hbm>> -> memref<80xi32, #tpu.memory_space<hbm>>
        tpu.wait_dma2 semaphore(%run_scoped3A_159 : memref<!tpu.dma_semaphore, #tpu.memory_space<semaphore_mem>>) src(%dma_wait3A_167 : memref<80xi32, #tpu.memory_space<hbm>>) dst(%arg12 : memref<80xi32, #tpu.memory_space<vmem>>)
        tpu.yield
      }) : () -> ()
      %dma_start3A_108 = arith.constant 0 : i32
      %dma_start3A_109 = arith.constant 0 : i32
      %dma_start3A_110 = tpu.memref_slice %arg2[%dma_start3A_108, %dma_start3A_109] : memref<10000x144xf32, #tpu.memory_space<hbm>> -> memref<10000x144xf32, #tpu.memory_space<hbm>>
      tpu.enqueue_indirect_dma source(%dma_start3A_110 : memref<10000x144xf32, #tpu.memory_space<hbm>>) target(%arg13 : memref<80x144xf32, #tpu.memory_space<vmem>>) offsets(%arg11 : memref<80xi32, #tpu.memory_space<vmem>>) semaphore(%arg21 : memref<!tpu.dma_semaphore, #tpu.memory_space<semaphore_mem>>)
      %dma_start3A_111 = arith.constant 0 : i32
      %dma_start3A_112 = arith.constant 0 : i32
      %dma_start3A_113 = tpu.memref_slice %arg3[%dma_start3A_111, %dma_start3A_112] : memref<10000x8xf32, #tpu.memory_space<hbm>> -> memref<10000x8xf32, #tpu.memory_space<hbm>>
      tpu.enqueue_indirect_dma source(%dma_start3A_113 : memref<10000x8xf32, #tpu.memory_space<hbm>>) target(%arg14 : memref<80x8xf32, #tpu.memory_space<vmem>>) offsets(%arg11 : memref<80xi32, #tpu.memory_space<vmem>>) semaphore(%arg22 : memref<!tpu.dma_semaphore, #tpu.memory_space<semaphore_mem>>)
      %dma_start3A_114 = arith.constant 0 : i32
      %dma_start3A_115 = arith.constant 0 : i32
      %dma_start3A_116 = tpu.memref_slice %arg3[%dma_start3A_114, %dma_start3A_115] : memref<10000x8xf32, #tpu.memory_space<hbm>> -> memref<10000x8xf32, #tpu.memory_space<hbm>>
      tpu.enqueue_indirect_dma source(%dma_start3A_116 : memref<10000x8xf32, #tpu.memory_space<hbm>>) target(%arg15 : memref<80x8xf32, #tpu.memory_space<vmem>>) offsets(%arg12 : memref<80xi32, #tpu.memory_space<vmem>>) semaphore(%arg23 : memref<!tpu.dma_semaphore, #tpu.memory_space<semaphore_mem>>)
      %dma_wait3A_117 = arith.constant 0 : i32
      %dma_wait3A_118 = arith.constant 0 : i32
      %dma_wait3A_119 = tpu.memref_slice %arg3[%dma_wait3A_117, %dma_wait3A_118] : memref<10000x8xf32, #tpu.memory_space<hbm>> -> memref<10000x8xf32, #tpu.memory_space<hbm>>
      tpu.wait_indirect_dma semaphore(%arg19 : memref<!tpu.dma_semaphore, #tpu.memory_space<semaphore_mem>>) src(%dma_wait3A_119 : memref<10000x8xf32, #tpu.memory_space<hbm>>) dst(%arg9 : memref<80x8xf32, #tpu.memory_space<vmem>>)
      %dma_wait3A_120 = arith.constant 0 : i32
      %dma_wait3A_121 = arith.constant 0 : i32
      %dma_wait3A_122 = tpu.memref_slice %arg3[%dma_wait3A_120, %dma_wait3A_121] : memref<10000x8xf32, #tpu.memory_space<hbm>> -> memref<10000x8xf32, #tpu.memory_space<hbm>>
      tpu.wait_indirect_dma semaphore(%arg20 : memref<!tpu.dma_semaphore, #tpu.memory_space<semaphore_mem>>) src(%dma_wait3A_122 : memref<10000x8xf32, #tpu.memory_space<hbm>>) dst(%arg10 : memref<80x8xf32, #tpu.memory_space<vmem>>)
      %scan3A_123 = arith.constant 0 : i32
      %scan3A_124 = arith.constant 0 : i32
      %scan3A_125 = arith.constant 40 : i32
      %scan3A_126 = arith.addi %scan3A_124, %scan3A_125 : i32
      %scan3A_127 = arith.constant 1 : i32
      scf.for %scan3A_159 = %scan3A_124 to %scan3A_126 step %scan3A_127  : i32 {
        %mul3A_160 = arith.constant 2 : i32
        %mul3A_161 = arith.muli %mul3A_160, %scan3A_159 : i32
        %add3A_162 = vector.broadcast %mul3A_161 : i32 to vector<16xi32>
        %add3A_163 = arith.addi %add3A_162, %shift_right_arithmetic3A_28 : vector<16xi32>
        %gather3A = tpu.vector_load_idx %arg9[%add3A_163, %and3A_30] : memref<80x8xf32, #tpu.memory_space<vmem>>[vector<16xi32>, vector<16xi32>], vector<16xf32>,
        %gather3A_164 = tpu.vector_load_idx %arg10[%add3A_163, %add3A_36] : memref<80x8xf32, #tpu.memory_space<vmem>>[vector<16xi32>, vector<16xi32>], vector<16xf32>,
        %add3A_165 = arith.addf %gather3A, %gather3A_164 : vector<16xf32>
        %mul3A_166 = arith.constant 2.000000e-01 : f32
        %mul3A_167 = vector.broadcast %mul3A_166 : f32 to vector<16xf32>
        %mul3A_168 = arith.mulf %mul3A_167, %add3A_165 : vector<16xf32>
        %max3A = arith.maximumf %add3A_165, %mul3A_168 : vector<16xf32>
        %exp3A = math.exp %max3A : vector<16xf32>
        %mul3A_169 = arith.constant 16 : i32
        %mul3A_170 = arith.muli %scan3A_159, %mul3A_169 : i32
        %swap3A = arith.index_cast %mul3A_170 : i32 to index
        %swap3A_171 = tpu.vector_load %arg16[%swap3A] {strides = array<i32>} : memref<640xf32, #tpu.memory_space<vmem>>, vector<16xf32>,
        tpu.vector_store %arg16[%swap3A], %exp3A {strides = array<i32>} : memref<640xf32, #tpu.memory_space<vmem>>, vector<16xf32>,
      }
      %scan3A_128 = arith.constant 40 : i32
      %dma_wait3A_129 = arith.constant 0 : i32
      %dma_wait3A_130 = arith.constant 0 : i32
      %dma_wait3A_131 = tpu.memref_slice %arg2[%dma_wait3A_129, %dma_wait3A_130] : memref<10000x144xf32, #tpu.memory_space<hbm>> -> memref<10000x144xf32, #tpu.memory_space<hbm>>
      tpu.wait_indirect_dma semaphore(%arg18 : memref<!tpu.dma_semaphore, #tpu.memory_space<semaphore_mem>>) src(%dma_wait3A_131 : memref<10000x144xf32, #tpu.memory_space<hbm>>) dst(%arg8 : memref<80x144xf32, #tpu.memory_space<vmem>>)
      %scan3A_132 = arith.constant 0 : i32
      %scan3A_133 = arith.constant 0 : i32
      %scan3A_134 = arith.constant 80 : i32
      %scan3A_135 = arith.addi %scan3A_133, %scan3A_134 : i32
      %scan3A_136 = arith.constant 1 : i32
      scf.for %scan3A_159 = %scan3A_133 to %scan3A_135 step %scan3A_136  : i32 {
        %mul3A_160 = arith.constant 8 : i32
        %mul3A_161 = arith.muli %scan3A_159, %mul3A_160 : i32
        %add3A_162 = arith.constant 0 : i32
        %add3A_163 = arith.addi %mul3A_161, %add3A_162 : i32
        %broadcast_in_dim3A_164 = vector.broadcast %add3A_163 : i32 to vector<16xi32>
        %gather3A = tpu.vector_load_idx %arg16[%broadcast_in_dim3A_164] : memref<640xf32, #tpu.memory_space<vmem>>[vector<16xi32>], vector<16xf32>,
        %get3A = arith.index_cast %scan3A_159 : i32 to index
        %get3A_165 = arith.constant 0 : index
        %get3A_166 = tpu.vector_load %arg8[%get3A, %get3A_165] {strides = array<i32>} : memref<80x144xf32, #tpu.memory_space<vmem>>, vector<16xf32>,
        %mul3A_167 = arith.mulf %get3A_166, %gather3A : vector<16xf32>
        %swap3A = arith.index_cast %scan3A_159 : i32 to index
        %swap3A_168 = arith.constant 0 : index
        %swap3A_169 = tpu.vector_load %arg8[%swap3A, %swap3A_168] {strides = array<i32>} : memref<80x144xf32, #tpu.memory_space<vmem>>, vector<16xf32>,
        tpu.vector_store %arg8[%swap3A, %swap3A_168], %mul3A_167 {strides = array<i32>} : memref<80x144xf32, #tpu.memory_space<vmem>>, vector<16xf32>,
        %add3A_170 = arith.constant 0 : i32
        %add3A_171 = arith.addi %mul3A_161, %add3A_170 : i32
        %broadcast_in_dim3A_172 = vector.broadcast %add3A_171 : i32 to vector<16xi32>
        %gather3A_173 = tpu.vector_load_idx %arg16[%broadcast_in_dim3A_172] : memref<640xf32, #tpu.memory_space<vmem>>[vector<16xi32>], vector<16xf32>,
        %get3A_174 = arith.index_cast %scan3A_159 : i32 to index
        %get3A_175 = arith.constant 16 : index
        %get3A_176 = tpu.vector_load %arg8[%get3A_174, %get3A_175] {strides = array<i32>} : memref<80x144xf32, #tpu.memory_space<vmem>>, vector<16xf32>,
        %mul3A_177 = arith.mulf %get3A_176, %gather3A_173 : vector<16xf32>
        %swap3A_178 = arith.index_cast %scan3A_159 : i32 to index
        %swap3A_179 = arith.constant 16 : index
        %swap3A_180 = tpu.vector_load %arg8[%swap3A_178, %swap3A_179] {strides = array<i32>} : memref<80x144xf32, #tpu.memory_space<vmem>>, vector<16xf32>,
        tpu.vector_store %arg8[%swap3A_178, %swap3A_179], %mul3A_177 {strides = array<i32>} : memref<80x144xf32, #tpu.memory_space<vmem>>, vector<16xf32>,
        %add3A_181 = arith.constant 1 : i32
        %add3A_182 = arith.addi %mul3A_161, %add3A_181 : i32
        %broadcast_in_dim3A_183 = vector.broadcast %add3A_182 : i32 to vector<16xi32>
        %gather3A_184 = tpu.vector_load_idx %arg16[%broadcast_in_dim3A_183] : memref<640xf32, #tpu.memory_space<vmem>>[vector<16xi32>], vector<16xf32>,
        %get3A_185 = arith.index_cast %scan3A_159 : i32 to index
        %get3A_186 = arith.constant 32 : index
        %get3A_187 = tpu.vector_load %arg8[%get3A_185, %get3A_186] {strides = array<i32>} : memref<80x144xf32, #tpu.memory_space<vmem>>, vector<16xf32>,
        %mul3A_188 = arith.mulf %get3A_187, %gather3A_184 : vector<16xf32>
        %swap3A_189 = arith.index_cast %scan3A_159 : i32 to index
        %swap3A_190 = arith.constant 32 : index
        %swap3A_191 = tpu.vector_load %arg8[%swap3A_189, %swap3A_190] {strides = array<i32>} : memref<80x144xf32, #tpu.memory_space<vmem>>, vector<16xf32>,
        tpu.vector_store %arg8[%swap3A_189, %swap3A_190], %mul3A_188 {strides = array<i32>} : memref<80x144xf32, #tpu.memory_space<vmem>>, vector<16xf32>,
        %add3A_192 = arith.constant 1 : i32
        %add3A_193 = arith.addi %mul3A_161, %add3A_192 : i32
        %broadcast_in_dim3A_194 = vector.broadcast %add3A_193 : i32 to vector<16xi32>
        %gather3A_195 = tpu.vector_load_idx %arg16[%broadcast_in_dim3A_194] : memref<640xf32, #tpu.memory_space<vmem>>[vector<16xi32>], vector<16xf32>,
        %get3A_196 = arith.index_cast %scan3A_159 : i32 to index
        %get3A_197 = arith.constant 48 : index
        %get3A_198 = tpu.vector_load %arg8[%get3A_196, %get3A_197] {strides = array<i32>} : memref<80x144xf32, #tpu.memory_space<vmem>>, vector<16xf32>,
        %mul3A_199 = arith.mulf %get3A_198, %gather3A_195 : vector<16xf32>
        %swap3A_200 = arith.index_cast %scan3A_159 : i32 to index
        %swap3A_201 = arith.constant 48 : index
        %swap3A_202 = tpu.vector_load %arg8[%swap3A_200, %swap3A_201] {strides = array<i32>} : memref<80x144xf32, #tpu.memory_space<vmem>>, vector<16xf32>,
        tpu.vector_store %arg8[%swap3A_200, %swap3A_201], %mul3A_199 {strides = array<i32>} : memref<80x144xf32, #tpu.memory_space<vmem>>, vector<16xf32>,
        %add3A_203 = arith.constant 2 : i32
        %add3A_204 = arith.addi %mul3A_161, %add3A_203 : i32
        %broadcast_in_dim3A_205 = vector.broadcast %add3A_204 : i32 to vector<16xi32>
        %gather3A_206 = tpu.vector_load_idx %arg16[%broadcast_in_dim3A_205] : memref<640xf32, #tpu.memory_space<vmem>>[vector<16xi32>], vector<16xf32>,
        %get3A_207 = arith.index_cast %scan3A_159 : i32 to index
        %get3A_208 = arith.constant 64 : index
        %get3A_209 = tpu.vector_load %arg8[%get3A_207, %get3A_208] {strides = array<i32>} : memref<80x144xf32, #tpu.memory_space<vmem>>, vector<16xf32>,
        %mul3A_210 = arith.mulf %get3A_209, %gather3A_206 : vector<16xf32>
        %swap3A_211 = arith.index_cast %scan3A_159 : i32 to index
        %swap3A_212 = arith.constant 64 : index
        %swap3A_213 = tpu.vector_load %arg8[%swap3A_211, %swap3A_212] {strides = array<i32>} : memref<80x144xf32, #tpu.memory_space<vmem>>, vector<16xf32>,
        tpu.vector_store %arg8[%swap3A_211, %swap3A_212], %mul3A_210 {strides = array<i32>} : memref<80x144xf32, #tpu.memory_space<vmem>>, vector<16xf32>,
        %add3A_214 = arith.constant 2 : i32
        %add3A_215 = arith.addi %mul3A_161, %add3A_214 : i32
        %broadcast_in_dim3A_216 = vector.broadcast %add3A_215 : i32 to vector<16xi32>
        %gather3A_217 = tpu.vector_load_idx %arg16[%broadcast_in_dim3A_216] : memref<640xf32, #tpu.memory_space<vmem>>[vector<16xi32>], vector<16xf32>,
        %get3A_218 = arith.index_cast %scan3A_159 : i32 to index
        %get3A_219 = arith.constant 80 : index
        %get3A_220 = tpu.vector_load %arg8[%get3A_218, %get3A_219] {strides = array<i32>} : memref<80x144xf32, #tpu.memory_space<vmem>>, vector<16xf32>,
        %mul3A_221 = arith.mulf %get3A_220, %gather3A_217 : vector<16xf32>
        %swap3A_222 = arith.index_cast %scan3A_159 : i32 to index
        %swap3A_223 = arith.constant 80 : index
        %swap3A_224 = tpu.vector_load %arg8[%swap3A_222, %swap3A_223] {strides = array<i32>} : memref<80x144xf32, #tpu.memory_space<vmem>>, vector<16xf32>,
        tpu.vector_store %arg8[%swap3A_222, %swap3A_223], %mul3A_221 {strides = array<i32>} : memref<80x144xf32, #tpu.memory_space<vmem>>, vector<16xf32>,
        %add3A_225 = arith.constant 3 : i32
        %add3A_226 = arith.addi %mul3A_161, %add3A_225 : i32
        %broadcast_in_dim3A_227 = vector.broadcast %add3A_226 : i32 to vector<16xi32>
        %gather3A_228 = tpu.vector_load_idx %arg16[%broadcast_in_dim3A_227] : memref<640xf32, #tpu.memory_space<vmem>>[vector<16xi32>], vector<16xf32>,
        %get3A_229 = arith.index_cast %scan3A_159 : i32 to index
        %get3A_230 = arith.constant 96 : index
        %get3A_231 = tpu.vector_load %arg8[%get3A_229, %get3A_230] {strides = array<i32>} : memref<80x144xf32, #tpu.memory_space<vmem>>, vector<16xf32>,
        %mul3A_232 = arith.mulf %get3A_231, %gather3A_228 : vector<16xf32>
        %swap3A_233 = arith.index_cast %scan3A_159 : i32 to index
        %swap3A_234 = arith.constant 96 : index
        %swap3A_235 = tpu.vector_load %arg8[%swap3A_233, %swap3A_234] {strides = array<i32>} : memref<80x144xf32, #tpu.memory_space<vmem>>, vector<16xf32>,
        tpu.vector_store %arg8[%swap3A_233, %swap3A_234], %mul3A_232 {strides = array<i32>} : memref<80x144xf32, #tpu.memory_space<vmem>>, vector<16xf32>,
        %add3A_236 = arith.constant 3 : i32
        %add3A_237 = arith.addi %mul3A_161, %add3A_236 : i32
        %broadcast_in_dim3A_238 = vector.broadcast %add3A_237 : i32 to vector<16xi32>
        %gather3A_239 = tpu.vector_load_idx %arg16[%broadcast_in_dim3A_238] : memref<640xf32, #tpu.memory_space<vmem>>[vector<16xi32>], vector<16xf32>,
        %get3A_240 = arith.index_cast %scan3A_159 : i32 to index
        %get3A_241 = arith.constant 112 : index
        %get3A_242 = tpu.vector_load %arg8[%get3A_240, %get3A_241] {strides = array<i32>} : memref<80x144xf32, #tpu.memory_space<vmem>>, vector<16xf32>,
        %mul3A_243 = arith.mulf %get3A_242, %gather3A_239 : vector<16xf32>
        %swap3A_244 = arith.index_cast %scan3A_159 : i32 to index
        %swap3A_245 = arith.constant 112 : index
        %swap3A_246 = tpu.vector_load %arg8[%swap3A_244, %swap3A_245] {strides = array<i32>} : memref<80x144xf32, #tpu.memory_space<vmem>>, vector<16xf32>,
        tpu.vector_store %arg8[%swap3A_244, %swap3A_245], %mul3A_243 {strides = array<i32>} : memref<80x144xf32, #tpu.memory_space<vmem>>, vector<16xf32>,
        %add3A_247 = vector.broadcast %mul3A_161 : i32 to vector<16xi32>
        %add3A_248 = arith.addi %add3A_247, %min3A_38 : vector<16xi32>
        %gather3A_249 = tpu.vector_load_idx %arg16[%add3A_248] : memref<640xf32, #tpu.memory_space<vmem>>[vector<16xi32>], vector<16xf32>,
        %get3A_250 = arith.index_cast %scan3A_159 : i32 to index
        %get3A_251 = arith.constant 128 : index
        %get3A_252 = tpu.vector_load %arg8[%get3A_250, %get3A_251] {strides = array<i32>} : memref<80x144xf32, #tpu.memory_space<vmem>>, vector<16xf32>,
        %mul3A_253 = arith.mulf %get3A_252, %gather3A_249 : vector<16xf32>
        %swap3A_254 = arith.index_cast %scan3A_159 : i32 to index
        %swap3A_255 = arith.constant 128 : index
        %swap3A_256 = tpu.vector_load %arg8[%swap3A_254, %swap3A_255] {strides = array<i32>} : memref<80x144xf32, #tpu.memory_space<vmem>>, vector<16xf32>,
        tpu.vector_store %arg8[%swap3A_254, %swap3A_255], %mul3A_253 {strides = array<i32>} : memref<80x144xf32, #tpu.memory_space<vmem>>, vector<16xf32>,
      }
      %scan3A_137 = arith.constant 80 : i32
      "tpu.region"() ({
        %run_scoped3A_159 = tpu.sem_alloc : memref<!tpu.dma_semaphore, #tpu.memory_space<semaphore_mem>>
        %dma_start3A_160 = arith.constant 0 : i32
        %dma_start3A_161 = arith.constant 0 : i32
        %dma_start3A_162 = tpu.memref_slice %arg17[%dma_start3A_160, %dma_start3A_161] : memref<10000x144xf32, #tpu.memory_space<vmem_shared>> -> memref<10000x144xf32, #tpu.memory_space<vmem_shared>>
        tpu.enqueue_indirect_dma source(%arg8 : memref<80x144xf32, #tpu.memory_space<vmem>>) target(%dma_start3A_162 : memref<10000x144xf32, #tpu.memory_space<vmem_shared>>) offsets(%arg7 : memref<80xi32, #tpu.memory_space<vmem>>) semaphore(%run_scoped3A_159 : memref<!tpu.dma_semaphore, #tpu.memory_space<semaphore_mem>>) {add = true}
        %dma_wait3A_163 = arith.constant 0 : i32
        %dma_wait3A_164 = arith.constant 0 : i32
        %dma_wait3A_165 = tpu.memref_slice %arg17[%dma_wait3A_163, %dma_wait3A_164] : memref<10000x144xf32, #tpu.memory_space<vmem_shared>> -> memref<10000x144xf32, #tpu.memory_space<vmem_shared>>
        tpu.wait_indirect_dma semaphore(%run_scoped3A_159 : memref<!tpu.dma_semaphore, #tpu.memory_space<semaphore_mem>>) src(%arg8 : memref<80x144xf32, #tpu.memory_space<vmem>>) dst(%dma_wait3A_165 : memref<10000x144xf32, #tpu.memory_space<vmem_shared>>)
        tpu.yield
      }) : () -> ()
      %dma_wait3A_138 = arith.constant 0 : i32
      %dma_wait3A_139 = arith.constant 0 : i32
      %dma_wait3A_140 = tpu.memref_slice %arg3[%dma_wait3A_138, %dma_wait3A_139] : memref<10000x8xf32, #tpu.memory_space<hbm>> -> memref<10000x8xf32, #tpu.memory_space<hbm>>
      tpu.wait_indirect_dma semaphore(%arg22 : memref<!tpu.dma_semaphore, #tpu.memory_space<semaphore_mem>>) src(%dma_wait3A_140 : memref<10000x8xf32, #tpu.memory_space<hbm>>) dst(%arg14 : memref<80x8xf32, #tpu.memory_space<vmem>>)
      %dma_wait3A_141 = arith.constant 0 : i32
      %dma_wait3A_142 = arith.constant 0 : i32
      %dma_wait3A_143 = tpu.memref_slice %arg3[%dma_wait3A_141, %dma_wait3A_142] : memref<10000x8xf32, #tpu.memory_space<hbm>> -> memref<10000x8xf32, #tpu.memory_space<hbm>>
      tpu.wait_indirect_dma semaphore(%arg23 : memref<!tpu.dma_semaphore, #tpu.memory_space<semaphore_mem>>) src(%dma_wait3A_143 : memref<10000x8xf32, #tpu.memory_space<hbm>>) dst(%arg15 : memref<80x8xf32, #tpu.memory_space<vmem>>)
      %scan3A_144 = arith.constant 0 : i32
      %scan3A_145 = arith.constant 0 : i32
      %scan3A_146 = arith.constant 40 : i32
      %scan3A_147 = arith.addi %scan3A_145, %scan3A_146 : i32
      %scan3A_148 = arith.constant 1 : i32
      scf.for %scan3A_159 = %scan3A_145 to %scan3A_147 step %scan3A_148  : i32 {
        %mul3A_160 = arith.constant 2 : i32
        %mul3A_161 = arith.muli %mul3A_160, %scan3A_159 : i32
        %add3A_162 = vector.broadcast %mul3A_161 : i32 to vector<16xi32>
        %add3A_163 = arith.addi %add3A_162, %shift_right_arithmetic3A_28 : vector<16xi32>
        %gather3A = tpu.vector_load_idx %arg14[%add3A_163, %and3A_30] : memref<80x8xf32, #tpu.memory_space<vmem>>[vector<16xi32>, vector<16xi32>], vector<16xf32>,
        %gather3A_164 = tpu.vector_load_idx %arg15[%add3A_163, %add3A_36] : memref<80x8xf32, #tpu.memory_space<vmem>>[vector<16xi32>, vector<16xi32>], vector<16xf32>,
        %add3A_165 = arith.addf %gather3A, %gather3A_164 : vector<16xf32>
        %mul3A_166 = arith.constant 2.000000e-01 : f32
        %mul3A_167 = vector.broadcast %mul3A_166 : f32 to vector<16xf32>
        %mul3A_168 = arith.mulf %mul3A_167, %add3A_165 : vector<16xf32>
        %max3A = arith.maximumf %add3A_165, %mul3A_168 : vector<16xf32>
        %exp3A = math.exp %max3A : vector<16xf32>
        %mul3A_169 = arith.constant 16 : i32
        %mul3A_170 = arith.muli %scan3A_159, %mul3A_169 : i32
        %swap3A = arith.index_cast %mul3A_170 : i32 to index
        %swap3A_171 = tpu.vector_load %arg16[%swap3A] {strides = array<i32>} : memref<640xf32, #tpu.memory_space<vmem>>, vector<16xf32>,
        tpu.vector_store %arg16[%swap3A], %exp3A {strides = array<i32>} : memref<640xf32, #tpu.memory_space<vmem>>, vector<16xf32>,
      }
      %scan3A_149 = arith.constant 40 : i32
      %dma_wait3A_150 = arith.constant 0 : i32
      %dma_wait3A_151 = arith.constant 0 : i32
      %dma_wait3A_152 = tpu.memref_slice %arg2[%dma_wait3A_150, %dma_wait3A_151] : memref<10000x144xf32, #tpu.memory_space<hbm>> -> memref<10000x144xf32, #tpu.memory_space<hbm>>
      tpu.wait_indirect_dma semaphore(%arg21 : memref<!tpu.dma_semaphore, #tpu.memory_space<semaphore_mem>>) src(%dma_wait3A_152 : memref<10000x144xf32, #tpu.memory_space<hbm>>) dst(%arg13 : memref<80x144xf32, #tpu.memory_space<vmem>>)
      %scan3A_153 = arith.constant 0 : i32
      %scan3A_154 = arith.constant 0 : i32
      %scan3A_155 = arith.constant 80 : i32
      %scan3A_156 = arith.addi %scan3A_154, %scan3A_155 : i32
      %scan3A_157 = arith.constant 1 : i32
      scf.for %scan3A_159 = %scan3A_154 to %scan3A_156 step %scan3A_157  : i32 {
        %mul3A_160 = arith.constant 8 : i32
        %mul3A_161 = arith.muli %scan3A_159, %mul3A_160 : i32
        %add3A_162 = arith.constant 0 : i32
        %add3A_163 = arith.addi %mul3A_161, %add3A_162 : i32
        %broadcast_in_dim3A_164 = vector.broadcast %add3A_163 : i32 to vector<16xi32>
        %gather3A = tpu.vector_load_idx %arg16[%broadcast_in_dim3A_164] : memref<640xf32, #tpu.memory_space<vmem>>[vector<16xi32>], vector<16xf32>,
        %get3A = arith.index_cast %scan3A_159 : i32 to index
        %get3A_165 = arith.constant 0 : index
        %get3A_166 = tpu.vector_load %arg13[%get3A, %get3A_165] {strides = array<i32>} : memref<80x144xf32, #tpu.memory_space<vmem>>, vector<16xf32>,
        %mul3A_167 = arith.mulf %get3A_166, %gather3A : vector<16xf32>
        %swap3A = arith.index_cast %scan3A_159 : i32 to index
        %swap3A_168 = arith.constant 0 : index
        %swap3A_169 = tpu.vector_load %arg13[%swap3A, %swap3A_168] {strides = array<i32>} : memref<80x144xf32, #tpu.memory_space<vmem>>, vector<16xf32>,
        tpu.vector_store %arg13[%swap3A, %swap3A_168], %mul3A_167 {strides = array<i32>} : memref<80x144xf32, #tpu.memory_space<vmem>>, vector<16xf32>,
        %add3A_170 = arith.constant 0 : i32
        %add3A_171 = arith.addi %mul3A_161, %add3A_170 : i32
        %broadcast_in_dim3A_172 = vector.broadcast %add3A_171 : i32 to vector<16xi32>
        %gather3A_173 = tpu.vector_load_idx %arg16[%broadcast_in_dim3A_172] : memref<640xf32, #tpu.memory_space<vmem>>[vector<16xi32>], vector<16xf32>,
        %get3A_174 = arith.index_cast %scan3A_159 : i32 to index
        %get3A_175 = arith.constant 16 : index
        %get3A_176 = tpu.vector_load %arg13[%get3A_174, %get3A_175] {strides = array<i32>} : memref<80x144xf32, #tpu.memory_space<vmem>>, vector<16xf32>,
        %mul3A_177 = arith.mulf %get3A_176, %gather3A_173 : vector<16xf32>
        %swap3A_178 = arith.index_cast %scan3A_159 : i32 to index
        %swap3A_179 = arith.constant 16 : index
        %swap3A_180 = tpu.vector_load %arg13[%swap3A_178, %swap3A_179] {strides = array<i32>} : memref<80x144xf32, #tpu.memory_space<vmem>>, vector<16xf32>,
        tpu.vector_store %arg13[%swap3A_178, %swap3A_179], %mul3A_177 {strides = array<i32>} : memref<80x144xf32, #tpu.memory_space<vmem>>, vector<16xf32>,
        %add3A_181 = arith.constant 1 : i32
        %add3A_182 = arith.addi %mul3A_161, %add3A_181 : i32
        %broadcast_in_dim3A_183 = vector.broadcast %add3A_182 : i32 to vector<16xi32>
        %gather3A_184 = tpu.vector_load_idx %arg16[%broadcast_in_dim3A_183] : memref<640xf32, #tpu.memory_space<vmem>>[vector<16xi32>], vector<16xf32>,
        %get3A_185 = arith.index_cast %scan3A_159 : i32 to index
        %get3A_186 = arith.constant 32 : index
        %get3A_187 = tpu.vector_load %arg13[%get3A_185, %get3A_186] {strides = array<i32>} : memref<80x144xf32, #tpu.memory_space<vmem>>, vector<16xf32>,
        %mul3A_188 = arith.mulf %get3A_187, %gather3A_184 : vector<16xf32>
        %swap3A_189 = arith.index_cast %scan3A_159 : i32 to index
        %swap3A_190 = arith.constant 32 : index
        %swap3A_191 = tpu.vector_load %arg13[%swap3A_189, %swap3A_190] {strides = array<i32>} : memref<80x144xf32, #tpu.memory_space<vmem>>, vector<16xf32>,
        tpu.vector_store %arg13[%swap3A_189, %swap3A_190], %mul3A_188 {strides = array<i32>} : memref<80x144xf32, #tpu.memory_space<vmem>>, vector<16xf32>,
        %add3A_192 = arith.constant 1 : i32
        %add3A_193 = arith.addi %mul3A_161, %add3A_192 : i32
        %broadcast_in_dim3A_194 = vector.broadcast %add3A_193 : i32 to vector<16xi32>
        %gather3A_195 = tpu.vector_load_idx %arg16[%broadcast_in_dim3A_194] : memref<640xf32, #tpu.memory_space<vmem>>[vector<16xi32>], vector<16xf32>,
        %get3A_196 = arith.index_cast %scan3A_159 : i32 to index
        %get3A_197 = arith.constant 48 : index
        %get3A_198 = tpu.vector_load %arg13[%get3A_196, %get3A_197] {strides = array<i32>} : memref<80x144xf32, #tpu.memory_space<vmem>>, vector<16xf32>,
        %mul3A_199 = arith.mulf %get3A_198, %gather3A_195 : vector<16xf32>
        %swap3A_200 = arith.index_cast %scan3A_159 : i32 to index
        %swap3A_201 = arith.constant 48 : index
        %swap3A_202 = tpu.vector_load %arg13[%swap3A_200, %swap3A_201] {strides = array<i32>} : memref<80x144xf32, #tpu.memory_space<vmem>>, vector<16xf32>,
        tpu.vector_store %arg13[%swap3A_200, %swap3A_201], %mul3A_199 {strides = array<i32>} : memref<80x144xf32, #tpu.memory_space<vmem>>, vector<16xf32>,
        %add3A_203 = arith.constant 2 : i32
        %add3A_204 = arith.addi %mul3A_161, %add3A_203 : i32
        %broadcast_in_dim3A_205 = vector.broadcast %add3A_204 : i32 to vector<16xi32>
        %gather3A_206 = tpu.vector_load_idx %arg16[%broadcast_in_dim3A_205] : memref<640xf32, #tpu.memory_space<vmem>>[vector<16xi32>], vector<16xf32>,
        %get3A_207 = arith.index_cast %scan3A_159 : i32 to index
        %get3A_208 = arith.constant 64 : index
        %get3A_209 = tpu.vector_load %arg13[%get3A_207, %get3A_208] {strides = array<i32>} : memref<80x144xf32, #tpu.memory_space<vmem>>, vector<16xf32>,
        %mul3A_210 = arith.mulf %get3A_209, %gather3A_206 : vector<16xf32>
        %swap3A_211 = arith.index_cast %scan3A_159 : i32 to index
        %swap3A_212 = arith.constant 64 : index
        %swap3A_213 = tpu.vector_load %arg13[%swap3A_211, %swap3A_212] {strides = array<i32>} : memref<80x144xf32, #tpu.memory_space<vmem>>, vector<16xf32>,
        tpu.vector_store %arg13[%swap3A_211, %swap3A_212], %mul3A_210 {strides = array<i32>} : memref<80x144xf32, #tpu.memory_space<vmem>>, vector<16xf32>,
        %add3A_214 = arith.constant 2 : i32
        %add3A_215 = arith.addi %mul3A_161, %add3A_214 : i32
        %broadcast_in_dim3A_216 = vector.broadcast %add3A_215 : i32 to vector<16xi32>
        %gather3A_217 = tpu.vector_load_idx %arg16[%broadcast_in_dim3A_216] : memref<640xf32, #tpu.memory_space<vmem>>[vector<16xi32>], vector<16xf32>,
        %get3A_218 = arith.index_cast %scan3A_159 : i32 to index
        %get3A_219 = arith.constant 80 : index
        %get3A_220 = tpu.vector_load %arg13[%get3A_218, %get3A_219] {strides = array<i32>} : memref<80x144xf32, #tpu.memory_space<vmem>>, vector<16xf32>,
        %mul3A_221 = arith.mulf %get3A_220, %gather3A_217 : vector<16xf32>
        %swap3A_222 = arith.index_cast %scan3A_159 : i32 to index
        %swap3A_223 = arith.constant 80 : index
        %swap3A_224 = tpu.vector_load %arg13[%swap3A_222, %swap3A_223] {strides = array<i32>} : memref<80x144xf32, #tpu.memory_space<vmem>>, vector<16xf32>,
        tpu.vector_store %arg13[%swap3A_222, %swap3A_223], %mul3A_221 {strides = array<i32>} : memref<80x144xf32, #tpu.memory_space<vmem>>, vector<16xf32>,
        %add3A_225 = arith.constant 3 : i32
        %add3A_226 = arith.addi %mul3A_161, %add3A_225 : i32
        %broadcast_in_dim3A_227 = vector.broadcast %add3A_226 : i32 to vector<16xi32>
        %gather3A_228 = tpu.vector_load_idx %arg16[%broadcast_in_dim3A_227] : memref<640xf32, #tpu.memory_space<vmem>>[vector<16xi32>], vector<16xf32>,
        %get3A_229 = arith.index_cast %scan3A_159 : i32 to index
        %get3A_230 = arith.constant 96 : index
        %get3A_231 = tpu.vector_load %arg13[%get3A_229, %get3A_230] {strides = array<i32>} : memref<80x144xf32, #tpu.memory_space<vmem>>, vector<16xf32>,
        %mul3A_232 = arith.mulf %get3A_231, %gather3A_228 : vector<16xf32>
        %swap3A_233 = arith.index_cast %scan3A_159 : i32 to index
        %swap3A_234 = arith.constant 96 : index
        %swap3A_235 = tpu.vector_load %arg13[%swap3A_233, %swap3A_234] {strides = array<i32>} : memref<80x144xf32, #tpu.memory_space<vmem>>, vector<16xf32>,
        tpu.vector_store %arg13[%swap3A_233, %swap3A_234], %mul3A_232 {strides = array<i32>} : memref<80x144xf32, #tpu.memory_space<vmem>>, vector<16xf32>,
        %add3A_236 = arith.constant 3 : i32
        %add3A_237 = arith.addi %mul3A_161, %add3A_236 : i32
        %broadcast_in_dim3A_238 = vector.broadcast %add3A_237 : i32 to vector<16xi32>
        %gather3A_239 = tpu.vector_load_idx %arg16[%broadcast_in_dim3A_238] : memref<640xf32, #tpu.memory_space<vmem>>[vector<16xi32>], vector<16xf32>,
        %get3A_240 = arith.index_cast %scan3A_159 : i32 to index
        %get3A_241 = arith.constant 112 : index
        %get3A_242 = tpu.vector_load %arg13[%get3A_240, %get3A_241] {strides = array<i32>} : memref<80x144xf32, #tpu.memory_space<vmem>>, vector<16xf32>,
        %mul3A_243 = arith.mulf %get3A_242, %gather3A_239 : vector<16xf32>
        %swap3A_244 = arith.index_cast %scan3A_159 : i32 to index
        %swap3A_245 = arith.constant 112 : index
        %swap3A_246 = tpu.vector_load %arg13[%swap3A_244, %swap3A_245] {strides = array<i32>} : memref<80x144xf32, #tpu.memory_space<vmem>>, vector<16xf32>,
        tpu.vector_store %arg13[%swap3A_244, %swap3A_245], %mul3A_243 {strides = array<i32>} : memref<80x144xf32, #tpu.memory_space<vmem>>, vector<16xf32>,
        %add3A_247 = vector.broadcast %mul3A_161 : i32 to vector<16xi32>
        %add3A_248 = arith.addi %add3A_247, %min3A_38 : vector<16xi32>
        %gather3A_249 = tpu.vector_load_idx %arg16[%add3A_248] : memref<640xf32, #tpu.memory_space<vmem>>[vector<16xi32>], vector<16xf32>,
        %get3A_250 = arith.index_cast %scan3A_159 : i32 to index
        %get3A_251 = arith.constant 128 : index
        %get3A_252 = tpu.vector_load %arg13[%get3A_250, %get3A_251] {strides = array<i32>} : memref<80x144xf32, #tpu.memory_space<vmem>>, vector<16xf32>,
        %mul3A_253 = arith.mulf %get3A_252, %gather3A_249 : vector<16xf32>
        %swap3A_254 = arith.index_cast %scan3A_159 : i32 to index
        %swap3A_255 = arith.constant 128 : index
        %swap3A_256 = tpu.vector_load %arg13[%swap3A_254, %swap3A_255] {strides = array<i32>} : memref<80x144xf32, #tpu.memory_space<vmem>>, vector<16xf32>,
        tpu.vector_store %arg13[%swap3A_254, %swap3A_255], %mul3A_253 {strides = array<i32>} : memref<80x144xf32, #tpu.memory_space<vmem>>, vector<16xf32>,
      }
      %scan3A_158 = arith.constant 80 : i32
      "tpu.region"() ({
        %run_scoped3A_159 = tpu.sem_alloc : memref<!tpu.dma_semaphore, #tpu.memory_space<semaphore_mem>>
        %dma_start3A_160 = arith.constant 0 : i32
        %dma_start3A_161 = arith.constant 0 : i32
        %dma_start3A_162 = tpu.memref_slice %arg17[%dma_start3A_160, %dma_start3A_161] : memref<10000x144xf32, #tpu.memory_space<vmem_shared>> -> memref<10000x144xf32, #tpu.memory_space<vmem_shared>>
        tpu.enqueue_indirect_dma source(%arg13 : memref<80x144xf32, #tpu.memory_space<vmem>>) target(%dma_start3A_162 : memref<10000x144xf32, #tpu.memory_space<vmem_shared>>) offsets(%arg12 : memref<80xi32, #tpu.memory_space<vmem>>) semaphore(%run_scoped3A_159 : memref<!tpu.dma_semaphore, #tpu.memory_space<semaphore_mem>>) {add = true}
        %dma_wait3A_163 = arith.constant 0 : i32
        %dma_wait3A_164 = arith.constant 0 : i32
        %dma_wait3A_165 = tpu.memref_slice %arg17[%dma_wait3A_163, %dma_wait3A_164] : memref<10000x144xf32, #tpu.memory_space<vmem_shared>> -> memref<10000x144xf32, #tpu.memory_space<vmem_shared>>
        tpu.wait_indirect_dma semaphore(%run_scoped3A_159 : memref<!tpu.dma_semaphore, #tpu.memory_space<semaphore_mem>>) src(%arg13 : memref<80x144xf32, #tpu.memory_space<vmem>>) dst(%dma_wait3A_165 : memref<10000x144xf32, #tpu.memory_space<vmem_shared>>)
        tpu.yield
      }) : () -> ()
    }
    %scan3A_46 = arith.constant 62 : i32
    %add3A_47 = arith.constant 9920 : i32
    %add3A_48 = arith.addi %mul3A_40, %add3A_47 : i32
    %run_scoped3A = arith.constant 0 : i32
    "tpu.region"() ({
      %run_scoped3A_84 = tpu.sem_alloc : memref<!tpu.dma_semaphore, #tpu.memory_space<semaphore_mem>>
      %dma_start3A_85 = tpu.memref_slice %arg4[%run_scoped3A, %add3A_48] : memref<2x320000xi32, #tpu.memory_space<hbm>> -> memref<1x80xi32, #tpu.memory_space<hbm>>
      %dma_start3A_86 = tpu.memref_squeeze %dma_start3A_85 : memref<1x80xi32, #tpu.memory_space<hbm>> -> memref<80xi32, #tpu.memory_space<hbm>>
      %dma_start3A_87 = tpu.memref_slice %arg4[%run_scoped3A, %add3A_48] : memref<2x320000xi32, #tpu.memory_space<hbm>> -> memref<1x80xi32, #tpu.memory_space<hbm>>
      %dma_start3A_88 = tpu.memref_squeeze %dma_start3A_87 : memref<1x80xi32, #tpu.memory_space<hbm>> -> memref<80xi32, #tpu.memory_space<hbm>>
      tpu.enqueue_dma source(%dma_start3A_88 : memref<80xi32, #tpu.memory_space<hbm>>) target(%arg6 : memref<80xi32, #tpu.memory_space<vmem>>) target_semaphore(%run_scoped3A_84 : memref<!tpu.dma_semaphore, #tpu.memory_space<semaphore_mem>>)
      %dma_wait3A_89 = tpu.memref_slice %arg4[%run_scoped3A, %add3A_48] : memref<2x320000xi32, #tpu.memory_space<hbm>> -> memref<1x80xi32, #tpu.memory_space<hbm>>
      %dma_wait3A_90 = tpu.memref_squeeze %dma_wait3A_89 : memref<1x80xi32, #tpu.memory_space<hbm>> -> memref<80xi32, #tpu.memory_space<hbm>>
      %dma_wait3A_91 = tpu.memref_slice %arg4[%run_scoped3A, %add3A_48] : memref<2x320000xi32, #tpu.memory_space<hbm>> -> memref<1x80xi32, #tpu.memory_space<hbm>>
      %dma_wait3A_92 = tpu.memref_squeeze %dma_wait3A_91 : memref<1x80xi32, #tpu.memory_space<hbm>> -> memref<80xi32, #tpu.memory_space<hbm>>
      tpu.wait_dma2 semaphore(%run_scoped3A_84 : memref<!tpu.dma_semaphore, #tpu.memory_space<semaphore_mem>>) src(%dma_wait3A_92 : memref<80xi32, #tpu.memory_space<hbm>>) dst(%arg6 : memref<80xi32, #tpu.memory_space<vmem>>)
      tpu.yield
    }) : () -> ()
    %run_scoped3A_49 = arith.constant 1 : i32
    "tpu.region"() ({
      %run_scoped3A_84 = tpu.sem_alloc : memref<!tpu.dma_semaphore, #tpu.memory_space<semaphore_mem>>
      %dma_start3A_85 = tpu.memref_slice %arg4[%run_scoped3A_49, %add3A_48] : memref<2x320000xi32, #tpu.memory_space<hbm>> -> memref<1x80xi32, #tpu.memory_space<hbm>>
      %dma_start3A_86 = tpu.memref_squeeze %dma_start3A_85 : memref<1x80xi32, #tpu.memory_space<hbm>> -> memref<80xi32, #tpu.memory_space<hbm>>
      %dma_start3A_87 = tpu.memref_slice %arg4[%run_scoped3A_49, %add3A_48] : memref<2x320000xi32, #tpu.memory_space<hbm>> -> memref<1x80xi32, #tpu.memory_space<hbm>>
      %dma_start3A_88 = tpu.memref_squeeze %dma_start3A_87 : memref<1x80xi32, #tpu.memory_space<hbm>> -> memref<80xi32, #tpu.memory_space<hbm>>
      tpu.enqueue_dma source(%dma_start3A_88 : memref<80xi32, #tpu.memory_space<hbm>>) target(%arg7 : memref<80xi32, #tpu.memory_space<vmem>>) target_semaphore(%run_scoped3A_84 : memref<!tpu.dma_semaphore, #tpu.memory_space<semaphore_mem>>)
      %dma_wait3A_89 = tpu.memref_slice %arg4[%run_scoped3A_49, %add3A_48] : memref<2x320000xi32, #tpu.memory_space<hbm>> -> memref<1x80xi32, #tpu.memory_space<hbm>>
      %dma_wait3A_90 = tpu.memref_squeeze %dma_wait3A_89 : memref<1x80xi32, #tpu.memory_space<hbm>> -> memref<80xi32, #tpu.memory_space<hbm>>
      %dma_wait3A_91 = tpu.memref_slice %arg4[%run_scoped3A_49, %add3A_48] : memref<2x320000xi32, #tpu.memory_space<hbm>> -> memref<1x80xi32, #tpu.memory_space<hbm>>
      %dma_wait3A_92 = tpu.memref_squeeze %dma_wait3A_91 : memref<1x80xi32, #tpu.memory_space<hbm>> -> memref<80xi32, #tpu.memory_space<hbm>>
      tpu.wait_dma2 semaphore(%run_scoped3A_84 : memref<!tpu.dma_semaphore, #tpu.memory_space<semaphore_mem>>) src(%dma_wait3A_92 : memref<80xi32, #tpu.memory_space<hbm>>) dst(%arg7 : memref<80xi32, #tpu.memory_space<vmem>>)
      tpu.yield
    }) : () -> ()
    %dma_start3A = arith.constant 0 : i32
    %dma_start3A_50 = arith.constant 0 : i32
    %dma_start3A_51 = tpu.memref_slice %arg2[%dma_start3A, %dma_start3A_50] : memref<10000x144xf32, #tpu.memory_space<hbm>> -> memref<10000x144xf32, #tpu.memory_space<hbm>>
    tpu.enqueue_indirect_dma source(%dma_start3A_51 : memref<10000x144xf32, #tpu.memory_space<hbm>>) target(%arg8 : memref<80x144xf32, #tpu.memory_space<vmem>>) offsets(%arg6 : memref<80xi32, #tpu.memory_space<vmem>>) semaphore(%arg18 : memref<!tpu.dma_semaphore, #tpu.memory_space<semaphore_mem>>)
    %dma_start3A_52 = arith.constant 0 : i32
    %dma_start3A_53 = arith.constant 0 : i32
    %dma_start3A_54 = tpu.memref_slice %arg3[%dma_start3A_52, %dma_start3A_53] : memref<10000x8xf32, #tpu.memory_space<hbm>> -> memref<10000x8xf32, #tpu.memory_space<hbm>>
    tpu.enqueue_indirect_dma source(%dma_start3A_54 : memref<10000x8xf32, #tpu.memory_space<hbm>>) target(%arg9 : memref<80x8xf32, #tpu.memory_space<vmem>>) offsets(%arg6 : memref<80xi32, #tpu.memory_space<vmem>>) semaphore(%arg19 : memref<!tpu.dma_semaphore, #tpu.memory_space<semaphore_mem>>)
    %dma_start3A_55 = arith.constant 0 : i32
    %dma_start3A_56 = arith.constant 0 : i32
    %dma_start3A_57 = tpu.memref_slice %arg3[%dma_start3A_55, %dma_start3A_56] : memref<10000x8xf32, #tpu.memory_space<hbm>> -> memref<10000x8xf32, #tpu.memory_space<hbm>>
    tpu.enqueue_indirect_dma source(%dma_start3A_57 : memref<10000x8xf32, #tpu.memory_space<hbm>>) target(%arg10 : memref<80x8xf32, #tpu.memory_space<vmem>>) offsets(%arg7 : memref<80xi32, #tpu.memory_space<vmem>>) semaphore(%arg20 : memref<!tpu.dma_semaphore, #tpu.memory_space<semaphore_mem>>)
    %dma_wait3A = arith.constant 0 : i32
    %dma_wait3A_58 = arith.constant 0 : i32
    %dma_wait3A_59 = tpu.memref_slice %arg3[%dma_wait3A, %dma_wait3A_58] : memref<10000x8xf32, #tpu.memory_space<hbm>> -> memref<10000x8xf32, #tpu.memory_space<hbm>>
    tpu.wait_indirect_dma semaphore(%arg19 : memref<!tpu.dma_semaphore, #tpu.memory_space<semaphore_mem>>) src(%dma_wait3A_59 : memref<10000x8xf32, #tpu.memory_space<hbm>>) dst(%arg9 : memref<80x8xf32, #tpu.memory_space<vmem>>)
    %dma_wait3A_60 = arith.constant 0 : i32
    %dma_wait3A_61 = arith.constant 0 : i32
    %dma_wait3A_62 = tpu.memref_slice %arg3[%dma_wait3A_60, %dma_wait3A_61] : memref<10000x8xf32, #tpu.memory_space<hbm>> -> memref<10000x8xf32, #tpu.memory_space<hbm>>
    tpu.wait_indirect_dma semaphore(%arg20 : memref<!tpu.dma_semaphore, #tpu.memory_space<semaphore_mem>>) src(%dma_wait3A_62 : memref<10000x8xf32, #tpu.memory_space<hbm>>) dst(%arg10 : memref<80x8xf32, #tpu.memory_space<vmem>>)
    %scan3A_63 = arith.constant 0 : i32
    %scan3A_64 = arith.constant 0 : i32
    %scan3A_65 = arith.constant 40 : i32
    %scan3A_66 = arith.addi %scan3A_64, %scan3A_65 : i32
    %scan3A_67 = arith.constant 1 : i32
    scf.for %scan3A_84 = %scan3A_64 to %scan3A_66 step %scan3A_67  : i32 {
      %mul3A_85 = arith.constant 2 : i32
      %mul3A_86 = arith.muli %mul3A_85, %scan3A_84 : i32
      %add3A_87 = vector.broadcast %mul3A_86 : i32 to vector<16xi32>
      %add3A_88 = arith.addi %add3A_87, %shift_right_arithmetic3A_28 : vector<16xi32>
      %gather3A = tpu.vector_load_idx %arg9[%add3A_88, %and3A_30] : memref<80x8xf32, #tpu.memory_space<vmem>>[vector<16xi32>, vector<16xi32>], vector<16xf32>,
      %gather3A_89 = tpu.vector_load_idx %arg10[%add3A_88, %add3A_36] : memref<80x8xf32, #tpu.memory_space<vmem>>[vector<16xi32>, vector<16xi32>], vector<16xf32>,
      %add3A_90 = arith.addf %gather3A, %gather3A_89 : vector<16xf32>
      %mul3A_91 = arith.constant 2.000000e-01 : f32
      %mul3A_92 = vector.broadcast %mul3A_91 : f32 to vector<16xf32>
      %mul3A_93 = arith.mulf %mul3A_92, %add3A_90 : vector<16xf32>
      %max3A = arith.maximumf %add3A_90, %mul3A_93 : vector<16xf32>
      %exp3A = math.exp %max3A : vector<16xf32>
      %mul3A_94 = arith.constant 16 : i32
      %mul3A_95 = arith.muli %scan3A_84, %mul3A_94 : i32
      %swap3A = arith.index_cast %mul3A_95 : i32 to index
      %swap3A_96 = tpu.vector_load %arg16[%swap3A] {strides = array<i32>} : memref<640xf32, #tpu.memory_space<vmem>>, vector<16xf32>,
      tpu.vector_store %arg16[%swap3A], %exp3A {strides = array<i32>} : memref<640xf32, #tpu.memory_space<vmem>>, vector<16xf32>,
    }
    %scan3A_68 = arith.constant 40 : i32
    %dma_wait3A_69 = arith.constant 0 : i32
    %dma_wait3A_70 = arith.constant 0 : i32
    %dma_wait3A_71 = tpu.memref_slice %arg2[%dma_wait3A_69, %dma_wait3A_70] : memref<10000x144xf32, #tpu.memory_space<hbm>> -> memref<10000x144xf32, #tpu.memory_space<hbm>>
    tpu.wait_indirect_dma semaphore(%arg18 : memref<!tpu.dma_semaphore, #tpu.memory_space<semaphore_mem>>) src(%dma_wait3A_71 : memref<10000x144xf32, #tpu.memory_space<hbm>>) dst(%arg8 : memref<80x144xf32, #tpu.memory_space<vmem>>)
    %scan3A_72 = arith.constant 0 : i32
    %scan3A_73 = arith.constant 0 : i32
    %scan3A_74 = arith.constant 80 : i32
    %scan3A_75 = arith.addi %scan3A_73, %scan3A_74 : i32
    %scan3A_76 = arith.constant 1 : i32
    scf.for %scan3A_84 = %scan3A_73 to %scan3A_75 step %scan3A_76  : i32 {
      %mul3A_85 = arith.constant 8 : i32
      %mul3A_86 = arith.muli %scan3A_84, %mul3A_85 : i32
      %add3A_87 = arith.constant 0 : i32
      %add3A_88 = arith.addi %mul3A_86, %add3A_87 : i32
      %broadcast_in_dim3A_89 = vector.broadcast %add3A_88 : i32 to vector<16xi32>
      %gather3A = tpu.vector_load_idx %arg16[%broadcast_in_dim3A_89] : memref<640xf32, #tpu.memory_space<vmem>>[vector<16xi32>], vector<16xf32>,
      %get3A = arith.index_cast %scan3A_84 : i32 to index
      %get3A_90 = arith.constant 0 : index
      %get3A_91 = tpu.vector_load %arg8[%get3A, %get3A_90] {strides = array<i32>} : memref<80x144xf32, #tpu.memory_space<vmem>>, vector<16xf32>,
      %mul3A_92 = arith.mulf %get3A_91, %gather3A : vector<16xf32>
      %swap3A = arith.index_cast %scan3A_84 : i32 to index
      %swap3A_93 = arith.constant 0 : index
      %swap3A_94 = tpu.vector_load %arg8[%swap3A, %swap3A_93] {strides = array<i32>} : memref<80x144xf32, #tpu.memory_space<vmem>>, vector<16xf32>,
      tpu.vector_store %arg8[%swap3A, %swap3A_93], %mul3A_92 {strides = array<i32>} : memref<80x144xf32, #tpu.memory_space<vmem>>, vector<16xf32>,
      %add3A_95 = arith.constant 0 : i32
      %add3A_96 = arith.addi %mul3A_86, %add3A_95 : i32
      %broadcast_in_dim3A_97 = vector.broadcast %add3A_96 : i32 to vector<16xi32>
      %gather3A_98 = tpu.vector_load_idx %arg16[%broadcast_in_dim3A_97] : memref<640xf32, #tpu.memory_space<vmem>>[vector<16xi32>], vector<16xf32>,
      %get3A_99 = arith.index_cast %scan3A_84 : i32 to index
      %get3A_100 = arith.constant 16 : index
      %get3A_101 = tpu.vector_load %arg8[%get3A_99, %get3A_100] {strides = array<i32>} : memref<80x144xf32, #tpu.memory_space<vmem>>, vector<16xf32>,
      %mul3A_102 = arith.mulf %get3A_101, %gather3A_98 : vector<16xf32>
      %swap3A_103 = arith.index_cast %scan3A_84 : i32 to index
      %swap3A_104 = arith.constant 16 : index
      %swap3A_105 = tpu.vector_load %arg8[%swap3A_103, %swap3A_104] {strides = array<i32>} : memref<80x144xf32, #tpu.memory_space<vmem>>, vector<16xf32>,
      tpu.vector_store %arg8[%swap3A_103, %swap3A_104], %mul3A_102 {strides = array<i32>} : memref<80x144xf32, #tpu.memory_space<vmem>>, vector<16xf32>,
      %add3A_106 = arith.constant 1 : i32
      %add3A_107 = arith.addi %mul3A_86, %add3A_106 : i32
      %broadcast_in_dim3A_108 = vector.broadcast %add3A_107 : i32 to vector<16xi32>
      %gather3A_109 = tpu.vector_load_idx %arg16[%broadcast_in_dim3A_108] : memref<640xf32, #tpu.memory_space<vmem>>[vector<16xi32>], vector<16xf32>,
      %get3A_110 = arith.index_cast %scan3A_84 : i32 to index
      %get3A_111 = arith.constant 32 : index
      %get3A_112 = tpu.vector_load %arg8[%get3A_110, %get3A_111] {strides = array<i32>} : memref<80x144xf32, #tpu.memory_space<vmem>>, vector<16xf32>,
      %mul3A_113 = arith.mulf %get3A_112, %gather3A_109 : vector<16xf32>
      %swap3A_114 = arith.index_cast %scan3A_84 : i32 to index
      %swap3A_115 = arith.constant 32 : index
      %swap3A_116 = tpu.vector_load %arg8[%swap3A_114, %swap3A_115] {strides = array<i32>} : memref<80x144xf32, #tpu.memory_space<vmem>>, vector<16xf32>,
      tpu.vector_store %arg8[%swap3A_114, %swap3A_115], %mul3A_113 {strides = array<i32>} : memref<80x144xf32, #tpu.memory_space<vmem>>, vector<16xf32>,
      %add3A_117 = arith.constant 1 : i32
      %add3A_118 = arith.addi %mul3A_86, %add3A_117 : i32
      %broadcast_in_dim3A_119 = vector.broadcast %add3A_118 : i32 to vector<16xi32>
      %gather3A_120 = tpu.vector_load_idx %arg16[%broadcast_in_dim3A_119] : memref<640xf32, #tpu.memory_space<vmem>>[vector<16xi32>], vector<16xf32>,
      %get3A_121 = arith.index_cast %scan3A_84 : i32 to index
      %get3A_122 = arith.constant 48 : index
      %get3A_123 = tpu.vector_load %arg8[%get3A_121, %get3A_122] {strides = array<i32>} : memref<80x144xf32, #tpu.memory_space<vmem>>, vector<16xf32>,
      %mul3A_124 = arith.mulf %get3A_123, %gather3A_120 : vector<16xf32>
      %swap3A_125 = arith.index_cast %scan3A_84 : i32 to index
      %swap3A_126 = arith.constant 48 : index
      %swap3A_127 = tpu.vector_load %arg8[%swap3A_125, %swap3A_126] {strides = array<i32>} : memref<80x144xf32, #tpu.memory_space<vmem>>, vector<16xf32>,
      tpu.vector_store %arg8[%swap3A_125, %swap3A_126], %mul3A_124 {strides = array<i32>} : memref<80x144xf32, #tpu.memory_space<vmem>>, vector<16xf32>,
      %add3A_128 = arith.constant 2 : i32
      %add3A_129 = arith.addi %mul3A_86, %add3A_128 : i32
      %broadcast_in_dim3A_130 = vector.broadcast %add3A_129 : i32 to vector<16xi32>
      %gather3A_131 = tpu.vector_load_idx %arg16[%broadcast_in_dim3A_130] : memref<640xf32, #tpu.memory_space<vmem>>[vector<16xi32>], vector<16xf32>,
      %get3A_132 = arith.index_cast %scan3A_84 : i32 to index
      %get3A_133 = arith.constant 64 : index
      %get3A_134 = tpu.vector_load %arg8[%get3A_132, %get3A_133] {strides = array<i32>} : memref<80x144xf32, #tpu.memory_space<vmem>>, vector<16xf32>,
      %mul3A_135 = arith.mulf %get3A_134, %gather3A_131 : vector<16xf32>
      %swap3A_136 = arith.index_cast %scan3A_84 : i32 to index
      %swap3A_137 = arith.constant 64 : index
      %swap3A_138 = tpu.vector_load %arg8[%swap3A_136, %swap3A_137] {strides = array<i32>} : memref<80x144xf32, #tpu.memory_space<vmem>>, vector<16xf32>,
      tpu.vector_store %arg8[%swap3A_136, %swap3A_137], %mul3A_135 {strides = array<i32>} : memref<80x144xf32, #tpu.memory_space<vmem>>, vector<16xf32>,
      %add3A_139 = arith.constant 2 : i32
      %add3A_140 = arith.addi %mul3A_86, %add3A_139 : i32
      %broadcast_in_dim3A_141 = vector.broadcast %add3A_140 : i32 to vector<16xi32>
      %gather3A_142 = tpu.vector_load_idx %arg16[%broadcast_in_dim3A_141] : memref<640xf32, #tpu.memory_space<vmem>>[vector<16xi32>], vector<16xf32>,
      %get3A_143 = arith.index_cast %scan3A_84 : i32 to index
      %get3A_144 = arith.constant 80 : index
      %get3A_145 = tpu.vector_load %arg8[%get3A_143, %get3A_144] {strides = array<i32>} : memref<80x144xf32, #tpu.memory_space<vmem>>, vector<16xf32>,
      %mul3A_146 = arith.mulf %get3A_145, %gather3A_142 : vector<16xf32>
      %swap3A_147 = arith.index_cast %scan3A_84 : i32 to index
      %swap3A_148 = arith.constant 80 : index
      %swap3A_149 = tpu.vector_load %arg8[%swap3A_147, %swap3A_148] {strides = array<i32>} : memref<80x144xf32, #tpu.memory_space<vmem>>, vector<16xf32>,
      tpu.vector_store %arg8[%swap3A_147, %swap3A_148], %mul3A_146 {strides = array<i32>} : memref<80x144xf32, #tpu.memory_space<vmem>>, vector<16xf32>,
      %add3A_150 = arith.constant 3 : i32
      %add3A_151 = arith.addi %mul3A_86, %add3A_150 : i32
      %broadcast_in_dim3A_152 = vector.broadcast %add3A_151 : i32 to vector<16xi32>
      %gather3A_153 = tpu.vector_load_idx %arg16[%broadcast_in_dim3A_152] : memref<640xf32, #tpu.memory_space<vmem>>[vector<16xi32>], vector<16xf32>,
      %get3A_154 = arith.index_cast %scan3A_84 : i32 to index
      %get3A_155 = arith.constant 96 : index
      %get3A_156 = tpu.vector_load %arg8[%get3A_154, %get3A_155] {strides = array<i32>} : memref<80x144xf32, #tpu.memory_space<vmem>>, vector<16xf32>,
      %mul3A_157 = arith.mulf %get3A_156, %gather3A_153 : vector<16xf32>
      %swap3A_158 = arith.index_cast %scan3A_84 : i32 to index
      %swap3A_159 = arith.constant 96 : index
      %swap3A_160 = tpu.vector_load %arg8[%swap3A_158, %swap3A_159] {strides = array<i32>} : memref<80x144xf32, #tpu.memory_space<vmem>>, vector<16xf32>,
      tpu.vector_store %arg8[%swap3A_158, %swap3A_159], %mul3A_157 {strides = array<i32>} : memref<80x144xf32, #tpu.memory_space<vmem>>, vector<16xf32>,
      %add3A_161 = arith.constant 3 : i32
      %add3A_162 = arith.addi %mul3A_86, %add3A_161 : i32
      %broadcast_in_dim3A_163 = vector.broadcast %add3A_162 : i32 to vector<16xi32>
      %gather3A_164 = tpu.vector_load_idx %arg16[%broadcast_in_dim3A_163] : memref<640xf32, #tpu.memory_space<vmem>>[vector<16xi32>], vector<16xf32>,
      %get3A_165 = arith.index_cast %scan3A_84 : i32 to index
      %get3A_166 = arith.constant 112 : index
      %get3A_167 = tpu.vector_load %arg8[%get3A_165, %get3A_166] {strides = array<i32>} : memref<80x144xf32, #tpu.memory_space<vmem>>, vector<16xf32>,
      %mul3A_168 = arith.mulf %get3A_167, %gather3A_164 : vector<16xf32>
      %swap3A_169 = arith.index_cast %scan3A_84 : i32 to index
      %swap3A_170 = arith.constant 112 : index
      %swap3A_171 = tpu.vector_load %arg8[%swap3A_169, %swap3A_170] {strides = array<i32>} : memref<80x144xf32, #tpu.memory_space<vmem>>, vector<16xf32>,
      tpu.vector_store %arg8[%swap3A_169, %swap3A_170], %mul3A_168 {strides = array<i32>} : memref<80x144xf32, #tpu.memory_space<vmem>>, vector<16xf32>,
      %add3A_172 = vector.broadcast %mul3A_86 : i32 to vector<16xi32>
      %add3A_173 = arith.addi %add3A_172, %min3A_38 : vector<16xi32>
      %gather3A_174 = tpu.vector_load_idx %arg16[%add3A_173] : memref<640xf32, #tpu.memory_space<vmem>>[vector<16xi32>], vector<16xf32>,
      %get3A_175 = arith.index_cast %scan3A_84 : i32 to index
      %get3A_176 = arith.constant 128 : index
      %get3A_177 = tpu.vector_load %arg8[%get3A_175, %get3A_176] {strides = array<i32>} : memref<80x144xf32, #tpu.memory_space<vmem>>, vector<16xf32>,
      %mul3A_178 = arith.mulf %get3A_177, %gather3A_174 : vector<16xf32>
      %swap3A_179 = arith.index_cast %scan3A_84 : i32 to index
      %swap3A_180 = arith.constant 128 : index
      %swap3A_181 = tpu.vector_load %arg8[%swap3A_179, %swap3A_180] {strides = array<i32>} : memref<80x144xf32, #tpu.memory_space<vmem>>, vector<16xf32>,
      tpu.vector_store %arg8[%swap3A_179, %swap3A_180], %mul3A_178 {strides = array<i32>} : memref<80x144xf32, #tpu.memory_space<vmem>>, vector<16xf32>,
    }
    %scan3A_77 = arith.constant 80 : i32
    "tpu.region"() ({
      %run_scoped3A_84 = tpu.sem_alloc : memref<!tpu.dma_semaphore, #tpu.memory_space<semaphore_mem>>
      %dma_start3A_85 = arith.constant 0 : i32
      %dma_start3A_86 = arith.constant 0 : i32
      %dma_start3A_87 = tpu.memref_slice %arg17[%dma_start3A_85, %dma_start3A_86] : memref<10000x144xf32, #tpu.memory_space<vmem_shared>> -> memref<10000x144xf32, #tpu.memory_space<vmem_shared>>
      tpu.enqueue_indirect_dma source(%arg8 : memref<80x144xf32, #tpu.memory_space<vmem>>) target(%dma_start3A_87 : memref<10000x144xf32, #tpu.memory_space<vmem_shared>>) offsets(%arg7 : memref<80xi32, #tpu.memory_space<vmem>>) semaphore(%run_scoped3A_84 : memref<!tpu.dma_semaphore, #tpu.memory_space<semaphore_mem>>) {add = true}
      %dma_wait3A_88 = arith.constant 0 : i32
      %dma_wait3A_89 = arith.constant 0 : i32
      %dma_wait3A_90 = tpu.memref_slice %arg17[%dma_wait3A_88, %dma_wait3A_89] : memref<10000x144xf32, #tpu.memory_space<vmem_shared>> -> memref<10000x144xf32, #tpu.memory_space<vmem_shared>>
      tpu.wait_indirect_dma semaphore(%run_scoped3A_84 : memref<!tpu.dma_semaphore, #tpu.memory_space<semaphore_mem>>) src(%arg8 : memref<80x144xf32, #tpu.memory_space<vmem>>) dst(%dma_wait3A_90 : memref<10000x144xf32, #tpu.memory_space<vmem_shared>>)
      tpu.yield
    }) : () -> ()
    %barrier3A_78 = arith.constant 0 : index
    tpu.barrier barrier_id(%barrier3A_78)
    "tpu.region"() ({
      %run_scoped3A_84 = tpu.sem_alloc : memref<!tpu.dma_semaphore, #tpu.memory_space<semaphore_mem>>
      %dma_start3A_85 = arith.constant 0 : i32
      %dma_start3A_86 = tpu.memref_slice %arg5[%arg0, %mul3A_8, %dma_start3A_85] : memref<2x10000x144xf32, #tpu.memory_space<hbm>> -> memref<1x624x144xf32, #tpu.memory_space<hbm>>
      %dma_start3A_87 = tpu.memref_squeeze %dma_start3A_86 : memref<1x624x144xf32, #tpu.memory_space<hbm>> -> memref<624x144xf32, #tpu.memory_space<hbm>>
      %dma_start3A_88 = arith.constant 0 : i32
      %dma_start3A_89 = tpu.memref_slice %arg17[%mul3A_8, %dma_start3A_88] : memref<10000x144xf32, #tpu.memory_space<vmem_shared>> -> memref<624x144xf32, #tpu.memory_space<vmem_shared>>
      tpu.enqueue_dma source(%dma_start3A_89 : memref<624x144xf32, #tpu.memory_space<vmem_shared>>) target(%dma_start3A_87 : memref<624x144xf32, #tpu.memory_space<hbm>>) target_semaphore(%run_scoped3A_84 : memref<!tpu.dma_semaphore, #tpu.memory_space<semaphore_mem>>)
      %dma_wait3A_90 = arith.constant 0 : i32
      %dma_wait3A_91 = tpu.memref_slice %arg5[%arg0, %mul3A_8, %dma_wait3A_90] : memref<2x10000x144xf32, #tpu.memory_space<hbm>> -> memref<1x624x144xf32, #tpu.memory_space<hbm>>
      %dma_wait3A_92 = tpu.memref_squeeze %dma_wait3A_91 : memref<1x624x144xf32, #tpu.memory_space<hbm>> -> memref<624x144xf32, #tpu.memory_space<hbm>>
      %dma_wait3A_93 = arith.constant 0 : i32
      %dma_wait3A_94 = tpu.memref_slice %arg17[%mul3A_8, %dma_wait3A_93] : memref<10000x144xf32, #tpu.memory_space<vmem_shared>> -> memref<624x144xf32, #tpu.memory_space<vmem_shared>>
      tpu.wait_dma2 semaphore(%run_scoped3A_84 : memref<!tpu.dma_semaphore, #tpu.memory_space<semaphore_mem>>) src(%dma_wait3A_94 : memref<624x144xf32, #tpu.memory_space<vmem_shared>>) dst(%dma_wait3A_92 : memref<624x144xf32, #tpu.memory_space<hbm>>)
      tpu.yield
    }) : () -> ()
    %eq3A_79 = arith.constant 15 : i32
    %eq3A_80 = arith.cmpi eq, %arg1, %eq3A_79 : i32
    %convert_element_type3A_81 = arith.extui %eq3A_80 : i1 to i32
    %cond3A_82 = arith.constant 0 : i32
    %cond3A_83 = arith.cmpi ne, %convert_element_type3A_81, %cond3A_82 : i32
    scf.if %cond3A_83 {
      "tpu.region"() ({
        %run_scoped3A_84 = tpu.sem_alloc : memref<!tpu.dma_semaphore, #tpu.memory_space<semaphore_mem>>
        %dma_start3A_85 = arith.constant 9984 : i32
        %dma_start3A_86 = arith.constant 0 : i32
        %dma_start3A_87 = tpu.memref_slice %arg5[%arg0, %dma_start3A_85, %dma_start3A_86] : memref<2x10000x144xf32, #tpu.memory_space<hbm>> -> memref<1x16x144xf32, #tpu.memory_space<hbm>>
        %dma_start3A_88 = tpu.memref_squeeze %dma_start3A_87 : memref<1x16x144xf32, #tpu.memory_space<hbm>> -> memref<16x144xf32, #tpu.memory_space<hbm>>
        %dma_start3A_89 = arith.constant 9984 : i32
        %dma_start3A_90 = arith.constant 0 : i32
        %dma_start3A_91 = tpu.memref_slice %arg17[%dma_start3A_89, %dma_start3A_90] : memref<10000x144xf32, #tpu.memory_space<vmem_shared>> -> memref<16x144xf32, #tpu.memory_space<vmem_shared>>
        tpu.enqueue_dma source(%dma_start3A_91 : memref<16x144xf32, #tpu.memory_space<vmem_shared>>) target(%dma_start3A_88 : memref<16x144xf32, #tpu.memory_space<hbm>>) target_semaphore(%run_scoped3A_84 : memref<!tpu.dma_semaphore, #tpu.memory_space<semaphore_mem>>)
        %dma_wait3A_92 = arith.constant 9984 : i32
        %dma_wait3A_93 = arith.constant 0 : i32
        %dma_wait3A_94 = tpu.memref_slice %arg5[%arg0, %dma_wait3A_92, %dma_wait3A_93] : memref<2x10000x144xf32, #tpu.memory_space<hbm>> -> memref<1x16x144xf32, #tpu.memory_space<hbm>>
        %dma_wait3A_95 = tpu.memref_squeeze %dma_wait3A_94 : memref<1x16x144xf32, #tpu.memory_space<hbm>> -> memref<16x144xf32, #tpu.memory_space<hbm>>
        %dma_wait3A_96 = arith.constant 9984 : i32
        %dma_wait3A_97 = arith.constant 0 : i32
        %dma_wait3A_98 = tpu.memref_slice %arg17[%dma_wait3A_96, %dma_wait3A_97] : memref<10000x144xf32, #tpu.memory_space<vmem_shared>> -> memref<16x144xf32, #tpu.memory_space<vmem_shared>>
        tpu.wait_dma2 semaphore(%run_scoped3A_84 : memref<!tpu.dma_semaphore, #tpu.memory_space<semaphore_mem>>) src(%dma_wait3A_98 : memref<16x144xf32, #tpu.memory_space<vmem_shared>>) dst(%dma_wait3A_95 : memref<16x144xf32, #tpu.memory_space<hbm>>)
        tpu.yield
      }) : () -> ()
    } else {
    }
    return
  }
}

module attributes {stable_mosaic.version = 14 : i64} {
  func.func @_prep_body(%arg0: i32, %arg1: memref<400x128xf32, #tpu.memory_space<vmem>>, %arg2: memref<128x128xf32, #tpu.memory_space<vmem>>, %arg3: memref<128x8xf32, #tpu.memory_space<vmem>>, %arg4: memref<400x144xf32, #tpu.memory_space<vmem>>, %arg5: memref<400x8xf32, #tpu.memory_space<vmem>>) attributes {dimension_semantics = [#tpu.dimension_semantics<arbitrary>], iteration_bounds = array<i64: 25>, scalar_prefetch = 0 : i64, scratch_operands = 0 : i64, tpu.core_type = #tpu.core_type<tc>, window_params = [{transform_indices = @transform_0, window_bounds = array<i64: 400, 128>}, {pipeline_mode = #tpu.pipeline_mode<synchronous>, transform_indices = @transform_1, window_bounds = array<i64: 128, 128>}, {pipeline_mode = #tpu.pipeline_mode<synchronous>, transform_indices = @transform_2, window_bounds = array<i64: 128, 8>}, {transform_indices = @transform_3, window_bounds = array<i64: 400, 144>}, {transform_indices = @transform_4, window_bounds = array<i64: 400, 8>}]} {
    %get3A = arith.constant 0 : index
    %get3A_0 = arith.constant 0 : index
    %get3A_1 = vector.load %arg1[%get3A, %get3A_0] : memref<400x128xf32, #tpu.memory_space<vmem>>, vector<400x128xf32>
    %get3A_2 = arith.constant 0 : index
    %get3A_3 = arith.constant 0 : index
    %get3A_4 = vector.load %arg2[%get3A_2, %get3A_3] : memref<128x128xf32, #tpu.memory_space<vmem>>, vector<128x128xf32>
    %dot_general3A = arith.constant dense<0.000000e+00> : vector<400x128xf32>
    %dot_general3A_5 = tpu.matmul %get3A_1, %get3A_4, %dot_general3A {dimension_numbers = #tpu.dot_dimension_numbers<[1], [0], [0], [1], [0, 0, 1, 1], [], []>, transpose_lhs_hint = false} : vector<400x128xf32>, vector<128x128xf32>, vector<400x128xf32> -> vector<400x128xf32>
    %broadcast_in_dim3A = arith.constant 1.000000e+00 : f32
    %broadcast_in_dim3A_6 = vector.broadcast %broadcast_in_dim3A : f32 to vector<400x4xf32>
    %broadcast_in_dim3A_7 = arith.constant 0.000000e+00 : f32
    %broadcast_in_dim3A_8 = vector.broadcast %broadcast_in_dim3A_7 : f32 to vector<400x12xf32>
    %concatenate3A = tpu.concatenate %dot_general3A_5, %broadcast_in_dim3A_6, %broadcast_in_dim3A_8 in 1 : vector<400x128xf32>, vector<400x4xf32>, vector<400x12xf32> -> vector<400x144xf32>
    %swap3A = arith.constant 0 : index
    %swap3A_9 = arith.constant 0 : index
    %swap3A_10 = vector.load %arg4[%swap3A, %swap3A_9] : memref<400x144xf32, #tpu.memory_space<vmem>>, vector<400x144xf32>
    tpu.vector_store %arg4[%swap3A, %swap3A_9], %concatenate3A {strides = array<i32>} : memref<400x144xf32, #tpu.memory_space<vmem>>, vector<400x144xf32>,
    %get3A_11 = arith.constant 0 : index
    %get3A_12 = arith.constant 0 : index
    %get3A_13 = vector.load %arg3[%get3A_11, %get3A_12] : memref<128x8xf32, #tpu.memory_space<vmem>>, vector<128x8xf32>
    %dot_general3A_14 = arith.constant dense<0.000000e+00> : vector<400x8xf32>
    %dot_general3A_15 = tpu.matmul %dot_general3A_5, %get3A_13, %dot_general3A_14 {dimension_numbers = #tpu.dot_dimension_numbers<[1], [0], [0], [1], [0, 0, 1, 1], [], []>, transpose_lhs_hint = false} : vector<400x128xf32>, vector<128x8xf32>, vector<400x8xf32> -> vector<400x8xf32>
    %swap3A_16 = arith.constant 0 : index
    %swap3A_17 = arith.constant 0 : index
    %swap3A_18 = vector.load %arg5[%swap3A_16, %swap3A_17] : memref<400x8xf32, #tpu.memory_space<vmem>>, vector<400x8xf32>
    tpu.vector_store %arg5[%swap3A_16, %swap3A_17], %dot_general3A_15 {strides = array<i32>} : memref<400x8xf32, #tpu.memory_space<vmem>>, vector<400x8xf32>,
    return
  }
  func.func @transform_0(%arg0: i32) -> (i32, i32) {
    %c0_i32 = arith.constant 0 : i32
    %c0_i32_0 = arith.constant 0 : i32
    return %arg0, %c0_i32 : i32, i32
  }
  func.func @transform_1(%arg0: i32) -> (i32, i32) {
    %c0_i32 = arith.constant 0 : i32
    %c0_i32_0 = arith.constant 0 : i32
    %c0_i32_1 = arith.constant 0 : i32
    return %c0_i32, %c0_i32_0 : i32, i32
  }
  func.func @transform_2(%arg0: i32) -> (i32, i32) {
    %c0_i32 = arith.constant 0 : i32
    %c0_i32_0 = arith.constant 0 : i32
    %c0_i32_1 = arith.constant 0 : i32
    return %c0_i32, %c0_i32_0 : i32, i32
  }
  func.func @transform_3(%arg0: i32) -> (i32, i32) {
    %c0_i32 = arith.constant 0 : i32
    %c0_i32_0 = arith.constant 0 : i32
    return %arg0, %c0_i32 : i32, i32
  }
  func.func @transform_4(%arg0: i32) -> (i32, i32) {
    %c0_i32 = arith.constant 0 : i32
    %c0_i32_0 = arith.constant 0 : i32
    return %arg0, %c0_i32 : i32, i32
  }
}

module attributes {stable_mosaic.version = 14 : i64} {
  func.func @_mid_body(%arg0: i32, %arg1: memref<400x144xf32, #tpu.memory_space<vmem>>, %arg2: memref<400x144xf32, #tpu.memory_space<vmem>>, %arg3: memref<128x128xf32, #tpu.memory_space<vmem>>, %arg4: memref<128x8xf32, #tpu.memory_space<vmem>>, %arg5: memref<1x128xf32, #tpu.memory_space<vmem>>, %arg6: memref<400x144xf32, #tpu.memory_space<vmem>>, %arg7: memref<400x8xf32, #tpu.memory_space<vmem>>) attributes {dimension_semantics = [#tpu.dimension_semantics<arbitrary>], iteration_bounds = array<i64: 25>, scalar_prefetch = 0 : i64, scratch_operands = 0 : i64, tpu.core_type = #tpu.core_type<tc>, window_params = [{transform_indices = @transform_0, window_bounds = array<i64: 400, 144>}, {transform_indices = @transform_1, window_bounds = array<i64: 400, 144>}, {pipeline_mode = #tpu.pipeline_mode<synchronous>, transform_indices = @transform_2, window_bounds = array<i64: 128, 128>}, {pipeline_mode = #tpu.pipeline_mode<synchronous>, transform_indices = @transform_3, window_bounds = array<i64: 128, 8>}, {pipeline_mode = #tpu.pipeline_mode<synchronous>, transform_indices = @transform_4, window_bounds = array<i64: 1, 128>}, {transform_indices = @transform_5, window_bounds = array<i64: 400, 144>}, {transform_indices = @transform_6, window_bounds = array<i64: 400, 8>}]} {
    %get3A = arith.constant 0 : index
    %get3A_0 = arith.constant 0 : index
    %get3A_1 = vector.load %arg1[%get3A, %get3A_0] : memref<400x144xf32, #tpu.memory_space<vmem>>, vector<400x144xf32>
    %get3A_2 = arith.constant 0 : index
    %get3A_3 = arith.constant 0 : index
    %get3A_4 = vector.load %arg2[%get3A_2, %get3A_3] : memref<400x144xf32, #tpu.memory_space<vmem>>, vector<400x144xf32>
    %get3A_5 = arith.constant 0 : index
    %get3A_6 = arith.constant 0 : index
    %get3A_7 = vector.load %arg5[%get3A_5, %get3A_6] : memref<1x128xf32, #tpu.memory_space<vmem>>, vector<1x128xf32>
    %add3A = arith.addf %get3A_1, %get3A_4 : vector<400x144xf32>
    %slice3A = vector.extract_strided_slice %add3A {offsets = [0, 0], sizes = [400, 128], strides = [1, 1]} : vector<400x144xf32> to vector<400x128xf32>
    %slice3A_8 = vector.extract_strided_slice %add3A {offsets = [0, 128], sizes = [400, 4], strides = [1, 1]} : vector<400x144xf32> to vector<400x4xf32>
    %iota3A = tpu.iota {dimensions = array<i32: 0>} : vector<4x128xi32>
    %iota3A_9 = tpu.iota {dimensions = array<i32: 1>} : vector<4x128xi32>
    %jit3A = arith.constant 32 : i32
    %div3A = vector.broadcast %jit3A : i32 to vector<4x128xi32>
    %div3A_10 = arith.divsi %iota3A_9, %div3A : vector<4x128xi32>
    %sign3A = arith.constant 0 : i32
    %sign3A_11 = vector.broadcast %sign3A : i32 to vector<4x128xi32>
    %sign3A_12 = arith.cmpi sgt, %iota3A_9, %sign3A_11 : vector<4x128xi32>
    %sign3A_13 = arith.extui %sign3A_12 : vector<4x128xi1> to vector<4x128xi32>
    %sign3A_14 = arith.constant 0 : i32
    %sign3A_15 = vector.broadcast %sign3A_14 : i32 to vector<4x128xi32>
    %sign3A_16 = arith.cmpi slt, %iota3A_9, %sign3A_15 : vector<4x128xi32>
    %sign3A_17 = arith.extui %sign3A_16 : vector<4x128xi1> to vector<4x128xi32>
    %sign3A_18 = arith.subi %sign3A_13, %sign3A_17 : vector<4x128xi32>
    %sign3A_19 = arith.constant 0 : i32
    %sign3A_20 = arith.cmpi sgt, %jit3A, %sign3A_19 : i32
    %sign3A_21 = arith.extui %sign3A_20 : i1 to i32
    %sign3A_22 = arith.constant 0 : i32
    %sign3A_23 = arith.cmpi slt, %jit3A, %sign3A_22 : i32
    %sign3A_24 = arith.extui %sign3A_23 : i1 to i32
    %sign3A_25 = arith.subi %sign3A_21, %sign3A_24 : i32
    %ne3A = vector.broadcast %sign3A_25 : i32 to vector<4x128xi32>
    %ne3A_26 = arith.cmpi ne, %sign3A_18, %ne3A : vector<4x128xi32>
    %rem3A = vector.broadcast %jit3A : i32 to vector<4x128xi32>
    %rem3A_27 = arith.remsi %iota3A_9, %rem3A : vector<4x128xi32>
    %ne3A_28 = arith.constant 0 : i32
    %ne3A_29 = vector.broadcast %ne3A_28 : i32 to vector<4x128xi32>
    %ne3A_30 = arith.cmpi ne, %rem3A_27, %ne3A_29 : vector<4x128xi32>
    %and3A = arith.andi %ne3A_26, %ne3A_30 : vector<4x128xi1>
    %sub3A = arith.constant 1 : i32
    %sub3A_31 = vector.broadcast %sub3A : i32 to vector<4x128xi32>
    %sub3A_32 = arith.subi %div3A_10, %sub3A_31 : vector<4x128xi32>
    %select_n3A = arith.select %and3A, %sub3A_32, %div3A_10 : vector<4x128xi1>, vector<4x128xi32>
    %eq3A = arith.cmpi eq, %iota3A, %select_n3A : vector<4x128xi32>
    %jit3A_33 = arith.constant 1.000000e+00 : f32
    %jit3A_34 = arith.constant 0.000000e+00 : f32
    %broadcast_in_dim3A = vector.broadcast %jit3A_33 : f32 to vector<4x128xf32>
    %broadcast_in_dim3A_35 = vector.broadcast %jit3A_34 : f32 to vector<4x128xf32>
    %select_n3A_36 = arith.select %eq3A, %broadcast_in_dim3A, %broadcast_in_dim3A_35 : vector<4x128xi1>, vector<4x128xf32>
    %dot_general3A = arith.constant dense<0.000000e+00> : vector<400x128xf32>
    %dot_general3A_37 = tpu.matmul %slice3A_8, %select_n3A_36, %dot_general3A {dimension_numbers = #tpu.dot_dimension_numbers<[1], [0], [0], [1], [0, 0, 1, 1], [], []>, transpose_lhs_hint = false} : vector<400x4xf32>, vector<4x128xf32>, vector<400x128xf32> -> vector<400x128xf32>
    %add3A_38 = arith.constant 9.99999971E-10 : f32
    %add3A_39 = vector.broadcast %add3A_38 : f32 to vector<400x128xf32>
    %add3A_40 = arith.addf %dot_general3A_37, %add3A_39 : vector<400x128xf32>
    %div3A_41 = arith.divf %slice3A, %add3A_40 : vector<400x128xf32>
    %add3A_42 = vector.broadcast %get3A_7 : vector<1x128xf32> to vector<400x128xf32>
    %add3A_43 = arith.addf %div3A_41, %add3A_42 : vector<400x128xf32>
    %gt3A = arith.constant 0.000000e+00 : f32
    %gt3A_44 = vector.broadcast %gt3A : f32 to vector<400x128xf32>
    %gt3A_45 = arith.cmpf ogt, %add3A_43, %gt3A_44 : vector<400x128xf32>
    %min3A = arith.constant 0.000000e+00 : f32
    %min3A_46 = vector.broadcast %min3A : f32 to vector<400x128xf32>
    %min3A_47 = arith.minimumf %add3A_43, %min3A_46 : vector<400x128xf32>
    %exp3A = math.exp %min3A_47 : vector<400x128xf32>
    %sub3A_48 = arith.constant 1.000000e+00 : f32
    %sub3A_49 = vector.broadcast %sub3A_48 : f32 to vector<400x128xf32>
    %sub3A_50 = arith.subf %exp3A, %sub3A_49 : vector<400x128xf32>
    %select_n3A_51 = arith.select %gt3A_45, %add3A_43, %sub3A_50 : vector<400x128xi1>, vector<400x128xf32>
    %get3A_52 = arith.constant 0 : index
    %get3A_53 = arith.constant 0 : index
    %get3A_54 = vector.load %arg3[%get3A_52, %get3A_53] : memref<128x128xf32, #tpu.memory_space<vmem>>, vector<128x128xf32>
    %dot_general3A_55 = arith.constant dense<0.000000e+00> : vector<400x128xf32>
    %dot_general3A_56 = tpu.matmul %select_n3A_51, %get3A_54, %dot_general3A_55 {dimension_numbers = #tpu.dot_dimension_numbers<[1], [0], [0], [1], [0, 0, 1, 1], [], []>, transpose_lhs_hint = false} : vector<400x128xf32>, vector<128x128xf32>, vector<400x128xf32> -> vector<400x128xf32>
    %broadcast_in_dim3A_57 = arith.constant 1.000000e+00 : f32
    %broadcast_in_dim3A_58 = vector.broadcast %broadcast_in_dim3A_57 : f32 to vector<400x4xf32>
    %broadcast_in_dim3A_59 = arith.constant 0.000000e+00 : f32
    %broadcast_in_dim3A_60 = vector.broadcast %broadcast_in_dim3A_59 : f32 to vector<400x12xf32>
    %concatenate3A = tpu.concatenate %dot_general3A_56, %broadcast_in_dim3A_58, %broadcast_in_dim3A_60 in 1 : vector<400x128xf32>, vector<400x4xf32>, vector<400x12xf32> -> vector<400x144xf32>
    %swap3A = arith.constant 0 : index
    %swap3A_61 = arith.constant 0 : index
    %swap3A_62 = vector.load %arg6[%swap3A, %swap3A_61] : memref<400x144xf32, #tpu.memory_space<vmem>>, vector<400x144xf32>
    tpu.vector_store %arg6[%swap3A, %swap3A_61], %concatenate3A {strides = array<i32>} : memref<400x144xf32, #tpu.memory_space<vmem>>, vector<400x144xf32>,
    %get3A_63 = arith.constant 0 : index
    %get3A_64 = arith.constant 0 : index
    %get3A_65 = vector.load %arg4[%get3A_63, %get3A_64] : memref<128x8xf32, #tpu.memory_space<vmem>>, vector<128x8xf32>
    %dot_general3A_66 = arith.constant dense<0.000000e+00> : vector<400x8xf32>
    %dot_general3A_67 = tpu.matmul %dot_general3A_56, %get3A_65, %dot_general3A_66 {dimension_numbers = #tpu.dot_dimension_numbers<[1], [0], [0], [1], [0, 0, 1, 1], [], []>, transpose_lhs_hint = false} : vector<400x128xf32>, vector<128x8xf32>, vector<400x8xf32> -> vector<400x8xf32>
    %swap3A_68 = arith.constant 0 : index
    %swap3A_69 = arith.constant 0 : index
    %swap3A_70 = vector.load %arg7[%swap3A_68, %swap3A_69] : memref<400x8xf32, #tpu.memory_space<vmem>>, vector<400x8xf32>
    tpu.vector_store %arg7[%swap3A_68, %swap3A_69], %dot_general3A_67 {strides = array<i32>} : memref<400x8xf32, #tpu.memory_space<vmem>>, vector<400x8xf32>,
    return
  }
  func.func @transform_0(%arg0: i32) -> (i32, i32) {
    %c0_i32 = arith.constant 0 : i32
    %c0_i32_0 = arith.constant 0 : i32
    return %arg0, %c0_i32 : i32, i32
  }
  func.func @transform_1(%arg0: i32) -> (i32, i32) {
    %c0_i32 = arith.constant 0 : i32
    %c0_i32_0 = arith.constant 0 : i32
    return %arg0, %c0_i32 : i32, i32
  }
  func.func @transform_2(%arg0: i32) -> (i32, i32) {
    %c0_i32 = arith.constant 0 : i32
    %c0_i32_0 = arith.constant 0 : i32
    %c0_i32_1 = arith.constant 0 : i32
    return %c0_i32, %c0_i32_0 : i32, i32
  }
  func.func @transform_3(%arg0: i32) -> (i32, i32) {
    %c0_i32 = arith.constant 0 : i32
    %c0_i32_0 = arith.constant 0 : i32
    %c0_i32_1 = arith.constant 0 : i32
    return %c0_i32, %c0_i32_0 : i32, i32
  }
  func.func @transform_4(%arg0: i32) -> (i32, i32) {
    %c0_i32 = arith.constant 0 : i32
    %c0_i32_0 = arith.constant 0 : i32
    %c0_i32_1 = arith.constant 0 : i32
    return %c0_i32, %c0_i32_0 : i32, i32
  }
  func.func @transform_5(%arg0: i32) -> (i32, i32) {
    %c0_i32 = arith.constant 0 : i32
    %c0_i32_0 = arith.constant 0 : i32
    return %arg0, %c0_i32 : i32, i32
  }
  func.func @transform_6(%arg0: i32) -> (i32, i32) {
    %c0_i32 = arith.constant 0 : i32
    %c0_i32_0 = arith.constant 0 : i32
    return %arg0, %c0_i32 : i32, i32
  }
}

module attributes {stable_mosaic.version = 14 : i64} {
  func.func @_fin_body(%arg0: i32, %arg1: memref<400x144xf32, #tpu.memory_space<vmem>>, %arg2: memref<400x144xf32, #tpu.memory_space<vmem>>, %arg3: memref<1x128xf32, #tpu.memory_space<vmem>>, %arg4: memref<400x32xf32, #tpu.memory_space<vmem>>) attributes {dimension_semantics = [#tpu.dimension_semantics<arbitrary>], iteration_bounds = array<i64: 25>, scalar_prefetch = 0 : i64, scratch_operands = 0 : i64, tpu.core_type = #tpu.core_type<tc>, window_params = [{transform_indices = @transform_0, window_bounds = array<i64: 400, 144>}, {transform_indices = @transform_1, window_bounds = array<i64: 400, 144>}, {pipeline_mode = #tpu.pipeline_mode<synchronous>, transform_indices = @transform_2, window_bounds = array<i64: 1, 128>}, {transform_indices = @transform_3, window_bounds = array<i64: 400, 32>}]} {
    %get3A = arith.constant 0 : index
    %get3A_0 = arith.constant 0 : index
    %get3A_1 = vector.load %arg1[%get3A, %get3A_0] : memref<400x144xf32, #tpu.memory_space<vmem>>, vector<400x144xf32>
    %get3A_2 = arith.constant 0 : index
    %get3A_3 = arith.constant 0 : index
    %get3A_4 = vector.load %arg2[%get3A_2, %get3A_3] : memref<400x144xf32, #tpu.memory_space<vmem>>, vector<400x144xf32>
    %get3A_5 = arith.constant 0 : index
    %get3A_6 = arith.constant 0 : index
    %get3A_7 = vector.load %arg3[%get3A_5, %get3A_6] : memref<1x128xf32, #tpu.memory_space<vmem>>, vector<1x128xf32>
    %add3A = arith.addf %get3A_1, %get3A_4 : vector<400x144xf32>
    %slice3A = vector.extract_strided_slice %add3A {offsets = [0, 0], sizes = [400, 128], strides = [1, 1]} : vector<400x144xf32> to vector<400x128xf32>
    %slice3A_8 = vector.extract_strided_slice %add3A {offsets = [0, 128], sizes = [400, 4], strides = [1, 1]} : vector<400x144xf32> to vector<400x4xf32>
    %iota3A = tpu.iota {dimensions = array<i32: 0>} : vector<4x128xi32>
    %iota3A_9 = tpu.iota {dimensions = array<i32: 1>} : vector<4x128xi32>
    %jit3A = arith.constant 32 : i32
    %div3A = vector.broadcast %jit3A : i32 to vector<4x128xi32>
    %div3A_10 = arith.divsi %iota3A_9, %div3A : vector<4x128xi32>
    %sign3A = arith.constant 0 : i32
    %sign3A_11 = vector.broadcast %sign3A : i32 to vector<4x128xi32>
    %sign3A_12 = arith.cmpi sgt, %iota3A_9, %sign3A_11 : vector<4x128xi32>
    %sign3A_13 = arith.extui %sign3A_12 : vector<4x128xi1> to vector<4x128xi32>
    %sign3A_14 = arith.constant 0 : i32
    %sign3A_15 = vector.broadcast %sign3A_14 : i32 to vector<4x128xi32>
    %sign3A_16 = arith.cmpi slt, %iota3A_9, %sign3A_15 : vector<4x128xi32>
    %sign3A_17 = arith.extui %sign3A_16 : vector<4x128xi1> to vector<4x128xi32>
    %sign3A_18 = arith.subi %sign3A_13, %sign3A_17 : vector<4x128xi32>
    %sign3A_19 = arith.constant 0 : i32
    %sign3A_20 = arith.cmpi sgt, %jit3A, %sign3A_19 : i32
    %sign3A_21 = arith.extui %sign3A_20 : i1 to i32
    %sign3A_22 = arith.constant 0 : i32
    %sign3A_23 = arith.cmpi slt, %jit3A, %sign3A_22 : i32
    %sign3A_24 = arith.extui %sign3A_23 : i1 to i32
    %sign3A_25 = arith.subi %sign3A_21, %sign3A_24 : i32
    %ne3A = vector.broadcast %sign3A_25 : i32 to vector<4x128xi32>
    %ne3A_26 = arith.cmpi ne, %sign3A_18, %ne3A : vector<4x128xi32>
    %rem3A = vector.broadcast %jit3A : i32 to vector<4x128xi32>
    %rem3A_27 = arith.remsi %iota3A_9, %rem3A : vector<4x128xi32>
    %ne3A_28 = arith.constant 0 : i32
    %ne3A_29 = vector.broadcast %ne3A_28 : i32 to vector<4x128xi32>
    %ne3A_30 = arith.cmpi ne, %rem3A_27, %ne3A_29 : vector<4x128xi32>
    %and3A = arith.andi %ne3A_26, %ne3A_30 : vector<4x128xi1>
    %sub3A = arith.constant 1 : i32
    %sub3A_31 = vector.broadcast %sub3A : i32 to vector<4x128xi32>
    %sub3A_32 = arith.subi %div3A_10, %sub3A_31 : vector<4x128xi32>
    %select_n3A = arith.select %and3A, %sub3A_32, %div3A_10 : vector<4x128xi1>, vector<4x128xi32>
    %eq3A = arith.cmpi eq, %iota3A, %select_n3A : vector<4x128xi32>
    %jit3A_33 = arith.constant 1.000000e+00 : f32
    %jit3A_34 = arith.constant 0.000000e+00 : f32
    %broadcast_in_dim3A = vector.broadcast %jit3A_33 : f32 to vector<4x128xf32>
    %broadcast_in_dim3A_35 = vector.broadcast %jit3A_34 : f32 to vector<4x128xf32>
    %select_n3A_36 = arith.select %eq3A, %broadcast_in_dim3A, %broadcast_in_dim3A_35 : vector<4x128xi1>, vector<4x128xf32>
    %dot_general3A = arith.constant dense<0.000000e+00> : vector<400x128xf32>
    %dot_general3A_37 = tpu.matmul %slice3A_8, %select_n3A_36, %dot_general3A {dimension_numbers = #tpu.dot_dimension_numbers<[1], [0], [0], [1], [0, 0, 1, 1], [], []>, transpose_lhs_hint = false} : vector<400x4xf32>, vector<4x128xf32>, vector<400x128xf32> -> vector<400x128xf32>
    %add3A_38 = arith.constant 9.99999971E-10 : f32
    %add3A_39 = vector.broadcast %add3A_38 : f32 to vector<400x128xf32>
    %add3A_40 = arith.addf %dot_general3A_37, %add3A_39 : vector<400x128xf32>
    %div3A_41 = arith.divf %slice3A, %add3A_40 : vector<400x128xf32>
    %add3A_42 = vector.broadcast %get3A_7 : vector<1x128xf32> to vector<400x128xf32>
    %add3A_43 = arith.addf %div3A_41, %add3A_42 : vector<400x128xf32>
    %gt3A = arith.constant 0.000000e+00 : f32
    %gt3A_44 = vector.broadcast %gt3A : f32 to vector<400x128xf32>
    %gt3A_45 = arith.cmpf ogt, %add3A_43, %gt3A_44 : vector<400x128xf32>
    %min3A = arith.constant 0.000000e+00 : f32
    %min3A_46 = vector.broadcast %min3A : f32 to vector<400x128xf32>
    %min3A_47 = arith.minimumf %add3A_43, %min3A_46 : vector<400x128xf32>
    %exp3A = math.exp %min3A_47 : vector<400x128xf32>
    %sub3A_48 = arith.constant 1.000000e+00 : f32
    %sub3A_49 = vector.broadcast %sub3A_48 : f32 to vector<400x128xf32>
    %sub3A_50 = arith.subf %exp3A, %sub3A_49 : vector<400x128xf32>
    %select_n3A_51 = arith.select %gt3A_45, %add3A_43, %sub3A_50 : vector<400x128xi1>, vector<400x128xf32>
    %iota3A_52 = tpu.iota {dimensions = array<i32: 0>} : vector<128x32xi32>
    %jit3A_53 = arith.constant 32 : i32
    %eq3A_54 = arith.constant 0 : i32
    %eq3A_55 = arith.cmpi eq, %jit3A_53, %eq3A_54 : i32
    %jit3A_56 = arith.constant 1 : i32
    %select_n3A_57 = arith.select %eq3A_55, %jit3A_56, %jit3A_53 : i32
    %rem3A_58 = vector.broadcast %select_n3A_57 : i32 to vector<128x32xi32>
    %rem3A_59 = arith.remsi %iota3A_52, %rem3A_58 : vector<128x32xi32>
    %ne3A_60 = arith.constant 0 : i32
    %ne3A_61 = vector.broadcast %ne3A_60 : i32 to vector<128x32xi32>
    %ne3A_62 = arith.cmpi ne, %rem3A_59, %ne3A_61 : vector<128x32xi32>
    %lt3A = arith.constant 0 : i32
    %lt3A_63 = vector.broadcast %lt3A : i32 to vector<128x32xi32>
    %lt3A_64 = arith.cmpi slt, %rem3A_59, %lt3A_63 : vector<128x32xi32>
    %lt3A_65 = arith.constant 0 : i32
    %lt3A_66 = arith.cmpi slt, %select_n3A_57, %lt3A_65 : i32
    %ne3A_67 = vector.broadcast %lt3A_66 : i1 to vector<128x32xi1>
    %ne3A_68 = vector.broadcast %ne3A_67 : vector<128x32xi1> to vector<128x32xi1>
    %ne3A_69 = arith.xori %lt3A_64, %ne3A_68 : vector<128x32xi1>
    %and3A_70 = arith.andi %ne3A_69, %ne3A_62 : vector<128x32xi1>
    %add3A_71 = vector.broadcast %select_n3A_57 : i32 to vector<128x32xi32>
    %add3A_72 = arith.addi %rem3A_59, %add3A_71 : vector<128x32xi32>
    %select_n3A_73 = arith.select %and3A_70, %add3A_72, %rem3A_59 : vector<128x32xi1>, vector<128x32xi32>
    %iota3A_74 = tpu.iota {dimensions = array<i32: 1>} : vector<128x32xi32>
    %eq3A_75 = arith.cmpi eq, %select_n3A_73, %iota3A_74 : vector<128x32xi32>
    %jit3A_76 = arith.constant 2.500000e-01 : f32
    %jit3A_77 = arith.constant 0.000000e+00 : f32
    %broadcast_in_dim3A_78 = vector.broadcast %jit3A_76 : f32 to vector<128x32xf32>
    %broadcast_in_dim3A_79 = vector.broadcast %jit3A_77 : f32 to vector<128x32xf32>
    %select_n3A_80 = arith.select %eq3A_75, %broadcast_in_dim3A_78, %broadcast_in_dim3A_79 : vector<128x32xi1>, vector<128x32xf32>
    %dot_general3A_81 = arith.constant dense<0.000000e+00> : vector<400x32xf32>
    %dot_general3A_82 = tpu.matmul %select_n3A_51, %select_n3A_80, %dot_general3A_81 {dimension_numbers = #tpu.dot_dimension_numbers<[1], [0], [0], [1], [0, 0, 1, 1], [], []>, transpose_lhs_hint = false} : vector<400x128xf32>, vector<128x32xf32>, vector<400x32xf32> -> vector<400x32xf32>
    %swap3A = arith.constant 0 : index
    %swap3A_83 = arith.constant 0 : index
    %swap3A_84 = vector.load %arg4[%swap3A, %swap3A_83] : memref<400x32xf32, #tpu.memory_space<vmem>>, vector<400x32xf32>
    tpu.vector_store %arg4[%swap3A, %swap3A_83], %dot_general3A_82 {strides = array<i32>} : memref<400x32xf32, #tpu.memory_space<vmem>>, vector<400x32xf32>,
    return
  }
  func.func @transform_0(%arg0: i32) -> (i32, i32) {
    %c0_i32 = arith.constant 0 : i32
    %c0_i32_0 = arith.constant 0 : i32
    return %arg0, %c0_i32 : i32, i32
  }
  func.func @transform_1(%arg0: i32) -> (i32, i32) {
    %c0_i32 = arith.constant 0 : i32
    %c0_i32_0 = arith.constant 0 : i32
    return %arg0, %c0_i32 : i32, i32
  }
  func.func @transform_2(%arg0: i32) -> (i32, i32) {
    %c0_i32 = arith.constant 0 : i32
    %c0_i32_0 = arith.constant 0 : i32
    %c0_i32_1 = arith.constant 0 : i32
    return %c0_i32, %c0_i32_0 : i32, i32
  }
  func.func @transform_3(%arg0: i32) -> (i32, i32) {
    %c0_i32 = arith.constant 0 : i32
    %c0_i32_0 = arith.constant 0 : i32
    return %arg0, %c0_i32 : i32, i32
  }
}

</mosaic_0001>

<sc_bundles>
// kernel: kernel.10.cloned.1.call-start
scs
__scs_entry_jumppad:
0x0: {  	(pc) =	sbr.rel $0x88, $3  }
0x1: {  	(tag) =	ssettag $0x0;
	lr =	simm.s32 $0x1  }
0x2: {  	[smem:$0x3F97] =	sst lr;
	_ =	strace $0xD0000000  }
0x3: {  	_ = 	snop  }
0x4: {  	_ = 	snop  }
0x5: {  	_ = 	snop  }
0x6: {  	_ = 	snop  }
0x7: {  	_ = 	snop  }
__scs_overlays_trampoline_lowered:
0x8: {  	[smem:$0x3FA6] =	sst s0  }
0x9: {  	[smem:$0x3FA7] =	sst s1  }
0xa: {  	[smem:$0x3FA8] =	sst s2  }
0xb: {  	[smem:$0x3FA9] =	sst s3  }
0xc: {  	[smem:$0x3FAA] =	sst s4  }
0xd: {  	[smem:$0x3FAB] =	sst s5  }
0xe: {  	[smem:$0x3FAC] =	sst s6  }
0xf: {  	[smem:$0x3FAD] =	sst s7  }
0x10: {  	[smem:$0x3FAE] =	sst s8  }
0x11: {  	[smem:$0x3FAF] =	sst s9;
	s0 =	simm.s32 @!p0 $0x0  }
0x12: {  	s1 =	sld [smem:$0x3F95];
	s0 =	simm.s32 @p0 $0x1  }
0x13: {  	[smem:$0x3FB0] =	sst s0;
	s0 =	simm.s32 @!p1 $0x0  }
0x14: {  	s2 =	sld [smem:$0x3F94];
	s0 =	simm.s32 @p1 $0x1  }
0x15: {  	[smem:$0x3FB1] =	sst s0;
	s0 =	simm.s32 @!p2 $0x0  }
0x16: {  	s3 =	sld [smem:$0x3FDB];
	s0 =	simm.s32 @p2 $0x1  }
0x17: {  	s4 =	simm.s32 $0x1BF5;
	[smem:$0x3FB3] =	sst s0  }
0x18: {  	s0 =	sld [smem:$0x3F96];
	_ =	swait.ge [sflag:s4], $0x0  }
0x19: {  	s7 =	sld [smem:$0x3F97]  }
0x1a: {  	s8 =	sadd.s32 $0xFFFFE003, lr  }
0x1b: {  	s9 =	sadd.s32 $0xFFFFFEF7, lr;
	s5 =	simm.s32 $0xFFFFFFFF;
	p2 =	slt.u32 s8, $0xFFFFF086  }
0x1c: {  	p1 =	slt.u32 s9, $0xF7A;
	s5 =	simm.s32 @!p2 $0x0  }
0x1d: {  	s5 =	simm.s32 @p1 $0x1;
	p0 =	seq.s32 s7, s2  }
0x1e: {  	s7 =	smul.u32 @!p0 $0xF7A, s2;
	p2 =	seq.s32 @!p0 s5, $0x0  }
0x1f: {  	s9 =	smul.u32 $0xF7A, s1;
	s8 =	simm.s32 @!p0 $0x1BF5;
	p2 =	por !p2, p0  }
0x20: {  	[sflag:s8] =	ssyncset.s32 @!p0 $0xFFFFF086;
	s6 =	sadd.s32 @!p0 s3, s7;
	s7 =	simm.s32 @!p0 $0x108  }
0x21: {  	s3 =	sadd.s32 s3, s9;
	s6 =	sadd.s32 @!p0 $0x88, s6;
	s7 =	simm.s32 @p2 $0x1082  }
0x22: {  	[simem:s7], [sflag:s8] =	dma.local @!p0 [hbm:s6], $0xF7A  }
0x23: {  	s9 =	sor.u32 $0xD0000000, s2;
	s6 =	simm.s32 $0x108;
	_ =	swait.ge @!p0 [sflag:s8], $0x0  }
0x24: {  	s3 =	sadd.s32 $0x88, s3;
	s6 =	simm.s32 @!p1 $0x1082;
	[sflag:s4] =	ssyncset.s32 $0xFFFFF086  }
0x25: {  	[simem:s6], [sflag:s4] =	dma.local [hbm:s3], $0xF7A  }
0x26: {  	[smem:$0x3F97] =	sst s1;
	(tag) =	ssettag s2;
	_ =	strace s9  }
0x27: {  	s1 =	sld [smem:$0x3FA7]  }
0x28: {  	s2 =	sld [smem:$0x3FA8]  }
0x29: {  	s4 =	sld [smem:$0x3FAA]  }
0x2a: {  	p0 =	seq.s32 s5, $0x0;
	s5 =	sld [smem:$0x3FAB]  }
0x2b: {  	s6 =	sld [smem:$0x3FAC]  }
0x2c: {  	s7 =	sld [smem:$0x3FAD]  }
0x2d: {  	s3 =	simm.s32 $0x108;
	s8 =	sld [smem:$0x3FAE]  }
0x2e: {  	s3 =	simm.s32 @!p0 $0x1082;
	s9 =	sld [smem:$0x3FAF]  }
0x2f: {  	lr =	sadd.s32 s0, s3;
	s0 =	sld [smem:$0x3FA6]  }
0x30: {  	s3 =	sld [smem:$0x3FA9]  }
0x31: {  	[smem:$0x3FB2] =	sst s10  }
0x32: {  	s10 =	sld [smem:$0x3FB0];
	_ =	sdelay $0x3  }
0x33: {  	p0 =	seq.s32 s10, $0x1;
	s10 =	sld [smem:$0x3FB2];
	_ =	sdelay $0x3  }
0x34: {  	[smem:$0x3FB2] =	sst s10  }
0x35: {  	s10 =	sld [smem:$0x3FB1];
	_ =	sdelay $0x3  }
0x36: {  	p1 =	seq.s32 s10, $0x1;
	s10 =	sld [smem:$0x3FB2];
	_ =	sdelay $0x3  }
0x37: {  	[smem:$0x3FB2] =	sst s10  }
0x38: {  	s10 =	sld [smem:$0x3FB3]  }
0x39: {  	_ = 	snop;
	(pc) =	sbr.ind lr, $3  }
0x3a: {  	_ = 	snop  }
0x3b: {  	_ = 	snop  }
0x3c: {  	p2 =	seq.s32 s10, $0x1;
	s10 =	sld [smem:$0x3FB2]  }
0x3d: {  	_ =	shalt  }
0x3e: {  	_ =	shalt  }
0x3f: {  	_ =	shalt  }
0x40: {  	_ =	shalt  }
0x41: {  	_ =	shalt  }
0x42: {  	_ =	shalt  }
0x43: {  	_ =	shalt  }
0x44: {  	_ =	shalt  }
0x45: {  	_ =	shalt  }
0x46: {  	_ =	shalt  }
0x47: {  	_ =	shalt  }
0x48: {  	_ =	shalt  }
0x49: {  	_ =	shalt  }
0x4a: {  	_ =	shalt  }
0x4b: {  	_ =	shalt  }
0x4c: {  	_ =	shalt  }
0x4d: {  	_ =	shalt  }
0x4e: {  	_ =	shalt  }
0x4f: {  	_ =	shalt  }
0x50: {  	_ =	shalt  }
0x51: {  	_ =	shalt  }
0x52: {  	_ =	shalt  }
0x53: {  	_ =	shalt  }
0x54: {  	_ =	shalt  }
0x55: {  	_ =	shalt  }
0x56: {  	_ =	shalt  }
0x57: {  	_ =	shalt  }
0x58: {  	_ =	shalt  }
0x59: {  	_ =	shalt  }
0x5a: {  	_ =	shalt  }
0x5b: {  	_ =	shalt  }
0x5c: {  	_ =	shalt  }
0x5d: {  	_ =	shalt  }
0x5e: {  	_ =	shalt  }
0x5f: {  	_ =	shalt  }
0x60: {  	_ =	shalt  }
0x61: {  	_ =	shalt  }
0x62: {  	_ =	shalt  }
0x63: {  	_ =	shalt  }
0x64: {  	_ =	shalt  }
0x65: {  	_ =	shalt  }
0x66: {  	_ =	shalt  }
0x67: {  	_ =	shalt  }
0x68: {  	_ =	shalt  }
0x69: {  	_ =	shalt  }
0x6a: {  	_ =	shalt  }
0x6b: {  	_ =	shalt  }
0x6c: {  	_ =	shalt  }
0x6d: {  	_ =	shalt  }
0x6e: {  	_ =	shalt  }
0x6f: {  	_ =	shalt  }
0x70: {  	_ =	shalt  }
0x71: {  	_ =	shalt  }
0x72: {  	_ =	shalt  }
0x73: {  	_ =	shalt  }
0x74: {  	_ =	shalt  }
0x75: {  	_ =	shalt  }
0x76: {  	_ =	shalt  }
0x77: {  	_ =	shalt  }
0x78: {  	_ =	shalt  }
0x79: {  	_ =	shalt  }
0x7a: {  	_ =	shalt  }
0x7b: {  	_ =	shalt  }
0x7c: {  	_ =	shalt  }
0x7d: {  	_ =	shalt  }
0x7e: {  	_ =	shalt  }
0x7f: {  	_ =	shalt  }
0x80: {  	_ =	shalt  }
0x81: {  	_ =	shalt  }
0x82: {  	_ =	shalt  }
0x83: {  	_ =	shalt  }
0x84: {  	_ =	shalt  }
0x85: {  	_ =	shalt  }
0x86: {  	_ =	shalt  }
0x87: {  	_ =	shalt  }
.Lfunc_end0:
.L_simem_size_0:
called_computation.1_lowered:
.L_overlay_start_0:
0x88: {  	s2 =	sld [smem:$0x3FD9]  }
0x89: {  	s3 =	sld [smem:$0x3FFE];
	_ =	sdelay $0x1  }
0x8a: {  	s1 =	srdreg.scid  }
0x8b: {  	s0 =	sand.u32 $0x1, s1  }
0x8c: {  	s17 =	sshll.u32 s0, $0xA;
	s2 =	sadd.s32 s3, s2  }
0x8d: {  	s2 =	sadd.s32 s2, s17  }
0x8e: {  	[smem:$0x3FBE] =	sst s2  }
0x8f: {  	_ = 	snop  }
0x90: {  	s2 =	sld [smem:$0x3FD0];
	(tm) =	ssettm $0x1  }
0x91: {  	s18 =	sld [smem:$0x3FFB];
	_ =	sdelay $0x3  }
0x92: {  	_ =	strace s18  }
0x93: {  	s3 =	sld [smem:$0x3FFC];
	_ =	sdelay $0x3  }
0x94: {  	_ =	strace s3  }
0x95: {  	s3 =	sld [smem:$0x3FFD];
	_ =	sdelay $0x3  }
0x96: {  	_ =	strace s3  }
0x97: {  	_ =	strace $0x8FFFFFFF  }
0x98: {  	s19 =	sld [smem:$0x3FDB];
	_ =	sdelay $0x1  }
0x99: {  	s4 =	simm.s32 $_scs_section_size  }
0x9a: {  	s5 =	simm.s32 $_size__tile_overlayer_lowered;
	s6 =	simm.s32 $_tile_overlayer_lowered  }
0x9b: {  	s22 =	simm.s32 $0x1BFF;
	s21 =	sshll.u32 s6, $0x1;
	s3 =	sadd.s32 s4, s19  }
0x9c: {  	s7 =	simm.s32 $0x0;
	s20 =	sshll.u32 s5, $0x1;
	s5 =	sadd.s32 s21, s3  }
0x9d: {  	[timem:s7], [sflag:s22] =	dma.local [hbm:s5], s20  }
0x9e: {  	_ =	swait.ge [sflag:s22], s20  }
0x9f: {  	s4 =	ssub.s32 $0x0, s20;
	[sflag:s22] =	ssyncset.done $0x0  }
0xa0: {  	[sflag:s22] =	ssyncadd.s32 s4;
	_ =	sdelay $0x1  }
0xa1: {  	s23 =	simm.s32 $0x1B8B  }
0xa2: {  	_ =	swait.ge [sflag:s23], $0x1  }
0xa3: {  	[sflag:s23] =	ssyncset.done $0x0  }
0xa4: {  	s25 =	simm.s32 $0x1B8E;
	s24 =	sld [smem:$0x3FFE];
	[sflag:s23] =	ssyncadd.s32 $0xFFFFFFFF  }
0xa5: {  	s26 =	simm.s32 $execute0_lowered;
	[smem:$0x3FD2] =	sst s25  }
0xa6: {  	s5 =	sshll.u32 s26, $0x1;
	_ =	strace $0x80000049;
	[dreg:$0x1] =	wrdreg $0xFFFFFFFF  }
0xa7: {  	s28 =	simm.s32 $_size_execute0_lowered;
	s3 =	sadd.s32 s3, s5;
	[dreg:$0x0] =	wrdreg $0x0  }
0xa8: {  	s5 =	sshll.u32 s28, $0x1;
	[dreg:$0x2] =	wrdreg s3  }
0xa9: {  	[dreg:$0x3] =	wrdreg s5  }
0xaa: {  	[dreg:$0x4] =	wrdreg $0xC0  }
0xab: {  	_ =	task [dreg:s7], $0x5FFFF  }
0xac: {  	[dreg:$0x1] =	wrdreg $0xFFFFFFFF  }
0xad: {  	[dreg:$0x0] =	wrdreg $0x60  }
0xae: {  	[dreg:$0x2] =	wrdreg s24  }
0xaf: {  	[dreg:$0x3] =	wrdreg s2  }
0xb0: {  	[dreg:$0x4] =	wrdreg $0x67C00  }
0xb1: {  	[dreg:$0x5] =	wrdreg $0x9  }
0xb2: {  	_ =	task.clear_ibuf [dreg:s7], $0x6FFFF;
	_ =	strace $0x90000049  }
0xb3: {  	s29 =	simm.s32 $0x9;
	_ =	strace $0x8000004B  }
0xb4: {  	_ =	swait.ge [sflag:s29], $0x1  }
0xb5: {  	[sflag:s29] =	ssyncadd.s32 $0xFFFFFFFF  }
0xb6: {  	_ =	strace $0x9000004B  }
0xb7: {  	_ =	sfence  }
0xb8: {  	s30 =	sld [smem:$0x0];
	_ =	sdelay $0x2  }
0xb9: {  	s31 =	sshll.u32 s1, $0xD;
	s1 =	sshrl.u32 s1, $0x2  }
0xba: {  	s3 =	sand.u32 $0x4000, s31;
	s1 =	sadd.s32 s1, s30  }
0xbb: {  	s0 =	sor.u32 s3, s0;
	s1 =	sshll.u32 s1, $0x11  }
0xbc: {  	s0 =	sor.u32 s1, s0  }
0xbd: {  	s0 =	sadd.s32 $0x8F2B, s0  }
0xbe: {  	[sflag:s0] =	ssyncadd.remote.s32 $0x1  }
0xbf: {  	_ =	sfence.sel $0xFFFF  }
0xc0: {  	[dreg:$0x0] =	wrdreg $0xFFFFFFFF;
	(pc) =	sbr.abs _section_cstart, $3  }
0xc1: {  	[dreg:$0x1] =	wrdreg $0xFFFFFFFF  }
0xc2: {  	_ =	task.clear_ibuf [dreg:s7], $0x2FFFF;
	_ =	strace $0x9FFFFFFF  }
0xc3: {  	(tm) =	ssettm $0x7FFFFFFF  }
tec
execute0_lowered:
.L_overlay_start_1:
0x0: {  	(tag) =	ssettag $0x1  }
0x1: {  	s0 =	rddreg [dreg:$0x0]  }
0x2: {  	s1 =	rddreg [dreg:$0x1]  }
0x3: {  	s2 =	rddreg [dreg:$0x2];
	s4 =	simm.s32 $0x0;
	s3 =	srdreg.scid  }
0x4: {  	s13 =	stileid.u32;
	s28 =	simm.s32 $0x3020;
	s29 =	simm.s32 $0x32A0  }
0x5: {  	s30 =	simm.s32 $0x32F0;
	s31 =	simm.s32 $0x3340;
	s14 =	simm.s32 $0x6  }
0x6: {  	[smem:$0x7FF] =	sst s4;
	s5 =	sadd.s32 $0x2000, s0;
	s3 =	sand.u32 $0x1, s3  }
0x7: {  	s7 =	smul.u32 $0x57C00, s13;
	s6 =	sadd.s32 $0x2E000, s0;
	s0 =	sadd.s32 $0x41A00, s0  }
0x8: {  	s10 =	smul.u32 $0x15F00, s13;
	s15 =	sshll.u32 s13, $0x1;
	p0 =	sne.s32 s13, $0xF  }
0x9: {  	s13 =	simm.s32 $0x5;
	s8 =	ssub.s32 $0x2, s3;
	s7 =	sshrl.u32 s7, $0x2  }
0xa: {  	_ =	strace $0x8000004A;
	s9 =	sshrl.u32 s8, $0x1;
	s12 =	sadd.s32 s7, s2  }
0xb: {  	s8 =	ssub.s32 s8, s9;
	s9 =	sor.u32 s3, s15;
	s11 =	sadd.s32 $0x2D00, s12  }
0xc: {  	s7 =	sadd.s32 s10, s2;
	s16 =	sadd.s32 $0x5A00, s12;
	[dreg:$0x4] =	wrdreg s11  }
0xd: {  	s3 =	smul.u32 $0x15F900, s3;
	s17 =	sadd.s32 $0x8700, s12;
	[dreg:$0x5] =	wrdreg s16  }
0xe: {  	s15 =	simm.s32 $0x4;
	s18 =	sadd.s32 $0xB400, s12;
	[dreg:$0x6] =	wrdreg s17  }
0xf: {  	s19 =	sadd.s32 $0xE100, s12;
	s20 =	sadd.s32 $0x10E00, s12;
	[dreg:$0x7] =	wrdreg s18  }
0x10: {  	s21 =	sadd.s32 $0x13B00, s12;
	s26 =	smax.u32 s8, $0x1;
	[dreg:$0x8] =	wrdreg s19  }
0x11: {  	s8 =	simm.s32 $0x2;
	s12 =	simm.s32 $0x6540;
	[dreg:$0x9] =	wrdreg s20  }
0x12: {  	s11 =	smul.u32 $0x2710, s9;
	[dreg:$0xa] =	wrdreg s21;
	s16 =	sadd.s32 $0x15F000, s2  }
0x13: {  	s10 =	sadd.s32 s10, s3;
	s3 =	sshrl.u32 s3, $0x3;
	[dreg:$0xf] =	wrdreg s26  }
0x14: {  	s26 =	simm.s32 $0x2DA0;
	s24 =	sshrl.u32 s10, $0x3;
	s3 =	sadd.s32 s0, s3  }
0x15: {  	s10 =	simm.s32 $0x1;
	s22 =	sshrl.u32 s11, $0x3;
	s17 =	sadd.s32 $0x50, s11  }
0x16: {  	v3 =	vlaneseq.u32;
	v0 =	vimm.f32 $0.0e+00;
	s0 =	sadd.s32 s0, s24;
	s25 =	sadd.s32 $0x2BE00, s3;
	s24 =	simm.s32 $0x7  }
0x17: {  	v2 =	vimm.s32 $0x3020100;
	v4 =	vimm.s32 $0x0;
	vm0 =	vcmask $0x300;
	s3 =	simm.s32 $0x62C0;
	s9 =	sadd.s32 s6, s22;
	[dreg:$0xd] =	wrdreg s0  }
0x18: {  	vm15 =	vcmask $0xF00;
	v1 =	vshrl.u32 v3, $0x3;
	v5 =	vunpack.c.0.s8.s32 v2;
	[dreg:$0xe] =	wrdreg s25;
	s25 =	simm.s32 $0x50;
	s23 =	sadd.s32 $0x4D8, s9  }
0x19: {  	v6 =	vand.u32 $0x3, v3;
	v2 =	vsel vm0, $0x3, v4;
	v1 =	vmul.u32 $0x8, v1;
	s0 =	simm.s32 $0x6040;
	s9 =	sadd.s32 $0xA118, s9;
	[dreg:$0xb] =	wrdreg s23  }
0x1a: {  	v3 =	vand.u32 $0x7, v3;
	v4 =	vor.u32 $0x4, v6;
	v5 =	vnsel vm15, $0x3, v5;
	[dreg:$0xc] =	wrdreg s9;
	s23 =	simm.s32 $0xA0;
	s9 =	simm.s32 $0x3  }
.LBB2_1:
0x1b: {  	s18 =	simm.s32 $0x0;
	s19 =	simm.s32 $0x240  }
.LBB2_2:
0x1c: {  	p1 =	sne.s32 s19, $0xB1C0;
	[tilespmem:s18+$0x120] =	vst v0  }
0x1d: {  	[tilespmem:s18+$0xA0] =	vst v0  }
0x1e: {  	[tilespmem:s18+$0xB0] =	vst v0  }
0x1f: {  	[tilespmem:s18+$0xC0] =	vst v0  }
.Ltmp0:
0x20: {  	[tilespmem:s18+$0xD0] =	vst v0;
	(pc) =	sbr.rel @p1 .LBB2_2-.Ltmp0, $4  }
0x21: {  	[tilespmem:s18+$0xE0] =	vst v0  }
0x22: {  	[tilespmem:s18+$0xF0] =	vst v0  }
0x23: {  	[tilespmem:s18+$0x100] =	vst v0  }
0x24: {  	[tilespmem:s18+$0x110] =	vst v0;
	s18 =	sshra.s32 s19, $0x2;
	s19 =	sadd.s32 $0x240, s19  }
0x25: {  	[tilespmem:s18+$0x120] =	vst v0  }
0x26: {  	[tilespmem:s18+$0xA0] =	vst v0  }
0x27: {  	[tilespmem:s18+$0xB0] =	vst v0  }
0x28: {  	[tilespmem:s18+$0xC0] =	vst v0  }
0x29: {  	[tilespmem:s18+$0xD0] =	vst v0  }
0x2a: {  	[tilespmem:s18+$0xE0] =	vst v0  }
0x2b: {  	[tilespmem:s18+$0xF0] =	vst v0  }
0x2c: {  	[tilespmem:s18+$0x100] =	vst v0  }
0x2d: {  	[tilespmem:s18+$0x110] =	vst v0  }
0x2e: {  	[spmem:s7] =	stream.linear.scatter [tilespmem:s23], [sflag:$0x7], $0x2D00, $0x38;
	[tilespmem:$0x1C750] =	vst v63  }
0x2f: {  	_ =	swait.ge [sflag:s24], $0x2D00  }
0x30: {  	[sflag:s24] =	ssyncset.done $0x0  }
0x31: {  	s20 =	rddreg [dreg:$0x4];
	[sflag:s24] =	ssyncadd.s32 $0xFFFFD300  }
0x32: {  	[spmem:s20] =	stream.linear.scatter [tilespmem:s23], [sflag:$0x7], $0x2D00, $0x38;
	[tilespmem:$0x1C750] =	vst v63  }
0x33: {  	_ =	swait.ge [sflag:s24], $0x2D00  }
0x34: {  	[sflag:s24] =	ssyncset.done $0x0  }
0x35: {  	s21 =	rddreg [dreg:$0x5];
	[sflag:s24] =	ssyncadd.s32 $0xFFFFD300  }
0x36: {  	[spmem:s21] =	stream.linear.scatter [tilespmem:s23], [sflag:$0x7], $0x2D00, $0x38;
	[tilespmem:$0x1C750] =	vst v63  }
0x37: {  	_ =	swait.ge [sflag:s24], $0x2D00  }
0x38: {  	[sflag:s24] =	ssyncset.done $0x0  }
0x39: {  	s22 =	rddreg [dreg:$0x6];
	[sflag:s24] =	ssyncadd.s32 $0xFFFFD300  }
0x3a: {  	[spmem:s22] =	stream.linear.scatter [tilespmem:s23], [sflag:$0x7], $0x2D00, $0x38;
	[tilespmem:$0x1C750] =	vst v63  }
0x3b: {  	_ =	swait.ge [sflag:s24], $0x2D00  }
0x3c: {  	[sflag:s24] =	ssyncset.done $0x0  }
0x3d: {  	s19 =	rddreg [dreg:$0x7];
	[sflag:s24] =	ssyncadd.s32 $0xFFFFD300  }
0x3e: {  	[spmem:s19] =	stream.linear.scatter [tilespmem:s23], [sflag:$0x7], $0x2D00, $0x38;
	[tilespmem:$0x1C750] =	vst v63  }
0x3f: {  	_ =	swait.ge [sflag:s24], $0x2D00  }
0x40: {  	[sflag:s24] =	ssyncset.done $0x0  }
0x41: {  	s20 =	rddreg [dreg:$0x8];
	[sflag:s24] =	ssyncadd.s32 $0xFFFFD300  }
0x42: {  	[spmem:s20] =	stream.linear.scatter [tilespmem:s23], [sflag:$0x7], $0x2D00, $0x38;
	[tilespmem:$0x1C750] =	vst v63  }
0x43: {  	_ =	swait.ge [sflag:s24], $0x2D00  }
0x44: {  	[sflag:s24] =	ssyncset.done $0x0  }
0x45: {  	s21 =	rddreg [dreg:$0x9];
	[sflag:s24] =	ssyncadd.s32 $0xFFFFD300  }
0x46: {  	[spmem:s21] =	stream.linear.scatter [tilespmem:s23], [sflag:$0x7], $0x2D00, $0x38;
	[tilespmem:$0x1C750] =	vst v63  }
0x47: {  	_ =	swait.ge [sflag:s24], $0x2D00  }
0x48: {  	[sflag:s24] =	ssyncset.done $0x0  }
0x49: {  	s22 =	rddreg [dreg:$0xa];
	[sflag:s24] =	ssyncadd.s32 $0xFFFFD300  }
0x4a: {  	[spmem:s22] =	stream.linear.scatter [tilespmem:s23], [sflag:$0x7], $0x2400, $0x38;
	[tilespmem:$0x1C750] =	vst v63  }
0x4b: {  	_ =	swait.ge [sflag:s24], $0x2400  }
0x4c: {  	[sflag:s24] =	ssyncset.done $0x0  }
0x4d: {  	s18 =	simm.s32 @!p0 $0xA0;
	[sflag:s24] =	ssyncadd.s32 $0xFFFFDC00  }
0x4e: {  	[spmem:s16] =	stream.linear.scatter @!p0 [tilespmem:s18], [sflag:$0x7], $0x900, $0x38;
	[tilespmem:$0x1C750] =	vst v63  }
0x4f: {  	s18 =	simm.s32 @!p0 $0x7  }
0x50: {  	_ =	swait.ge @!p0 [sflag:s18], $0x900  }
0x51: {  	[sflag:s18] =	ssyncset.done @!p0 $0x0  }
0x52: {  	[sflag:s18] =	ssyncadd.s32 @!p0 $0xFFFFF700  }
0x53: {  	s19 =	simm.s32 $0x0;
	s18 =	simm.s32 $0x0;
	[bflag:$0x0] =	sbarrier.arrive $0xFFFF  }
.LBB2_4:
0x54: {  	s20 =	smul.u32 $0xA0, s19;
	_ =	sdelay $0x1  }
0x55: {  	s21 =	sadd.s32 s11, s20  }
0x56: {  	s21 =	sshrl.u32 s21, $0x3  }
0x57: {  	s21 =	sadd.s32 s6, s21  }
0x58: {  	[tilespmem:s18], [sflag:$0x7] =	stream.linear.gather [hbm4b:s21+s18], $0x50, $0x38;
	[tilespmem:$0x1C750] =	vst v63  }
0x59: {  	_ =	swait.ge [sflag:s24], $0x50  }
0x5a: {  	[sflag:s24] =	ssyncset.done $0x0  }
0x5b: {  	s21 =	sadd.s32 $0x9C40, s21;
	[sflag:s24] =	ssyncadd.s32 $0xFFFFFFB0  }
0x5c: {  	[tilespmem:s25], [sflag:$0x7] =	stream.linear.gather [hbm4b:s21+s18], $0x50, $0x38;
	[tilespmem:$0x1C750] =	vst v63  }
0x5d: {  	_ =	swait.ge [sflag:s24], $0x50  }
0x5e: {  	[sflag:s24] =	ssyncset.done $0x0  }
0x5f: {  	[sflag:s24] =	ssyncadd.s32 $0xFFFFFFB0  }
0x60: {  	[tilespmem:s23], [sflag:$0x1] =	stream.indirect.gather [hbm4b:s5+s25], $0x90, s18, s25, $0xb8;
	[tilespmem:$0x1C750] =	vst v63  }
0x61: {  	s20 =	sadd.s32 s20, s17  }
0x62: {  	[tilespmem:s26], [sflag:$0x2] =	stream.indirect.gather [hbm4b:s1+s25], $0x8, s18, s25, $0xb8;
	[tilespmem:$0x1C750] =	vst v63  }
0x63: {  	s20 =	sshrl.u32 s20, $0x3  }
0x64: {  	[tilespmem:s28], [sflag:$0x3] =	stream.indirect.gather [hbm4b:s1+s25], $0x8, s25, s25, $0xb8;
	[tilespmem:$0x1C750] =	vst v63  }
0x65: {  	s20 =	sadd.s32 s6, s20  }
0x66: {  	[tilespmem:s29], [sflag:$0x7] =	stream.linear.gather [hbm4b:s20+s18], $0x50, $0x38;
	[tilespmem:$0x1C750] =	vst v63  }
0x67: {  	_ =	swait.ge [sflag:s24], $0x50  }
0x68: {  	[sflag:s24] =	ssyncset.done $0x0  }
0x69: {  	s20 =	sadd.s32 $0x9C40, s20;
	[sflag:s24] =	ssyncadd.s32 $0xFFFFFFB0  }
0x6a: {  	[tilespmem:s30], [sflag:$0x7] =	stream.linear.gather [hbm4b:s20+s18], $0x50, $0x38;
	[tilespmem:$0x1C750] =	vst v63  }
0x6b: {  	_ =	swait.ge [sflag:s24], $0x50  }
0x6c: {  	[sflag:s24] =	ssyncset.done $0x0  }
0x6d: {  	[sflag:s24] =	ssyncadd.s32 $0xFFFFFFB0  }
0x6e: {  	[tilespmem:s31], [sflag:$0x4] =	stream.indirect.gather [hbm4b:s5+s25], $0x90, s29, s25, $0xb8;
	[tilespmem:$0x1C750] =	vst v63  }
0x6f: {  	_ = 	snop  }
0x70: {  	[tilespmem:s0], [sflag:$0x5] =	stream.indirect.gather [hbm4b:s1+s25], $0x8, s29, s25, $0xb8;
	[tilespmem:$0x1C750] =	vst v63  }
0x71: {  	v6 =	vmov s18  }
0x72: {  	v6 =	vshll.u32 v6, $0x3;
	[tilespmem:s3], [sflag:$0x6] =	stream.indirect.gather [hbm4b:s1+s25], $0x8, s30, s25, $0xb8;
	[tilespmem:$0x1C750] =	vst v63  }
0x73: {  	v6 =	vor.u32 v1, v6;
	_ =	swait.ge [sflag:s8], $0x280  }
0x74: {  	v7 =	vor.u32 v4, v6;
	[sflag:s8] =	ssyncset.done $0x0  }
0x75: {  	v6 =	vor.u32 v3, v6;
	[sflag:s8] =	ssyncadd.s32 $0xFFFFFD80  }
0x76: {  	_ =	swait.ge [sflag:s9], $0x280  }
0x77: {  	[sflag:s9] =	ssyncset.done $0x0  }
0x78: {  	[sflag:s9] =	ssyncadd.s32 $0xFFFFFD80  }
0x79: {  	v7 =	vld.idx.msk [tilespmem:v7+s28+$0x0], $0xffff  }
0x7a: {  	v6 =	vld.idx.msk [tilespmem:v6+s26+$0x0], $0xffff;
	_ =	sdelay $0x4  }
0x7b: {  	v6 =	vadd.f32 v7, v6;
	_ =	sdelay $0x1  }
0x7c: {  	v7 =	vmul.f32 $2.000000030e-01, v6;
	_ =	sdelay $0x1  }
0x7d: {  	v6 =	vmax.f32 v6, v7  }
0x7e: {  	v6 =	vmul.f32 $1.442695020e+00, v6;
	_ =	sdelay $0x1  }
0x7f: {  	(erf) = vpow2.f32 v6;
	_ =	sdelay $0x1  }
0x80: {  	s21 =	simm.s32 $0x2  }
0x81: {  	v6 =	vmov s21  }
0x82: {  	v6 =	vshll.u32 v6, $0x3  }
0x83: {  	v6 =	vor.u32 v1, v6  }
0x84: {  	v7 =	vor.u32 v4, v6  }
0x85: {  	v6 =	vor.u32 v3, v6;
	_ =	sdelay $0x1  }
0x86: {  	s20 =	simm.s32 $0x6540;
	v8 =	vpop (erf)  }
0x87: {  	[tilespmem:s20+$0x0] =	vst v8  }
0x88: {  	v7 =	vld.idx.msk [tilespmem:v7+s28+$0x0], $0xffff  }
0x89: {  	v6 =	vld.idx.msk [tilespmem:v6+s26+$0x0], $0xffff;
	_ =	sdelay $0x4  }
0x8a: {  	v6 =	vadd.f32 v7, v6;
	_ =	sdelay $0x1  }
0x8b: {  	v7 =	vmul.f32 $2.000000030e-01, v6;
	_ =	sdelay $0x1  }
0x8c: {  	v6 =	vmax.f32 v6, v7  }
0x8d: {  	v6 =	vmul.f32 $1.442695020e+00, v6;
	_ =	sdelay $0x1  }
0x8e: {  	(erf) = vpow2.f32 v6;
	_ =	sdelay $0x1  }
0x8f: {  	s22 =	simm.s32 $0x4  }
0x90: {  	v7 =	vmov s22  }
0x91: {  	s21 =	simm.s32 $0x6;
	v6 =	vshll.u32 v7, $0x3  }
.LBB2_5:
0x92: {  	p1 =	sne.s32 s21, $0x4E;
	v6 =	vor.u32 v1, v6  }
0x93: {  	v7 =	vor.u32 v4, v6  }
0x94: {  	v6 =	vor.u32 v3, v6;
	_ =	sdelay $0x1  }
0x95: {  	s20 =	sadd.s32 $0x10, s20;
	v8 =	vpop (erf)  }
0x96: {  	[tilespmem:s20+$0x0] =	vst v8  }
0x97: {  	v7 =	vld.idx.msk [tilespmem:v7+s28+$0x0], $0xffff  }
0x98: {  	v6 =	vld.idx.msk [tilespmem:v6+s26+$0x0], $0xffff;
	_ =	sdelay $0x5  }
0x99: {  	v6 =	vadd.f32 v7, v6;
	_ =	sdelay $0x1  }
0x9a: {  	v7 =	vmul.f32 $2.000000030e-01, v6;
	_ =	sdelay $0x1  }
0x9b: {  	v6 =	vmax.f32 v6, v7  }
0x9c: {  	v6 =	vmul.f32 $1.442695020e+00, v6;
	_ =	sdelay $0x1  }
.Ltmp1:
0x9d: {  	(erf) = vpow2.f32 v6;
	(pc) =	sbr.rel @p1 .LBB2_5-.Ltmp1, $3  }
0x9e: {  	_ =	sdelay $0x1  }
0x9f: {  	v6 =	vmov s21  }
0xa0: {  	s21 =	sadd.s32 $0x2, s21;
	v6 =	vshll.u32 v6, $0x3  }
0xa1: {  	v6 =	vor.u32 v1, v6  }
0xa2: {  	v7 =	vor.u32 v4, v6  }
0xa3: {  	v6 =	vor.u32 v3, v6;
	_ =	sdelay $0x1  }
0xa4: {  	s20 =	sadd.s32 $0x10, s20;
	v8 =	vpop (erf)  }
0xa5: {  	[tilespmem:s20+$0x0] =	vst v8  }
0xa6: {  	v7 =	vld.idx.msk [tilespmem:v7+s28+$0x0], $0xffff  }
0xa7: {  	v6 =	vld.idx.msk [tilespmem:v6+s26+$0x0], $0xffff;
	_ =	sdelay $0x4  }
0xa8: {  	v6 =	vadd.f32 v7, v6;
	_ =	sdelay $0x1  }
0xa9: {  	v7 =	vmul.f32 $2.000000030e-01, v6;
	_ =	sdelay $0x1  }
0xaa: {  	v6 =	vmax.f32 v6, v7  }
0xab: {  	v6 =	vmul.f32 $1.442695020e+00, v6;
	_ =	sdelay $0x1  }
0xac: {  	(erf) = vpow2.f32 v6;
	_ =	sdelay $0x7  }
0xad: {  	s21 =	simm.s32 $0x0  }
0xae: {  	s20 =	sadd.s32 $0x10, s20;
	v7 =	vmov s21;
	v6 =	vpop (erf)  }
0xaf: {  	[tilespmem:s20+$0x0] =	vst v6  }
0xb0: {  	_ =	swait.ge [sflag:s10], $0x2D00  }
0xb1: {  	[sflag:s10] =	ssyncset.done $0x0  }
0xb2: {  	[sflag:s10] =	ssyncadd.s32 $0xFFFFD300  }
0xb3: {  	s20 =	simm.s32 $0xE0;
	v6 =	vld.idx.msk [tilespmem:v7+s12+$0x0], $0xffff  }
0xb4: {  	v8 =	vld [tilespmem:s20+$0xFFFFFFC0];
	_ =	sdelay $0x4  }
0xb5: {  	v6 =	vmul.f32 v8, v6;
	_ =	sdelay $0x1  }
0xb6: {  	[tilespmem:s20+$0xFFFFFFC0] =	vst v6  }
0xb7: {  	v6 =	vld.idx.msk [tilespmem:v7+s12+$0x0], $0xffff;
	v7 =	vshrl.u32 v7, $0x3  }
0xb8: {  	v8 =	vld [tilespmem:s20+$0xFFFFFFD0];
	v7 =	vshll.u32 v7, v2  }
0xb9: {  	v9 =	vadd.s32 $0x1, v7  }
0xba: {  	v9 =	vbroadcast v9, $0x0;
	_ =	sdelay $0x2  }
0xbb: {  	v6 =	vmul.f32 v8, v6;
	_ =	sdelay $0x1  }
0xbc: {  	v8 =	vld [tilespmem:s20+$0xFFFFFFE0];
	[tilespmem:s20+$0xFFFFFFD0] =	vst v6  }
0xbd: {  	v6 =	vld.idx.msk [tilespmem:v9+s12+$0x0], $0xffff;
	_ =	sdelay $0x4  }
0xbe: {  	v6 =	vmul.f32 v8, v6;
	_ =	sdelay $0x1  }
0xbf: {  	v8 =	vld [tilespmem:s20+$0xFFFFFFF0];
	[tilespmem:s20+$0xFFFFFFE0] =	vst v6  }
0xc0: {  	v6 =	vld.idx.msk [tilespmem:v9+s12+$0x0], $0xffff  }
0xc1: {  	v9 =	vadd.s32 $0x2, v7  }
0xc2: {  	v9 =	vbroadcast v9, $0x0;
	_ =	sdelay $0x2  }
0xc3: {  	v6 =	vmul.f32 v8, v6;
	_ =	sdelay $0x1  }
0xc4: {  	v8 =	vld [tilespmem:s20+$0x0];
	[tilespmem:s20+$0xFFFFFFF0] =	vst v6  }
0xc5: {  	v6 =	vld.idx.msk [tilespmem:v9+s12+$0x0], $0xffff;
	_ =	sdelay $0x4  }
0xc6: {  	v6 =	vmul.f32 v8, v6;
	_ =	sdelay $0x1  }
0xc7: {  	v8 =	vld [tilespmem:s20+$0x10];
	[tilespmem:s20+$0x0] =	vst v6  }
0xc8: {  	v6 =	vld.idx.msk [tilespmem:v9+s12+$0x0], $0xffff  }
0xc9: {  	v7 =	vadd.s32 $0x3, v7  }
0xca: {  	v7 =	vbroadcast v7, $0x0;
	_ =	sdelay $0x2  }
0xcb: {  	v6 =	vmul.f32 v8, v6;
	_ =	sdelay $0x1  }
0xcc: {  	v8 =	vld [tilespmem:s20+$0x20];
	[tilespmem:s20+$0x10] =	vst v6  }
0xcd: {  	v6 =	vld.idx.msk [tilespmem:v7+s12+$0x0], $0xffff;
	_ =	sdelay $0x4  }
0xce: {  	v6 =	vmul.f32 v8, v6;
	_ =	sdelay $0x1  }
0xcf: {  	[tilespmem:s20+$0x20] =	vst v6  }
0xd0: {  	v6 =	vld.idx.msk [tilespmem:v7+s12+$0x0], $0xffff  }
0xd1: {  	v7 =	vld [tilespmem:s20+$0x30];
	_ =	sdelay $0x2  }
0xd2: {  	v8 =	vor.u32 s21, v5;
	_ =	sdelay $0x1  }
0xd3: {  	v6 =	vmul.f32 v7, v6;
	_ =	sdelay $0x1  }
0xd4: {  	[tilespmem:s20+$0x30] =	vst v6  }
0xd5: {  	v7 =	vld.idx.msk [tilespmem:v8+s12+$0x0], $0xffff  }
0xd6: {  	v8 =	vld [tilespmem:s20+$0x40];
	_ =	sdelay $0x1  }
0xd7: {  	s21 =	simm.s32 $0x8  }
0xd8: {  	s22 =	simm.s32 $0x10;
	v6 =	vmov s21  }
.LBB2_7:
0xd9: {  	p1 =	sne.s32 s22, $0x278  }
0xda: {  	v7 =	vmul.f32 v8, v7;
	_ =	sdelay $0x1  }
0xdb: {  	[tilespmem:s20+$0x40] =	vst v7  }
0xdc: {  	s20 =	sadd.s32 $0x90, s20;
	v7 =	vld.idx.msk [tilespmem:v6+s12+$0x0], $0xffff  }
0xdd: {  	v8 =	vld [tilespmem:s20+$0xFFFFFFC0];
	_ =	sdelay $0x4  }
0xde: {  	v7 =	vmul.f32 v8, v7;
	_ =	sdelay $0x1  }
0xdf: {  	[tilespmem:s20+$0xFFFFFFC0] =	vst v7  }
0xe0: {  	v7 =	vld.idx.msk [tilespmem:v6+s12+$0x0], $0xffff;
	v6 =	vshrl.u32 v6, $0x3  }
0xe1: {  	v8 =	vld [tilespmem:s20+$0xFFFFFFD0];
	v6 =	vshll.u32 v6, v2  }
0xe2: {  	v9 =	vadd.s32 $0x1, v6  }
0xe3: {  	v9 =	vbroadcast v9, $0x0;
	_ =	sdelay $0x2  }
0xe4: {  	v7 =	vmul.f32 v8, v7;
	_ =	sdelay $0x1  }
0xe5: {  	[tilespmem:s20+$0xFFFFFFD0] =	vst v7  }
0xe6: {  	v7 =	vld.idx.msk [tilespmem:v9+s12+$0x0], $0xffff  }
0xe7: {  	v8 =	vld [tilespmem:s20+$0xFFFFFFE0];
	_ =	sdelay $0x4  }
0xe8: {  	v7 =	vmul.f32 v8, v7;
	_ =	sdelay $0x1  }
0xe9: {  	[tilespmem:s20+$0xFFFFFFE0] =	vst v7  }
0xea: {  	v7 =	vld.idx.msk [tilespmem:v9+s12+$0x0], $0xffff  }
0xeb: {  	v8 =	vld [tilespmem:s20+$0xFFFFFFF0]  }
0xec: {  	v9 =	vadd.s32 $0x2, v6  }
0xed: {  	v9 =	vbroadcast v9, $0x0;
	_ =	sdelay $0x2  }
0xee: {  	v7 =	vmul.f32 v8, v7;
	_ =	sdelay $0x1  }
0xef: {  	[tilespmem:s20+$0xFFFFFFF0] =	vst v7  }
0xf0: {  	v7 =	vld.idx.msk [tilespmem:v9+s12+$0x0], $0xffff  }
0xf1: {  	v8 =	vld [tilespmem:s20+$0x0];
	_ =	sdelay $0x4  }
0xf2: {  	v7 =	vmul.f32 v8, v7;
	_ =	sdelay $0x1  }
0xf3: {  	[tilespmem:s20+$0x0] =	vst v7  }
0xf4: {  	v7 =	vld.idx.msk [tilespmem:v9+s12+$0x0], $0xffff  }
0xf5: {  	v8 =	vld [tilespmem:s20+$0x10]  }
0xf6: {  	v6 =	vadd.s32 $0x3, v6  }
0xf7: {  	v6 =	vbroadcast v6, $0x0;
	_ =	sdelay $0x2  }
0xf8: {  	v7 =	vmul.f32 v8, v7;
	_ =	sdelay $0x1  }
0xf9: {  	[tilespmem:s20+$0x10] =	vst v7  }
0xfa: {  	v7 =	vld.idx.msk [tilespmem:v6+s12+$0x0], $0xffff  }
0xfb: {  	v8 =	vld [tilespmem:s20+$0x20];
	_ =	sdelay $0x4  }
0xfc: {  	v7 =	vmul.f32 v8, v7;
	_ =	sdelay $0x1  }
0xfd: {  	[tilespmem:s20+$0x20] =	vst v7  }
0xfe: {  	v6 =	vld.idx.msk [tilespmem:v6+s12+$0x0], $0xffff  }
0xff: {  	v7 =	vld [tilespmem:s20+$0x30];
	_ =	sdelay $0x2  }
0x100: {  	v8 =	vor.u32 s21, v5;
	s21 =	smov.u32 s22;
	_ =	sdelay $0x1  }
0x101: {  	v6 =	vmul.f32 v7, v6;
	_ =	sdelay $0x1  }
0x102: {  	[tilespmem:s20+$0x30] =	vst v6  }
.Ltmp2:
0x103: {  	v7 =	vld.idx.msk [tilespmem:v8+s12+$0x0], $0xffff;
	(pc) =	sbr.rel @p1 .LBB2_7-.Ltmp2, $2  }
0x104: {  	v8 =	vld [tilespmem:s20+$0x40];
	_ =	sdelay $0x2  }
0x105: {  	s22 =	sadd.s32 $0x8, s22;
	v6 =	vmov s21  }
0x106: {  	_ = 	snop  }
0x107: {  	v7 =	vmul.f32 v8, v7  }
0x108: {  	s22 =	sadd.s32 $0x90, s20  }
0x109: {  	v8 =	vld [tilespmem:s22+$0xFFFFFFC0];
	[tilespmem:s20+$0x40] =	vst v7  }
0x10a: {  	v7 =	vld.idx.msk [tilespmem:v6+s12+$0x0], $0xffff;
	_ =	sdelay $0x4  }
0x10b: {  	v7 =	vmul.f32 v8, v7;
	_ =	sdelay $0x1  }
0x10c: {  	[tilespmem:s22+$0xFFFFFFC0] =	vst v7  }
0x10d: {  	v7 =	vld.idx.msk [tilespmem:v6+s12+$0x0], $0xffff;
	v6 =	vshrl.u32 v6, $0x3  }
0x10e: {  	v8 =	vld [tilespmem:s22+$0xFFFFFFD0];
	v6 =	vshll.u32 v6, v2  }
0x10f: {  	v9 =	vadd.s32 $0x1, v6  }
0x110: {  	v9 =	vbroadcast v9, $0x0;
	_ =	sdelay $0x2  }
0x111: {  	v7 =	vmul.f32 v8, v7;
	_ =	sdelay $0x1  }
0x112: {  	v8 =	vld [tilespmem:s22+$0xFFFFFFE0];
	[tilespmem:s22+$0xFFFFFFD0] =	vst v7  }
0x113: {  	v7 =	vld.idx.msk [tilespmem:v9+s12+$0x0], $0xffff;
	_ =	sdelay $0x4  }
0x114: {  	v7 =	vmul.f32 v8, v7;
	_ =	sdelay $0x1  }
0x115: {  	v8 =	vld [tilespmem:s22+$0xFFFFFFF0];
	[tilespmem:s22+$0xFFFFFFE0] =	vst v7  }
0x116: {  	v7 =	vld.idx.msk [tilespmem:v9+s12+$0x0], $0xffff  }
0x117: {  	v63 =	vadd.s32 $0x2, v6  }
0x118: {  	v9 =	vbroadcast v63, $0x0;
	_ =	sdelay $0x2  }
0x119: {  	v7 =	vmul.f32 v8, v7;
	_ =	sdelay $0x1  }
0x11a: {  	v8 =	vld [tilespmem:s22+$0x0];
	[tilespmem:s22+$0xFFFFFFF0] =	vst v7  }
0x11b: {  	v7 =	vld.idx.msk [tilespmem:v9+s12+$0x0], $0xffff;
	_ =	sdelay $0x4  }
0x11c: {  	v7 =	vmul.f32 v8, v7;
	_ =	sdelay $0x1  }
0x11d: {  	v8 =	vld [tilespmem:s22+$0x10];
	[tilespmem:s22+$0x0] =	vst v7  }
0x11e: {  	v7 =	vld.idx.msk [tilespmem:v9+s12+$0x0], $0xffff  }
0x11f: {  	v6 =	vadd.s32 $0x3, v6  }
0x120: {  	v6 =	vbroadcast v6, $0x0;
	_ =	sdelay $0x2  }
0x121: {  	v7 =	vmul.f32 v8, v7;
	_ =	sdelay $0x1  }
0x122: {  	v8 =	vld [tilespmem:s22+$0x20];
	[tilespmem:s22+$0x10] =	vst v7  }
0x123: {  	v7 =	vld.idx.msk [tilespmem:v6+s12+$0x0], $0xffff;
	_ =	sdelay $0x4  }
0x124: {  	v7 =	vmul.f32 v8, v7;
	_ =	sdelay $0x1  }
0x125: {  	[tilespmem:s22+$0x20] =	vst v7;
	v7 =	vld [tilespmem:s22+$0x30]  }
0x126: {  	v6 =	vld.idx.msk [tilespmem:v6+s12+$0x0], $0xffff;
	_ =	sdelay $0x2  }
0x127: {  	v8 =	vor.u32 s21, v5;
	_ =	sdelay $0x1  }
0x128: {  	v6 =	vmul.f32 v7, v6;
	_ =	sdelay $0x1  }
0x129: {  	v7 =	vld [tilespmem:s22+$0x40];
	[tilespmem:s22+$0x30] =	vst v6  }
0x12a: {  	v6 =	vld.idx.msk [tilespmem:v8+s12+$0x0], $0xffff;
	_ =	sdelay $0x4  }
0x12b: {  	v6 =	vmul.f32 v7, v6;
	_ =	sdelay $0x1  }
0x12c: {  	[tilespmem:s22+$0x40] =	vst v6  }
0x12d: {  	[spmem:s2] =	stream.indirect.scatter.add.f32 [tilespmem:s23], [sflag:$0x7], $0x90, s25, s25, $0xb8;
	[tilespmem:$0x1C750] =	vst v63  }
0x12e: {  	s22 =	simm.s32 $0x0;
	_ =	swait.ge [sflag:s24], $0x2D00  }
0x12f: {  	v6 =	vmov s22;
	[sflag:s24] =	ssyncset.done $0x0  }
0x130: {  	v6 =	vshll.u32 v6, $0x3;
	[sflag:s24] =	ssyncadd.s32 $0xFFFFD300  }
0x131: {  	v6 =	vor.u32 v1, v6;
	_ =	swait.ge [sflag:s13], $0x280  }
0x132: {  	v7 =	vor.u32 v4, v6;
	[sflag:s13] =	ssyncset.done $0x0  }
0x133: {  	v6 =	vor.u32 v3, v6;
	[sflag:s13] =	ssyncadd.s32 $0xFFFFFD80  }
0x134: {  	_ =	swait.ge [sflag:s14], $0x280  }
0x135: {  	[sflag:s14] =	ssyncset.done $0x0  }
0x136: {  	[sflag:s14] =	ssyncadd.s32 $0xFFFFFD80  }
0x137: {  	v7 =	vld.idx.msk [tilespmem:v7+s3+$0x0], $0xffff  }
0x138: {  	v6 =	vld.idx.msk [tilespmem:v6+s0+$0x0], $0xffff;
	_ =	sdelay $0x4  }
0x139: {  	v6 =	vadd.f32 v7, v6;
	_ =	sdelay $0x1  }
0x13a: {  	v7 =	vmul.f32 $2.000000030e-01, v6;
	_ =	sdelay $0x1  }
0x13b: {  	v6 =	vmax.f32 v6, v7  }
0x13c: {  	v6 =	vmul.f32 $1.442695020e+00, v6;
	_ =	sdelay $0x1  }
0x13d: {  	(erf) = vpow2.f32 v6;
	_ =	sdelay $0x1  }
0x13e: {  	s21 =	simm.s32 $0x2  }
0x13f: {  	v6 =	vmov s21  }
0x140: {  	v6 =	vshll.u32 v6, $0x3  }
0x141: {  	v6 =	vor.u32 v1, v6  }
0x142: {  	v7 =	vor.u32 v4, v6  }
0x143: {  	v6 =	vor.u32 v3, v6;
	_ =	sdelay $0x1  }
0x144: {  	s20 =	simm.s32 $0x6540;
	v8 =	vpop (erf)  }
0x145: {  	[tilespmem:s20+$0x0] =	vst v8  }
0x146: {  	v7 =	vld.idx.msk [tilespmem:v7+s3+$0x0], $0xffff  }
0x147: {  	v6 =	vld.idx.msk [tilespmem:v6+s0+$0x0], $0xffff;
	_ =	sdelay $0x4  }
0x148: {  	v6 =	vadd.f32 v7, v6;
	_ =	sdelay $0x1  }
0x149: {  	v7 =	vmul.f32 $2.000000030e-01, v6;
	_ =	sdelay $0x1  }
0x14a: {  	v6 =	vmax.f32 v6, v7  }
0x14b: {  	v6 =	vmul.f32 $1.442695020e+00, v6;
	_ =	sdelay $0x1  }
0x14c: {  	(erf) = vpow2.f32 v6;
	_ =	sdelay $0x1  }
0x14d: {  	s22 =	simm.s32 $0x4  }
0x14e: {  	v7 =	vmov s22  }
0x14f: {  	s21 =	simm.s32 $0x6;
	v6 =	vshll.u32 v7, $0x3  }
.LBB2_9:
0x150: {  	p1 =	sne.s32 s21, $0x4E;
	v6 =	vor.u32 v1, v6  }
0x151: {  	v7 =	vor.u32 v4, v6  }
0x152: {  	v6 =	vor.u32 v3, v6;
	_ =	sdelay $0x1  }
0x153: {  	s20 =	sadd.s32 $0x10, s20;
	v8 =	vpop (erf)  }
0x154: {  	[tilespmem:s20+$0x0] =	vst v8  }
0x155: {  	v7 =	vld.idx.msk [tilespmem:v7+s3+$0x0], $0xffff  }
0x156: {  	v6 =	vld.idx.msk [tilespmem:v6+s0+$0x0], $0xffff;
	_ =	sdelay $0x5  }
0x157: {  	v6 =	vadd.f32 v7, v6;
	_ =	sdelay $0x1  }
0x158: {  	v7 =	vmul.f32 $2.000000030e-01, v6;
	_ =	sdelay $0x1  }
0x159: {  	v6 =	vmax.f32 v6, v7  }
0x15a: {  	v6 =	vmul.f32 $1.442695020e+00, v6;
	_ =	sdelay $0x1  }
.Ltmp3:
0x15b: {  	(erf) = vpow2.f32 v6;
	(pc) =	sbr.rel @p1 .LBB2_9-.Ltmp3, $3  }
0x15c: {  	_ =	sdelay $0x1  }
0x15d: {  	v6 =	vmov s21  }
0x15e: {  	s21 =	sadd.s32 $0x2, s21;
	v6 =	vshll.u32 v6, $0x3  }
0x15f: {  	v6 =	vor.u32 v1, v6  }
0x160: {  	v7 =	vor.u32 v4, v6  }
0x161: {  	v6 =	vor.u32 v3, v6;
	_ =	sdelay $0x1  }
0x162: {  	s20 =	sadd.s32 $0x10, s20;
	v8 =	vpop (erf)  }
0x163: {  	[tilespmem:s20+$0x0] =	vst v8  }
0x164: {  	v7 =	vld.idx.msk [tilespmem:v7+s3+$0x0], $0xffff  }
0x165: {  	v6 =	vld.idx.msk [tilespmem:v6+s0+$0x0], $0xffff;
	_ =	sdelay $0x4  }
0x166: {  	v6 =	vadd.f32 v7, v6;
	_ =	sdelay $0x1  }
0x167: {  	v7 =	vmul.f32 $2.000000030e-01, v6;
	_ =	sdelay $0x1  }
0x168: {  	v6 =	vmax.f32 v6, v7  }
0x169: {  	v6 =	vmul.f32 $1.442695020e+00, v6;
	_ =	sdelay $0x1  }
0x16a: {  	(erf) = vpow2.f32 v6;
	_ =	sdelay $0x7  }
0x16b: {  	s21 =	simm.s32 $0x0  }
0x16c: {  	s20 =	sadd.s32 $0x10, s20;
	v7 =	vmov s21;
	v6 =	vpop (erf)  }
0x16d: {  	[tilespmem:s20+$0x0] =	vst v6  }
0x16e: {  	_ =	swait.ge [sflag:s15], $0x2D00  }
0x16f: {  	[sflag:s15] =	ssyncset.done $0x0  }
0x170: {  	[sflag:s15] =	ssyncadd.s32 $0xFFFFD300  }
0x171: {  	s20 =	simm.s32 $0x3380;
	v6 =	vld.idx.msk [tilespmem:v7+s12+$0x0], $0xffff  }
0x172: {  	v8 =	vld [tilespmem:s20+$0xFFFFFFC0];
	_ =	sdelay $0x4  }
0x173: {  	v6 =	vmul.f32 v8, v6;
	_ =	sdelay $0x1  }
0x174: {  	[tilespmem:s20+$0xFFFFFFC0] =	vst v6  }
0x175: {  	v6 =	vld.idx.msk [tilespmem:v7+s12+$0x0], $0xffff;
	v7 =	vshrl.u32 v7, $0x3  }
0x176: {  	v8 =	vld [tilespmem:s20+$0xFFFFFFD0];
	v7 =	vshll.u32 v7, v2  }
0x177: {  	v9 =	vadd.s32 $0x1, v7  }
0x178: {  	v9 =	vbroadcast v9, $0x0;
	_ =	sdelay $0x2  }
0x179: {  	v6 =	vmul.f32 v8, v6;
	_ =	sdelay $0x1  }
0x17a: {  	v8 =	vld [tilespmem:s20+$0xFFFFFFE0];
	[tilespmem:s20+$0xFFFFFFD0] =	vst v6  }
0x17b: {  	v6 =	vld.idx.msk [tilespmem:v9+s12+$0x0], $0xffff;
	_ =	sdelay $0x4  }
0x17c: {  	v6 =	vmul.f32 v8, v6;
	_ =	sdelay $0x1  }
0x17d: {  	v8 =	vld [tilespmem:s20+$0xFFFFFFF0];
	[tilespmem:s20+$0xFFFFFFE0] =	vst v6  }
0x17e: {  	v6 =	vld.idx.msk [tilespmem:v9+s12+$0x0], $0xffff  }
0x17f: {  	v9 =	vadd.s32 $0x2, v7  }
0x180: {  	v9 =	vbroadcast v9, $0x0;
	_ =	sdelay $0x2  }
0x181: {  	v6 =	vmul.f32 v8, v6;
	_ =	sdelay $0x1  }
0x182: {  	v8 =	vld [tilespmem:s20+$0x0];
	[tilespmem:s20+$0xFFFFFFF0] =	vst v6  }
0x183: {  	v6 =	vld.idx.msk [tilespmem:v9+s12+$0x0], $0xffff;
	_ =	sdelay $0x4  }
0x184: {  	v6 =	vmul.f32 v8, v6;
	_ =	sdelay $0x1  }
0x185: {  	v8 =	vld [tilespmem:s20+$0x10];
	[tilespmem:s20+$0x0] =	vst v6  }
0x186: {  	v6 =	vld.idx.msk [tilespmem:v9+s12+$0x0], $0xffff  }
0x187: {  	v7 =	vadd.s32 $0x3, v7  }
0x188: {  	v7 =	vbroadcast v7, $0x0;
	_ =	sdelay $0x2  }
0x189: {  	v6 =	vmul.f32 v8, v6;
	_ =	sdelay $0x1  }
0x18a: {  	v8 =	vld [tilespmem:s20+$0x20];
	[tilespmem:s20+$0x10] =	vst v6  }
0x18b: {  	v6 =	vld.idx.msk [tilespmem:v7+s12+$0x0], $0xffff;
	_ =	sdelay $0x4  }
0x18c: {  	v6 =	vmul.f32 v8, v6;
	_ =	sdelay $0x1  }
0x18d: {  	[tilespmem:s20+$0x20] =	vst v6  }
0x18e: {  	v6 =	vld.idx.msk [tilespmem:v7+s12+$0x0], $0xffff  }
0x18f: {  	v7 =	vld [tilespmem:s20+$0x30];
	_ =	sdelay $0x2  }
0x190: {  	v8 =	vor.u32 s21, v5;
	_ =	sdelay $0x1  }
0x191: {  	v6 =	vmul.f32 v7, v6;
	_ =	sdelay $0x1  }
0x192: {  	[tilespmem:s20+$0x30] =	vst v6  }
0x193: {  	v7 =	vld.idx.msk [tilespmem:v8+s12+$0x0], $0xffff  }
0x194: {  	v8 =	vld [tilespmem:s20+$0x40];
	_ =	sdelay $0x1  }
0x195: {  	s21 =	simm.s32 $0x8  }
0x196: {  	s22 =	simm.s32 $0x10;
	v6 =	vmov s21  }
.LBB2_11:
0x197: {  	p1 =	sne.s32 s22, $0x278  }
0x198: {  	v7 =	vmul.f32 v8, v7;
	_ =	sdelay $0x1  }
0x199: {  	[tilespmem:s20+$0x40] =	vst v7  }
0x19a: {  	s20 =	sadd.s32 $0x90, s20;
	v7 =	vld.idx.msk [tilespmem:v6+s12+$0x0], $0xffff  }
0x19b: {  	v8 =	vld [tilespmem:s20+$0xFFFFFFC0];
	_ =	sdelay $0x4  }
0x19c: {  	v7 =	vmul.f32 v8, v7;
	_ =	sdelay $0x1  }
0x19d: {  	[tilespmem:s20+$0xFFFFFFC0] =	vst v7  }
0x19e: {  	v7 =	vld.idx.msk [tilespmem:v6+s12+$0x0], $0xffff;
	v6 =	vshrl.u32 v6, $0x3  }
0x19f: {  	v8 =	vld [tilespmem:s20+$0xFFFFFFD0];
	v6 =	vshll.u32 v6, v2  }
0x1a0: {  	v9 =	vadd.s32 $0x1, v6  }
0x1a1: {  	v9 =	vbroadcast v9, $0x0;
	_ =	sdelay $0x2  }
0x1a2: {  	v7 =	vmul.f32 v8, v7;
	_ =	sdelay $0x1  }
0x1a3: {  	[tilespmem:s20+$0xFFFFFFD0] =	vst v7  }
0x1a4: {  	v7 =	vld.idx.msk [tilespmem:v9+s12+$0x0], $0xffff  }
0x1a5: {  	v8 =	vld [tilespmem:s20+$0xFFFFFFE0];
	_ =	sdelay $0x4  }
0x1a6: {  	v7 =	vmul.f32 v8, v7;
	_ =	sdelay $0x1  }
0x1a7: {  	[tilespmem:s20+$0xFFFFFFE0] =	vst v7  }
0x1a8: {  	v7 =	vld.idx.msk [tilespmem:v9+s12+$0x0], $0xffff  }
0x1a9: {  	v8 =	vld [tilespmem:s20+$0xFFFFFFF0]  }
0x1aa: {  	v9 =	vadd.s32 $0x2, v6  }
0x1ab: {  	v9 =	vbroadcast v9, $0x0;
	_ =	sdelay $0x2  }
0x1ac: {  	v7 =	vmul.f32 v8, v7;
	_ =	sdelay $0x1  }
0x1ad: {  	[tilespmem:s20+$0xFFFFFFF0] =	vst v7  }
0x1ae: {  	v7 =	vld.idx.msk [tilespmem:v9+s12+$0x0], $0xffff  }
0x1af: {  	v8 =	vld [tilespmem:s20+$0x0];
	_ =	sdelay $0x4  }
0x1b0: {  	v7 =	vmul.f32 v8, v7;
	_ =	sdelay $0x1  }
0x1b1: {  	[tilespmem:s20+$0x0] =	vst v7  }
0x1b2: {  	v7 =	vld.idx.msk [tilespmem:v9+s12+$0x0], $0xffff  }
0x1b3: {  	v8 =	vld [tilespmem:s20+$0x10]  }
0x1b4: {  	v6 =	vadd.s32 $0x3, v6  }
0x1b5: {  	v6 =	vbroadcast v6, $0x0;
	_ =	sdelay $0x2  }
0x1b6: {  	v7 =	vmul.f32 v8, v7;
	_ =	sdelay $0x1  }
0x1b7: {  	[tilespmem:s20+$0x10] =	vst v7  }
0x1b8: {  	v7 =	vld.idx.msk [tilespmem:v6+s12+$0x0], $0xffff  }
0x1b9: {  	v8 =	vld [tilespmem:s20+$0x20];
	_ =	sdelay $0x4  }
0x1ba: {  	v7 =	vmul.f32 v8, v7;
	_ =	sdelay $0x1  }
0x1bb: {  	[tilespmem:s20+$0x20] =	vst v7  }
0x1bc: {  	v6 =	vld.idx.msk [tilespmem:v6+s12+$0x0], $0xffff  }
0x1bd: {  	v7 =	vld [tilespmem:s20+$0x30];
	_ =	sdelay $0x2  }
0x1be: {  	v8 =	vor.u32 s21, v5;
	s21 =	smov.u32 s22;
	_ =	sdelay $0x1  }
0x1bf: {  	v6 =	vmul.f32 v7, v6;
	_ =	sdelay $0x1  }
0x1c0: {  	[tilespmem:s20+$0x30] =	vst v6  }
.Ltmp4:
0x1c1: {  	v7 =	vld.idx.msk [tilespmem:v8+s12+$0x0], $0xffff;
	(pc) =	sbr.rel @p1 .LBB2_11-.Ltmp4, $2  }
0x1c2: {  	v8 =	vld [tilespmem:s20+$0x40];
	_ =	sdelay $0x2  }
0x1c3: {  	s22 =	sadd.s32 $0x8, s22;
	v6 =	vmov s21  }
0x1c4: {  	_ = 	snop  }
0x1c5: {  	v7 =	vmul.f32 v8, v7  }
0x1c6: {  	s22 =	sadd.s32 $0x90, s20  }
0x1c7: {  	v55 =	vld [tilespmem:s22+$0xFFFFFFC0];
	[tilespmem:s20+$0x40] =	vst v7  }
0x1c8: {  	v7 =	vld.idx.msk [tilespmem:v6+s12+$0x0], $0xffff;
	_ =	sdelay $0x4  }
0x1c9: {  	v7 =	vmul.f32 v55, v7;
	_ =	sdelay $0x1  }
0x1ca: {  	[tilespmem:s22+$0xFFFFFFC0] =	vst v7  }
0x1cb: {  	v7 =	vld.idx.msk [tilespmem:v6+s12+$0x0], $0xffff;
	v6 =	vshrl.u32 v6, $0x3  }
0x1cc: {  	v56 =	vld [tilespmem:s22+$0xFFFFFFD0];
	v6 =	vshll.u32 v6, v2  }
0x1cd: {  	v9 =	vadd.s32 $0x1, v6  }
0x1ce: {  	v9 =	vbroadcast v9, $0x0;
	_ =	sdelay $0x2  }
0x1cf: {  	v7 =	vmul.f32 v56, v7;
	_ =	sdelay $0x1  }
0x1d0: {  	v57 =	vld [tilespmem:s22+$0xFFFFFFE0];
	[tilespmem:s22+$0xFFFFFFD0] =	vst v7  }
0x1d1: {  	v7 =	vld.idx.msk [tilespmem:v9+s12+$0x0], $0xffff;
	_ =	sdelay $0x4  }
0x1d2: {  	v7 =	vmul.f32 v57, v7;
	_ =	sdelay $0x1  }
0x1d3: {  	v58 =	vld [tilespmem:s22+$0xFFFFFFF0];
	[tilespmem:s22+$0xFFFFFFE0] =	vst v7  }
0x1d4: {  	v7 =	vld.idx.msk [tilespmem:v9+s12+$0x0], $0xffff  }
0x1d5: {  	v59 =	vadd.s32 $0x2, v6  }
0x1d6: {  	v9 =	vbroadcast v59, $0x0;
	_ =	sdelay $0x2  }
0x1d7: {  	v7 =	vmul.f32 v58, v7;
	_ =	sdelay $0x1  }
0x1d8: {  	v60 =	vld [tilespmem:s22+$0x0];
	[tilespmem:s22+$0xFFFFFFF0] =	vst v7  }
0x1d9: {  	v7 =	vld.idx.msk [tilespmem:v9+s12+$0x0], $0xffff;
	_ =	sdelay $0x4  }
0x1da: {  	v7 =	vmul.f32 v60, v7;
	_ =	sdelay $0x1  }
0x1db: {  	v61 =	vld [tilespmem:s22+$0x10];
	[tilespmem:s22+$0x0] =	vst v7  }
0x1dc: {  	v7 =	vld.idx.msk [tilespmem:v9+s12+$0x0], $0xffff  }
0x1dd: {  	v6 =	vadd.s32 $0x3, v6  }
0x1de: {  	v6 =	vbroadcast v6, $0x0;
	_ =	sdelay $0x2  }
0x1df: {  	v7 =	vmul.f32 v61, v7;
	_ =	sdelay $0x1  }
0x1e0: {  	v62 =	vld [tilespmem:s22+$0x20];
	[tilespmem:s22+$0x10] =	vst v7  }
0x1e1: {  	v7 =	vld.idx.msk [tilespmem:v6+s12+$0x0], $0xffff;
	_ =	sdelay $0x4  }
0x1e2: {  	v7 =	vmul.f32 v62, v7;
	_ =	sdelay $0x1  }
0x1e3: {  	[tilespmem:s22+$0x20] =	vst v7;
	v7 =	vld [tilespmem:s22+$0x30]  }
0x1e4: {  	v6 =	vld.idx.msk [tilespmem:v6+s12+$0x0], $0xffff;
	_ =	sdelay $0x2  }
0x1e5: {  	v63 =	vor.u32 s21, v5;
	_ =	sdelay $0x1  }
0x1e6: {  	v6 =	vmul.f32 v7, v6;
	_ =	sdelay $0x1  }
0x1e7: {  	v7 =	vld [tilespmem:s22+$0x40];
	[tilespmem:s22+$0x30] =	vst v6  }
0x1e8: {  	v6 =	vld.idx.msk [tilespmem:v63+s12+$0x0], $0xffff;
	_ =	sdelay $0x4  }
0x1e9: {  	s19 =	sadd.s32 $0x1, s19;
	v6 =	vmul.f32 v7, v6  }
0x1ea: {  	p1 =	sne.s32 s19, $0x3E  }
.Ltmp5:
0x1eb: {  	[tilespmem:s22+$0x40] =	vst v6;
	(pc) =	sbr.rel @p1 .LBB2_4-.Ltmp5, $4  }
0x1ec: {  	[spmem:s2] =	stream.indirect.scatter.add.f32 [tilespmem:s31], [sflag:$0x7], $0x90, s30, s25, $0xb8;
	[tilespmem:$0x1C750] =	vst v63  }
0x1ed: {  	_ =	swait.ge [sflag:s24], $0x2D00  }
0x1ee: {  	[sflag:s24] =	ssyncset.done $0x0  }
0x1ef: {  	[sflag:s24] =	ssyncadd.s32 $0xFFFFD300  }
0x1f0: {  	s18 =	simm.s32 $0x0;
	s19 =	rddreg [dreg:$0xb]  }
0x1f1: {  	[tilespmem:s18], [sflag:$0x7] =	stream.linear.gather [hbm4b:s19+s18], $0x50, $0x38;
	[tilespmem:$0x1C750] =	vst v63  }
0x1f2: {  	_ =	swait.ge [sflag:s24], $0x50  }
0x1f3: {  	[sflag:s24] =	ssyncset.done $0x0  }
0x1f4: {  	s20 =	rddreg [dreg:$0xc];
	[sflag:s24] =	ssyncadd.s32 $0xFFFFFFB0  }
0x1f5: {  	[tilespmem:s25], [sflag:$0x7] =	stream.linear.gather [hbm4b:s20+s18], $0x50, $0x38;
	[tilespmem:$0x1C750] =	vst v63  }
0x1f6: {  	_ =	swait.ge [sflag:s24], $0x50  }
0x1f7: {  	[sflag:s24] =	ssyncset.done $0x0  }
0x1f8: {  	[sflag:s24] =	ssyncadd.s32 $0xFFFFFFB0  }
0x1f9: {  	[tilespmem:s23], [sflag:$0x1] =	stream.indirect.gather [hbm4b:s5+s25], $0x90, s18, s25, $0xb8;
	[tilespmem:$0x1C750] =	vst v63  }
0x1fa: {  	_ = 	snop  }
0x1fb: {  	[tilespmem:s26], [sflag:$0x2] =	stream.indirect.gather [hbm4b:s1+s25], $0x8, s18, s25, $0xb8;
	[tilespmem:$0x1C750] =	vst v63  }
0x1fc: {  	v6 =	vmov s18  }
0x1fd: {  	v6 =	vshll.u32 v6, $0x3;
	[tilespmem:s28], [sflag:$0x3] =	stream.indirect.gather [hbm4b:s1+s25], $0x8, s25, s25, $0xb8;
	[tilespmem:$0x1C750] =	vst v63  }
0x1fe: {  	v6 =	vor.u32 v1, v6;
	_ =	swait.ge [sflag:s8], $0x280  }
0x1ff: {  	v7 =	vor.u32 v4, v6;
	[sflag:s8] =	ssyncset.done $0x0  }
0x200: {  	v6 =	vor.u32 v3, v6;
	[sflag:s8] =	ssyncadd.s32 $0xFFFFFD80  }
0x201: {  	_ =	swait.ge [sflag:s9], $0x280  }
0x202: {  	[sflag:s9] =	ssyncset.done $0x0  }
0x203: {  	[sflag:s9] =	ssyncadd.s32 $0xFFFFFD80  }
0x204: {  	v7 =	vld.idx.msk [tilespmem:v7+s28+$0x0], $0xffff  }
0x205: {  	v6 =	vld.idx.msk [tilespmem:v6+s26+$0x0], $0xffff;
	_ =	sdelay $0x4  }
0x206: {  	v6 =	vadd.f32 v7, v6;
	_ =	sdelay $0x1  }
0x207: {  	v7 =	vmul.f32 $2.000000030e-01, v6;
	_ =	sdelay $0x1  }
0x208: {  	v6 =	vmax.f32 v6, v7  }
0x209: {  	v6 =	vmul.f32 $1.442695020e+00, v6;
	_ =	sdelay $0x1  }
0x20a: {  	(erf) = vpow2.f32 v6;
	_ =	sdelay $0x1  }
0x20b: {  	s21 =	simm.s32 $0x2  }
0x20c: {  	v6 =	vmov s21  }
0x20d: {  	v6 =	vshll.u32 v6, $0x3  }
0x20e: {  	v6 =	vor.u32 v1, v6  }
0x20f: {  	v7 =	vor.u32 v4, v6  }
0x210: {  	v6 =	vor.u32 v3, v6;
	_ =	sdelay $0x1  }
0x211: {  	s18 =	simm.s32 $0x6540;
	v8 =	vpop (erf)  }
0x212: {  	[tilespmem:s18+$0x0] =	vst v8  }
0x213: {  	v7 =	vld.idx.msk [tilespmem:v7+s28+$0x0], $0xffff  }
0x214: {  	v6 =	vld.idx.msk [tilespmem:v6+s26+$0x0], $0xffff;
	_ =	sdelay $0x4  }
0x215: {  	v6 =	vadd.f32 v7, v6;
	_ =	sdelay $0x1  }
0x216: {  	v7 =	vmul.f32 $2.000000030e-01, v6;
	_ =	sdelay $0x1  }
0x217: {  	v6 =	vmax.f32 v6, v7  }
0x218: {  	v6 =	vmul.f32 $1.442695020e+00, v6;
	_ =	sdelay $0x1  }
0x219: {  	(erf) = vpow2.f32 v6;
	_ =	sdelay $0x1  }
0x21a: {  	s22 =	simm.s32 $0x4  }
0x21b: {  	v7 =	vmov s22  }
0x21c: {  	s19 =	simm.s32 $0x6;
	v6 =	vshll.u32 v7, $0x3  }
.LBB2_14:
0x21d: {  	p1 =	sne.s32 s19, $0x4E;
	v6 =	vor.u32 v1, v6  }
0x21e: {  	v7 =	vor.u32 v4, v6  }
0x21f: {  	v6 =	vor.u32 v3, v6;
	_ =	sdelay $0x1  }
0x220: {  	s18 =	sadd.s32 $0x10, s18;
	v8 =	vpop (erf)  }
0x221: {  	[tilespmem:s18+$0x0] =	vst v8  }
0x222: {  	v7 =	vld.idx.msk [tilespmem:v7+s28+$0x0], $0xffff  }
0x223: {  	v6 =	vld.idx.msk [tilespmem:v6+s26+$0x0], $0xffff;
	_ =	sdelay $0x5  }
0x224: {  	v6 =	vadd.f32 v7, v6;
	_ =	sdelay $0x1  }
0x225: {  	v7 =	vmul.f32 $2.000000030e-01, v6;
	_ =	sdelay $0x1  }
0x226: {  	v6 =	vmax.f32 v6, v7  }
0x227: {  	v6 =	vmul.f32 $1.442695020e+00, v6;
	_ =	sdelay $0x1  }
.Ltmp6:
0x228: {  	(erf) = vpow2.f32 v6;
	(pc) =	sbr.rel @p1 .LBB2_14-.Ltmp6, $3  }
0x229: {  	_ =	sdelay $0x1  }
0x22a: {  	v6 =	vmov s19  }
0x22b: {  	s19 =	sadd.s32 $0x2, s19;
	v6 =	vshll.u32 v6, $0x3  }
0x22c: {  	v6 =	vor.u32 v1, v6  }
0x22d: {  	v7 =	vor.u32 v4, v6  }
0x22e: {  	v6 =	vor.u32 v3, v6;
	_ =	sdelay $0x1  }
0x22f: {  	s18 =	sadd.s32 $0x10, s18;
	v8 =	vpop (erf)  }
0x230: {  	[tilespmem:s18+$0x0] =	vst v8  }
0x231: {  	v7 =	vld.idx.msk [tilespmem:v7+s28+$0x0], $0xffff  }
0x232: {  	v6 =	vld.idx.msk [tilespmem:v6+s26+$0x0], $0xffff;
	_ =	sdelay $0x4  }
0x233: {  	v6 =	vadd.f32 v7, v6;
	_ =	sdelay $0x1  }
0x234: {  	v7 =	vmul.f32 $2.000000030e-01, v6;
	_ =	sdelay $0x1  }
0x235: {  	v6 =	vmax.f32 v6, v7  }
0x236: {  	v6 =	vmul.f32 $1.442695020e+00, v6;
	_ =	sdelay $0x1  }
0x237: {  	(erf) = vpow2.f32 v6;
	_ =	sdelay $0x7  }
0x238: {  	s19 =	simm.s32 $0x0  }
0x239: {  	s18 =	sadd.s32 $0x10, s18;
	v7 =	vmov s19;
	v6 =	vpop (erf)  }
0x23a: {  	[tilespmem:s18+$0x0] =	vst v6  }
0x23b: {  	_ =	swait.ge [sflag:s10], $0x2D00  }
0x23c: {  	[sflag:s10] =	ssyncset.done $0x0  }
0x23d: {  	[sflag:s10] =	ssyncadd.s32 $0xFFFFD300  }
0x23e: {  	s18 =	simm.s32 $0xE0;
	v6 =	vld.idx.msk [tilespmem:v7+s12+$0x0], $0xffff  }
0x23f: {  	v8 =	vld [tilespmem:s18+$0xFFFFFFC0];
	_ =	sdelay $0x4  }
0x240: {  	v6 =	vmul.f32 v8, v6;
	_ =	sdelay $0x1  }
0x241: {  	[tilespmem:s18+$0xFFFFFFC0] =	vst v6  }
0x242: {  	v6 =	vld.idx.msk [tilespmem:v7+s12+$0x0], $0xffff;
	v7 =	vshrl.u32 v7, $0x3  }
0x243: {  	v8 =	vld [tilespmem:s18+$0xFFFFFFD0];
	v7 =	vshll.u32 v7, v2  }
0x244: {  	v9 =	vadd.s32 $0x1, v7  }
0x245: {  	v9 =	vbroadcast v9, $0x0;
	_ =	sdelay $0x2  }
0x246: {  	v6 =	vmul.f32 v8, v6;
	_ =	sdelay $0x1  }
0x247: {  	v8 =	vld [tilespmem:s18+$0xFFFFFFE0];
	[tilespmem:s18+$0xFFFFFFD0] =	vst v6  }
0x248: {  	v6 =	vld.idx.msk [tilespmem:v9+s12+$0x0], $0xffff;
	_ =	sdelay $0x4  }
0x249: {  	v6 =	vmul.f32 v8, v6;
	_ =	sdelay $0x1  }
0x24a: {  	v8 =	vld [tilespmem:s18+$0xFFFFFFF0];
	[tilespmem:s18+$0xFFFFFFE0] =	vst v6  }
0x24b: {  	v6 =	vld.idx.msk [tilespmem:v9+s12+$0x0], $0xffff  }
0x24c: {  	v9 =	vadd.s32 $0x2, v7  }
0x24d: {  	v9 =	vbroadcast v9, $0x0;
	_ =	sdelay $0x2  }
0x24e: {  	v6 =	vmul.f32 v8, v6;
	_ =	sdelay $0x1  }
0x24f: {  	v8 =	vld [tilespmem:s18+$0x0];
	[tilespmem:s18+$0xFFFFFFF0] =	vst v6  }
0x250: {  	v6 =	vld.idx.msk [tilespmem:v9+s12+$0x0], $0xffff;
	_ =	sdelay $0x4  }
0x251: {  	v6 =	vmul.f32 v8, v6;
	_ =	sdelay $0x1  }
0x252: {  	v8 =	vld [tilespmem:s18+$0x10];
	[tilespmem:s18+$0x0] =	vst v6  }
0x253: {  	v6 =	vld.idx.msk [tilespmem:v9+s12+$0x0], $0xffff  }
0x254: {  	v7 =	vadd.s32 $0x3, v7  }
0x255: {  	v7 =	vbroadcast v7, $0x0;
	_ =	sdelay $0x2  }
0x256: {  	v6 =	vmul.f32 v8, v6;
	_ =	sdelay $0x1  }
0x257: {  	v8 =	vld [tilespmem:s18+$0x20];
	[tilespmem:s18+$0x10] =	vst v6  }
0x258: {  	v6 =	vld.idx.msk [tilespmem:v7+s12+$0x0], $0xffff;
	_ =	sdelay $0x4  }
0x259: {  	v6 =	vmul.f32 v8, v6;
	_ =	sdelay $0x1  }
0x25a: {  	[tilespmem:s18+$0x20] =	vst v6  }
0x25b: {  	v6 =	vld.idx.msk [tilespmem:v7+s12+$0x0], $0xffff  }
0x25c: {  	v7 =	vld [tilespmem:s18+$0x30];
	_ =	sdelay $0x2  }
0x25d: {  	v8 =	vor.u32 s19, v5;
	_ =	sdelay $0x1  }
0x25e: {  	v6 =	vmul.f32 v7, v6;
	_ =	sdelay $0x1  }
0x25f: {  	[tilespmem:s18+$0x30] =	vst v6  }
0x260: {  	v7 =	vld.idx.msk [tilespmem:v8+s12+$0x0], $0xffff  }
0x261: {  	v8 =	vld [tilespmem:s18+$0x40];
	_ =	sdelay $0x1  }
0x262: {  	s19 =	simm.s32 $0x8  }
0x263: {  	s20 =	simm.s32 $0x10;
	v6 =	vmov s19  }
.LBB2_16:
0x264: {  	p1 =	sne.s32 s20, $0x278  }
0x265: {  	v7 =	vmul.f32 v8, v7;
	_ =	sdelay $0x1  }
0x266: {  	[tilespmem:s18+$0x40] =	vst v7  }
0x267: {  	s18 =	sadd.s32 $0x90, s18;
	v7 =	vld.idx.msk [tilespmem:v6+s12+$0x0], $0xffff  }
0x268: {  	v8 =	vld [tilespmem:s18+$0xFFFFFFC0];
	_ =	sdelay $0x4  }
0x269: {  	v7 =	vmul.f32 v8, v7;
	_ =	sdelay $0x1  }
0x26a: {  	[tilespmem:s18+$0xFFFFFFC0] =	vst v7  }
0x26b: {  	v7 =	vld.idx.msk [tilespmem:v6+s12+$0x0], $0xffff;
	v6 =	vshrl.u32 v6, $0x3  }
0x26c: {  	v8 =	vld [tilespmem:s18+$0xFFFFFFD0];
	v6 =	vshll.u32 v6, v2  }
0x26d: {  	v9 =	vadd.s32 $0x1, v6  }
0x26e: {  	v9 =	vbroadcast v9, $0x0;
	_ =	sdelay $0x2  }
0x26f: {  	v7 =	vmul.f32 v8, v7;
	_ =	sdelay $0x1  }
0x270: {  	[tilespmem:s18+$0xFFFFFFD0] =	vst v7  }
0x271: {  	v7 =	vld.idx.msk [tilespmem:v9+s12+$0x0], $0xffff  }
0x272: {  	v8 =	vld [tilespmem:s18+$0xFFFFFFE0];
	_ =	sdelay $0x4  }
0x273: {  	v7 =	vmul.f32 v8, v7;
	_ =	sdelay $0x1  }
0x274: {  	[tilespmem:s18+$0xFFFFFFE0] =	vst v7  }
0x275: {  	v7 =	vld.idx.msk [tilespmem:v9+s12+$0x0], $0xffff  }
0x276: {  	v8 =	vld [tilespmem:s18+$0xFFFFFFF0]  }
0x277: {  	v9 =	vadd.s32 $0x2, v6  }
0x278: {  	v9 =	vbroadcast v9, $0x0;
	_ =	sdelay $0x2  }
0x279: {  	v7 =	vmul.f32 v8, v7;
	_ =	sdelay $0x1  }
0x27a: {  	[tilespmem:s18+$0xFFFFFFF0] =	vst v7  }
0x27b: {  	v7 =	vld.idx.msk [tilespmem:v9+s12+$0x0], $0xffff  }
0x27c: {  	v8 =	vld [tilespmem:s18+$0x0];
	_ =	sdelay $0x4  }
0x27d: {  	v7 =	vmul.f32 v8, v7;
	_ =	sdelay $0x1  }
0x27e: {  	[tilespmem:s18+$0x0] =	vst v7  }
0x27f: {  	v7 =	vld.idx.msk [tilespmem:v9+s12+$0x0], $0xffff  }
0x280: {  	v8 =	vld [tilespmem:s18+$0x10]  }
0x281: {  	v6 =	vadd.s32 $0x3, v6  }
0x282: {  	v6 =	vbroadcast v6, $0x0;
	_ =	sdelay $0x2  }
0x283: {  	v7 =	vmul.f32 v8, v7;
	_ =	sdelay $0x1  }
0x284: {  	[tilespmem:s18+$0x10] =	vst v7  }
0x285: {  	v7 =	vld.idx.msk [tilespmem:v6+s12+$0x0], $0xffff  }
0x286: {  	v8 =	vld [tilespmem:s18+$0x20];
	_ =	sdelay $0x4  }
0x287: {  	v7 =	vmul.f32 v8, v7;
	_ =	sdelay $0x1  }
0x288: {  	[tilespmem:s18+$0x20] =	vst v7  }
0x289: {  	v6 =	vld.idx.msk [tilespmem:v6+s12+$0x0], $0xffff  }
0x28a: {  	v7 =	vld [tilespmem:s18+$0x30];
	_ =	sdelay $0x2  }
0x28b: {  	v8 =	vor.u32 s19, v5;
	s19 =	smov.u32 s20;
	_ =	sdelay $0x1  }
0x28c: {  	v6 =	vmul.f32 v7, v6;
	_ =	sdelay $0x1  }
0x28d: {  	[tilespmem:s18+$0x30] =	vst v6  }
.Ltmp7:
0x28e: {  	v7 =	vld.idx.msk [tilespmem:v8+s12+$0x0], $0xffff;
	(pc) =	sbr.rel @p1 .LBB2_16-.Ltmp7, $2  }
0x28f: {  	v8 =	vld [tilespmem:s18+$0x40];
	_ =	sdelay $0x2  }
0x290: {  	s20 =	sadd.s32 $0x8, s20;
	v6 =	vmov s19  }
0x291: {  	_ = 	snop  }
0x292: {  	v7 =	vmul.f32 v8, v7  }
0x293: {  	s22 =	sadd.s32 $0x90, s18  }
0x294: {  	v55 =	vld [tilespmem:s22+$0xFFFFFFC0];
	[tilespmem:s18+$0x40] =	vst v7  }
0x295: {  	v7 =	vld.idx.msk [tilespmem:v6+s12+$0x0], $0xffff;
	_ =	sdelay $0x4  }
0x296: {  	v7 =	vmul.f32 v55, v7;
	_ =	sdelay $0x1  }
0x297: {  	[tilespmem:s22+$0xFFFFFFC0] =	vst v7  }
0x298: {  	v7 =	vld.idx.msk [tilespmem:v6+s12+$0x0], $0xffff;
	v6 =	vshrl.u32 v6, $0x3  }
0x299: {  	v56 =	vld [tilespmem:s22+$0xFFFFFFD0];
	v6 =	vshll.u32 v6, v2  }
0x29a: {  	v9 =	vadd.s32 $0x1, v6  }
0x29b: {  	v9 =	vbroadcast v9, $0x0;
	_ =	sdelay $0x2  }
0x29c: {  	v7 =	vmul.f32 v56, v7;
	_ =	sdelay $0x1  }
0x29d: {  	v57 =	vld [tilespmem:s22+$0xFFFFFFE0];
	[tilespmem:s22+$0xFFFFFFD0] =	vst v7  }
0x29e: {  	v7 =	vld.idx.msk [tilespmem:v9+s12+$0x0], $0xffff;
	_ =	sdelay $0x4  }
0x29f: {  	v7 =	vmul.f32 v57, v7;
	_ =	sdelay $0x1  }
0x2a0: {  	v58 =	vld [tilespmem:s22+$0xFFFFFFF0];
	[tilespmem:s22+$0xFFFFFFE0] =	vst v7  }
0x2a1: {  	v7 =	vld.idx.msk [tilespmem:v9+s12+$0x0], $0xffff  }
0x2a2: {  	v59 =	vadd.s32 $0x2, v6  }
0x2a3: {  	v9 =	vbroadcast v59, $0x0;
	_ =	sdelay $0x2  }
0x2a4: {  	v7 =	vmul.f32 v58, v7;
	_ =	sdelay $0x1  }
0x2a5: {  	v60 =	vld [tilespmem:s22+$0x0];
	[tilespmem:s22+$0xFFFFFFF0] =	vst v7  }
0x2a6: {  	v7 =	vld.idx.msk [tilespmem:v9+s12+$0x0], $0xffff;
	_ =	sdelay $0x4  }
0x2a7: {  	v7 =	vmul.f32 v60, v7;
	_ =	sdelay $0x1  }
0x2a8: {  	v61 =	vld [tilespmem:s22+$0x10];
	[tilespmem:s22+$0x0] =	vst v7  }
0x2a9: {  	v7 =	vld.idx.msk [tilespmem:v9+s12+$0x0], $0xffff  }
0x2aa: {  	v6 =	vadd.s32 $0x3, v6  }
0x2ab: {  	v6 =	vbroadcast v6, $0x0;
	_ =	sdelay $0x2  }
0x2ac: {  	v7 =	vmul.f32 v61, v7;
	_ =	sdelay $0x1  }
0x2ad: {  	v62 =	vld [tilespmem:s22+$0x20];
	[tilespmem:s22+$0x10] =	vst v7  }
0x2ae: {  	v7 =	vld.idx.msk [tilespmem:v6+s12+$0x0], $0xffff;
	_ =	sdelay $0x4  }
0x2af: {  	v7 =	vmul.f32 v62, v7;
	_ =	sdelay $0x1  }
0x2b0: {  	[tilespmem:s22+$0x20] =	vst v7;
	v7 =	vld [tilespmem:s22+$0x30]  }
0x2b1: {  	v6 =	vld.idx.msk [tilespmem:v6+s12+$0x0], $0xffff;
	_ =	sdelay $0x2  }
0x2b2: {  	v63 =	vor.u32 s19, v5;
	_ =	sdelay $0x1  }
0x2b3: {  	v6 =	vmul.f32 v7, v6;
	_ =	sdelay $0x1  }
0x2b4: {  	v7 =	vld [tilespmem:s22+$0x40];
	[tilespmem:s22+$0x30] =	vst v6  }
0x2b5: {  	v6 =	vld.idx.msk [tilespmem:v63+s12+$0x0], $0xffff;
	_ =	sdelay $0x4  }
0x2b6: {  	v6 =	vmul.f32 v7, v6;
	_ =	sdelay $0x1  }
0x2b7: {  	[tilespmem:s22+$0x40] =	vst v6  }
0x2b8: {  	[spmem:s2] =	stream.indirect.scatter.add.f32 [tilespmem:s23], [sflag:$0x7], $0x90, s25, s25, $0xb8;
	[tilespmem:$0x1C750] =	vst v63  }
0x2b9: {  	_ =	swait.ge [sflag:s24], $0x2D00  }
0x2ba: {  	[sflag:s24] =	ssyncset.done $0x0  }
0x2bb: {  	s20 =	stileid.u32;
	[sflag:s24] =	ssyncadd.s32 $0xFFFFD300  }
0x2bc: {  	s18 =	sshll.u32 s20, $0x6;
	[bflag:$0x0] =	sbarrier.arrive $0xFFFF  }
0x2bd: {  	s21 =	sshrl.u32 s7, $0x3;
	s18 =	sor.u32 $0x1C07, s18;
	s20 =	rddreg [dreg:$0xd]  }
0x2be: {  	[hbm:s20], [sflag:s18] =	dma.local [spmem:s21], $0x2BE0  }
0x2bf: {  	_ =	swait.ge [sflag:s24], $0x2BE0  }
0x2c0: {  	[sflag:s24] =	ssyncset.done $0x0  }
0x2c1: {  	s19 =	sshrl.u32 @!p0 s16, $0x3;
	s20 =	rddreg [dreg:$0xe];
	[sflag:s24] =	ssyncadd.s32 $0xFFFFD420  }
0x2c2: {  	[hbm:s20], [sflag:s18] =	dma.local @!p0 [spmem:s19], $0x120  }
0x2c3: {  	s18 =	simm.s32 @!p0 $0x7  }
0x2c4: {  	_ =	swait.ge @!p0 [sflag:s18], $0x120  }
0x2c5: {  	s4 =	sadd.s32 $0x1, s4;
	s22 =	rddreg [dreg:$0xf]  }
0x2c6: {  	p1 =	sne.s32 s4, s22  }
.Ltmp8:
0x2c7: {  	_ = 	snop;
	(pc) =	sbr.rel @p1 .LBB2_1-.Ltmp8, $3  }
0x2c8: {  	_ =	sdelay $0x1  }
0x2c9: {  	[sflag:s18] =	ssyncset.done @!p0 $0x0  }
0x2ca: {  	[sflag:s18] =	ssyncadd.s32 @!p0 $0xFFFFFEE0  }
0x2cb: {  	_ =	sfence.sel $0x180000  }
0x2cc: {  	[bflag:$0x0] =	sbarrier.arrive $0xFFFF  }
0x2cd: {  	_ =	strace $0x9000004A  }
0x2ce: {  	s0 =	stileid.u32;
	[bflag:$0x2] =	sbarrier.arrive $0xFFFF  }
0x2cf: {  	p0 =	sne.s32 s0, $0x0;
	s0 =	rddreg [dreg:$0x3]  }
0x2d0: {  	s0 =	sadd.s32 @!p0 $0x100000, s0  }
0x2d1: {  	[sflag:s0] =	ssyncadd.tile.s32 @!p0 $0x1;
	_ =	shalt  }
.Lfunc_end2:
_tile_overlayer_lowered:
.L_overlay_start_2:
0x2d2: {  	(tag) =	ssettag $0x2  }
0x2d3: {  	s0 =	rddreg [dreg:$0x0];
	s2 =	stileid.u32  }
0x2d4: {  	s1 =	rddreg [dreg:$0x1];
	p0 =	sne.s32 s2, $0x0  }
0x2d5: {  	s3 =	rddreg [dreg:$0x2];
	[bflag:$0x3] =	sbarrier.arrive $0xFFFF;
	s2 =	simm.s32 @!p0 $0x1C07  }
0x2d6: {  	[timem:s3], [sflag:s2] =	dma.local @!p0 [hbm:s0], s1  }
0x2d7: {  	s0 =	simm.s32 @!p0 $0x7  }
0x2d8: {  	_ =	swait.ge @!p0 [sflag:s0], s1  }
0x2d9: {  	s1 =	ssub.s32 @!p0 $0x0, s1;
	[sflag:s0] =	ssyncset.done @!p0 $0x0  }
0x2da: {  	[sflag:s0] =	ssyncadd.s32 @!p0 s1  }
0x2db: {  	[bflag:$0x3] =	sbarrier.arrive $0xFFFF  }
0x2dc: {  	_ =	shalt  }

// kernel: kernel.7.cloned.1.call-start
scs
__scs_entry_jumppad:
0x0: {  	(pc) =	sbr.rel $0x88, $3  }
0x1: {  	(tag) =	ssettag $0x0;
	lr =	simm.s32 $0x1  }
0x2: {  	[smem:$0x3F97] =	sst lr;
	_ =	strace $0xD0000000  }
0x3: {  	_ = 	snop  }
0x4: {  	_ = 	snop  }
0x5: {  	_ = 	snop  }
0x6: {  	_ = 	snop  }
0x7: {  	_ = 	snop  }
__scs_overlays_trampoline_lowered:
0x8: {  	[smem:$0x3FA6] =	sst s0  }
0x9: {  	[smem:$0x3FA7] =	sst s1  }
0xa: {  	[smem:$0x3FA8] =	sst s2  }
0xb: {  	[smem:$0x3FA9] =	sst s3  }
0xc: {  	[smem:$0x3FAA] =	sst s4  }
0xd: {  	[smem:$0x3FAB] =	sst s5  }
0xe: {  	[smem:$0x3FAC] =	sst s6  }
0xf: {  	[smem:$0x3FAD] =	sst s7  }
0x10: {  	[smem:$0x3FAE] =	sst s8  }
0x11: {  	[smem:$0x3FAF] =	sst s9;
	s0 =	simm.s32 @!p0 $0x0  }
0x12: {  	s1 =	sld [smem:$0x3F95];
	s0 =	simm.s32 @p0 $0x1  }
0x13: {  	[smem:$0x3FB0] =	sst s0;
	s0 =	simm.s32 @!p1 $0x0  }
0x14: {  	s2 =	sld [smem:$0x3F94];
	s0 =	simm.s32 @p1 $0x1  }
0x15: {  	[smem:$0x3FB1] =	sst s0;
	s0 =	simm.s32 @!p2 $0x0  }
0x16: {  	s3 =	sld [smem:$0x3FDB];
	s0 =	simm.s32 @p2 $0x1  }
0x17: {  	s4 =	simm.s32 $0x1BF5;
	[smem:$0x3FB3] =	sst s0  }
0x18: {  	s0 =	sld [smem:$0x3F96];
	_ =	swait.ge [sflag:s4], $0x0  }
0x19: {  	s7 =	sld [smem:$0x3F97]  }
0x1a: {  	s8 =	sadd.s32 $0xFFFFE003, lr  }
0x1b: {  	s9 =	sadd.s32 $0xFFFFFEF7, lr;
	s5 =	simm.s32 $0xFFFFFFFF;
	p2 =	slt.u32 s8, $0xFFFFF086  }
0x1c: {  	p1 =	slt.u32 s9, $0xF7A;
	s5 =	simm.s32 @!p2 $0x0  }
0x1d: {  	s5 =	simm.s32 @p1 $0x1;
	p0 =	seq.s32 s7, s2  }
0x1e: {  	s7 =	smul.u32 @!p0 $0xF7A, s2;
	p2 =	seq.s32 @!p0 s5, $0x0  }
0x1f: {  	s9 =	smul.u32 $0xF7A, s1;
	s8 =	simm.s32 @!p0 $0x1BF5;
	p2 =	por !p2, p0  }
0x20: {  	[sflag:s8] =	ssyncset.s32 @!p0 $0xFFFFF086;
	s6 =	sadd.s32 @!p0 s3, s7;
	s7 =	simm.s32 @!p0 $0x108  }
0x21: {  	s3 =	sadd.s32 s3, s9;
	s6 =	sadd.s32 @!p0 $0x88, s6;
	s7 =	simm.s32 @p2 $0x1082  }
0x22: {  	[simem:s7], [sflag:s8] =	dma.local @!p0 [hbm:s6], $0xF7A  }
0x23: {  	s9 =	sor.u32 $0xD0000000, s2;
	s6 =	simm.s32 $0x108;
	_ =	swait.ge @!p0 [sflag:s8], $0x0  }
0x24: {  	s3 =	sadd.s32 $0x88, s3;
	s6 =	simm.s32 @!p1 $0x1082;
	[sflag:s4] =	ssyncset.s32 $0xFFFFF086  }
0x25: {  	[simem:s6], [sflag:s4] =	dma.local [hbm:s3], $0xF7A  }
0x26: {  	[smem:$0x3F97] =	sst s1;
	(tag) =	ssettag s2;
	_ =	strace s9  }
0x27: {  	s1 =	sld [smem:$0x3FA7]  }
0x28: {  	s2 =	sld [smem:$0x3FA8]  }
0x29: {  	s4 =	sld [smem:$0x3FAA]  }
0x2a: {  	p0 =	seq.s32 s5, $0x0;
	s5 =	sld [smem:$0x3FAB]  }
0x2b: {  	s6 =	sld [smem:$0x3FAC]  }
0x2c: {  	s7 =	sld [smem:$0x3FAD]  }
0x2d: {  	s3 =	simm.s32 $0x108;
	s8 =	sld [smem:$0x3FAE]  }
0x2e: {  	s3 =	simm.s32 @!p0 $0x1082;
	s9 =	sld [smem:$0x3FAF]  }
0x2f: {  	lr =	sadd.s32 s0, s3;
	s0 =	sld [smem:$0x3FA6]  }
0x30: {  	s3 =	sld [smem:$0x3FA9]  }
0x31: {  	[smem:$0x3FB2] =	sst s10  }
0x32: {  	s10 =	sld [smem:$0x3FB0];
	_ =	sdelay $0x3  }
0x33: {  	p0 =	seq.s32 s10, $0x1;
	s10 =	sld [smem:$0x3FB2];
	_ =	sdelay $0x3  }
0x34: {  	[smem:$0x3FB2] =	sst s10  }
0x35: {  	s10 =	sld [smem:$0x3FB1];
	_ =	sdelay $0x3  }
0x36: {  	p1 =	seq.s32 s10, $0x1;
	s10 =	sld [smem:$0x3FB2];
	_ =	sdelay $0x3  }
0x37: {  	[smem:$0x3FB2] =	sst s10  }
0x38: {  	s10 =	sld [smem:$0x3FB3]  }
0x39: {  	_ = 	snop;
	(pc) =	sbr.ind lr, $3  }
0x3a: {  	_ = 	snop  }
0x3b: {  	_ = 	snop  }
0x3c: {  	p2 =	seq.s32 s10, $0x1;
	s10 =	sld [smem:$0x3FB2]  }
0x3d: {  	_ =	shalt  }
0x3e: {  	_ =	shalt  }
0x3f: {  	_ =	shalt  }
0x40: {  	_ =	shalt  }
0x41: {  	_ =	shalt  }
0x42: {  	_ =	shalt  }
0x43: {  	_ =	shalt  }
0x44: {  	_ =	shalt  }
0x45: {  	_ =	shalt  }
0x46: {  	_ =	shalt  }
0x47: {  	_ =	shalt  }
0x48: {  	_ =	shalt  }
0x49: {  	_ =	shalt  }
0x4a: {  	_ =	shalt  }
0x4b: {  	_ =	shalt  }
0x4c: {  	_ =	shalt  }
0x4d: {  	_ =	shalt  }
0x4e: {  	_ =	shalt  }
0x4f: {  	_ =	shalt  }
0x50: {  	_ =	shalt  }
0x51: {  	_ =	shalt  }
0x52: {  	_ =	shalt  }
0x53: {  	_ =	shalt  }
0x54: {  	_ =	shalt  }
0x55: {  	_ =	shalt  }
0x56: {  	_ =	shalt  }
0x57: {  	_ =	shalt  }
0x58: {  	_ =	shalt  }
0x59: {  	_ =	shalt  }
0x5a: {  	_ =	shalt  }
0x5b: {  	_ =	shalt  }
0x5c: {  	_ =	shalt  }
0x5d: {  	_ =	shalt  }
0x5e: {  	_ =	shalt  }
0x5f: {  	_ =	shalt  }
0x60: {  	_ =	shalt  }
0x61: {  	_ =	shalt  }
0x62: {  	_ =	shalt  }
0x63: {  	_ =	shalt  }
0x64: {  	_ =	shalt  }
0x65: {  	_ =	shalt  }
0x66: {  	_ =	shalt  }
0x67: {  	_ =	shalt  }
0x68: {  	_ =	shalt  }
0x69: {  	_ =	shalt  }
0x6a: {  	_ =	shalt  }
0x6b: {  	_ =	shalt  }
0x6c: {  	_ =	shalt  }
0x6d: {  	_ =	shalt  }
0x6e: {  	_ =	shalt  }
0x6f: {  	_ =	shalt  }
0x70: {  	_ =	shalt  }
0x71: {  	_ =	shalt  }
0x72: {  	_ =	shalt  }
0x73: {  	_ =	shalt  }
0x74: {  	_ =	shalt  }
0x75: {  	_ =	shalt  }
0x76: {  	_ =	shalt  }
0x77: {  	_ =	shalt  }
0x78: {  	_ =	shalt  }
0x79: {  	_ =	shalt  }
0x7a: {  	_ =	shalt  }
0x7b: {  	_ =	shalt  }
0x7c: {  	_ =	shalt  }
0x7d: {  	_ =	shalt  }
0x7e: {  	_ =	shalt  }
0x7f: {  	_ =	shalt  }
0x80: {  	_ =	shalt  }
0x81: {  	_ =	shalt  }
0x82: {  	_ =	shalt  }
0x83: {  	_ =	shalt  }
0x84: {  	_ =	shalt  }
0x85: {  	_ =	shalt  }
0x86: {  	_ =	shalt  }
0x87: {  	_ =	shalt  }
.Lfunc_end0:
.L_simem_size_0:
called_computation_lowered:
.L_overlay_start_0:
0x88: {  	s2 =	sld [smem:$0x3FD9]  }
0x89: {  	s3 =	sld [smem:$0x3FFE];
	_ =	sdelay $0x1  }
0x8a: {  	s1 =	srdreg.scid  }
0x8b: {  	s0 =	sand.u32 $0x1, s1  }
0x8c: {  	s17 =	sshll.u32 s0, $0xA;
	s2 =	sadd.s32 s3, s2  }
0x8d: {  	s2 =	sadd.s32 s2, s17  }
0x8e: {  	[smem:$0x3FBE] =	sst s2  }
0x8f: {  	_ = 	snop  }
0x90: {  	s2 =	sld [smem:$0x3FD0];
	(tm) =	ssettm $0x1  }
0x91: {  	s18 =	sld [smem:$0x3FFB];
	_ =	sdelay $0x3  }
0x92: {  	_ =	strace s18  }
0x93: {  	s3 =	sld [smem:$0x3FFC];
	_ =	sdelay $0x3  }
0x94: {  	_ =	strace s3  }
0x95: {  	s3 =	sld [smem:$0x3FFD];
	_ =	sdelay $0x3  }
0x96: {  	_ =	strace s3  }
0x97: {  	_ =	strace $0x8FFFFFFF  }
0x98: {  	s19 =	sld [smem:$0x3FDB];
	_ =	sdelay $0x1  }
0x99: {  	s4 =	simm.s32 $_scs_section_size  }
0x9a: {  	s5 =	simm.s32 $_size__tile_overlayer_lowered;
	s6 =	simm.s32 $_tile_overlayer_lowered  }
0x9b: {  	s22 =	simm.s32 $0x1BFF;
	s21 =	sshll.u32 s6, $0x1;
	s3 =	sadd.s32 s4, s19  }
0x9c: {  	s7 =	simm.s32 $0x0;
	s20 =	sshll.u32 s5, $0x1;
	s5 =	sadd.s32 s21, s3  }
0x9d: {  	[timem:s7], [sflag:s22] =	dma.local [hbm:s5], s20  }
0x9e: {  	_ =	swait.ge [sflag:s22], s20  }
0x9f: {  	s4 =	ssub.s32 $0x0, s20;
	[sflag:s22] =	ssyncset.done $0x0  }
0xa0: {  	[sflag:s22] =	ssyncadd.s32 s4;
	_ =	sdelay $0x1  }
0xa1: {  	s23 =	simm.s32 $0x1B8B  }
0xa2: {  	_ =	swait.ge [sflag:s23], $0x1  }
0xa3: {  	[sflag:s23] =	ssyncset.done $0x0  }
0xa4: {  	s25 =	simm.s32 $0x1B8E;
	s24 =	sld [smem:$0x3FFE];
	[sflag:s23] =	ssyncadd.s32 $0xFFFFFFFF  }
0xa5: {  	s26 =	simm.s32 $execute0_lowered;
	[smem:$0x3FD2] =	sst s25  }
0xa6: {  	s5 =	sshll.u32 s26, $0x1;
	_ =	strace $0x80000046;
	[dreg:$0x1] =	wrdreg $0xFFFFFFFF  }
0xa7: {  	s28 =	simm.s32 $_size_execute0_lowered;
	s3 =	sadd.s32 s3, s5;
	[dreg:$0x0] =	wrdreg $0x0  }
0xa8: {  	s5 =	sshll.u32 s28, $0x1;
	[dreg:$0x2] =	wrdreg s3  }
0xa9: {  	[dreg:$0x3] =	wrdreg s5  }
0xaa: {  	[dreg:$0x4] =	wrdreg $0xC0  }
0xab: {  	_ =	task [dreg:s7], $0x5FFFF  }
0xac: {  	[dreg:$0x1] =	wrdreg $0xFFFFFFFF  }
0xad: {  	[dreg:$0x0] =	wrdreg $0x60  }
0xae: {  	[dreg:$0x2] =	wrdreg s24  }
0xaf: {  	[dreg:$0x3] =	wrdreg s2  }
0xb0: {  	[dreg:$0x4] =	wrdreg $0x67C00  }
0xb1: {  	[dreg:$0x5] =	wrdreg $0x9  }
0xb2: {  	_ =	task.clear_ibuf [dreg:s7], $0x6FFFF;
	_ =	strace $0x90000046  }
0xb3: {  	s29 =	simm.s32 $0x9;
	_ =	strace $0x80000048  }
0xb4: {  	_ =	swait.ge [sflag:s29], $0x1  }
0xb5: {  	[sflag:s29] =	ssyncadd.s32 $0xFFFFFFFF  }
0xb6: {  	_ =	strace $0x90000048  }
0xb7: {  	_ =	sfence  }
0xb8: {  	s30 =	sld [smem:$0x0];
	_ =	sdelay $0x2  }
0xb9: {  	s31 =	sshll.u32 s1, $0xD;
	s1 =	sshrl.u32 s1, $0x2  }
0xba: {  	s3 =	sand.u32 $0x4000, s31;
	s1 =	sadd.s32 s1, s30  }
0xbb: {  	s0 =	sor.u32 s3, s0;
	s1 =	sshll.u32 s1, $0x11  }
0xbc: {  	s0 =	sor.u32 s1, s0  }
0xbd: {  	s0 =	sadd.s32 $0x8F2B, s0  }
0xbe: {  	[sflag:s0] =	ssyncadd.remote.s32 $0x1  }
0xbf: {  	_ =	sfence.sel $0xFFFF  }
0xc0: {  	[dreg:$0x0] =	wrdreg $0xFFFFFFFF;
	(pc) =	sbr.abs _section_cstart, $3  }
0xc1: {  	[dreg:$0x1] =	wrdreg $0xFFFFFFFF  }
0xc2: {  	_ =	task.clear_ibuf [dreg:s7], $0x2FFFF;
	_ =	strace $0x9FFFFFFF  }
0xc3: {  	(tm) =	ssettm $0x7FFFFFFF  }
tec
execute0_lowered:
.L_overlay_start_1:
0x0: {  	(tag) =	ssettag $0x1  }
0x1: {  	s0 =	rddreg [dreg:$0x0]  }
0x2: {  	s1 =	rddreg [dreg:$0x1]  }
0x3: {  	s2 =	rddreg [dreg:$0x2];
	s4 =	simm.s32 $0x0;
	s3 =	srdreg.scid  }
0x4: {  	s13 =	stileid.u32;
	s28 =	simm.s32 $0x3020;
	s29 =	simm.s32 $0x32A0  }
0x5: {  	s30 =	simm.s32 $0x32F0;
	s31 =	simm.s32 $0x3340;
	s14 =	simm.s32 $0x6  }
0x6: {  	[smem:$0x7FF] =	sst s4;
	s5 =	sadd.s32 $0x2000, s0;
	s3 =	sand.u32 $0x1, s3  }
0x7: {  	s7 =	smul.u32 $0x57C00, s13;
	s6 =	sadd.s32 $0x2E000, s0;
	s0 =	sadd.s32 $0x41A00, s0  }
0x8: {  	s10 =	smul.u32 $0x15F00, s13;
	s15 =	sshll.u32 s13, $0x1;
	p0 =	sne.s32 s13, $0xF  }
0x9: {  	s13 =	simm.s32 $0x5;
	s8 =	ssub.s32 $0x2, s3;
	s7 =	sshrl.u32 s7, $0x2  }
0xa: {  	_ =	strace $0x80000047;
	s9 =	sshrl.u32 s8, $0x1;
	s12 =	sadd.s32 s7, s2  }
0xb: {  	s8 =	ssub.s32 s8, s9;
	s9 =	sor.u32 s3, s15;
	s11 =	sadd.s32 $0x2D00, s12  }
0xc: {  	s7 =	sadd.s32 s10, s2;
	s16 =	sadd.s32 $0x5A00, s12;
	[dreg:$0x4] =	wrdreg s11  }
0xd: {  	s3 =	smul.u32 $0x15F900, s3;
	s17 =	sadd.s32 $0x8700, s12;
	[dreg:$0x5] =	wrdreg s16  }
0xe: {  	s15 =	simm.s32 $0x4;
	s18 =	sadd.s32 $0xB400, s12;
	[dreg:$0x6] =	wrdreg s17  }
0xf: {  	s19 =	sadd.s32 $0xE100, s12;
	s20 =	sadd.s32 $0x10E00, s12;
	[dreg:$0x7] =	wrdreg s18  }
0x10: {  	s21 =	sadd.s32 $0x13B00, s12;
	s26 =	smax.u32 s8, $0x1;
	[dreg:$0x8] =	wrdreg s19  }
0x11: {  	s8 =	simm.s32 $0x2;
	s12 =	simm.s32 $0x6540;
	[dreg:$0x9] =	wrdreg s20  }
0x12: {  	s11 =	smul.u32 $0x2710, s9;
	[dreg:$0xa] =	wrdreg s21;
	s16 =	sadd.s32 $0x15F000, s2  }
0x13: {  	s10 =	sadd.s32 s10, s3;
	s3 =	sshrl.u32 s3, $0x3;
	[dreg:$0xf] =	wrdreg s26  }
0x14: {  	s26 =	simm.s32 $0x2DA0;
	s24 =	sshrl.u32 s10, $0x3;
	s3 =	sadd.s32 s0, s3  }
0x15: {  	s10 =	simm.s32 $0x1;
	s22 =	sshrl.u32 s11, $0x3;
	s17 =	sadd.s32 $0x50, s11  }
0x16: {  	v3 =	vlaneseq.u32;
	v0 =	vimm.f32 $0.0e+00;
	s0 =	sadd.s32 s0, s24;
	s25 =	sadd.s32 $0x2BE00, s3;
	s24 =	simm.s32 $0x7  }
0x17: {  	v2 =	vimm.s32 $0x3020100;
	v4 =	vimm.s32 $0x0;
	vm0 =	vcmask $0x300;
	s3 =	simm.s32 $0x62C0;
	s9 =	sadd.s32 s6, s22;
	[dreg:$0xd] =	wrdreg s0  }
0x18: {  	vm15 =	vcmask $0xF00;
	v1 =	vshrl.u32 v3, $0x3;
	v5 =	vunpack.c.0.s8.s32 v2;
	[dreg:$0xe] =	wrdreg s25;
	s25 =	simm.s32 $0x50;
	s23 =	sadd.s32 $0x4D8, s9  }
0x19: {  	v6 =	vand.u32 $0x3, v3;
	v2 =	vsel vm0, $0x3, v4;
	v1 =	vmul.u32 $0x8, v1;
	s0 =	simm.s32 $0x6040;
	s9 =	sadd.s32 $0xA118, s9;
	[dreg:$0xb] =	wrdreg s23  }
0x1a: {  	v3 =	vand.u32 $0x7, v3;
	v4 =	vor.u32 $0x4, v6;
	v5 =	vnsel vm15, $0x3, v5;
	[dreg:$0xc] =	wrdreg s9;
	s23 =	simm.s32 $0xA0;
	s9 =	simm.s32 $0x3  }
.LBB2_1:
0x1b: {  	s18 =	simm.s32 $0x0;
	s19 =	simm.s32 $0x240  }
.LBB2_2:
0x1c: {  	p1 =	sne.s32 s19, $0xB1C0;
	[tilespmem:s18+$0x120] =	vst v0  }
0x1d: {  	[tilespmem:s18+$0xA0] =	vst v0  }
0x1e: {  	[tilespmem:s18+$0xB0] =	vst v0  }
0x1f: {  	[tilespmem:s18+$0xC0] =	vst v0  }
.Ltmp0:
0x20: {  	[tilespmem:s18+$0xD0] =	vst v0;
	(pc) =	sbr.rel @p1 .LBB2_2-.Ltmp0, $4  }
0x21: {  	[tilespmem:s18+$0xE0] =	vst v0  }
0x22: {  	[tilespmem:s18+$0xF0] =	vst v0  }
0x23: {  	[tilespmem:s18+$0x100] =	vst v0  }
0x24: {  	[tilespmem:s18+$0x110] =	vst v0;
	s18 =	sshra.s32 s19, $0x2;
	s19 =	sadd.s32 $0x240, s19  }
0x25: {  	[tilespmem:s18+$0x120] =	vst v0  }
0x26: {  	[tilespmem:s18+$0xA0] =	vst v0  }
0x27: {  	[tilespmem:s18+$0xB0] =	vst v0  }
0x28: {  	[tilespmem:s18+$0xC0] =	vst v0  }
0x29: {  	[tilespmem:s18+$0xD0] =	vst v0  }
0x2a: {  	[tilespmem:s18+$0xE0] =	vst v0  }
0x2b: {  	[tilespmem:s18+$0xF0] =	vst v0  }
0x2c: {  	[tilespmem:s18+$0x100] =	vst v0  }
0x2d: {  	[tilespmem:s18+$0x110] =	vst v0  }
0x2e: {  	[spmem:s7] =	stream.linear.scatter [tilespmem:s23], [sflag:$0x7], $0x2D00, $0x38;
	[tilespmem:$0x1C750] =	vst v63  }
0x2f: {  	_ =	swait.ge [sflag:s24], $0x2D00  }
0x30: {  	[sflag:s24] =	ssyncset.done $0x0  }
0x31: {  	s20 =	rddreg [dreg:$0x4];
	[sflag:s24] =	ssyncadd.s32 $0xFFFFD300  }
0x32: {  	[spmem:s20] =	stream.linear.scatter [tilespmem:s23], [sflag:$0x7], $0x2D00, $0x38;
	[tilespmem:$0x1C750] =	vst v63  }
0x33: {  	_ =	swait.ge [sflag:s24], $0x2D00  }
0x34: {  	[sflag:s24] =	ssyncset.done $0x0  }
0x35: {  	s21 =	rddreg [dreg:$0x5];
	[sflag:s24] =	ssyncadd.s32 $0xFFFFD300  }
0x36: {  	[spmem:s21] =	stream.linear.scatter [tilespmem:s23], [sflag:$0x7], $0x2D00, $0x38;
	[tilespmem:$0x1C750] =	vst v63  }
0x37: {  	_ =	swait.ge [sflag:s24], $0x2D00  }
0x38: {  	[sflag:s24] =	ssyncset.done $0x0  }
0x39: {  	s22 =	rddreg [dreg:$0x6];
	[sflag:s24] =	ssyncadd.s32 $0xFFFFD300  }
0x3a: {  	[spmem:s22] =	stream.linear.scatter [tilespmem:s23], [sflag:$0x7], $0x2D00, $0x38;
	[tilespmem:$0x1C750] =	vst v63  }
0x3b: {  	_ =	swait.ge [sflag:s24], $0x2D00  }
0x3c: {  	[sflag:s24] =	ssyncset.done $0x0  }
0x3d: {  	s19 =	rddreg [dreg:$0x7];
	[sflag:s24] =	ssyncadd.s32 $0xFFFFD300  }
0x3e: {  	[spmem:s19] =	stream.linear.scatter [tilespmem:s23], [sflag:$0x7], $0x2D00, $0x38;
	[tilespmem:$0x1C750] =	vst v63  }
0x3f: {  	_ =	swait.ge [sflag:s24], $0x2D00  }
0x40: {  	[sflag:s24] =	ssyncset.done $0x0  }
0x41: {  	s20 =	rddreg [dreg:$0x8];
	[sflag:s24] =	ssyncadd.s32 $0xFFFFD300  }
0x42: {  	[spmem:s20] =	stream.linear.scatter [tilespmem:s23], [sflag:$0x7], $0x2D00, $0x38;
	[tilespmem:$0x1C750] =	vst v63  }
0x43: {  	_ =	swait.ge [sflag:s24], $0x2D00  }
0x44: {  	[sflag:s24] =	ssyncset.done $0x0  }
0x45: {  	s21 =	rddreg [dreg:$0x9];
	[sflag:s24] =	ssyncadd.s32 $0xFFFFD300  }
0x46: {  	[spmem:s21] =	stream.linear.scatter [tilespmem:s23], [sflag:$0x7], $0x2D00, $0x38;
	[tilespmem:$0x1C750] =	vst v63  }
0x47: {  	_ =	swait.ge [sflag:s24], $0x2D00  }
0x48: {  	[sflag:s24] =	ssyncset.done $0x0  }
0x49: {  	s22 =	rddreg [dreg:$0xa];
	[sflag:s24] =	ssyncadd.s32 $0xFFFFD300  }
0x4a: {  	[spmem:s22] =	stream.linear.scatter [tilespmem:s23], [sflag:$0x7], $0x2400, $0x38;
	[tilespmem:$0x1C750] =	vst v63  }
0x4b: {  	_ =	swait.ge [sflag:s24], $0x2400  }
0x4c: {  	[sflag:s24] =	ssyncset.done $0x0  }
0x4d: {  	s18 =	simm.s32 @!p0 $0xA0;
	[sflag:s24] =	ssyncadd.s32 $0xFFFFDC00  }
0x4e: {  	[spmem:s16] =	stream.linear.scatter @!p0 [tilespmem:s18], [sflag:$0x7], $0x900, $0x38;
	[tilespmem:$0x1C750] =	vst v63  }
0x4f: {  	s18 =	simm.s32 @!p0 $0x7  }
0x50: {  	_ =	swait.ge @!p0 [sflag:s18], $0x900  }
0x51: {  	[sflag:s18] =	ssyncset.done @!p0 $0x0  }
0x52: {  	[sflag:s18] =	ssyncadd.s32 @!p0 $0xFFFFF700  }
0x53: {  	s19 =	simm.s32 $0x0;
	s18 =	simm.s32 $0x0;
	[bflag:$0x0] =	sbarrier.arrive $0xFFFF  }
.LBB2_4:
0x54: {  	s20 =	smul.u32 $0xA0, s19;
	_ =	sdelay $0x1  }
0x55: {  	s21 =	sadd.s32 s11, s20  }
0x56: {  	s21 =	sshrl.u32 s21, $0x3  }
0x57: {  	s21 =	sadd.s32 s6, s21  }
0x58: {  	[tilespmem:s18], [sflag:$0x7] =	stream.linear.gather [hbm4b:s21+s18], $0x50, $0x38;
	[tilespmem:$0x1C750] =	vst v63  }
0x59: {  	_ =	swait.ge [sflag:s24], $0x50  }
0x5a: {  	[sflag:s24] =	ssyncset.done $0x0  }
0x5b: {  	s21 =	sadd.s32 $0x9C40, s21;
	[sflag:s24] =	ssyncadd.s32 $0xFFFFFFB0  }
0x5c: {  	[tilespmem:s25], [sflag:$0x7] =	stream.linear.gather [hbm4b:s21+s18], $0x50, $0x38;
	[tilespmem:$0x1C750] =	vst v63  }
0x5d: {  	_ =	swait.ge [sflag:s24], $0x50  }
0x5e: {  	[sflag:s24] =	ssyncset.done $0x0  }
0x5f: {  	[sflag:s24] =	ssyncadd.s32 $0xFFFFFFB0  }
0x60: {  	[tilespmem:s23], [sflag:$0x1] =	stream.indirect.gather [hbm4b:s5+s25], $0x90, s18, s25, $0xb8;
	[tilespmem:$0x1C750] =	vst v63  }
0x61: {  	s20 =	sadd.s32 s20, s17  }
0x62: {  	[tilespmem:s26], [sflag:$0x2] =	stream.indirect.gather [hbm4b:s1+s25], $0x8, s18, s25, $0xb8;
	[tilespmem:$0x1C750] =	vst v63  }
0x63: {  	s20 =	sshrl.u32 s20, $0x3  }
0x64: {  	[tilespmem:s28], [sflag:$0x3] =	stream.indirect.gather [hbm4b:s1+s25], $0x8, s25, s25, $0xb8;
	[tilespmem:$0x1C750] =	vst v63  }
0x65: {  	s20 =	sadd.s32 s6, s20  }
0x66: {  	[tilespmem:s29], [sflag:$0x7] =	stream.linear.gather [hbm4b:s20+s18], $0x50, $0x38;
	[tilespmem:$0x1C750] =	vst v63  }
0x67: {  	_ =	swait.ge [sflag:s24], $0x50  }
0x68: {  	[sflag:s24] =	ssyncset.done $0x0  }
0x69: {  	s20 =	sadd.s32 $0x9C40, s20;
	[sflag:s24] =	ssyncadd.s32 $0xFFFFFFB0  }
0x6a: {  	[tilespmem:s30], [sflag:$0x7] =	stream.linear.gather [hbm4b:s20+s18], $0x50, $0x38;
	[tilespmem:$0x1C750] =	vst v63  }
0x6b: {  	_ =	swait.ge [sflag:s24], $0x50  }
0x6c: {  	[sflag:s24] =	ssyncset.done $0x0  }
0x6d: {  	[sflag:s24] =	ssyncadd.s32 $0xFFFFFFB0  }
0x6e: {  	[tilespmem:s31], [sflag:$0x4] =	stream.indirect.gather [hbm4b:s5+s25], $0x90, s29, s25, $0xb8;
	[tilespmem:$0x1C750] =	vst v63  }
0x6f: {  	_ = 	snop  }
0x70: {  	[tilespmem:s0], [sflag:$0x5] =	stream.indirect.gather [hbm4b:s1+s25], $0x8, s29, s25, $0xb8;
	[tilespmem:$0x1C750] =	vst v63  }
0x71: {  	v6 =	vmov s18  }
0x72: {  	v6 =	vshll.u32 v6, $0x3;
	[tilespmem:s3], [sflag:$0x6] =	stream.indirect.gather [hbm4b:s1+s25], $0x8, s30, s25, $0xb8;
	[tilespmem:$0x1C750] =	vst v63  }
0x73: {  	v6 =	vor.u32 v1, v6;
	_ =	swait.ge [sflag:s8], $0x280  }
0x74: {  	v7 =	vor.u32 v4, v6;
	[sflag:s8] =	ssyncset.done $0x0  }
0x75: {  	v6 =	vor.u32 v3, v6;
	[sflag:s8] =	ssyncadd.s32 $0xFFFFFD80  }
0x76: {  	_ =	swait.ge [sflag:s9], $0x280  }
0x77: {  	[sflag:s9] =	ssyncset.done $0x0  }
0x78: {  	[sflag:s9] =	ssyncadd.s32 $0xFFFFFD80  }
0x79: {  	v7 =	vld.idx.msk [tilespmem:v7+s28+$0x0], $0xffff  }
0x7a: {  	v6 =	vld.idx.msk [tilespmem:v6+s26+$0x0], $0xffff;
	_ =	sdelay $0x4  }
0x7b: {  	v6 =	vadd.f32 v7, v6;
	_ =	sdelay $0x1  }
0x7c: {  	v7 =	vmul.f32 $2.000000030e-01, v6;
	_ =	sdelay $0x1  }
0x7d: {  	v6 =	vmax.f32 v6, v7  }
0x7e: {  	v6 =	vmul.f32 $1.442695020e+00, v6;
	_ =	sdelay $0x1  }
0x7f: {  	(erf) = vpow2.f32 v6;
	_ =	sdelay $0x1  }
0x80: {  	s21 =	simm.s32 $0x2  }
0x81: {  	v6 =	vmov s21  }
0x82: {  	v6 =	vshll.u32 v6, $0x3  }
0x83: {  	v6 =	vor.u32 v1, v6  }
0x84: {  	v7 =	vor.u32 v4, v6  }
0x85: {  	v6 =	vor.u32 v3, v6;
	_ =	sdelay $0x1  }
0x86: {  	s20 =	simm.s32 $0x6540;
	v8 =	vpop (erf)  }
0x87: {  	[tilespmem:s20+$0x0] =	vst v8  }
0x88: {  	v7 =	vld.idx.msk [tilespmem:v7+s28+$0x0], $0xffff  }
0x89: {  	v6 =	vld.idx.msk [tilespmem:v6+s26+$0x0], $0xffff;
	_ =	sdelay $0x4  }
0x8a: {  	v6 =	vadd.f32 v7, v6;
	_ =	sdelay $0x1  }
0x8b: {  	v7 =	vmul.f32 $2.000000030e-01, v6;
	_ =	sdelay $0x1  }
0x8c: {  	v6 =	vmax.f32 v6, v7  }
0x8d: {  	v6 =	vmul.f32 $1.442695020e+00, v6;
	_ =	sdelay $0x1  }
0x8e: {  	(erf) = vpow2.f32 v6;
	_ =	sdelay $0x1  }
0x8f: {  	s22 =	simm.s32 $0x4  }
0x90: {  	v7 =	vmov s22  }
0x91: {  	s21 =	simm.s32 $0x6;
	v6 =	vshll.u32 v7, $0x3  }
.LBB2_5:
0x92: {  	p1 =	sne.s32 s21, $0x4E;
	v6 =	vor.u32 v1, v6  }
0x93: {  	v7 =	vor.u32 v4, v6  }
0x94: {  	v6 =	vor.u32 v3, v6;
	_ =	sdelay $0x1  }
0x95: {  	s20 =	sadd.s32 $0x10, s20;
	v8 =	vpop (erf)  }
0x96: {  	[tilespmem:s20+$0x0] =	vst v8  }
0x97: {  	v7 =	vld.idx.msk [tilespmem:v7+s28+$0x0], $0xffff  }
0x98: {  	v6 =	vld.idx.msk [tilespmem:v6+s26+$0x0], $0xffff;
	_ =	sdelay $0x5  }
0x99: {  	v6 =	vadd.f32 v7, v6;
	_ =	sdelay $0x1  }
0x9a: {  	v7 =	vmul.f32 $2.000000030e-01, v6;
	_ =	sdelay $0x1  }
0x9b: {  	v6 =	vmax.f32 v6, v7  }
0x9c: {  	v6 =	vmul.f32 $1.442695020e+00, v6;
	_ =	sdelay $0x1  }
.Ltmp1:
0x9d: {  	(erf) = vpow2.f32 v6;
	(pc) =	sbr.rel @p1 .LBB2_5-.Ltmp1, $3  }
0x9e: {  	_ =	sdelay $0x1  }
0x9f: {  	v6 =	vmov s21  }
0xa0: {  	s21 =	sadd.s32 $0x2, s21;
	v6 =	vshll.u32 v6, $0x3  }
0xa1: {  	v6 =	vor.u32 v1, v6  }
0xa2: {  	v7 =	vor.u32 v4, v6  }
0xa3: {  	v6 =	vor.u32 v3, v6;
	_ =	sdelay $0x1  }
0xa4: {  	s20 =	sadd.s32 $0x10, s20;
	v8 =	vpop (erf)  }
0xa5: {  	[tilespmem:s20+$0x0] =	vst v8  }
0xa6: {  	v7 =	vld.idx.msk [tilespmem:v7+s28+$0x0], $0xffff  }
0xa7: {  	v6 =	vld.idx.msk [tilespmem:v6+s26+$0x0], $0xffff;
	_ =	sdelay $0x4  }
0xa8: {  	v6 =	vadd.f32 v7, v6;
	_ =	sdelay $0x1  }
0xa9: {  	v7 =	vmul.f32 $2.000000030e-01, v6;
	_ =	sdelay $0x1  }
0xaa: {  	v6 =	vmax.f32 v6, v7  }
0xab: {  	v6 =	vmul.f32 $1.442695020e+00, v6;
	_ =	sdelay $0x1  }
0xac: {  	(erf) = vpow2.f32 v6;
	_ =	sdelay $0x7  }
0xad: {  	s21 =	simm.s32 $0x0  }
0xae: {  	s20 =	sadd.s32 $0x10, s20;
	v7 =	vmov s21;
	v6 =	vpop (erf)  }
0xaf: {  	[tilespmem:s20+$0x0] =	vst v6  }
0xb0: {  	_ =	swait.ge [sflag:s10], $0x2D00  }
0xb1: {  	[sflag:s10] =	ssyncset.done $0x0  }
0xb2: {  	[sflag:s10] =	ssyncadd.s32 $0xFFFFD300  }
0xb3: {  	s20 =	simm.s32 $0xE0;
	v6 =	vld.idx.msk [tilespmem:v7+s12+$0x0], $0xffff  }
0xb4: {  	v8 =	vld [tilespmem:s20+$0xFFFFFFC0];
	_ =	sdelay $0x4  }
0xb5: {  	v6 =	vmul.f32 v8, v6;
	_ =	sdelay $0x1  }
0xb6: {  	[tilespmem:s20+$0xFFFFFFC0] =	vst v6  }
0xb7: {  	v6 =	vld.idx.msk [tilespmem:v7+s12+$0x0], $0xffff;
	v7 =	vshrl.u32 v7, $0x3  }
0xb8: {  	v8 =	vld [tilespmem:s20+$0xFFFFFFD0];
	v7 =	vshll.u32 v7, v2  }
0xb9: {  	v9 =	vadd.s32 $0x1, v7  }
0xba: {  	v9 =	vbroadcast v9, $0x0;
	_ =	sdelay $0x2  }
0xbb: {  	v6 =	vmul.f32 v8, v6;
	_ =	sdelay $0x1  }
0xbc: {  	v8 =	vld [tilespmem:s20+$0xFFFFFFE0];
	[tilespmem:s20+$0xFFFFFFD0] =	vst v6  }
0xbd: {  	v6 =	vld.idx.msk [tilespmem:v9+s12+$0x0], $0xffff;
	_ =	sdelay $0x4  }
0xbe: {  	v6 =	vmul.f32 v8, v6;
	_ =	sdelay $0x1  }
0xbf: {  	v8 =	vld [tilespmem:s20+$0xFFFFFFF0];
	[tilespmem:s20+$0xFFFFFFE0] =	vst v6  }
0xc0: {  	v6 =	vld.idx.msk [tilespmem:v9+s12+$0x0], $0xffff  }
0xc1: {  	v9 =	vadd.s32 $0x2, v7  }
0xc2: {  	v9 =	vbroadcast v9, $0x0;
	_ =	sdelay $0x2  }
0xc3: {  	v6 =	vmul.f32 v8, v6;
	_ =	sdelay $0x1  }
0xc4: {  	v8 =	vld [tilespmem:s20+$0x0];
	[tilespmem:s20+$0xFFFFFFF0] =	vst v6  }
0xc5: {  	v6 =	vld.idx.msk [tilespmem:v9+s12+$0x0], $0xffff;
	_ =	sdelay $0x4  }
0xc6: {  	v6 =	vmul.f32 v8, v6;
	_ =	sdelay $0x1  }
0xc7: {  	v8 =	vld [tilespmem:s20+$0x10];
	[tilespmem:s20+$0x0] =	vst v6  }
0xc8: {  	v6 =	vld.idx.msk [tilespmem:v9+s12+$0x0], $0xffff  }
0xc9: {  	v7 =	vadd.s32 $0x3, v7  }
0xca: {  	v7 =	vbroadcast v7, $0x0;
	_ =	sdelay $0x2  }
0xcb: {  	v6 =	vmul.f32 v8, v6;
	_ =	sdelay $0x1  }
0xcc: {  	v8 =	vld [tilespmem:s20+$0x20];
	[tilespmem:s20+$0x10] =	vst v6  }
0xcd: {  	v6 =	vld.idx.msk [tilespmem:v7+s12+$0x0], $0xffff;
	_ =	sdelay $0x4  }
0xce: {  	v6 =	vmul.f32 v8, v6;
	_ =	sdelay $0x1  }
0xcf: {  	[tilespmem:s20+$0x20] =	vst v6  }
0xd0: {  	v6 =	vld.idx.msk [tilespmem:v7+s12+$0x0], $0xffff  }
0xd1: {  	v7 =	vld [tilespmem:s20+$0x30];
	_ =	sdelay $0x2  }
0xd2: {  	v8 =	vor.u32 s21, v5;
	_ =	sdelay $0x1  }
0xd3: {  	v6 =	vmul.f32 v7, v6;
	_ =	sdelay $0x1  }
0xd4: {  	[tilespmem:s20+$0x30] =	vst v6  }
0xd5: {  	v7 =	vld.idx.msk [tilespmem:v8+s12+$0x0], $0xffff  }
0xd6: {  	v8 =	vld [tilespmem:s20+$0x40];
	_ =	sdelay $0x1  }
0xd7: {  	s21 =	simm.s32 $0x8  }
0xd8: {  	s22 =	simm.s32 $0x10;
	v6 =	vmov s21  }
.LBB2_7:
0xd9: {  	p1 =	sne.s32 s22, $0x278  }
0xda: {  	v7 =	vmul.f32 v8, v7;
	_ =	sdelay $0x1  }
0xdb: {  	[tilespmem:s20+$0x40] =	vst v7  }
0xdc: {  	s20 =	sadd.s32 $0x90, s20;
	v7 =	vld.idx.msk [tilespmem:v6+s12+$0x0], $0xffff  }
0xdd: {  	v8 =	vld [tilespmem:s20+$0xFFFFFFC0];
	_ =	sdelay $0x4  }
0xde: {  	v7 =	vmul.f32 v8, v7;
	_ =	sdelay $0x1  }
0xdf: {  	[tilespmem:s20+$0xFFFFFFC0] =	vst v7  }
0xe0: {  	v7 =	vld.idx.msk [tilespmem:v6+s12+$0x0], $0xffff;
	v6 =	vshrl.u32 v6, $0x3  }
0xe1: {  	v8 =	vld [tilespmem:s20+$0xFFFFFFD0];
	v6 =	vshll.u32 v6, v2  }
0xe2: {  	v9 =	vadd.s32 $0x1, v6  }
0xe3: {  	v9 =	vbroadcast v9, $0x0;
	_ =	sdelay $0x2  }
0xe4: {  	v7 =	vmul.f32 v8, v7;
	_ =	sdelay $0x1  }
0xe5: {  	[tilespmem:s20+$0xFFFFFFD0] =	vst v7  }
0xe6: {  	v7 =	vld.idx.msk [tilespmem:v9+s12+$0x0], $0xffff  }
0xe7: {  	v8 =	vld [tilespmem:s20+$0xFFFFFFE0];
	_ =	sdelay $0x4  }
0xe8: {  	v7 =	vmul.f32 v8, v7;
	_ =	sdelay $0x1  }
0xe9: {  	[tilespmem:s20+$0xFFFFFFE0] =	vst v7  }
0xea: {  	v7 =	vld.idx.msk [tilespmem:v9+s12+$0x0], $0xffff  }
0xeb: {  	v8 =	vld [tilespmem:s20+$0xFFFFFFF0]  }
0xec: {  	v9 =	vadd.s32 $0x2, v6  }
0xed: {  	v9 =	vbroadcast v9, $0x0;
	_ =	sdelay $0x2  }
0xee: {  	v7 =	vmul.f32 v8, v7;
	_ =	sdelay $0x1  }
0xef: {  	[tilespmem:s20+$0xFFFFFFF0] =	vst v7  }
0xf0: {  	v7 =	vld.idx.msk [tilespmem:v9+s12+$0x0], $0xffff  }
0xf1: {  	v8 =	vld [tilespmem:s20+$0x0];
	_ =	sdelay $0x4  }
0xf2: {  	v7 =	vmul.f32 v8, v7;
	_ =	sdelay $0x1  }
0xf3: {  	[tilespmem:s20+$0x0] =	vst v7  }
0xf4: {  	v7 =	vld.idx.msk [tilespmem:v9+s12+$0x0], $0xffff  }
0xf5: {  	v8 =	vld [tilespmem:s20+$0x10]  }
0xf6: {  	v6 =	vadd.s32 $0x3, v6  }
0xf7: {  	v6 =	vbroadcast v6, $0x0;
	_ =	sdelay $0x2  }
0xf8: {  	v7 =	vmul.f32 v8, v7;
	_ =	sdelay $0x1  }
0xf9: {  	[tilespmem:s20+$0x10] =	vst v7  }
0xfa: {  	v7 =	vld.idx.msk [tilespmem:v6+s12+$0x0], $0xffff  }
0xfb: {  	v8 =	vld [tilespmem:s20+$0x20];
	_ =	sdelay $0x4  }
0xfc: {  	v7 =	vmul.f32 v8, v7;
	_ =	sdelay $0x1  }
0xfd: {  	[tilespmem:s20+$0x20] =	vst v7  }
0xfe: {  	v6 =	vld.idx.msk [tilespmem:v6+s12+$0x0], $0xffff  }
0xff: {  	v7 =	vld [tilespmem:s20+$0x30];
	_ =	sdelay $0x2  }
0x100: {  	v8 =	vor.u32 s21, v5;
	s21 =	smov.u32 s22;
	_ =	sdelay $0x1  }
0x101: {  	v6 =	vmul.f32 v7, v6;
	_ =	sdelay $0x1  }
0x102: {  	[tilespmem:s20+$0x30] =	vst v6  }
.Ltmp2:
0x103: {  	v7 =	vld.idx.msk [tilespmem:v8+s12+$0x0], $0xffff;
	(pc) =	sbr.rel @p1 .LBB2_7-.Ltmp2, $2  }
0x104: {  	v8 =	vld [tilespmem:s20+$0x40];
	_ =	sdelay $0x2  }
0x105: {  	s22 =	sadd.s32 $0x8, s22;
	v6 =	vmov s21  }
0x106: {  	_ = 	snop  }
0x107: {  	v7 =	vmul.f32 v8, v7  }
0x108: {  	s22 =	sadd.s32 $0x90, s20  }
0x109: {  	v8 =	vld [tilespmem:s22+$0xFFFFFFC0];
	[tilespmem:s20+$0x40] =	vst v7  }
0x10a: {  	v7 =	vld.idx.msk [tilespmem:v6+s12+$0x0], $0xffff;
	_ =	sdelay $0x4  }
0x10b: {  	v7 =	vmul.f32 v8, v7;
	_ =	sdelay $0x1  }
0x10c: {  	[tilespmem:s22+$0xFFFFFFC0] =	vst v7  }
0x10d: {  	v7 =	vld.idx.msk [tilespmem:v6+s12+$0x0], $0xffff;
	v6 =	vshrl.u32 v6, $0x3  }
0x10e: {  	v8 =	vld [tilespmem:s22+$0xFFFFFFD0];
	v6 =	vshll.u32 v6, v2  }
0x10f: {  	v9 =	vadd.s32 $0x1, v6  }
0x110: {  	v9 =	vbroadcast v9, $0x0;
	_ =	sdelay $0x2  }
0x111: {  	v7 =	vmul.f32 v8, v7;
	_ =	sdelay $0x1  }
0x112: {  	v8 =	vld [tilespmem:s22+$0xFFFFFFE0];
	[tilespmem:s22+$0xFFFFFFD0] =	vst v7  }
0x113: {  	v7 =	vld.idx.msk [tilespmem:v9+s12+$0x0], $0xffff;
	_ =	sdelay $0x4  }
0x114: {  	v7 =	vmul.f32 v8, v7;
	_ =	sdelay $0x1  }
0x115: {  	v8 =	vld [tilespmem:s22+$0xFFFFFFF0];
	[tilespmem:s22+$0xFFFFFFE0] =	vst v7  }
0x116: {  	v7 =	vld.idx.msk [tilespmem:v9+s12+$0x0], $0xffff  }
0x117: {  	v63 =	vadd.s32 $0x2, v6  }
0x118: {  	v9 =	vbroadcast v63, $0x0;
	_ =	sdelay $0x2  }
0x119: {  	v7 =	vmul.f32 v8, v7;
	_ =	sdelay $0x1  }
0x11a: {  	v8 =	vld [tilespmem:s22+$0x0];
	[tilespmem:s22+$0xFFFFFFF0] =	vst v7  }
0x11b: {  	v7 =	vld.idx.msk [tilespmem:v9+s12+$0x0], $0xffff;
	_ =	sdelay $0x4  }
0x11c: {  	v7 =	vmul.f32 v8, v7;
	_ =	sdelay $0x1  }
0x11d: {  	v8 =	vld [tilespmem:s22+$0x10];
	[tilespmem:s22+$0x0] =	vst v7  }
0x11e: {  	v7 =	vld.idx.msk [tilespmem:v9+s12+$0x0], $0xffff  }
0x11f: {  	v6 =	vadd.s32 $0x3, v6  }
0x120: {  	v6 =	vbroadcast v6, $0x0;
	_ =	sdelay $0x2  }
0x121: {  	v7 =	vmul.f32 v8, v7;
	_ =	sdelay $0x1  }
0x122: {  	v8 =	vld [tilespmem:s22+$0x20];
	[tilespmem:s22+$0x10] =	vst v7  }
0x123: {  	v7 =	vld.idx.msk [tilespmem:v6+s12+$0x0], $0xffff;
	_ =	sdelay $0x4  }
0x124: {  	v7 =	vmul.f32 v8, v7;
	_ =	sdelay $0x1  }
0x125: {  	[tilespmem:s22+$0x20] =	vst v7;
	v7 =	vld [tilespmem:s22+$0x30]  }
0x126: {  	v6 =	vld.idx.msk [tilespmem:v6+s12+$0x0], $0xffff;
	_ =	sdelay $0x2  }
0x127: {  	v8 =	vor.u32 s21, v5;
	_ =	sdelay $0x1  }
0x128: {  	v6 =	vmul.f32 v7, v6;
	_ =	sdelay $0x1  }
0x129: {  	v7 =	vld [tilespmem:s22+$0x40];
	[tilespmem:s22+$0x30] =	vst v6  }
0x12a: {  	v6 =	vld.idx.msk [tilespmem:v8+s12+$0x0], $0xffff;
	_ =	sdelay $0x4  }
0x12b: {  	v6 =	vmul.f32 v7, v6;
	_ =	sdelay $0x1  }
0x12c: {  	[tilespmem:s22+$0x40] =	vst v6  }
0x12d: {  	[spmem:s2] =	stream.indirect.scatter.add.f32 [tilespmem:s23], [sflag:$0x7], $0x90, s25, s25, $0xb8;
	[tilespmem:$0x1C750] =	vst v63  }
0x12e: {  	s22 =	simm.s32 $0x0;
	_ =	swait.ge [sflag:s24], $0x2D00  }
0x12f: {  	v6 =	vmov s22;
	[sflag:s24] =	ssyncset.done $0x0  }
0x130: {  	v6 =	vshll.u32 v6, $0x3;
	[sflag:s24] =	ssyncadd.s32 $0xFFFFD300  }
0x131: {  	v6 =	vor.u32 v1, v6;
	_ =	swait.ge [sflag:s13], $0x280  }
0x132: {  	v7 =	vor.u32 v4, v6;
	[sflag:s13] =	ssyncset.done $0x0  }
0x133: {  	v6 =	vor.u32 v3, v6;
	[sflag:s13] =	ssyncadd.s32 $0xFFFFFD80  }
0x134: {  	_ =	swait.ge [sflag:s14], $0x280  }
0x135: {  	[sflag:s14] =	ssyncset.done $0x0  }
0x136: {  	[sflag:s14] =	ssyncadd.s32 $0xFFFFFD80  }
0x137: {  	v7 =	vld.idx.msk [tilespmem:v7+s3+$0x0], $0xffff  }
0x138: {  	v6 =	vld.idx.msk [tilespmem:v6+s0+$0x0], $0xffff;
	_ =	sdelay $0x4  }
0x139: {  	v6 =	vadd.f32 v7, v6;
	_ =	sdelay $0x1  }
0x13a: {  	v7 =	vmul.f32 $2.000000030e-01, v6;
	_ =	sdelay $0x1  }
0x13b: {  	v6 =	vmax.f32 v6, v7  }
0x13c: {  	v6 =	vmul.f32 $1.442695020e+00, v6;
	_ =	sdelay $0x1  }
0x13d: {  	(erf) = vpow2.f32 v6;
	_ =	sdelay $0x1  }
0x13e: {  	s21 =	simm.s32 $0x2  }
0x13f: {  	v6 =	vmov s21  }
0x140: {  	v6 =	vshll.u32 v6, $0x3  }
0x141: {  	v6 =	vor.u32 v1, v6  }
0x142: {  	v7 =	vor.u32 v4, v6  }
0x143: {  	v6 =	vor.u32 v3, v6;
	_ =	sdelay $0x1  }
0x144: {  	s20 =	simm.s32 $0x6540;
	v8 =	vpop (erf)  }
0x145: {  	[tilespmem:s20+$0x0] =	vst v8  }
0x146: {  	v7 =	vld.idx.msk [tilespmem:v7+s3+$0x0], $0xffff  }
0x147: {  	v6 =	vld.idx.msk [tilespmem:v6+s0+$0x0], $0xffff;
	_ =	sdelay $0x4  }
0x148: {  	v6 =	vadd.f32 v7, v6;
	_ =	sdelay $0x1  }
0x149: {  	v7 =	vmul.f32 $2.000000030e-01, v6;
	_ =	sdelay $0x1  }
0x14a: {  	v6 =	vmax.f32 v6, v7  }
0x14b: {  	v6 =	vmul.f32 $1.442695020e+00, v6;
	_ =	sdelay $0x1  }
0x14c: {  	(erf) = vpow2.f32 v6;
	_ =	sdelay $0x1  }
0x14d: {  	s22 =	simm.s32 $0x4  }
0x14e: {  	v7 =	vmov s22  }
0x14f: {  	s21 =	simm.s32 $0x6;
	v6 =	vshll.u32 v7, $0x3  }
.LBB2_9:
0x150: {  	p1 =	sne.s32 s21, $0x4E;
	v6 =	vor.u32 v1, v6  }
0x151: {  	v7 =	vor.u32 v4, v6  }
0x152: {  	v6 =	vor.u32 v3, v6;
	_ =	sdelay $0x1  }
0x153: {  	s20 =	sadd.s32 $0x10, s20;
	v8 =	vpop (erf)  }
0x154: {  	[tilespmem:s20+$0x0] =	vst v8  }
0x155: {  	v7 =	vld.idx.msk [tilespmem:v7+s3+$0x0], $0xffff  }
0x156: {  	v6 =	vld.idx.msk [tilespmem:v6+s0+$0x0], $0xffff;
	_ =	sdelay $0x5  }
0x157: {  	v6 =	vadd.f32 v7, v6;
	_ =	sdelay $0x1  }
0x158: {  	v7 =	vmul.f32 $2.000000030e-01, v6;
	_ =	sdelay $0x1  }
0x159: {  	v6 =	vmax.f32 v6, v7  }
0x15a: {  	v6 =	vmul.f32 $1.442695020e+00, v6;
	_ =	sdelay $0x1  }
.Ltmp3:
0x15b: {  	(erf) = vpow2.f32 v6;
	(pc) =	sbr.rel @p1 .LBB2_9-.Ltmp3, $3  }
0x15c: {  	_ =	sdelay $0x1  }
0x15d: {  	v6 =	vmov s21  }
0x15e: {  	s21 =	sadd.s32 $0x2, s21;
	v6 =	vshll.u32 v6, $0x3  }
0x15f: {  	v6 =	vor.u32 v1, v6  }
0x160: {  	v7 =	vor.u32 v4, v6  }
0x161: {  	v6 =	vor.u32 v3, v6;
	_ =	sdelay $0x1  }
0x162: {  	s20 =	sadd.s32 $0x10, s20;
	v8 =	vpop (erf)  }
0x163: {  	[tilespmem:s20+$0x0] =	vst v8  }
0x164: {  	v7 =	vld.idx.msk [tilespmem:v7+s3+$0x0], $0xffff  }
0x165: {  	v6 =	vld.idx.msk [tilespmem:v6+s0+$0x0], $0xffff;
	_ =	sdelay $0x4  }
0x166: {  	v6 =	vadd.f32 v7, v6;
	_ =	sdelay $0x1  }
0x167: {  	v7 =	vmul.f32 $2.000000030e-01, v6;
	_ =	sdelay $0x1  }
0x168: {  	v6 =	vmax.f32 v6, v7  }
0x169: {  	v6 =	vmul.f32 $1.442695020e+00, v6;
	_ =	sdelay $0x1  }
0x16a: {  	(erf) = vpow2.f32 v6;
	_ =	sdelay $0x7  }
0x16b: {  	s21 =	simm.s32 $0x0  }
0x16c: {  	s20 =	sadd.s32 $0x10, s20;
	v7 =	vmov s21;
	v6 =	vpop (erf)  }
0x16d: {  	[tilespmem:s20+$0x0] =	vst v6  }
0x16e: {  	_ =	swait.ge [sflag:s15], $0x2D00  }
0x16f: {  	[sflag:s15] =	ssyncset.done $0x0  }
0x170: {  	[sflag:s15] =	ssyncadd.s32 $0xFFFFD300  }
0x171: {  	s20 =	simm.s32 $0x3380;
	v6 =	vld.idx.msk [tilespmem:v7+s12+$0x0], $0xffff  }
0x172: {  	v8 =	vld [tilespmem:s20+$0xFFFFFFC0];
	_ =	sdelay $0x4  }
0x173: {  	v6 =	vmul.f32 v8, v6;
	_ =	sdelay $0x1  }
0x174: {  	[tilespmem:s20+$0xFFFFFFC0] =	vst v6  }
0x175: {  	v6 =	vld.idx.msk [tilespmem:v7+s12+$0x0], $0xffff;
	v7 =	vshrl.u32 v7, $0x3  }
0x176: {  	v8 =	vld [tilespmem:s20+$0xFFFFFFD0];
	v7 =	vshll.u32 v7, v2  }
0x177: {  	v9 =	vadd.s32 $0x1, v7  }
0x178: {  	v9 =	vbroadcast v9, $0x0;
	_ =	sdelay $0x2  }
0x179: {  	v6 =	vmul.f32 v8, v6;
	_ =	sdelay $0x1  }
0x17a: {  	v8 =	vld [tilespmem:s20+$0xFFFFFFE0];
	[tilespmem:s20+$0xFFFFFFD0] =	vst v6  }
0x17b: {  	v6 =	vld.idx.msk [tilespmem:v9+s12+$0x0], $0xffff;
	_ =	sdelay $0x4  }
0x17c: {  	v6 =	vmul.f32 v8, v6;
	_ =	sdelay $0x1  }
0x17d: {  	v8 =	vld [tilespmem:s20+$0xFFFFFFF0];
	[tilespmem:s20+$0xFFFFFFE0] =	vst v6  }
0x17e: {  	v6 =	vld.idx.msk [tilespmem:v9+s12+$0x0], $0xffff  }
0x17f: {  	v9 =	vadd.s32 $0x2, v7  }
0x180: {  	v9 =	vbroadcast v9, $0x0;
	_ =	sdelay $0x2  }
0x181: {  	v6 =	vmul.f32 v8, v6;
	_ =	sdelay $0x1  }
0x182: {  	v8 =	vld [tilespmem:s20+$0x0];
	[tilespmem:s20+$0xFFFFFFF0] =	vst v6  }
0x183: {  	v6 =	vld.idx.msk [tilespmem:v9+s12+$0x0], $0xffff;
	_ =	sdelay $0x4  }
0x184: {  	v6 =	vmul.f32 v8, v6;
	_ =	sdelay $0x1  }
0x185: {  	v8 =	vld [tilespmem:s20+$0x10];
	[tilespmem:s20+$0x0] =	vst v6  }
0x186: {  	v6 =	vld.idx.msk [tilespmem:v9+s12+$0x0], $0xffff  }
0x187: {  	v7 =	vadd.s32 $0x3, v7  }
0x188: {  	v7 =	vbroadcast v7, $0x0;
	_ =	sdelay $0x2  }
0x189: {  	v6 =	vmul.f32 v8, v6;
	_ =	sdelay $0x1  }
0x18a: {  	v8 =	vld [tilespmem:s20+$0x20];
	[tilespmem:s20+$0x10] =	vst v6  }
0x18b: {  	v6 =	vld.idx.msk [tilespmem:v7+s12+$0x0], $0xffff;
	_ =	sdelay $0x4  }
0x18c: {  	v6 =	vmul.f32 v8, v6;
	_ =	sdelay $0x1  }
0x18d: {  	[tilespmem:s20+$0x20] =	vst v6  }
0x18e: {  	v6 =	vld.idx.msk [tilespmem:v7+s12+$0x0], $0xffff  }
0x18f: {  	v7 =	vld [tilespmem:s20+$0x30];
	_ =	sdelay $0x2  }
0x190: {  	v8 =	vor.u32 s21, v5;
	_ =	sdelay $0x1  }
0x191: {  	v6 =	vmul.f32 v7, v6;
	_ =	sdelay $0x1  }
0x192: {  	[tilespmem:s20+$0x30] =	vst v6  }
0x193: {  	v7 =	vld.idx.msk [tilespmem:v8+s12+$0x0], $0xffff  }
0x194: {  	v8 =	vld [tilespmem:s20+$0x40];
	_ =	sdelay $0x1  }
0x195: {  	s21 =	simm.s32 $0x8  }
0x196: {  	s22 =	simm.s32 $0x10;
	v6 =	vmov s21  }
.LBB2_11:
0x197: {  	p1 =	sne.s32 s22, $0x278  }
0x198: {  	v7 =	vmul.f32 v8, v7;
	_ =	sdelay $0x1  }
0x199: {  	[tilespmem:s20+$0x40] =	vst v7  }
0x19a: {  	s20 =	sadd.s32 $0x90, s20;
	v7 =	vld.idx.msk [tilespmem:v6+s12+$0x0], $0xffff  }
0x19b: {  	v8 =	vld [tilespmem:s20+$0xFFFFFFC0];
	_ =	sdelay $0x4  }
0x19c: {  	v7 =	vmul.f32 v8, v7;
	_ =	sdelay $0x1  }
0x19d: {  	[tilespmem:s20+$0xFFFFFFC0] =	vst v7  }
0x19e: {  	v7 =	vld.idx.msk [tilespmem:v6+s12+$0x0], $0xffff;
	v6 =	vshrl.u32 v6, $0x3  }
0x19f: {  	v8 =	vld [tilespmem:s20+$0xFFFFFFD0];
	v6 =	vshll.u32 v6, v2  }
0x1a0: {  	v9 =	vadd.s32 $0x1, v6  }
0x1a1: {  	v9 =	vbroadcast v9, $0x0;
	_ =	sdelay $0x2  }
0x1a2: {  	v7 =	vmul.f32 v8, v7;
	_ =	sdelay $0x1  }
0x1a3: {  	[tilespmem:s20+$0xFFFFFFD0] =	vst v7  }
0x1a4: {  	v7 =	vld.idx.msk [tilespmem:v9+s12+$0x0], $0xffff  }
0x1a5: {  	v8 =	vld [tilespmem:s20+$0xFFFFFFE0];
	_ =	sdelay $0x4  }
0x1a6: {  	v7 =	vmul.f32 v8, v7;
	_ =	sdelay $0x1  }
0x1a7: {  	[tilespmem:s20+$0xFFFFFFE0] =	vst v7  }
0x1a8: {  	v7 =	vld.idx.msk [tilespmem:v9+s12+$0x0], $0xffff  }
0x1a9: {  	v8 =	vld [tilespmem:s20+$0xFFFFFFF0]  }
0x1aa: {  	v9 =	vadd.s32 $0x2, v6  }
0x1ab: {  	v9 =	vbroadcast v9, $0x0;
	_ =	sdelay $0x2  }
0x1ac: {  	v7 =	vmul.f32 v8, v7;
	_ =	sdelay $0x1  }
0x1ad: {  	[tilespmem:s20+$0xFFFFFFF0] =	vst v7  }
0x1ae: {  	v7 =	vld.idx.msk [tilespmem:v9+s12+$0x0], $0xffff  }
0x1af: {  	v8 =	vld [tilespmem:s20+$0x0];
	_ =	sdelay $0x4  }
0x1b0: {  	v7 =	vmul.f32 v8, v7;
	_ =	sdelay $0x1  }
0x1b1: {  	[tilespmem:s20+$0x0] =	vst v7  }
0x1b2: {  	v7 =	vld.idx.msk [tilespmem:v9+s12+$0x0], $0xffff  }
0x1b3: {  	v8 =	vld [tilespmem:s20+$0x10]  }
0x1b4: {  	v6 =	vadd.s32 $0x3, v6  }
0x1b5: {  	v6 =	vbroadcast v6, $0x0;
	_ =	sdelay $0x2  }
0x1b6: {  	v7 =	vmul.f32 v8, v7;
	_ =	sdelay $0x1  }
0x1b7: {  	[tilespmem:s20+$0x10] =	vst v7  }
0x1b8: {  	v7 =	vld.idx.msk [tilespmem:v6+s12+$0x0], $0xffff  }
0x1b9: {  	v8 =	vld [tilespmem:s20+$0x20];
	_ =	sdelay $0x4  }
0x1ba: {  	v7 =	vmul.f32 v8, v7;
	_ =	sdelay $0x1  }
0x1bb: {  	[tilespmem:s20+$0x20] =	vst v7  }
0x1bc: {  	v6 =	vld.idx.msk [tilespmem:v6+s12+$0x0], $0xffff  }
0x1bd: {  	v7 =	vld [tilespmem:s20+$0x30];
	_ =	sdelay $0x2  }
0x1be: {  	v8 =	vor.u32 s21, v5;
	s21 =	smov.u32 s22;
	_ =	sdelay $0x1  }
0x1bf: {  	v6 =	vmul.f32 v7, v6;
	_ =	sdelay $0x1  }
0x1c0: {  	[tilespmem:s20+$0x30] =	vst v6  }
.Ltmp4:
0x1c1: {  	v7 =	vld.idx.msk [tilespmem:v8+s12+$0x0], $0xffff;
	(pc) =	sbr.rel @p1 .LBB2_11-.Ltmp4, $2  }
0x1c2: {  	v8 =	vld [tilespmem:s20+$0x40];
	_ =	sdelay $0x2  }
0x1c3: {  	s22 =	sadd.s32 $0x8, s22;
	v6 =	vmov s21  }
0x1c4: {  	_ = 	snop  }
0x1c5: {  	v7 =	vmul.f32 v8, v7  }
0x1c6: {  	s22 =	sadd.s32 $0x90, s20  }
0x1c7: {  	v55 =	vld [tilespmem:s22+$0xFFFFFFC0];
	[tilespmem:s20+$0x40] =	vst v7  }
0x1c8: {  	v7 =	vld.idx.msk [tilespmem:v6+s12+$0x0], $0xffff;
	_ =	sdelay $0x4  }
0x1c9: {  	v7 =	vmul.f32 v55, v7;
	_ =	sdelay $0x1  }
0x1ca: {  	[tilespmem:s22+$0xFFFFFFC0] =	vst v7  }
0x1cb: {  	v7 =	vld.idx.msk [tilespmem:v6+s12+$0x0], $0xffff;
	v6 =	vshrl.u32 v6, $0x3  }
0x1cc: {  	v56 =	vld [tilespmem:s22+$0xFFFFFFD0];
	v6 =	vshll.u32 v6, v2  }
0x1cd: {  	v9 =	vadd.s32 $0x1, v6  }
0x1ce: {  	v9 =	vbroadcast v9, $0x0;
	_ =	sdelay $0x2  }
0x1cf: {  	v7 =	vmul.f32 v56, v7;
	_ =	sdelay $0x1  }
0x1d0: {  	v57 =	vld [tilespmem:s22+$0xFFFFFFE0];
	[tilespmem:s22+$0xFFFFFFD0] =	vst v7  }
0x1d1: {  	v7 =	vld.idx.msk [tilespmem:v9+s12+$0x0], $0xffff;
	_ =	sdelay $0x4  }
0x1d2: {  	v7 =	vmul.f32 v57, v7;
	_ =	sdelay $0x1  }
0x1d3: {  	v58 =	vld [tilespmem:s22+$0xFFFFFFF0];
	[tilespmem:s22+$0xFFFFFFE0] =	vst v7  }
0x1d4: {  	v7 =	vld.idx.msk [tilespmem:v9+s12+$0x0], $0xffff  }
0x1d5: {  	v59 =	vadd.s32 $0x2, v6  }
0x1d6: {  	v9 =	vbroadcast v59, $0x0;
	_ =	sdelay $0x2  }
0x1d7: {  	v7 =	vmul.f32 v58, v7;
	_ =	sdelay $0x1  }
0x1d8: {  	v60 =	vld [tilespmem:s22+$0x0];
	[tilespmem:s22+$0xFFFFFFF0] =	vst v7  }
0x1d9: {  	v7 =	vld.idx.msk [tilespmem:v9+s12+$0x0], $0xffff;
	_ =	sdelay $0x4  }
0x1da: {  	v7 =	vmul.f32 v60, v7;
	_ =	sdelay $0x1  }
0x1db: {  	v61 =	vld [tilespmem:s22+$0x10];
	[tilespmem:s22+$0x0] =	vst v7  }
0x1dc: {  	v7 =	vld.idx.msk [tilespmem:v9+s12+$0x0], $0xffff  }
0x1dd: {  	v6 =	vadd.s32 $0x3, v6  }
0x1de: {  	v6 =	vbroadcast v6, $0x0;
	_ =	sdelay $0x2  }
0x1df: {  	v7 =	vmul.f32 v61, v7;
	_ =	sdelay $0x1  }
0x1e0: {  	v62 =	vld [tilespmem:s22+$0x20];
	[tilespmem:s22+$0x10] =	vst v7  }
0x1e1: {  	v7 =	vld.idx.msk [tilespmem:v6+s12+$0x0], $0xffff;
	_ =	sdelay $0x4  }
0x1e2: {  	v7 =	vmul.f32 v62, v7;
	_ =	sdelay $0x1  }
0x1e3: {  	[tilespmem:s22+$0x20] =	vst v7;
	v7 =	vld [tilespmem:s22+$0x30]  }
0x1e4: {  	v6 =	vld.idx.msk [tilespmem:v6+s12+$0x0], $0xffff;
	_ =	sdelay $0x2  }
0x1e5: {  	v63 =	vor.u32 s21, v5;
	_ =	sdelay $0x1  }
0x1e6: {  	v6 =	vmul.f32 v7, v6;
	_ =	sdelay $0x1  }
0x1e7: {  	v7 =	vld [tilespmem:s22+$0x40];
	[tilespmem:s22+$0x30] =	vst v6  }
0x1e8: {  	v6 =	vld.idx.msk [tilespmem:v63+s12+$0x0], $0xffff;
	_ =	sdelay $0x4  }
0x1e9: {  	s19 =	sadd.s32 $0x1, s19;
	v6 =	vmul.f32 v7, v6  }
0x1ea: {  	p1 =	sne.s32 s19, $0x3E  }
.Ltmp5:
0x1eb: {  	[tilespmem:s22+$0x40] =	vst v6;
	(pc) =	sbr.rel @p1 .LBB2_4-.Ltmp5, $4  }
0x1ec: {  	[spmem:s2] =	stream.indirect.scatter.add.f32 [tilespmem:s31], [sflag:$0x7], $0x90, s30, s25, $0xb8;
	[tilespmem:$0x1C750] =	vst v63  }
0x1ed: {  	_ =	swait.ge [sflag:s24], $0x2D00  }
0x1ee: {  	[sflag:s24] =	ssyncset.done $0x0  }
0x1ef: {  	[sflag:s24] =	ssyncadd.s32 $0xFFFFD300  }
0x1f0: {  	s18 =	simm.s32 $0x0;
	s19 =	rddreg [dreg:$0xb]  }
0x1f1: {  	[tilespmem:s18], [sflag:$0x7] =	stream.linear.gather [hbm4b:s19+s18], $0x50, $0x38;
	[tilespmem:$0x1C750] =	vst v63  }
0x1f2: {  	_ =	swait.ge [sflag:s24], $0x50  }
0x1f3: {  	[sflag:s24] =	ssyncset.done $0x0  }
0x1f4: {  	s20 =	rddreg [dreg:$0xc];
	[sflag:s24] =	ssyncadd.s32 $0xFFFFFFB0  }
0x1f5: {  	[tilespmem:s25], [sflag:$0x7] =	stream.linear.gather [hbm4b:s20+s18], $0x50, $0x38;
	[tilespmem:$0x1C750] =	vst v63  }
0x1f6: {  	_ =	swait.ge [sflag:s24], $0x50  }
0x1f7: {  	[sflag:s24] =	ssyncset.done $0x0  }
0x1f8: {  	[sflag:s24] =	ssyncadd.s32 $0xFFFFFFB0  }
0x1f9: {  	[tilespmem:s23], [sflag:$0x1] =	stream.indirect.gather [hbm4b:s5+s25], $0x90, s18, s25, $0xb8;
	[tilespmem:$0x1C750] =	vst v63  }
0x1fa: {  	_ = 	snop  }
0x1fb: {  	[tilespmem:s26], [sflag:$0x2] =	stream.indirect.gather [hbm4b:s1+s25], $0x8, s18, s25, $0xb8;
	[tilespmem:$0x1C750] =	vst v63  }
0x1fc: {  	v6 =	vmov s18  }
0x1fd: {  	v6 =	vshll.u32 v6, $0x3;
	[tilespmem:s28], [sflag:$0x3] =	stream.indirect.gather [hbm4b:s1+s25], $0x8, s25, s25, $0xb8;
	[tilespmem:$0x1C750] =	vst v63  }
0x1fe: {  	v6 =	vor.u32 v1, v6;
	_ =	swait.ge [sflag:s8], $0x280  }
0x1ff: {  	v7 =	vor.u32 v4, v6;
	[sflag:s8] =	ssyncset.done $0x0  }
0x200: {  	v6 =	vor.u32 v3, v6;
	[sflag:s8] =	ssyncadd.s32 $0xFFFFFD80  }
0x201: {  	_ =	swait.ge [sflag:s9], $0x280  }
0x202: {  	[sflag:s9] =	ssyncset.done $0x0  }
0x203: {  	[sflag:s9] =	ssyncadd.s32 $0xFFFFFD80  }
0x204: {  	v7 =	vld.idx.msk [tilespmem:v7+s28+$0x0], $0xffff  }
0x205: {  	v6 =	vld.idx.msk [tilespmem:v6+s26+$0x0], $0xffff;
	_ =	sdelay $0x4  }
0x206: {  	v6 =	vadd.f32 v7, v6;
	_ =	sdelay $0x1  }
0x207: {  	v7 =	vmul.f32 $2.000000030e-01, v6;
	_ =	sdelay $0x1  }
0x208: {  	v6 =	vmax.f32 v6, v7  }
0x209: {  	v6 =	vmul.f32 $1.442695020e+00, v6;
	_ =	sdelay $0x1  }
0x20a: {  	(erf) = vpow2.f32 v6;
	_ =	sdelay $0x1  }
0x20b: {  	s21 =	simm.s32 $0x2  }
0x20c: {  	v6 =	vmov s21  }
0x20d: {  	v6 =	vshll.u32 v6, $0x3  }
0x20e: {  	v6 =	vor.u32 v1, v6  }
0x20f: {  	v7 =	vor.u32 v4, v6  }
0x210: {  	v6 =	vor.u32 v3, v6;
	_ =	sdelay $0x1  }
0x211: {  	s18 =	simm.s32 $0x6540;
	v8 =	vpop (erf)  }
0x212: {  	[tilespmem:s18+$0x0] =	vst v8  }
0x213: {  	v7 =	vld.idx.msk [tilespmem:v7+s28+$0x0], $0xffff  }
0x214: {  	v6 =	vld.idx.msk [tilespmem:v6+s26+$0x0], $0xffff;
	_ =	sdelay $0x4  }
0x215: {  	v6 =	vadd.f32 v7, v6;
	_ =	sdelay $0x1  }
0x216: {  	v7 =	vmul.f32 $2.000000030e-01, v6;
	_ =	sdelay $0x1  }
0x217: {  	v6 =	vmax.f32 v6, v7  }
0x218: {  	v6 =	vmul.f32 $1.442695020e+00, v6;
	_ =	sdelay $0x1  }
0x219: {  	(erf) = vpow2.f32 v6;
	_ =	sdelay $0x1  }
0x21a: {  	s22 =	simm.s32 $0x4  }
0x21b: {  	v7 =	vmov s22  }
0x21c: {  	s19 =	simm.s32 $0x6;
	v6 =	vshll.u32 v7, $0x3  }
.LBB2_14:
0x21d: {  	p1 =	sne.s32 s19, $0x4E;
	v6 =	vor.u32 v1, v6  }
0x21e: {  	v7 =	vor.u32 v4, v6  }
0x21f: {  	v6 =	vor.u32 v3, v6;
	_ =	sdelay $0x1  }
0x220: {  	s18 =	sadd.s32 $0x10, s18;
	v8 =	vpop (erf)  }
0x221: {  	[tilespmem:s18+$0x0] =	vst v8  }
0x222: {  	v7 =	vld.idx.msk [tilespmem:v7+s28+$0x0], $0xffff  }
0x223: {  	v6 =	vld.idx.msk [tilespmem:v6+s26+$0x0], $0xffff;
	_ =	sdelay $0x5  }
0x224: {  	v6 =	vadd.f32 v7, v6;
	_ =	sdelay $0x1  }
0x225: {  	v7 =	vmul.f32 $2.000000030e-01, v6;
	_ =	sdelay $0x1  }
0x226: {  	v6 =	vmax.f32 v6, v7  }
0x227: {  	v6 =	vmul.f32 $1.442695020e+00, v6;
	_ =	sdelay $0x1  }
.Ltmp6:
0x228: {  	(erf) = vpow2.f32 v6;
	(pc) =	sbr.rel @p1 .LBB2_14-.Ltmp6, $3  }
0x229: {  	_ =	sdelay $0x1  }
0x22a: {  	v6 =	vmov s19  }
0x22b: {  	s19 =	sadd.s32 $0x2, s19;
	v6 =	vshll.u32 v6, $0x3  }
0x22c: {  	v6 =	vor.u32 v1, v6  }
0x22d: {  	v7 =	vor.u32 v4, v6  }
0x22e: {  	v6 =	vor.u32 v3, v6;
	_ =	sdelay $0x1  }
0x22f: {  	s18 =	sadd.s32 $0x10, s18;
	v8 =	vpop (erf)  }
0x230: {  	[tilespmem:s18+$0x0] =	vst v8  }
0x231: {  	v7 =	vld.idx.msk [tilespmem:v7+s28+$0x0], $0xffff  }
0x232: {  	v6 =	vld.idx.msk [tilespmem:v6+s26+$0x0], $0xffff;
	_ =	sdelay $0x4  }
0x233: {  	v6 =	vadd.f32 v7, v6;
	_ =	sdelay $0x1  }
0x234: {  	v7 =	vmul.f32 $2.000000030e-01, v6;
	_ =	sdelay $0x1  }
0x235: {  	v6 =	vmax.f32 v6, v7  }
0x236: {  	v6 =	vmul.f32 $1.442695020e+00, v6;
	_ =	sdelay $0x1  }
0x237: {  	(erf) = vpow2.f32 v6;
	_ =	sdelay $0x7  }
0x238: {  	s19 =	simm.s32 $0x0  }
0x239: {  	s18 =	sadd.s32 $0x10, s18;
	v7 =	vmov s19;
	v6 =	vpop (erf)  }
0x23a: {  	[tilespmem:s18+$0x0] =	vst v6  }
0x23b: {  	_ =	swait.ge [sflag:s10], $0x2D00  }
0x23c: {  	[sflag:s10] =	ssyncset.done $0x0  }
0x23d: {  	[sflag:s10] =	ssyncadd.s32 $0xFFFFD300  }
0x23e: {  	s18 =	simm.s32 $0xE0;
	v6 =	vld.idx.msk [tilespmem:v7+s12+$0x0], $0xffff  }
0x23f: {  	v8 =	vld [tilespmem:s18+$0xFFFFFFC0];
	_ =	sdelay $0x4  }
0x240: {  	v6 =	vmul.f32 v8, v6;
	_ =	sdelay $0x1  }
0x241: {  	[tilespmem:s18+$0xFFFFFFC0] =	vst v6  }
0x242: {  	v6 =	vld.idx.msk [tilespmem:v7+s12+$0x0], $0xffff;
	v7 =	vshrl.u32 v7, $0x3  }
0x243: {  	v8 =	vld [tilespmem:s18+$0xFFFFFFD0];
	v7 =	vshll.u32 v7, v2  }
0x244: {  	v9 =	vadd.s32 $0x1, v7  }
0x245: {  	v9 =	vbroadcast v9, $0x0;
	_ =	sdelay $0x2  }
0x246: {  	v6 =	vmul.f32 v8, v6;
	_ =	sdelay $0x1  }
0x247: {  	v8 =	vld [tilespmem:s18+$0xFFFFFFE0];
	[tilespmem:s18+$0xFFFFFFD0] =	vst v6  }
0x248: {  	v6 =	vld.idx.msk [tilespmem:v9+s12+$0x0], $0xffff;
	_ =	sdelay $0x4  }
0x249: {  	v6 =	vmul.f32 v8, v6;
	_ =	sdelay $0x1  }
0x24a: {  	v8 =	vld [tilespmem:s18+$0xFFFFFFF0];
	[tilespmem:s18+$0xFFFFFFE0] =	vst v6  }
0x24b: {  	v6 =	vld.idx.msk [tilespmem:v9+s12+$0x0], $0xffff  }
0x24c: {  	v9 =	vadd.s32 $0x2, v7  }
0x24d: {  	v9 =	vbroadcast v9, $0x0;
	_ =	sdelay $0x2  }
0x24e: {  	v6 =	vmul.f32 v8, v6;
	_ =	sdelay $0x1  }
0x24f: {  	v8 =	vld [tilespmem:s18+$0x0];
	[tilespmem:s18+$0xFFFFFFF0] =	vst v6  }
0x250: {  	v6 =	vld.idx.msk [tilespmem:v9+s12+$0x0], $0xffff;
	_ =	sdelay $0x4  }
0x251: {  	v6 =	vmul.f32 v8, v6;
	_ =	sdelay $0x1  }
0x252: {  	v8 =	vld [tilespmem:s18+$0x10];
	[tilespmem:s18+$0x0] =	vst v6  }
0x253: {  	v6 =	vld.idx.msk [tilespmem:v9+s12+$0x0], $0xffff  }
0x254: {  	v7 =	vadd.s32 $0x3, v7  }
0x255: {  	v7 =	vbroadcast v7, $0x0;
	_ =	sdelay $0x2  }
0x256: {  	v6 =	vmul.f32 v8, v6;
	_ =	sdelay $0x1  }
0x257: {  	v8 =	vld [tilespmem:s18+$0x20];
	[tilespmem:s18+$0x10] =	vst v6  }
0x258: {  	v6 =	vld.idx.msk [tilespmem:v7+s12+$0x0], $0xffff;
	_ =	sdelay $0x4  }
0x259: {  	v6 =	vmul.f32 v8, v6;
	_ =	sdelay $0x1  }
0x25a: {  	[tilespmem:s18+$0x20] =	vst v6  }
0x25b: {  	v6 =	vld.idx.msk [tilespmem:v7+s12+$0x0], $0xffff  }
0x25c: {  	v7 =	vld [tilespmem:s18+$0x30];
	_ =	sdelay $0x2  }
0x25d: {  	v8 =	vor.u32 s19, v5;
	_ =	sdelay $0x1  }
0x25e: {  	v6 =	vmul.f32 v7, v6;
	_ =	sdelay $0x1  }
0x25f: {  	[tilespmem:s18+$0x30] =	vst v6  }
0x260: {  	v7 =	vld.idx.msk [tilespmem:v8+s12+$0x0], $0xffff  }
0x261: {  	v8 =	vld [tilespmem:s18+$0x40];
	_ =	sdelay $0x1  }
0x262: {  	s19 =	simm.s32 $0x8  }
0x263: {  	s20 =	simm.s32 $0x10;
	v6 =	vmov s19  }
.LBB2_16:
0x264: {  	p1 =	sne.s32 s20, $0x278  }
0x265: {  	v7 =	vmul.f32 v8, v7;
	_ =	sdelay $0x1  }
0x266: {  	[tilespmem:s18+$0x40] =	vst v7  }
0x267: {  	s18 =	sadd.s32 $0x90, s18;
	v7 =	vld.idx.msk [tilespmem:v6+s12+$0x0], $0xffff  }
0x268: {  	v8 =	vld [tilespmem:s18+$0xFFFFFFC0];
	_ =	sdelay $0x4  }
0x269: {  	v7 =	vmul.f32 v8, v7;
	_ =	sdelay $0x1  }
0x26a: {  	[tilespmem:s18+$0xFFFFFFC0] =	vst v7  }
0x26b: {  	v7 =	vld.idx.msk [tilespmem:v6+s12+$0x0], $0xffff;
	v6 =	vshrl.u32 v6, $0x3  }
0x26c: {  	v8 =	vld [tilespmem:s18+$0xFFFFFFD0];
	v6 =	vshll.u32 v6, v2  }
0x26d: {  	v9 =	vadd.s32 $0x1, v6  }
0x26e: {  	v9 =	vbroadcast v9, $0x0;
	_ =	sdelay $0x2  }
0x26f: {  	v7 =	vmul.f32 v8, v7;
	_ =	sdelay $0x1  }
0x270: {  	[tilespmem:s18+$0xFFFFFFD0] =	vst v7  }
0x271: {  	v7 =	vld.idx.msk [tilespmem:v9+s12+$0x0], $0xffff  }
0x272: {  	v8 =	vld [tilespmem:s18+$0xFFFFFFE0];
	_ =	sdelay $0x4  }
0x273: {  	v7 =	vmul.f32 v8, v7;
	_ =	sdelay $0x1  }
0x274: {  	[tilespmem:s18+$0xFFFFFFE0] =	vst v7  }
0x275: {  	v7 =	vld.idx.msk [tilespmem:v9+s12+$0x0], $0xffff  }
0x276: {  	v8 =	vld [tilespmem:s18+$0xFFFFFFF0]  }
0x277: {  	v9 =	vadd.s32 $0x2, v6  }
0x278: {  	v9 =	vbroadcast v9, $0x0;
	_ =	sdelay $0x2  }
0x279: {  	v7 =	vmul.f32 v8, v7;
	_ =	sdelay $0x1  }
0x27a: {  	[tilespmem:s18+$0xFFFFFFF0] =	vst v7  }
0x27b: {  	v7 =	vld.idx.msk [tilespmem:v9+s12+$0x0], $0xffff  }
0x27c: {  	v8 =	vld [tilespmem:s18+$0x0];
	_ =	sdelay $0x4  }
0x27d: {  	v7 =	vmul.f32 v8, v7;
	_ =	sdelay $0x1  }
0x27e: {  	[tilespmem:s18+$0x0] =	vst v7  }
0x27f: {  	v7 =	vld.idx.msk [tilespmem:v9+s12+$0x0], $0xffff  }
0x280: {  	v8 =	vld [tilespmem:s18+$0x10]  }
0x281: {  	v6 =	vadd.s32 $0x3, v6  }
0x282: {  	v6 =	vbroadcast v6, $0x0;
	_ =	sdelay $0x2  }
0x283: {  	v7 =	vmul.f32 v8, v7;
	_ =	sdelay $0x1  }
0x284: {  	[tilespmem:s18+$0x10] =	vst v7  }
0x285: {  	v7 =	vld.idx.msk [tilespmem:v6+s12+$0x0], $0xffff  }
0x286: {  	v8 =	vld [tilespmem:s18+$0x20];
	_ =	sdelay $0x4  }
0x287: {  	v7 =	vmul.f32 v8, v7;
	_ =	sdelay $0x1  }
0x288: {  	[tilespmem:s18+$0x20] =	vst v7  }
0x289: {  	v6 =	vld.idx.msk [tilespmem:v6+s12+$0x0], $0xffff  }
0x28a: {  	v7 =	vld [tilespmem:s18+$0x30];
	_ =	sdelay $0x2  }
0x28b: {  	v8 =	vor.u32 s19, v5;
	s19 =	smov.u32 s20;
	_ =	sdelay $0x1  }
0x28c: {  	v6 =	vmul.f32 v7, v6;
	_ =	sdelay $0x1  }
0x28d: {  	[tilespmem:s18+$0x30] =	vst v6  }
.Ltmp7:
0x28e: {  	v7 =	vld.idx.msk [tilespmem:v8+s12+$0x0], $0xffff;
	(pc) =	sbr.rel @p1 .LBB2_16-.Ltmp7, $2  }
0x28f: {  	v8 =	vld [tilespmem:s18+$0x40];
	_ =	sdelay $0x2  }
0x290: {  	s20 =	sadd.s32 $0x8, s20;
	v6 =	vmov s19  }
0x291: {  	_ = 	snop  }
0x292: {  	v7 =	vmul.f32 v8, v7  }
0x293: {  	s22 =	sadd.s32 $0x90, s18  }
0x294: {  	v55 =	vld [tilespmem:s22+$0xFFFFFFC0];
	[tilespmem:s18+$0x40] =	vst v7  }
0x295: {  	v7 =	vld.idx.msk [tilespmem:v6+s12+$0x0], $0xffff;
	_ =	sdelay $0x4  }
0x296: {  	v7 =	vmul.f32 v55, v7;
	_ =	sdelay $0x1  }
0x297: {  	[tilespmem:s22+$0xFFFFFFC0] =	vst v7  }
0x298: {  	v7 =	vld.idx.msk [tilespmem:v6+s12+$0x0], $0xffff;
	v6 =	vshrl.u32 v6, $0x3  }
0x299: {  	v56 =	vld [tilespmem:s22+$0xFFFFFFD0];
	v6 =	vshll.u32 v6, v2  }
0x29a: {  	v9 =	vadd.s32 $0x1, v6  }
0x29b: {  	v9 =	vbroadcast v9, $0x0;
	_ =	sdelay $0x2  }
0x29c: {  	v7 =	vmul.f32 v56, v7;
	_ =	sdelay $0x1  }
0x29d: {  	v57 =	vld [tilespmem:s22+$0xFFFFFFE0];
	[tilespmem:s22+$0xFFFFFFD0] =	vst v7  }
0x29e: {  	v7 =	vld.idx.msk [tilespmem:v9+s12+$0x0], $0xffff;
	_ =	sdelay $0x4  }
0x29f: {  	v7 =	vmul.f32 v57, v7;
	_ =	sdelay $0x1  }
0x2a0: {  	v58 =	vld [tilespmem:s22+$0xFFFFFFF0];
	[tilespmem:s22+$0xFFFFFFE0] =	vst v7  }
0x2a1: {  	v7 =	vld.idx.msk [tilespmem:v9+s12+$0x0], $0xffff  }
0x2a2: {  	v59 =	vadd.s32 $0x2, v6  }
0x2a3: {  	v9 =	vbroadcast v59, $0x0;
	_ =	sdelay $0x2  }
0x2a4: {  	v7 =	vmul.f32 v58, v7;
	_ =	sdelay $0x1  }
0x2a5: {  	v60 =	vld [tilespmem:s22+$0x0];
	[tilespmem:s22+$0xFFFFFFF0] =	vst v7  }
0x2a6: {  	v7 =	vld.idx.msk [tilespmem:v9+s12+$0x0], $0xffff;
	_ =	sdelay $0x4  }
0x2a7: {  	v7 =	vmul.f32 v60, v7;
	_ =	sdelay $0x1  }
0x2a8: {  	v61 =	vld [tilespmem:s22+$0x10];
	[tilespmem:s22+$0x0] =	vst v7  }
0x2a9: {  	v7 =	vld.idx.msk [tilespmem:v9+s12+$0x0], $0xffff  }
0x2aa: {  	v6 =	vadd.s32 $0x3, v6  }
0x2ab: {  	v6 =	vbroadcast v6, $0x0;
	_ =	sdelay $0x2  }
0x2ac: {  	v7 =	vmul.f32 v61, v7;
	_ =	sdelay $0x1  }
0x2ad: {  	v62 =	vld [tilespmem:s22+$0x20];
	[tilespmem:s22+$0x10] =	vst v7  }
0x2ae: {  	v7 =	vld.idx.msk [tilespmem:v6+s12+$0x0], $0xffff;
	_ =	sdelay $0x4  }
0x2af: {  	v7 =	vmul.f32 v62, v7;
	_ =	sdelay $0x1  }
0x2b0: {  	[tilespmem:s22+$0x20] =	vst v7;
	v7 =	vld [tilespmem:s22+$0x30]  }
0x2b1: {  	v6 =	vld.idx.msk [tilespmem:v6+s12+$0x0], $0xffff;
	_ =	sdelay $0x2  }
0x2b2: {  	v63 =	vor.u32 s19, v5;
	_ =	sdelay $0x1  }
0x2b3: {  	v6 =	vmul.f32 v7, v6;
	_ =	sdelay $0x1  }
0x2b4: {  	v7 =	vld [tilespmem:s22+$0x40];
	[tilespmem:s22+$0x30] =	vst v6  }
0x2b5: {  	v6 =	vld.idx.msk [tilespmem:v63+s12+$0x0], $0xffff;
	_ =	sdelay $0x4  }
0x2b6: {  	v6 =	vmul.f32 v7, v6;
	_ =	sdelay $0x1  }
0x2b7: {  	[tilespmem:s22+$0x40] =	vst v6  }
0x2b8: {  	[spmem:s2] =	stream.indirect.scatter.add.f32 [tilespmem:s23], [sflag:$0x7], $0x90, s25, s25, $0xb8;
	[tilespmem:$0x1C750] =	vst v63  }
0x2b9: {  	_ =	swait.ge [sflag:s24], $0x2D00  }
0x2ba: {  	[sflag:s24] =	ssyncset.done $0x0  }
0x2bb: {  	s20 =	stileid.u32;
	[sflag:s24] =	ssyncadd.s32 $0xFFFFD300  }
0x2bc: {  	s18 =	sshll.u32 s20, $0x6;
	[bflag:$0x0] =	sbarrier.arrive $0xFFFF  }
0x2bd: {  	s21 =	sshrl.u32 s7, $0x3;
	s18 =	sor.u32 $0x1C07, s18;
	s20 =	rddreg [dreg:$0xd]  }
0x2be: {  	[hbm:s20], [sflag:s18] =	dma.local [spmem:s21], $0x2BE0  }
0x2bf: {  	_ =	swait.ge [sflag:s24], $0x2BE0  }
0x2c0: {  	[sflag:s24] =	ssyncset.done $0x0  }
0x2c1: {  	s19 =	sshrl.u32 @!p0 s16, $0x3;
	s20 =	rddreg [dreg:$0xe];
	[sflag:s24] =	ssyncadd.s32 $0xFFFFD420  }
0x2c2: {  	[hbm:s20], [sflag:s18] =	dma.local @!p0 [spmem:s19], $0x120  }
0x2c3: {  	s18 =	simm.s32 @!p0 $0x7  }
0x2c4: {  	_ =	swait.ge @!p0 [sflag:s18], $0x120  }
0x2c5: {  	s4 =	sadd.s32 $0x1, s4;
	s22 =	rddreg [dreg:$0xf]  }
0x2c6: {  	p1 =	sne.s32 s4, s22  }
.Ltmp8:
0x2c7: {  	_ = 	snop;
	(pc) =	sbr.rel @p1 .LBB2_1-.Ltmp8, $3  }
0x2c8: {  	_ =	sdelay $0x1  }
0x2c9: {  	[sflag:s18] =	ssyncset.done @!p0 $0x0  }
0x2ca: {  	[sflag:s18] =	ssyncadd.s32 @!p0 $0xFFFFFEE0  }
0x2cb: {  	_ =	sfence.sel $0x180000  }
0x2cc: {  	[bflag:$0x0] =	sbarrier.arrive $0xFFFF  }
0x2cd: {  	_ =	strace $0x90000047  }
0x2ce: {  	s0 =	stileid.u32;
	[bflag:$0x2] =	sbarrier.arrive $0xFFFF  }
0x2cf: {  	p0 =	sne.s32 s0, $0x0;
	s0 =	rddreg [dreg:$0x3]  }
0x2d0: {  	s0 =	sadd.s32 @!p0 $0x100000, s0  }
0x2d1: {  	[sflag:s0] =	ssyncadd.tile.s32 @!p0 $0x1;
	_ =	shalt  }
.Lfunc_end2:
_tile_overlayer_lowered:
.L_overlay_start_2:
0x2d2: {  	(tag) =	ssettag $0x2  }
0x2d3: {  	s0 =	rddreg [dreg:$0x0];
	s2 =	stileid.u32  }
0x2d4: {  	s1 =	rddreg [dreg:$0x1];
	p0 =	sne.s32 s2, $0x0  }
0x2d5: {  	s3 =	rddreg [dreg:$0x2];
	[bflag:$0x3] =	sbarrier.arrive $0xFFFF;
	s2 =	simm.s32 @!p0 $0x1C07  }
0x2d6: {  	[timem:s3], [sflag:s2] =	dma.local @!p0 [hbm:s0], s1  }
0x2d7: {  	s0 =	simm.s32 @!p0 $0x7  }
0x2d8: {  	_ =	swait.ge @!p0 [sflag:s0], s1  }
0x2d9: {  	s1 =	ssub.s32 @!p0 $0x0, s1;
	[sflag:s0] =	ssyncset.done @!p0 $0x0  }
0x2da: {  	[sflag:s0] =	ssyncadd.s32 @!p0 s1  }
0x2db: {  	[bflag:$0x3] =	sbarrier.arrive $0xFFFF  }
0x2dc: {  	_ =	shalt  }

</sc_bundles>
